<compile_context>
chip_gen: v7x
topology: tpu7x:2x2x1
jax: 0.10.2.dev20260603
libtpu: 0.0.44.dev20260713+nightly
codegen_flags: <defaults>
</compile_context>

<pallas_src>
import functools

import jax
import jax.numpy as jnp
from jax import lax
from jax.experimental import pallas as pl
from jax.experimental.pallas import tpu as pltpu
from jax.experimental.pallas import tpu_sc as plsc

K0 = 7.5
K1 = 4.1
K2 = 19.09
K3 = 254.56
EPS = 1e-06

_EA = -2.0 * 1.12967583
_EB = -2.0 * 0.0997927

_DEN_S = 16384.0
_RIN_S = 8192.0

NC = 2
NS = 16
NW = NC * NS
L = 16

TBL = 128
NEL = 104
PAIR = NEL * NEL + L
CHUNK = 2560


@functools.lru_cache(maxsize=None)
def _build(n_edges, n_nodes):
    assert n_edges % CHUNK == 0, (n_edges, CHUNK)
    nch = n_edges // CHUNK
    assert nch >= NW
    nl = -(-nch // NW)
    if nl % 2:
        nl += 1
    mesh = plsc.VectorSubcoreMesh(core_axis_name="c", subcore_axis_name="s")

    def body(z_hbm, ei_hbm, dist_hbm, rt_hbm, ct_hbm, en_hbm, out_hbm,
             z_v, rt_v, ct_v, en_v, pw_p,
             ei_v0, ei_v1, dist_v0, dist_v1, out_v,
             in_sem0, in_sem1, out_sem):
        wid = lax.axis_index("s") * NC + lax.axis_index("c")
        in_sems = (in_sem0, in_sem1)
        ei_vs = (ei_v0, ei_v1)
        dist_vs = (dist_v0, dist_v1)

        pltpu.sync_copy(z_hbm, z_v)
        pltpu.sync_copy(rt_hbm, rt_v)
        pltpu.sync_copy(ct_hbm, ct_v)
        pltpu.sync_copy(en_hbm, en_v)
        for t in range(TBL // L):
            sl = pl.ds(t * L, L)
            rt_v[sl] = rt_v[sl] + ct_v[sl]

        @plsc.parallel_loop(0, NEL, unroll=4)
        def trow(zi):
            idx = jnp.full((L,), zi, jnp.int32)
            en_i = plsc.load_gather(en_v, [idx])
            rc_i = plsc.load_gather(rt_v, [idx])
            rbase = zi * NEL
            lane = lax.iota(jnp.int32, L)
            for j in range(7):
                src = pl.ds(j * L, L)
                u = jnp.abs(en_i - en_v[src]) + K2
                den = (0.5 * K1) * jnp.exp(u * u * (-1.0 / K3))
                dq = jnp.clip(den * _DEN_S + 0.5, 0.0, 65535.0).astype(jnp.int32)
                rinv = 1.0 / (rc_i + rt_v[src] + EPS)
                rq = jnp.clip(rinv * _RIN_S + 0.5, 0.0, 65535.0).astype(jnp.int32)
                word = dq | (rq << 16)
                if j < 6:
                    pw_p[pl.ds(rbase + j * L, L)] = word
                else:
                    plsc.store_scatter(pw_p, [rbase + j * L + lane], word,
                                       mask=lane < (NEL - 6 * L))

        def glob(l):
            g = l * NW + wid
            return jnp.where(g < nch, g, wid)

        def in_copies(l, b):
            off = pl.multiple_of(glob(l) * CHUNK, 128)
            return (
                pltpu.make_async_copy(ei_hbm.at[:, pl.ds(off, CHUNK)],
                                      ei_vs[b], in_sems[b]),
                pltpu.make_async_copy(dist_hbm.at[pl.ds(off, CHUNK)],
                                      dist_vs[b], in_sems[b]),
            )

        def out_copy(l):
            off = pl.multiple_of(glob(l) * CHUNK, 128)
            return pltpu.make_async_copy(out_v,
                                         out_hbm.at[pl.ds(off, CHUNK)],
                                         out_sem)

        def compute(b):
            @plsc.parallel_loop(0, CHUNK // L, unroll=16)
            def vbody(v):
                sl = pl.ds(pl.multiple_of(v * L, L), L)
                r16 = ei_vs[b][0, sl]
                c16 = ei_vs[b][1, sl]
                zi = plsc.load_gather(z_v, [r16])
                zj = plsc.load_gather(z_v, [c16])
                pw = plsc.load_gather(pw_p, [zi * NEL + zj])
                den = (pw & 0xFFFF).astype(jnp.float32) * (2.0 / _DEN_S)
                rk = lax.shift_right_logical(pw, 16).astype(jnp.float32) * (
                    K0 / _RIN_S)
                d16 = dist_vs[b][sl]
                x = K0 - d16 * rk
                w = x * (_EA + _EB * (x * x))
                out_v[sl] = den / (1.0 + jnp.exp(w))

        for c in in_copies(0, 0):
            c.start()
        for c in in_copies(1, 1):
            c.start()

        def outer(it, carry):
            for b in range(2):
                l = it * 2 + b
                for c in in_copies(l, b):
                    c.wait()

                @pl.when(l >= 1)
                def _():
                    out_copy(l).wait()

                compute(b)
                out_copy(l).start()

                @pl.when(l + 2 < nl)
                def _():
                    for c in in_copies(l + 2, b):
                        c.start()
            return carry

        lax.fori_loop(0, nl // 2, outer, 0)

        out_copy(nl - 1).wait()

    return pl.kernel(
        body,
        out_type=jax.ShapeDtypeStruct((n_edges,), jnp.float32),
        mesh=mesh,
        compiler_params=pltpu.CompilerParams(needs_layout_passes=False),
        scratch_types=[
            pltpu.VMEM((n_nodes,), jnp.int32),
            pltpu.VMEM((TBL,), jnp.float32),
            pltpu.VMEM((TBL,), jnp.float32),
            pltpu.VMEM((TBL,), jnp.float32),
            pltpu.VMEM((PAIR,), jnp.int32),
            pltpu.VMEM((2, CHUNK), jnp.int32),
            pltpu.VMEM((2, CHUNK), jnp.int32),
            pltpu.VMEM((CHUNK,), jnp.float32),
            pltpu.VMEM((CHUNK,), jnp.float32),
            pltpu.VMEM((CHUNK,), jnp.float32),
            pltpu.SemaphoreType.DMA,
            pltpu.SemaphoreType.DMA,
            pltpu.SemaphoreType.DMA,
        ],
    )


def _pad_table(tbl):
    flat = tbl.reshape(-1).astype(jnp.float32)
    return jnp.pad(flat, (0, TBL - flat.shape[0]))


def kernel(z, dist, edge_index, en_table, radius_table, corr_table):
    n_edges = dist.shape[0]
    n_nodes = z.shape[0]
    fn = _build(n_edges, n_nodes)
    out = fn(z.astype(jnp.int32),
             edge_index.astype(jnp.int32),
             dist.astype(jnp.float32),
             _pad_table(radius_table),
             _pad_table(corr_table),
             _pad_table(en_table))
    return out.reshape(n_edges, 1)

# --- scband reference (transcript-rebuilt; emitter-appended) ---
"""Pipeline reference for scband-coordination-number-edges-18562848654099 (READ-ONLY COPY).

The authoritative reference and input builder live on the scoring server;
editing this copy changes nothing except your own understanding.
"""

import jax, jax.numpy as jnp
import numpy as np
from jax.scipy.special import erf

N_NODES = 100000
N_EDGES = 3200000
N_ELEMENTS = 104


def setup_inputs(seed: int = 0) -> dict:
    key = jax.random.key(seed)
    k1, k2, k3, k4, k5, k6 = jax.random.split(key, 6)
    z = jax.random.randint(k1, (N_NODES,), 0, N_ELEMENTS)
    dist = jax.random.uniform(k2, (N_EDGES,), dtype=jnp.float32) * 4.0 + 0.5
    edge_index = jax.random.randint(k3, (2, N_EDGES), 0, N_NODES)
    # Frozen electronegativity table (values ~ [0.7, 4.0])
    en_table = jax.random.uniform(k4, (N_ELEMENTS, 1), dtype=jnp.float32) * 3.3 + 0.7
    # Frozen covalent-radius table (values ~ [0.3, 1.8] Angstrom)
    radius_table = jax.random.uniform(k5, (N_ELEMENTS, 1), dtype=jnp.float32) * 1.5 + 0.3
    # Trainable correction embedding, initialized as randn * radii * 0.1
    corr_table = jax.random.normal(k6, (N_ELEMENTS, 1), dtype=jnp.float32) * radius_table * 0.1
    return {"z": z, "dist": dist, "edge_index": edge_index,
            "en_table": en_table, "radius_table": radius_table, "corr_table": corr_table}


def reference(z, dist, edge_index, en_table, radius_table, corr_table):
    k0 = 7.5
    k1 = 4.1
    k2 = 19.09
    k3 = 254.56
    eps = 1e-06
    # Embedding lookups (gathers)
    R = jnp.take(radius_table, z, axis=0)           # [N, 1]
    Rcorr = jnp.take(corr_table, z, axis=0)         # [N, 1]
    R = R + Rcorr
    row, col = edge_index[0], edge_index[1]
    R_i = jnp.take(R, row, axis=0)                  # [E, 1]
    R_j = jnp.take(R, col, axis=0)                  # [E, 1]
    Rcov_ij = R_i + R_j
    EN = jnp.take(en_table, z, axis=0).squeeze()    # [N]
    EN_i = jnp.take(EN, row, axis=0)                # [E]
    EN_j = jnp.take(EN, col, axis=0)                # [E]
    delta_EN_ij = (0.5 * (k1 * jnp.exp(-1.0 / k3 * (jnp.abs(EN_i - EN_j) + k2) ** 2))).reshape(-1, 1)
    erf_arg = -k0 * ((dist.reshape(-1, 1) - Rcov_ij) / (Rcov_ij + eps))
    CN_contributions = delta_EN_ij * (1.0 + erf(erf_arg))
    return CN_contributions

if __name__ == "__main__":
    import jax
    _d = setup_inputs()
    print(jax.jit(kernel)(*tuple(_d.values())))

</pallas_src>

<mosaic_0001>
#map = affine_map<(d0, d1) -> (0)>
#map1 = affine_map<(d0, d1) -> (0, 0)>
module attributes {stable_mosaic.version = 14 : i64} {
  func.func @body(%arg0: i32, %arg1: i32, %arg2: memref<100000xi32, #tpu.memory_space<hbm>>, %arg3: memref<2x3200000xi32, #tpu.memory_space<hbm>>, %arg4: memref<3200000xf32, #tpu.memory_space<hbm>>, %arg5: memref<128xf32, #tpu.memory_space<hbm>>, %arg6: memref<128xf32, #tpu.memory_space<hbm>>, %arg7: memref<128xf32, #tpu.memory_space<hbm>>, %arg8: memref<3200000xf32, #tpu.memory_space<hbm>>, %arg9: memref<100000xi32, #tpu.memory_space<vmem>>, %arg10: memref<128xf32, #tpu.memory_space<vmem>>, %arg11: memref<128xf32, #tpu.memory_space<vmem>>, %arg12: memref<128xf32, #tpu.memory_space<vmem>>, %arg13: memref<10832xi32, #tpu.memory_space<vmem>>, %arg14: memref<2x2560xi32, #tpu.memory_space<vmem>>, %arg15: memref<2x2560xi32, #tpu.memory_space<vmem>>, %arg16: memref<2560xf32, #tpu.memory_space<vmem>>, %arg17: memref<2560xf32, #tpu.memory_space<vmem>>, %arg18: memref<2560xf32, #tpu.memory_space<vmem>>, %arg19: memref<!tpu.dma_semaphore, #tpu.memory_space<semaphore_mem>>, %arg20: memref<!tpu.dma_semaphore, #tpu.memory_space<semaphore_mem>>, %arg21: memref<!tpu.dma_semaphore, #tpu.memory_space<semaphore_mem>>) attributes {dimension_semantics = [#tpu.dimension_semantics<core_parallel>, #tpu.dimension_semantics<subcore_parallel>], iteration_bounds = array<i64: 2, 16>, scalar_prefetch = 0 : i64, scratch_operands = 13 : i64, tpu.core_type = #tpu.core_type<sc_vector_subcore>, window_params = [{transform_indices = #map}, {transform_indices = #map1}, {transform_indices = #map}, {transform_indices = #map}, {transform_indices = #map}, {transform_indices = #map}, {transform_indices = #map}]} {
    %mul3A = arith.constant 2 : i32
    %mul3A_0 = arith.muli %arg1, %mul3A : i32
    %add3A = arith.addi %mul3A_0, %arg0 : i32
    "tpu.region"() ({
      %run_scoped3A = tpu.sem_alloc : memref<!tpu.dma_semaphore, #tpu.memory_space<semaphore_mem>>
      tpu.enqueue_dma source(%arg2 : memref<100000xi32, #tpu.memory_space<hbm>>) target(%arg9 : memref<100000xi32, #tpu.memory_space<vmem>>) target_semaphore(%run_scoped3A : memref<!tpu.dma_semaphore, #tpu.memory_space<semaphore_mem>>)
      tpu.wait_dma2 semaphore(%run_scoped3A : memref<!tpu.dma_semaphore, #tpu.memory_space<semaphore_mem>>) src(%arg2 : memref<100000xi32, #tpu.memory_space<hbm>>) dst(%arg9 : memref<100000xi32, #tpu.memory_space<vmem>>)
      tpu.yield
    }) : () -> ()
    "tpu.region"() ({
      %run_scoped3A = tpu.sem_alloc : memref<!tpu.dma_semaphore, #tpu.memory_space<semaphore_mem>>
      tpu.enqueue_dma source(%arg5 : memref<128xf32, #tpu.memory_space<hbm>>) target(%arg10 : memref<128xf32, #tpu.memory_space<vmem>>) target_semaphore(%run_scoped3A : memref<!tpu.dma_semaphore, #tpu.memory_space<semaphore_mem>>)
      tpu.wait_dma2 semaphore(%run_scoped3A : memref<!tpu.dma_semaphore, #tpu.memory_space<semaphore_mem>>) src(%arg5 : memref<128xf32, #tpu.memory_space<hbm>>) dst(%arg10 : memref<128xf32, #tpu.memory_space<vmem>>)
      tpu.yield
    }) : () -> ()
    "tpu.region"() ({
      %run_scoped3A = tpu.sem_alloc : memref<!tpu.dma_semaphore, #tpu.memory_space<semaphore_mem>>
      tpu.enqueue_dma source(%arg6 : memref<128xf32, #tpu.memory_space<hbm>>) target(%arg11 : memref<128xf32, #tpu.memory_space<vmem>>) target_semaphore(%run_scoped3A : memref<!tpu.dma_semaphore, #tpu.memory_space<semaphore_mem>>)
      tpu.wait_dma2 semaphore(%run_scoped3A : memref<!tpu.dma_semaphore, #tpu.memory_space<semaphore_mem>>) src(%arg6 : memref<128xf32, #tpu.memory_space<hbm>>) dst(%arg11 : memref<128xf32, #tpu.memory_space<vmem>>)
      tpu.yield
    }) : () -> ()
    "tpu.region"() ({
      %run_scoped3A = tpu.sem_alloc : memref<!tpu.dma_semaphore, #tpu.memory_space<semaphore_mem>>
      tpu.enqueue_dma source(%arg7 : memref<128xf32, #tpu.memory_space<hbm>>) target(%arg12 : memref<128xf32, #tpu.memory_space<vmem>>) target_semaphore(%run_scoped3A : memref<!tpu.dma_semaphore, #tpu.memory_space<semaphore_mem>>)
      tpu.wait_dma2 semaphore(%run_scoped3A : memref<!tpu.dma_semaphore, #tpu.memory_space<semaphore_mem>>) src(%arg7 : memref<128xf32, #tpu.memory_space<hbm>>) dst(%arg12 : memref<128xf32, #tpu.memory_space<vmem>>)
      tpu.yield
    }) : () -> ()
    %get3A = arith.constant 0 : index
    %get3A_1 = tpu.vector_load %arg10[%get3A] {strides = array<i32>} : memref<128xf32, #tpu.memory_space<vmem>>, vector<16xf32>,
    %get3A_2 = arith.constant 0 : index
    %get3A_3 = tpu.vector_load %arg11[%get3A_2] {strides = array<i32>} : memref<128xf32, #tpu.memory_space<vmem>>, vector<16xf32>,
    %add3A_4 = arith.addf %get3A_1, %get3A_3 : vector<16xf32>
    %swap3A = arith.constant 0 : index
    %swap3A_5 = tpu.vector_load %arg10[%swap3A] {strides = array<i32>} : memref<128xf32, #tpu.memory_space<vmem>>, vector<16xf32>,
    tpu.vector_store %arg10[%swap3A], %add3A_4 {strides = array<i32>} : memref<128xf32, #tpu.memory_space<vmem>>, vector<16xf32>,
    %get3A_6 = arith.constant 16 : index
    %get3A_7 = tpu.vector_load %arg10[%get3A_6] {strides = array<i32>} : memref<128xf32, #tpu.memory_space<vmem>>, vector<16xf32>,
    %get3A_8 = arith.constant 16 : index
    %get3A_9 = tpu.vector_load %arg11[%get3A_8] {strides = array<i32>} : memref<128xf32, #tpu.memory_space<vmem>>, vector<16xf32>,
    %add3A_10 = arith.addf %get3A_7, %get3A_9 : vector<16xf32>
    %swap3A_11 = arith.constant 16 : index
    %swap3A_12 = tpu.vector_load %arg10[%swap3A_11] {strides = array<i32>} : memref<128xf32, #tpu.memory_space<vmem>>, vector<16xf32>,
    tpu.vector_store %arg10[%swap3A_11], %add3A_10 {strides = array<i32>} : memref<128xf32, #tpu.memory_space<vmem>>, vector<16xf32>,
    %get3A_13 = arith.constant 32 : index
    %get3A_14 = tpu.vector_load %arg10[%get3A_13] {strides = array<i32>} : memref<128xf32, #tpu.memory_space<vmem>>, vector<16xf32>,
    %get3A_15 = arith.constant 32 : index
    %get3A_16 = tpu.vector_load %arg11[%get3A_15] {strides = array<i32>} : memref<128xf32, #tpu.memory_space<vmem>>, vector<16xf32>,
    %add3A_17 = arith.addf %get3A_14, %get3A_16 : vector<16xf32>
    %swap3A_18 = arith.constant 32 : index
    %swap3A_19 = tpu.vector_load %arg10[%swap3A_18] {strides = array<i32>} : memref<128xf32, #tpu.memory_space<vmem>>, vector<16xf32>,
    tpu.vector_store %arg10[%swap3A_18], %add3A_17 {strides = array<i32>} : memref<128xf32, #tpu.memory_space<vmem>>, vector<16xf32>,
    %get3A_20 = arith.constant 48 : index
    %get3A_21 = tpu.vector_load %arg10[%get3A_20] {strides = array<i32>} : memref<128xf32, #tpu.memory_space<vmem>>, vector<16xf32>,
    %get3A_22 = arith.constant 48 : index
    %get3A_23 = tpu.vector_load %arg11[%get3A_22] {strides = array<i32>} : memref<128xf32, #tpu.memory_space<vmem>>, vector<16xf32>,
    %add3A_24 = arith.addf %get3A_21, %get3A_23 : vector<16xf32>
    %swap3A_25 = arith.constant 48 : index
    %swap3A_26 = tpu.vector_load %arg10[%swap3A_25] {strides = array<i32>} : memref<128xf32, #tpu.memory_space<vmem>>, vector<16xf32>,
    tpu.vector_store %arg10[%swap3A_25], %add3A_24 {strides = array<i32>} : memref<128xf32, #tpu.memory_space<vmem>>, vector<16xf32>,
    %get3A_27 = arith.constant 64 : index
    %get3A_28 = tpu.vector_load %arg10[%get3A_27] {strides = array<i32>} : memref<128xf32, #tpu.memory_space<vmem>>, vector<16xf32>,
    %get3A_29 = arith.constant 64 : index
    %get3A_30 = tpu.vector_load %arg11[%get3A_29] {strides = array<i32>} : memref<128xf32, #tpu.memory_space<vmem>>, vector<16xf32>,
    %add3A_31 = arith.addf %get3A_28, %get3A_30 : vector<16xf32>
    %swap3A_32 = arith.constant 64 : index
    %swap3A_33 = tpu.vector_load %arg10[%swap3A_32] {strides = array<i32>} : memref<128xf32, #tpu.memory_space<vmem>>, vector<16xf32>,
    tpu.vector_store %arg10[%swap3A_32], %add3A_31 {strides = array<i32>} : memref<128xf32, #tpu.memory_space<vmem>>, vector<16xf32>,
    %get3A_34 = arith.constant 80 : index
    %get3A_35 = tpu.vector_load %arg10[%get3A_34] {strides = array<i32>} : memref<128xf32, #tpu.memory_space<vmem>>, vector<16xf32>,
    %get3A_36 = arith.constant 80 : index
    %get3A_37 = tpu.vector_load %arg11[%get3A_36] {strides = array<i32>} : memref<128xf32, #tpu.memory_space<vmem>>, vector<16xf32>,
    %add3A_38 = arith.addf %get3A_35, %get3A_37 : vector<16xf32>
    %swap3A_39 = arith.constant 80 : index
    %swap3A_40 = tpu.vector_load %arg10[%swap3A_39] {strides = array<i32>} : memref<128xf32, #tpu.memory_space<vmem>>, vector<16xf32>,
    tpu.vector_store %arg10[%swap3A_39], %add3A_38 {strides = array<i32>} : memref<128xf32, #tpu.memory_space<vmem>>, vector<16xf32>,
    %get3A_41 = arith.constant 96 : index
    %get3A_42 = tpu.vector_load %arg10[%get3A_41] {strides = array<i32>} : memref<128xf32, #tpu.memory_space<vmem>>, vector<16xf32>,
    %get3A_43 = arith.constant 96 : index
    %get3A_44 = tpu.vector_load %arg11[%get3A_43] {strides = array<i32>} : memref<128xf32, #tpu.memory_space<vmem>>, vector<16xf32>,
    %add3A_45 = arith.addf %get3A_42, %get3A_44 : vector<16xf32>
    %swap3A_46 = arith.constant 96 : index
    %swap3A_47 = tpu.vector_load %arg10[%swap3A_46] {strides = array<i32>} : memref<128xf32, #tpu.memory_space<vmem>>, vector<16xf32>,
    tpu.vector_store %arg10[%swap3A_46], %add3A_45 {strides = array<i32>} : memref<128xf32, #tpu.memory_space<vmem>>, vector<16xf32>,
    %get3A_48 = arith.constant 112 : index
    %get3A_49 = tpu.vector_load %arg10[%get3A_48] {strides = array<i32>} : memref<128xf32, #tpu.memory_space<vmem>>, vector<16xf32>,
    %get3A_50 = arith.constant 112 : index
    %get3A_51 = tpu.vector_load %arg11[%get3A_50] {strides = array<i32>} : memref<128xf32, #tpu.memory_space<vmem>>, vector<16xf32>,
    %add3A_52 = arith.addf %get3A_49, %get3A_51 : vector<16xf32>
    %swap3A_53 = arith.constant 112 : index
    %swap3A_54 = tpu.vector_load %arg10[%swap3A_53] {strides = array<i32>} : memref<128xf32, #tpu.memory_space<vmem>>, vector<16xf32>,
    tpu.vector_store %arg10[%swap3A_53], %add3A_52 {strides = array<i32>} : memref<128xf32, #tpu.memory_space<vmem>>, vector<16xf32>,
    %parallel_loop3A = arith.constant 0 : i32
    %parallel_loop3A_55 = arith.constant 104 : i32
    %parallel_loop3A_56 = arith.constant 1 : i32
    scf.for %parallel_loop3A_95 = %parallel_loop3A to %parallel_loop3A_55 step %parallel_loop3A_56  : i32 {
      %parallel_loop3A_96 = vector.broadcast %parallel_loop3A_95 : i32 to vector<16xi32>
      %parallel_loop3A_97 = tpu.vector_load_idx %arg12[%parallel_loop3A_96] : memref<128xf32, #tpu.memory_space<vmem>>[vector<16xi32>], vector<16xf32>,
      %parallel_loop3A_98 = tpu.vector_load_idx %arg10[%parallel_loop3A_96] : memref<128xf32, #tpu.memory_space<vmem>>[vector<16xi32>], vector<16xf32>,
      %parallel_loop3A_99 = arith.constant 104 : i32
      %parallel_loop3A_100 = arith.muli %parallel_loop3A_95, %parallel_loop3A_99 : i32
      %parallel_loop3A_101 = tpu.iota {dimensions = array<i32: 0>} : vector<16xi32>
      %parallel_loop3A_102 = arith.constant 0 : index
      %parallel_loop3A_103 = tpu.vector_load %arg12[%parallel_loop3A_102] {strides = array<i32>} : memref<128xf32, #tpu.memory_space<vmem>>, vector<16xf32>,
      %parallel_loop3A_104 = arith.subf %parallel_loop3A_97, %parallel_loop3A_103 : vector<16xf32>
      %parallel_loop3A_105 = math.absf %parallel_loop3A_104 : vector<16xf32>
      %parallel_loop3A_106 = arith.constant 1.909000e+01 : f32
      %parallel_loop3A_107 = vector.broadcast %parallel_loop3A_106 : f32 to vector<16xf32>
      %parallel_loop3A_108 = arith.addf %parallel_loop3A_105, %parallel_loop3A_107 : vector<16xf32>
      %parallel_loop3A_109 = arith.mulf %parallel_loop3A_108, %parallel_loop3A_108 : vector<16xf32>
      %parallel_loop3A_110 = arith.constant -0.00392834703 : f32
      %parallel_loop3A_111 = vector.broadcast %parallel_loop3A_110 : f32 to vector<16xf32>
      %parallel_loop3A_112 = arith.mulf %parallel_loop3A_109, %parallel_loop3A_111 : vector<16xf32>
      %parallel_loop3A_113 = math.exp %parallel_loop3A_112 : vector<16xf32>
      %parallel_loop3A_114 = arith.constant 2.050000e+00 : f32
      %parallel_loop3A_115 = vector.broadcast %parallel_loop3A_114 : f32 to vector<16xf32>
      %parallel_loop3A_116 = arith.mulf %parallel_loop3A_115, %parallel_loop3A_113 : vector<16xf32>
      %parallel_loop3A_117 = arith.constant 1.638400e+04 : f32
      %parallel_loop3A_118 = vector.broadcast %parallel_loop3A_117 : f32 to vector<16xf32>
      %parallel_loop3A_119 = arith.mulf %parallel_loop3A_116, %parallel_loop3A_118 : vector<16xf32>
      %parallel_loop3A_120 = arith.constant 5.000000e-01 : f32
      %parallel_loop3A_121 = vector.broadcast %parallel_loop3A_120 : f32 to vector<16xf32>
      %parallel_loop3A_122 = arith.addf %parallel_loop3A_119, %parallel_loop3A_121 : vector<16xf32>
      %parallel_loop3A_123 = arith.constant 0.000000e+00 : f32
      %parallel_loop3A_124 = arith.constant 6.553500e+04 : f32
      %parallel_loop3A_125 = vector.broadcast %parallel_loop3A_123 : f32 to vector<16xf32>
      %parallel_loop3A_126 = arith.maximumf %parallel_loop3A_125, %parallel_loop3A_122 : vector<16xf32>
      %parallel_loop3A_127 = vector.broadcast %parallel_loop3A_124 : f32 to vector<16xf32>
      %parallel_loop3A_128 = arith.minimumf %parallel_loop3A_127, %parallel_loop3A_126 : vector<16xf32>
      %parallel_loop3A_129 = arith.fptosi %parallel_loop3A_128 : vector<16xf32> to vector<16xi32>
      %parallel_loop3A_130 = arith.constant 0 : index
      %parallel_loop3A_131 = tpu.vector_load %arg10[%parallel_loop3A_130] {strides = array<i32>} : memref<128xf32, #tpu.memory_space<vmem>>, vector<16xf32>,
      %parallel_loop3A_132 = arith.addf %parallel_loop3A_98, %parallel_loop3A_131 : vector<16xf32>
      %parallel_loop3A_133 = arith.constant 9.99999997E-7 : f32
      %parallel_loop3A_134 = vector.broadcast %parallel_loop3A_133 : f32 to vector<16xf32>
      %parallel_loop3A_135 = arith.addf %parallel_loop3A_132, %parallel_loop3A_134 : vector<16xf32>
      %parallel_loop3A_136 = arith.constant 1.000000e+00 : f32
      %parallel_loop3A_137 = vector.broadcast %parallel_loop3A_136 : f32 to vector<16xf32>
      %parallel_loop3A_138 = arith.divf %parallel_loop3A_137, %parallel_loop3A_135 : vector<16xf32>
      %parallel_loop3A_139 = arith.constant 8.192000e+03 : f32
      %parallel_loop3A_140 = vector.broadcast %parallel_loop3A_139 : f32 to vector<16xf32>
      %parallel_loop3A_141 = arith.mulf %parallel_loop3A_138, %parallel_loop3A_140 : vector<16xf32>
      %parallel_loop3A_142 = arith.constant 5.000000e-01 : f32
      %parallel_loop3A_143 = vector.broadcast %parallel_loop3A_142 : f32 to vector<16xf32>
      %parallel_loop3A_144 = arith.addf %parallel_loop3A_141, %parallel_loop3A_143 : vector<16xf32>
      %parallel_loop3A_145 = arith.constant 0.000000e+00 : f32
      %parallel_loop3A_146 = arith.constant 6.553500e+04 : f32
      %parallel_loop3A_147 = vector.broadcast %parallel_loop3A_145 : f32 to vector<16xf32>
      %parallel_loop3A_148 = arith.maximumf %parallel_loop3A_147, %parallel_loop3A_144 : vector<16xf32>
      %parallel_loop3A_149 = vector.broadcast %parallel_loop3A_146 : f32 to vector<16xf32>
      %parallel_loop3A_150 = arith.minimumf %parallel_loop3A_149, %parallel_loop3A_148 : vector<16xf32>
      %parallel_loop3A_151 = arith.fptosi %parallel_loop3A_150 : vector<16xf32> to vector<16xi32>
      %parallel_loop3A_152 = arith.constant 16 : i32
      %parallel_loop3A_153 = vector.broadcast %parallel_loop3A_152 : i32 to vector<16xi32>
      %parallel_loop3A_154 = arith.shli %parallel_loop3A_151, %parallel_loop3A_153 : vector<16xi32>
      %parallel_loop3A_155 = arith.ori %parallel_loop3A_129, %parallel_loop3A_154 : vector<16xi32>
      %parallel_loop3A_156 = arith.constant 0 : i32
      %parallel_loop3A_157 = arith.addi %parallel_loop3A_100, %parallel_loop3A_156 : i32
      %parallel_loop3A_158 = arith.index_cast %parallel_loop3A_157 : i32 to index
      %parallel_loop3A_159 = tpu.vector_load %arg13[%parallel_loop3A_158] {strides = array<i32>} : memref<10832xi32, #tpu.memory_space<vmem>>, vector<16xi32>,
      tpu.vector_store %arg13[%parallel_loop3A_158], %parallel_loop3A_155 {strides = array<i32>} : memref<10832xi32, #tpu.memory_space<vmem>>, vector<16xi32>,
      %parallel_loop3A_160 = arith.constant 16 : index
      %parallel_loop3A_161 = tpu.vector_load %arg12[%parallel_loop3A_160] {strides = array<i32>} : memref<128xf32, #tpu.memory_space<vmem>>, vector<16xf32>,
      %parallel_loop3A_162 = arith.subf %parallel_loop3A_97, %parallel_loop3A_161 : vector<16xf32>
      %parallel_loop3A_163 = math.absf %parallel_loop3A_162 : vector<16xf32>
      %parallel_loop3A_164 = arith.constant 1.909000e+01 : f32
      %parallel_loop3A_165 = vector.broadcast %parallel_loop3A_164 : f32 to vector<16xf32>
      %parallel_loop3A_166 = arith.addf %parallel_loop3A_163, %parallel_loop3A_165 : vector<16xf32>
      %parallel_loop3A_167 = arith.mulf %parallel_loop3A_166, %parallel_loop3A_166 : vector<16xf32>
      %parallel_loop3A_168 = arith.constant -0.00392834703 : f32
      %parallel_loop3A_169 = vector.broadcast %parallel_loop3A_168 : f32 to vector<16xf32>
      %parallel_loop3A_170 = arith.mulf %parallel_loop3A_167, %parallel_loop3A_169 : vector<16xf32>
      %parallel_loop3A_171 = math.exp %parallel_loop3A_170 : vector<16xf32>
      %parallel_loop3A_172 = arith.constant 2.050000e+00 : f32
      %parallel_loop3A_173 = vector.broadcast %parallel_loop3A_172 : f32 to vector<16xf32>
      %parallel_loop3A_174 = arith.mulf %parallel_loop3A_173, %parallel_loop3A_171 : vector<16xf32>
      %parallel_loop3A_175 = arith.constant 1.638400e+04 : f32
      %parallel_loop3A_176 = vector.broadcast %parallel_loop3A_175 : f32 to vector<16xf32>
      %parallel_loop3A_177 = arith.mulf %parallel_loop3A_174, %parallel_loop3A_176 : vector<16xf32>
      %parallel_loop3A_178 = arith.constant 5.000000e-01 : f32
      %parallel_loop3A_179 = vector.broadcast %parallel_loop3A_178 : f32 to vector<16xf32>
      %parallel_loop3A_180 = arith.addf %parallel_loop3A_177, %parallel_loop3A_179 : vector<16xf32>
      %parallel_loop3A_181 = arith.constant 0.000000e+00 : f32
      %parallel_loop3A_182 = arith.constant 6.553500e+04 : f32
      %parallel_loop3A_183 = vector.broadcast %parallel_loop3A_181 : f32 to vector<16xf32>
      %parallel_loop3A_184 = arith.maximumf %parallel_loop3A_183, %parallel_loop3A_180 : vector<16xf32>
      %parallel_loop3A_185 = vector.broadcast %parallel_loop3A_182 : f32 to vector<16xf32>
      %parallel_loop3A_186 = arith.minimumf %parallel_loop3A_185, %parallel_loop3A_184 : vector<16xf32>
      %parallel_loop3A_187 = arith.fptosi %parallel_loop3A_186 : vector<16xf32> to vector<16xi32>
      %parallel_loop3A_188 = arith.constant 16 : index
      %parallel_loop3A_189 = tpu.vector_load %arg10[%parallel_loop3A_188] {strides = array<i32>} : memref<128xf32, #tpu.memory_space<vmem>>, vector<16xf32>,
      %parallel_loop3A_190 = arith.addf %parallel_loop3A_98, %parallel_loop3A_189 : vector<16xf32>
      %parallel_loop3A_191 = arith.constant 9.99999997E-7 : f32
      %parallel_loop3A_192 = vector.broadcast %parallel_loop3A_191 : f32 to vector<16xf32>
      %parallel_loop3A_193 = arith.addf %parallel_loop3A_190, %parallel_loop3A_192 : vector<16xf32>
      %parallel_loop3A_194 = arith.constant 1.000000e+00 : f32
      %parallel_loop3A_195 = vector.broadcast %parallel_loop3A_194 : f32 to vector<16xf32>
      %parallel_loop3A_196 = arith.divf %parallel_loop3A_195, %parallel_loop3A_193 : vector<16xf32>
      %parallel_loop3A_197 = arith.constant 8.192000e+03 : f32
      %parallel_loop3A_198 = vector.broadcast %parallel_loop3A_197 : f32 to vector<16xf32>
      %parallel_loop3A_199 = arith.mulf %parallel_loop3A_196, %parallel_loop3A_198 : vector<16xf32>
      %parallel_loop3A_200 = arith.constant 5.000000e-01 : f32
      %parallel_loop3A_201 = vector.broadcast %parallel_loop3A_200 : f32 to vector<16xf32>
      %parallel_loop3A_202 = arith.addf %parallel_loop3A_199, %parallel_loop3A_201 : vector<16xf32>
      %parallel_loop3A_203 = arith.constant 0.000000e+00 : f32
      %parallel_loop3A_204 = arith.constant 6.553500e+04 : f32
      %parallel_loop3A_205 = vector.broadcast %parallel_loop3A_203 : f32 to vector<16xf32>
      %parallel_loop3A_206 = arith.maximumf %parallel_loop3A_205, %parallel_loop3A_202 : vector<16xf32>
      %parallel_loop3A_207 = vector.broadcast %parallel_loop3A_204 : f32 to vector<16xf32>
      %parallel_loop3A_208 = arith.minimumf %parallel_loop3A_207, %parallel_loop3A_206 : vector<16xf32>
      %parallel_loop3A_209 = arith.fptosi %parallel_loop3A_208 : vector<16xf32> to vector<16xi32>
      %parallel_loop3A_210 = arith.constant 16 : i32
      %parallel_loop3A_211 = vector.broadcast %parallel_loop3A_210 : i32 to vector<16xi32>
      %parallel_loop3A_212 = arith.shli %parallel_loop3A_209, %parallel_loop3A_211 : vector<16xi32>
      %parallel_loop3A_213 = arith.ori %parallel_loop3A_187, %parallel_loop3A_212 : vector<16xi32>
      %parallel_loop3A_214 = arith.constant 16 : i32
      %parallel_loop3A_215 = arith.addi %parallel_loop3A_100, %parallel_loop3A_214 : i32
      %parallel_loop3A_216 = arith.index_cast %parallel_loop3A_215 : i32 to index
      %parallel_loop3A_217 = tpu.vector_load %arg13[%parallel_loop3A_216] {strides = array<i32>} : memref<10832xi32, #tpu.memory_space<vmem>>, vector<16xi32>,
      tpu.vector_store %arg13[%parallel_loop3A_216], %parallel_loop3A_213 {strides = array<i32>} : memref<10832xi32, #tpu.memory_space<vmem>>, vector<16xi32>,
      %parallel_loop3A_218 = arith.constant 32 : index
      %parallel_loop3A_219 = tpu.vector_load %arg12[%parallel_loop3A_218] {strides = array<i32>} : memref<128xf32, #tpu.memory_space<vmem>>, vector<16xf32>,
      %parallel_loop3A_220 = arith.subf %parallel_loop3A_97, %parallel_loop3A_219 : vector<16xf32>
      %parallel_loop3A_221 = math.absf %parallel_loop3A_220 : vector<16xf32>
      %parallel_loop3A_222 = arith.constant 1.909000e+01 : f32
      %parallel_loop3A_223 = vector.broadcast %parallel_loop3A_222 : f32 to vector<16xf32>
      %parallel_loop3A_224 = arith.addf %parallel_loop3A_221, %parallel_loop3A_223 : vector<16xf32>
      %parallel_loop3A_225 = arith.mulf %parallel_loop3A_224, %parallel_loop3A_224 : vector<16xf32>
      %parallel_loop3A_226 = arith.constant -0.00392834703 : f32
      %parallel_loop3A_227 = vector.broadcast %parallel_loop3A_226 : f32 to vector<16xf32>
      %parallel_loop3A_228 = arith.mulf %parallel_loop3A_225, %parallel_loop3A_227 : vector<16xf32>
      %parallel_loop3A_229 = math.exp %parallel_loop3A_228 : vector<16xf32>
      %parallel_loop3A_230 = arith.constant 2.050000e+00 : f32
      %parallel_loop3A_231 = vector.broadcast %parallel_loop3A_230 : f32 to vector<16xf32>
      %parallel_loop3A_232 = arith.mulf %parallel_loop3A_231, %parallel_loop3A_229 : vector<16xf32>
      %parallel_loop3A_233 = arith.constant 1.638400e+04 : f32
      %parallel_loop3A_234 = vector.broadcast %parallel_loop3A_233 : f32 to vector<16xf32>
      %parallel_loop3A_235 = arith.mulf %parallel_loop3A_232, %parallel_loop3A_234 : vector<16xf32>
      %parallel_loop3A_236 = arith.constant 5.000000e-01 : f32
      %parallel_loop3A_237 = vector.broadcast %parallel_loop3A_236 : f32 to vector<16xf32>
      %parallel_loop3A_238 = arith.addf %parallel_loop3A_235, %parallel_loop3A_237 : vector<16xf32>
      %parallel_loop3A_239 = arith.constant 0.000000e+00 : f32
      %parallel_loop3A_240 = arith.constant 6.553500e+04 : f32
      %parallel_loop3A_241 = vector.broadcast %parallel_loop3A_239 : f32 to vector<16xf32>
      %parallel_loop3A_242 = arith.maximumf %parallel_loop3A_241, %parallel_loop3A_238 : vector<16xf32>
      %parallel_loop3A_243 = vector.broadcast %parallel_loop3A_240 : f32 to vector<16xf32>
      %parallel_loop3A_244 = arith.minimumf %parallel_loop3A_243, %parallel_loop3A_242 : vector<16xf32>
      %parallel_loop3A_245 = arith.fptosi %parallel_loop3A_244 : vector<16xf32> to vector<16xi32>
      %parallel_loop3A_246 = arith.constant 32 : index
      %parallel_loop3A_247 = tpu.vector_load %arg10[%parallel_loop3A_246] {strides = array<i32>} : memref<128xf32, #tpu.memory_space<vmem>>, vector<16xf32>,
      %parallel_loop3A_248 = arith.addf %parallel_loop3A_98, %parallel_loop3A_247 : vector<16xf32>
      %parallel_loop3A_249 = arith.constant 9.99999997E-7 : f32
      %parallel_loop3A_250 = vector.broadcast %parallel_loop3A_249 : f32 to vector<16xf32>
      %parallel_loop3A_251 = arith.addf %parallel_loop3A_248, %parallel_loop3A_250 : vector<16xf32>
      %parallel_loop3A_252 = arith.constant 1.000000e+00 : f32
      %parallel_loop3A_253 = vector.broadcast %parallel_loop3A_252 : f32 to vector<16xf32>
      %parallel_loop3A_254 = arith.divf %parallel_loop3A_253, %parallel_loop3A_251 : vector<16xf32>
      %parallel_loop3A_255 = arith.constant 8.192000e+03 : f32
      %parallel_loop3A_256 = vector.broadcast %parallel_loop3A_255 : f32 to vector<16xf32>
      %parallel_loop3A_257 = arith.mulf %parallel_loop3A_254, %parallel_loop3A_256 : vector<16xf32>
      %parallel_loop3A_258 = arith.constant 5.000000e-01 : f32
      %parallel_loop3A_259 = vector.broadcast %parallel_loop3A_258 : f32 to vector<16xf32>
      %parallel_loop3A_260 = arith.addf %parallel_loop3A_257, %parallel_loop3A_259 : vector<16xf32>
      %parallel_loop3A_261 = arith.constant 0.000000e+00 : f32
      %parallel_loop3A_262 = arith.constant 6.553500e+04 : f32
      %parallel_loop3A_263 = vector.broadcast %parallel_loop3A_261 : f32 to vector<16xf32>
      %parallel_loop3A_264 = arith.maximumf %parallel_loop3A_263, %parallel_loop3A_260 : vector<16xf32>
      %parallel_loop3A_265 = vector.broadcast %parallel_loop3A_262 : f32 to vector<16xf32>
      %parallel_loop3A_266 = arith.minimumf %parallel_loop3A_265, %parallel_loop3A_264 : vector<16xf32>
      %parallel_loop3A_267 = arith.fptosi %parallel_loop3A_266 : vector<16xf32> to vector<16xi32>
      %parallel_loop3A_268 = arith.constant 16 : i32
      %parallel_loop3A_269 = vector.broadcast %parallel_loop3A_268 : i32 to vector<16xi32>
      %parallel_loop3A_270 = arith.shli %parallel_loop3A_267, %parallel_loop3A_269 : vector<16xi32>
      %parallel_loop3A_271 = arith.ori %parallel_loop3A_245, %parallel_loop3A_270 : vector<16xi32>
      %parallel_loop3A_272 = arith.constant 32 : i32
      %parallel_loop3A_273 = arith.addi %parallel_loop3A_100, %parallel_loop3A_272 : i32
      %parallel_loop3A_274 = arith.index_cast %parallel_loop3A_273 : i32 to index
      %parallel_loop3A_275 = tpu.vector_load %arg13[%parallel_loop3A_274] {strides = array<i32>} : memref<10832xi32, #tpu.memory_space<vmem>>, vector<16xi32>,
      tpu.vector_store %arg13[%parallel_loop3A_274], %parallel_loop3A_271 {strides = array<i32>} : memref<10832xi32, #tpu.memory_space<vmem>>, vector<16xi32>,
      %parallel_loop3A_276 = arith.constant 48 : index
      %parallel_loop3A_277 = tpu.vector_load %arg12[%parallel_loop3A_276] {strides = array<i32>} : memref<128xf32, #tpu.memory_space<vmem>>, vector<16xf32>,
      %parallel_loop3A_278 = arith.subf %parallel_loop3A_97, %parallel_loop3A_277 : vector<16xf32>
      %parallel_loop3A_279 = math.absf %parallel_loop3A_278 : vector<16xf32>
      %parallel_loop3A_280 = arith.constant 1.909000e+01 : f32
      %parallel_loop3A_281 = vector.broadcast %parallel_loop3A_280 : f32 to vector<16xf32>
      %parallel_loop3A_282 = arith.addf %parallel_loop3A_279, %parallel_loop3A_281 : vector<16xf32>
      %parallel_loop3A_283 = arith.mulf %parallel_loop3A_282, %parallel_loop3A_282 : vector<16xf32>
      %parallel_loop3A_284 = arith.constant -0.00392834703 : f32
      %parallel_loop3A_285 = vector.broadcast %parallel_loop3A_284 : f32 to vector<16xf32>
      %parallel_loop3A_286 = arith.mulf %parallel_loop3A_283, %parallel_loop3A_285 : vector<16xf32>
      %parallel_loop3A_287 = math.exp %parallel_loop3A_286 : vector<16xf32>
      %parallel_loop3A_288 = arith.constant 2.050000e+00 : f32
      %parallel_loop3A_289 = vector.broadcast %parallel_loop3A_288 : f32 to vector<16xf32>
      %parallel_loop3A_290 = arith.mulf %parallel_loop3A_289, %parallel_loop3A_287 : vector<16xf32>
      %parallel_loop3A_291 = arith.constant 1.638400e+04 : f32
      %parallel_loop3A_292 = vector.broadcast %parallel_loop3A_291 : f32 to vector<16xf32>
      %parallel_loop3A_293 = arith.mulf %parallel_loop3A_290, %parallel_loop3A_292 : vector<16xf32>
      %parallel_loop3A_294 = arith.constant 5.000000e-01 : f32
      %parallel_loop3A_295 = vector.broadcast %parallel_loop3A_294 : f32 to vector<16xf32>
      %parallel_loop3A_296 = arith.addf %parallel_loop3A_293, %parallel_loop3A_295 : vector<16xf32>
      %parallel_loop3A_297 = arith.constant 0.000000e+00 : f32
      %parallel_loop3A_298 = arith.constant 6.553500e+04 : f32
      %parallel_loop3A_299 = vector.broadcast %parallel_loop3A_297 : f32 to vector<16xf32>
      %parallel_loop3A_300 = arith.maximumf %parallel_loop3A_299, %parallel_loop3A_296 : vector<16xf32>
      %parallel_loop3A_301 = vector.broadcast %parallel_loop3A_298 : f32 to vector<16xf32>
      %parallel_loop3A_302 = arith.minimumf %parallel_loop3A_301, %parallel_loop3A_300 : vector<16xf32>
      %parallel_loop3A_303 = arith.fptosi %parallel_loop3A_302 : vector<16xf32> to vector<16xi32>
      %parallel_loop3A_304 = arith.constant 48 : index
      %parallel_loop3A_305 = tpu.vector_load %arg10[%parallel_loop3A_304] {strides = array<i32>} : memref<128xf32, #tpu.memory_space<vmem>>, vector<16xf32>,
      %parallel_loop3A_306 = arith.addf %parallel_loop3A_98, %parallel_loop3A_305 : vector<16xf32>
      %parallel_loop3A_307 = arith.constant 9.99999997E-7 : f32
      %parallel_loop3A_308 = vector.broadcast %parallel_loop3A_307 : f32 to vector<16xf32>
      %parallel_loop3A_309 = arith.addf %parallel_loop3A_306, %parallel_loop3A_308 : vector<16xf32>
      %parallel_loop3A_310 = arith.constant 1.000000e+00 : f32
      %parallel_loop3A_311 = vector.broadcast %parallel_loop3A_310 : f32 to vector<16xf32>
      %parallel_loop3A_312 = arith.divf %parallel_loop3A_311, %parallel_loop3A_309 : vector<16xf32>
      %parallel_loop3A_313 = arith.constant 8.192000e+03 : f32
      %parallel_loop3A_314 = vector.broadcast %parallel_loop3A_313 : f32 to vector<16xf32>
      %parallel_loop3A_315 = arith.mulf %parallel_loop3A_312, %parallel_loop3A_314 : vector<16xf32>
      %parallel_loop3A_316 = arith.constant 5.000000e-01 : f32
      %parallel_loop3A_317 = vector.broadcast %parallel_loop3A_316 : f32 to vector<16xf32>
      %parallel_loop3A_318 = arith.addf %parallel_loop3A_315, %parallel_loop3A_317 : vector<16xf32>
      %parallel_loop3A_319 = arith.constant 0.000000e+00 : f32
      %parallel_loop3A_320 = arith.constant 6.553500e+04 : f32
      %parallel_loop3A_321 = vector.broadcast %parallel_loop3A_319 : f32 to vector<16xf32>
      %parallel_loop3A_322 = arith.maximumf %parallel_loop3A_321, %parallel_loop3A_318 : vector<16xf32>
      %parallel_loop3A_323 = vector.broadcast %parallel_loop3A_320 : f32 to vector<16xf32>
      %parallel_loop3A_324 = arith.minimumf %parallel_loop3A_323, %parallel_loop3A_322 : vector<16xf32>
      %parallel_loop3A_325 = arith.fptosi %parallel_loop3A_324 : vector<16xf32> to vector<16xi32>
      %parallel_loop3A_326 = arith.constant 16 : i32
      %parallel_loop3A_327 = vector.broadcast %parallel_loop3A_326 : i32 to vector<16xi32>
      %parallel_loop3A_328 = arith.shli %parallel_loop3A_325, %parallel_loop3A_327 : vector<16xi32>
      %parallel_loop3A_329 = arith.ori %parallel_loop3A_303, %parallel_loop3A_328 : vector<16xi32>
      %parallel_loop3A_330 = arith.constant 48 : i32
      %parallel_loop3A_331 = arith.addi %parallel_loop3A_100, %parallel_loop3A_330 : i32
      %parallel_loop3A_332 = arith.index_cast %parallel_loop3A_331 : i32 to index
      %parallel_loop3A_333 = tpu.vector_load %arg13[%parallel_loop3A_332] {strides = array<i32>} : memref<10832xi32, #tpu.memory_space<vmem>>, vector<16xi32>,
      tpu.vector_store %arg13[%parallel_loop3A_332], %parallel_loop3A_329 {strides = array<i32>} : memref<10832xi32, #tpu.memory_space<vmem>>, vector<16xi32>,
      %parallel_loop3A_334 = arith.constant 64 : index
      %parallel_loop3A_335 = tpu.vector_load %arg12[%parallel_loop3A_334] {strides = array<i32>} : memref<128xf32, #tpu.memory_space<vmem>>, vector<16xf32>,
      %parallel_loop3A_336 = arith.subf %parallel_loop3A_97, %parallel_loop3A_335 : vector<16xf32>
      %parallel_loop3A_337 = math.absf %parallel_loop3A_336 : vector<16xf32>
      %parallel_loop3A_338 = arith.constant 1.909000e+01 : f32
      %parallel_loop3A_339 = vector.broadcast %parallel_loop3A_338 : f32 to vector<16xf32>
      %parallel_loop3A_340 = arith.addf %parallel_loop3A_337, %parallel_loop3A_339 : vector<16xf32>
      %parallel_loop3A_341 = arith.mulf %parallel_loop3A_340, %parallel_loop3A_340 : vector<16xf32>
      %parallel_loop3A_342 = arith.constant -0.00392834703 : f32
      %parallel_loop3A_343 = vector.broadcast %parallel_loop3A_342 : f32 to vector<16xf32>
      %parallel_loop3A_344 = arith.mulf %parallel_loop3A_341, %parallel_loop3A_343 : vector<16xf32>
      %parallel_loop3A_345 = math.exp %parallel_loop3A_344 : vector<16xf32>
      %parallel_loop3A_346 = arith.constant 2.050000e+00 : f32
      %parallel_loop3A_347 = vector.broadcast %parallel_loop3A_346 : f32 to vector<16xf32>
      %parallel_loop3A_348 = arith.mulf %parallel_loop3A_347, %parallel_loop3A_345 : vector<16xf32>
      %parallel_loop3A_349 = arith.constant 1.638400e+04 : f32
      %parallel_loop3A_350 = vector.broadcast %parallel_loop3A_349 : f32 to vector<16xf32>
      %parallel_loop3A_351 = arith.mulf %parallel_loop3A_348, %parallel_loop3A_350 : vector<16xf32>
      %parallel_loop3A_352 = arith.constant 5.000000e-01 : f32
      %parallel_loop3A_353 = vector.broadcast %parallel_loop3A_352 : f32 to vector<16xf32>
      %parallel_loop3A_354 = arith.addf %parallel_loop3A_351, %parallel_loop3A_353 : vector<16xf32>
      %parallel_loop3A_355 = arith.constant 0.000000e+00 : f32
      %parallel_loop3A_356 = arith.constant 6.553500e+04 : f32
      %parallel_loop3A_357 = vector.broadcast %parallel_loop3A_355 : f32 to vector<16xf32>
      %parallel_loop3A_358 = arith.maximumf %parallel_loop3A_357, %parallel_loop3A_354 : vector<16xf32>
      %parallel_loop3A_359 = vector.broadcast %parallel_loop3A_356 : f32 to vector<16xf32>
      %parallel_loop3A_360 = arith.minimumf %parallel_loop3A_359, %parallel_loop3A_358 : vector<16xf32>
      %parallel_loop3A_361 = arith.fptosi %parallel_loop3A_360 : vector<16xf32> to vector<16xi32>
      %parallel_loop3A_362 = arith.constant 64 : index
      %parallel_loop3A_363 = tpu.vector_load %arg10[%parallel_loop3A_362] {strides = array<i32>} : memref<128xf32, #tpu.memory_space<vmem>>, vector<16xf32>,
      %parallel_loop3A_364 = arith.addf %parallel_loop3A_98, %parallel_loop3A_363 : vector<16xf32>
      %parallel_loop3A_365 = arith.constant 9.99999997E-7 : f32
      %parallel_loop3A_366 = vector.broadcast %parallel_loop3A_365 : f32 to vector<16xf32>
      %parallel_loop3A_367 = arith.addf %parallel_loop3A_364, %parallel_loop3A_366 : vector<16xf32>
      %parallel_loop3A_368 = arith.constant 1.000000e+00 : f32
      %parallel_loop3A_369 = vector.broadcast %parallel_loop3A_368 : f32 to vector<16xf32>
      %parallel_loop3A_370 = arith.divf %parallel_loop3A_369, %parallel_loop3A_367 : vector<16xf32>
      %parallel_loop3A_371 = arith.constant 8.192000e+03 : f32
      %parallel_loop3A_372 = vector.broadcast %parallel_loop3A_371 : f32 to vector<16xf32>
      %parallel_loop3A_373 = arith.mulf %parallel_loop3A_370, %parallel_loop3A_372 : vector<16xf32>
      %parallel_loop3A_374 = arith.constant 5.000000e-01 : f32
      %parallel_loop3A_375 = vector.broadcast %parallel_loop3A_374 : f32 to vector<16xf32>
      %parallel_loop3A_376 = arith.addf %parallel_loop3A_373, %parallel_loop3A_375 : vector<16xf32>
      %parallel_loop3A_377 = arith.constant 0.000000e+00 : f32
      %parallel_loop3A_378 = arith.constant 6.553500e+04 : f32
      %parallel_loop3A_379 = vector.broadcast %parallel_loop3A_377 : f32 to vector<16xf32>
      %parallel_loop3A_380 = arith.maximumf %parallel_loop3A_379, %parallel_loop3A_376 : vector<16xf32>
      %parallel_loop3A_381 = vector.broadcast %parallel_loop3A_378 : f32 to vector<16xf32>
      %parallel_loop3A_382 = arith.minimumf %parallel_loop3A_381, %parallel_loop3A_380 : vector<16xf32>
      %parallel_loop3A_383 = arith.fptosi %parallel_loop3A_382 : vector<16xf32> to vector<16xi32>
      %parallel_loop3A_384 = arith.constant 16 : i32
      %parallel_loop3A_385 = vector.broadcast %parallel_loop3A_384 : i32 to vector<16xi32>
      %parallel_loop3A_386 = arith.shli %parallel_loop3A_383, %parallel_loop3A_385 : vector<16xi32>
      %parallel_loop3A_387 = arith.ori %parallel_loop3A_361, %parallel_loop3A_386 : vector<16xi32>
      %parallel_loop3A_388 = arith.constant 64 : i32
      %parallel_loop3A_389 = arith.addi %parallel_loop3A_100, %parallel_loop3A_388 : i32
      %parallel_loop3A_390 = arith.index_cast %parallel_loop3A_389 : i32 to index
      %parallel_loop3A_391 = tpu.vector_load %arg13[%parallel_loop3A_390] {strides = array<i32>} : memref<10832xi32, #tpu.memory_space<vmem>>, vector<16xi32>,
      tpu.vector_store %arg13[%parallel_loop3A_390], %parallel_loop3A_387 {strides = array<i32>} : memref<10832xi32, #tpu.memory_space<vmem>>, vector<16xi32>,
      %parallel_loop3A_392 = arith.constant 80 : index
      %parallel_loop3A_393 = tpu.vector_load %arg12[%parallel_loop3A_392] {strides = array<i32>} : memref<128xf32, #tpu.memory_space<vmem>>, vector<16xf32>,
      %parallel_loop3A_394 = arith.subf %parallel_loop3A_97, %parallel_loop3A_393 : vector<16xf32>
      %parallel_loop3A_395 = math.absf %parallel_loop3A_394 : vector<16xf32>
      %parallel_loop3A_396 = arith.constant 1.909000e+01 : f32
      %parallel_loop3A_397 = vector.broadcast %parallel_loop3A_396 : f32 to vector<16xf32>
      %parallel_loop3A_398 = arith.addf %parallel_loop3A_395, %parallel_loop3A_397 : vector<16xf32>
      %parallel_loop3A_399 = arith.mulf %parallel_loop3A_398, %parallel_loop3A_398 : vector<16xf32>
      %parallel_loop3A_400 = arith.constant -0.00392834703 : f32
      %parallel_loop3A_401 = vector.broadcast %parallel_loop3A_400 : f32 to vector<16xf32>
      %parallel_loop3A_402 = arith.mulf %parallel_loop3A_399, %parallel_loop3A_401 : vector<16xf32>
      %parallel_loop3A_403 = math.exp %parallel_loop3A_402 : vector<16xf32>
      %parallel_loop3A_404 = arith.constant 2.050000e+00 : f32
      %parallel_loop3A_405 = vector.broadcast %parallel_loop3A_404 : f32 to vector<16xf32>
      %parallel_loop3A_406 = arith.mulf %parallel_loop3A_405, %parallel_loop3A_403 : vector<16xf32>
      %parallel_loop3A_407 = arith.constant 1.638400e+04 : f32
      %parallel_loop3A_408 = vector.broadcast %parallel_loop3A_407 : f32 to vector<16xf32>
      %parallel_loop3A_409 = arith.mulf %parallel_loop3A_406, %parallel_loop3A_408 : vector<16xf32>
      %parallel_loop3A_410 = arith.constant 5.000000e-01 : f32
      %parallel_loop3A_411 = vector.broadcast %parallel_loop3A_410 : f32 to vector<16xf32>
      %parallel_loop3A_412 = arith.addf %parallel_loop3A_409, %parallel_loop3A_411 : vector<16xf32>
      %parallel_loop3A_413 = arith.constant 0.000000e+00 : f32
      %parallel_loop3A_414 = arith.constant 6.553500e+04 : f32
      %parallel_loop3A_415 = vector.broadcast %parallel_loop3A_413 : f32 to vector<16xf32>
      %parallel_loop3A_416 = arith.maximumf %parallel_loop3A_415, %parallel_loop3A_412 : vector<16xf32>
      %parallel_loop3A_417 = vector.broadcast %parallel_loop3A_414 : f32 to vector<16xf32>
      %parallel_loop3A_418 = arith.minimumf %parallel_loop3A_417, %parallel_loop3A_416 : vector<16xf32>
      %parallel_loop3A_419 = arith.fptosi %parallel_loop3A_418 : vector<16xf32> to vector<16xi32>
      %parallel_loop3A_420 = arith.constant 80 : index
      %parallel_loop3A_421 = tpu.vector_load %arg10[%parallel_loop3A_420] {strides = array<i32>} : memref<128xf32, #tpu.memory_space<vmem>>, vector<16xf32>,
      %parallel_loop3A_422 = arith.addf %parallel_loop3A_98, %parallel_loop3A_421 : vector<16xf32>
      %parallel_loop3A_423 = arith.constant 9.99999997E-7 : f32
      %parallel_loop3A_424 = vector.broadcast %parallel_loop3A_423 : f32 to vector<16xf32>
      %parallel_loop3A_425 = arith.addf %parallel_loop3A_422, %parallel_loop3A_424 : vector<16xf32>
      %parallel_loop3A_426 = arith.constant 1.000000e+00 : f32
      %parallel_loop3A_427 = vector.broadcast %parallel_loop3A_426 : f32 to vector<16xf32>
      %parallel_loop3A_428 = arith.divf %parallel_loop3A_427, %parallel_loop3A_425 : vector<16xf32>
      %parallel_loop3A_429 = arith.constant 8.192000e+03 : f32
      %parallel_loop3A_430 = vector.broadcast %parallel_loop3A_429 : f32 to vector<16xf32>
      %parallel_loop3A_431 = arith.mulf %parallel_loop3A_428, %parallel_loop3A_430 : vector<16xf32>
      %parallel_loop3A_432 = arith.constant 5.000000e-01 : f32
      %parallel_loop3A_433 = vector.broadcast %parallel_loop3A_432 : f32 to vector<16xf32>
      %parallel_loop3A_434 = arith.addf %parallel_loop3A_431, %parallel_loop3A_433 : vector<16xf32>
      %parallel_loop3A_435 = arith.constant 0.000000e+00 : f32
      %parallel_loop3A_436 = arith.constant 6.553500e+04 : f32
      %parallel_loop3A_437 = vector.broadcast %parallel_loop3A_435 : f32 to vector<16xf32>
      %parallel_loop3A_438 = arith.maximumf %parallel_loop3A_437, %parallel_loop3A_434 : vector<16xf32>
      %parallel_loop3A_439 = vector.broadcast %parallel_loop3A_436 : f32 to vector<16xf32>
      %parallel_loop3A_440 = arith.minimumf %parallel_loop3A_439, %parallel_loop3A_438 : vector<16xf32>
      %parallel_loop3A_441 = arith.fptosi %parallel_loop3A_440 : vector<16xf32> to vector<16xi32>
      %parallel_loop3A_442 = arith.constant 16 : i32
      %parallel_loop3A_443 = vector.broadcast %parallel_loop3A_442 : i32 to vector<16xi32>
      %parallel_loop3A_444 = arith.shli %parallel_loop3A_441, %parallel_loop3A_443 : vector<16xi32>
      %parallel_loop3A_445 = arith.ori %parallel_loop3A_419, %parallel_loop3A_444 : vector<16xi32>
      %parallel_loop3A_446 = arith.constant 80 : i32
      %parallel_loop3A_447 = arith.addi %parallel_loop3A_100, %parallel_loop3A_446 : i32
      %parallel_loop3A_448 = arith.index_cast %parallel_loop3A_447 : i32 to index
      %parallel_loop3A_449 = tpu.vector_load %arg13[%parallel_loop3A_448] {strides = array<i32>} : memref<10832xi32, #tpu.memory_space<vmem>>, vector<16xi32>,
      tpu.vector_store %arg13[%parallel_loop3A_448], %parallel_loop3A_445 {strides = array<i32>} : memref<10832xi32, #tpu.memory_space<vmem>>, vector<16xi32>,
      %parallel_loop3A_450 = arith.constant 96 : index
      %parallel_loop3A_451 = tpu.vector_load %arg12[%parallel_loop3A_450] {strides = array<i32>} : memref<128xf32, #tpu.memory_space<vmem>>, vector<16xf32>,
      %parallel_loop3A_452 = arith.subf %parallel_loop3A_97, %parallel_loop3A_451 : vector<16xf32>
      %parallel_loop3A_453 = math.absf %parallel_loop3A_452 : vector<16xf32>
      %parallel_loop3A_454 = arith.constant 1.909000e+01 : f32
      %parallel_loop3A_455 = vector.broadcast %parallel_loop3A_454 : f32 to vector<16xf32>
      %parallel_loop3A_456 = arith.addf %parallel_loop3A_453, %parallel_loop3A_455 : vector<16xf32>
      %parallel_loop3A_457 = arith.mulf %parallel_loop3A_456, %parallel_loop3A_456 : vector<16xf32>
      %parallel_loop3A_458 = arith.constant -0.00392834703 : f32
      %parallel_loop3A_459 = vector.broadcast %parallel_loop3A_458 : f32 to vector<16xf32>
      %parallel_loop3A_460 = arith.mulf %parallel_loop3A_457, %parallel_loop3A_459 : vector<16xf32>
      %parallel_loop3A_461 = math.exp %parallel_loop3A_460 : vector<16xf32>
      %parallel_loop3A_462 = arith.constant 2.050000e+00 : f32
      %parallel_loop3A_463 = vector.broadcast %parallel_loop3A_462 : f32 to vector<16xf32>
      %parallel_loop3A_464 = arith.mulf %parallel_loop3A_463, %parallel_loop3A_461 : vector<16xf32>
      %parallel_loop3A_465 = arith.constant 1.638400e+04 : f32
      %parallel_loop3A_466 = vector.broadcast %parallel_loop3A_465 : f32 to vector<16xf32>
      %parallel_loop3A_467 = arith.mulf %parallel_loop3A_464, %parallel_loop3A_466 : vector<16xf32>
      %parallel_loop3A_468 = arith.constant 5.000000e-01 : f32
      %parallel_loop3A_469 = vector.broadcast %parallel_loop3A_468 : f32 to vector<16xf32>
      %parallel_loop3A_470 = arith.addf %parallel_loop3A_467, %parallel_loop3A_469 : vector<16xf32>
      %parallel_loop3A_471 = arith.constant 0.000000e+00 : f32
      %parallel_loop3A_472 = arith.constant 6.553500e+04 : f32
      %parallel_loop3A_473 = vector.broadcast %parallel_loop3A_471 : f32 to vector<16xf32>
      %parallel_loop3A_474 = arith.maximumf %parallel_loop3A_473, %parallel_loop3A_470 : vector<16xf32>
      %parallel_loop3A_475 = vector.broadcast %parallel_loop3A_472 : f32 to vector<16xf32>
      %parallel_loop3A_476 = arith.minimumf %parallel_loop3A_475, %parallel_loop3A_474 : vector<16xf32>
      %parallel_loop3A_477 = arith.fptosi %parallel_loop3A_476 : vector<16xf32> to vector<16xi32>
      %parallel_loop3A_478 = arith.constant 96 : index
      %parallel_loop3A_479 = tpu.vector_load %arg10[%parallel_loop3A_478] {strides = array<i32>} : memref<128xf32, #tpu.memory_space<vmem>>, vector<16xf32>,
      %parallel_loop3A_480 = arith.addf %parallel_loop3A_98, %parallel_loop3A_479 : vector<16xf32>
      %parallel_loop3A_481 = arith.constant 9.99999997E-7 : f32
      %parallel_loop3A_482 = vector.broadcast %parallel_loop3A_481 : f32 to vector<16xf32>
      %parallel_loop3A_483 = arith.addf %parallel_loop3A_480, %parallel_loop3A_482 : vector<16xf32>
      %parallel_loop3A_484 = arith.constant 1.000000e+00 : f32
      %parallel_loop3A_485 = vector.broadcast %parallel_loop3A_484 : f32 to vector<16xf32>
      %parallel_loop3A_486 = arith.divf %parallel_loop3A_485, %parallel_loop3A_483 : vector<16xf32>
      %parallel_loop3A_487 = arith.constant 8.192000e+03 : f32
      %parallel_loop3A_488 = vector.broadcast %parallel_loop3A_487 : f32 to vector<16xf32>
      %parallel_loop3A_489 = arith.mulf %parallel_loop3A_486, %parallel_loop3A_488 : vector<16xf32>
      %parallel_loop3A_490 = arith.constant 5.000000e-01 : f32
      %parallel_loop3A_491 = vector.broadcast %parallel_loop3A_490 : f32 to vector<16xf32>
      %parallel_loop3A_492 = arith.addf %parallel_loop3A_489, %parallel_loop3A_491 : vector<16xf32>
      %parallel_loop3A_493 = arith.constant 0.000000e+00 : f32
      %parallel_loop3A_494 = arith.constant 6.553500e+04 : f32
      %parallel_loop3A_495 = vector.broadcast %parallel_loop3A_493 : f32 to vector<16xf32>
      %parallel_loop3A_496 = arith.maximumf %parallel_loop3A_495, %parallel_loop3A_492 : vector<16xf32>
      %parallel_loop3A_497 = vector.broadcast %parallel_loop3A_494 : f32 to vector<16xf32>
      %parallel_loop3A_498 = arith.minimumf %parallel_loop3A_497, %parallel_loop3A_496 : vector<16xf32>
      %parallel_loop3A_499 = arith.fptosi %parallel_loop3A_498 : vector<16xf32> to vector<16xi32>
      %parallel_loop3A_500 = arith.constant 16 : i32
      %parallel_loop3A_501 = vector.broadcast %parallel_loop3A_500 : i32 to vector<16xi32>
      %parallel_loop3A_502 = arith.shli %parallel_loop3A_499, %parallel_loop3A_501 : vector<16xi32>
      %parallel_loop3A_503 = arith.ori %parallel_loop3A_477, %parallel_loop3A_502 : vector<16xi32>
      %parallel_loop3A_504 = arith.constant 96 : i32
      %parallel_loop3A_505 = arith.addi %parallel_loop3A_100, %parallel_loop3A_504 : i32
      %parallel_loop3A_506 = vector.broadcast %parallel_loop3A_505 : i32 to vector<16xi32>
      %parallel_loop3A_507 = arith.addi %parallel_loop3A_506, %parallel_loop3A_101 : vector<16xi32>
      %parallel_loop3A_508 = arith.constant 8 : i32
      %parallel_loop3A_509 = vector.broadcast %parallel_loop3A_508 : i32 to vector<16xi32>
      %parallel_loop3A_510 = arith.cmpi slt, %parallel_loop3A_101, %parallel_loop3A_509 : vector<16xi32>
      tpu.vector_store_idx %arg13[%parallel_loop3A_507], %parallel_loop3A_503 masked %parallel_loop3A_510 : memref<10832xi32, #tpu.memory_space<vmem>>[vector<16xi32>], vector<16xi32>, vector<16xi1>
    } {sc.loop_unroll_factor = 4 : i64, sc.parallel_access}
    %add3A_57 = arith.constant 0 : i32
    %add3A_58 = arith.addi %add3A_57, %add3A : i32
    %lt3A = arith.constant 1250 : i32
    %lt3A_59 = arith.cmpi slt, %add3A_58, %lt3A : i32
    %select_n3A = arith.select %lt3A_59, %add3A_58, %add3A : i32
    %mul3A_60 = arith.constant 2560 : i32
    %mul3A_61 = arith.muli %select_n3A, %mul3A_60 : i32
    %multiple_of3A = tpu.assume_multiple %mul3A_61, 128 : i32
    %dma_start3A = arith.constant 0 : i32
    %dma_start3A_62 = tpu.memref_slice %arg3[%dma_start3A, %multiple_of3A] : memref<2x3200000xi32, #tpu.memory_space<hbm>> -> memref<2x2560xi32, #tpu.memory_space<hbm>>
    %dma_start3A_63 = arith.constant 0 : i32
    %dma_start3A_64 = tpu.memref_slice %arg3[%dma_start3A_63, %multiple_of3A] : memref<2x3200000xi32, #tpu.memory_space<hbm>> -> memref<2x2560xi32, #tpu.memory_space<hbm>>
    tpu.enqueue_dma source(%dma_start3A_64 : memref<2x2560xi32, #tpu.memory_space<hbm>>) target(%arg14 : memref<2x2560xi32, #tpu.memory_space<vmem>>) target_semaphore(%arg19 : memref<!tpu.dma_semaphore, #tpu.memory_space<semaphore_mem>>)
    %dma_start3A_65 = tpu.memref_slice %arg4[%multiple_of3A] : memref<3200000xf32, #tpu.memory_space<hbm>> -> memref<2560xf32, #tpu.memory_space<hbm>>
    %dma_start3A_66 = tpu.memref_slice %arg4[%multiple_of3A] : memref<3200000xf32, #tpu.memory_space<hbm>> -> memref<2560xf32, #tpu.memory_space<hbm>>
    tpu.enqueue_dma source(%dma_start3A_66 : memref<2560xf32, #tpu.memory_space<hbm>>) target(%arg16 : memref<2560xf32, #tpu.memory_space<vmem>>) target_semaphore(%arg19 : memref<!tpu.dma_semaphore, #tpu.memory_space<semaphore_mem>>)
    %add3A_67 = arith.constant 32 : i32
    %add3A_68 = arith.addi %add3A_67, %add3A : i32
    %lt3A_69 = arith.constant 1250 : i32
    %lt3A_70 = arith.cmpi slt, %add3A_68, %lt3A_69 : i32
    %select_n3A_71 = arith.select %lt3A_70, %add3A_68, %add3A : i32
    %mul3A_72 = arith.constant 2560 : i32
    %mul3A_73 = arith.muli %select_n3A_71, %mul3A_72 : i32
    %multiple_of3A_74 = tpu.assume_multiple %mul3A_73, 128 : i32
    %dma_start3A_75 = arith.constant 0 : i32
    %dma_start3A_76 = tpu.memref_slice %arg3[%dma_start3A_75, %multiple_of3A_74] : memref<2x3200000xi32, #tpu.memory_space<hbm>> -> memref<2x2560xi32, #tpu.memory_space<hbm>>
    %dma_start3A_77 = arith.constant 0 : i32
    %dma_start3A_78 = tpu.memref_slice %arg3[%dma_start3A_77, %multiple_of3A_74] : memref<2x3200000xi32, #tpu.memory_space<hbm>> -> memref<2x2560xi32, #tpu.memory_space<hbm>>
    tpu.enqueue_dma source(%dma_start3A_78 : memref<2x2560xi32, #tpu.memory_space<hbm>>) target(%arg15 : memref<2x2560xi32, #tpu.memory_space<vmem>>) target_semaphore(%arg20 : memref<!tpu.dma_semaphore, #tpu.memory_space<semaphore_mem>>)
    %dma_start3A_79 = tpu.memref_slice %arg4[%multiple_of3A_74] : memref<3200000xf32, #tpu.memory_space<hbm>> -> memref<2560xf32, #tpu.memory_space<hbm>>
    %dma_start3A_80 = tpu.memref_slice %arg4[%multiple_of3A_74] : memref<3200000xf32, #tpu.memory_space<hbm>> -> memref<2560xf32, #tpu.memory_space<hbm>>
    tpu.enqueue_dma source(%dma_start3A_80 : memref<2560xf32, #tpu.memory_space<hbm>>) target(%arg17 : memref<2560xf32, #tpu.memory_space<vmem>>) target_semaphore(%arg20 : memref<!tpu.dma_semaphore, #tpu.memory_space<semaphore_mem>>)
    %scan3A = arith.constant 0 : i32
    %scan3A_81 = arith.constant 0 : i32
    %scan3A_82 = arith.constant 20 : i32
    %scan3A_83 = arith.addi %scan3A_81, %scan3A_82 : i32
    %scan3A_84 = arith.constant 1 : i32
    scf.for %scan3A_95 = %scan3A_81 to %scan3A_83 step %scan3A_84  : i32 {
      %mul3A_96 = arith.constant 2 : i32
      %mul3A_97 = arith.muli %scan3A_95, %mul3A_96 : i32
      %add3A_98 = arith.constant 0 : i32
      %add3A_99 = arith.addi %mul3A_97, %add3A_98 : i32
      %mul3A_100 = arith.constant 32 : i32
      %mul3A_101 = arith.muli %add3A_99, %mul3A_100 : i32
      %add3A_102 = arith.addi %mul3A_101, %add3A : i32
      %lt3A_103 = arith.constant 1250 : i32
      %lt3A_104 = arith.cmpi slt, %add3A_102, %lt3A_103 : i32
      %select_n3A_105 = arith.select %lt3A_104, %add3A_102, %add3A : i32
      %mul3A_106 = arith.constant 2560 : i32
      %mul3A_107 = arith.muli %select_n3A_105, %mul3A_106 : i32
      %multiple_of3A_108 = tpu.assume_multiple %mul3A_107, 128 : i32
      %dma_wait3A_109 = arith.constant 0 : i32
      %dma_wait3A_110 = tpu.memref_slice %arg3[%dma_wait3A_109, %multiple_of3A_108] : memref<2x3200000xi32, #tpu.memory_space<hbm>> -> memref<2x2560xi32, #tpu.memory_space<hbm>>
      %dma_wait3A_111 = arith.constant 0 : i32
      %dma_wait3A_112 = tpu.memref_slice %arg3[%dma_wait3A_111, %multiple_of3A_108] : memref<2x3200000xi32, #tpu.memory_space<hbm>> -> memref<2x2560xi32, #tpu.memory_space<hbm>>
      tpu.wait_dma2 semaphore(%arg19 : memref<!tpu.dma_semaphore, #tpu.memory_space<semaphore_mem>>) src(%dma_wait3A_112 : memref<2x2560xi32, #tpu.memory_space<hbm>>) dst(%arg14 : memref<2x2560xi32, #tpu.memory_space<vmem>>)
      %dma_wait3A_113 = tpu.memref_slice %arg4[%multiple_of3A_108] : memref<3200000xf32, #tpu.memory_space<hbm>> -> memref<2560xf32, #tpu.memory_space<hbm>>
      %dma_wait3A_114 = tpu.memref_slice %arg4[%multiple_of3A_108] : memref<3200000xf32, #tpu.memory_space<hbm>> -> memref<2560xf32, #tpu.memory_space<hbm>>
      tpu.wait_dma2 semaphore(%arg19 : memref<!tpu.dma_semaphore, #tpu.memory_space<semaphore_mem>>) src(%dma_wait3A_114 : memref<2560xf32, #tpu.memory_space<hbm>>) dst(%arg16 : memref<2560xf32, #tpu.memory_space<vmem>>)
      %ge3A = arith.constant 1 : i32
      %ge3A_115 = arith.cmpi sge, %add3A_99, %ge3A : i32
      %convert_element_type3A = arith.extui %ge3A_115 : i1 to i32
      %cond3A = arith.constant 0 : i32
      %cond3A_116 = arith.cmpi ne, %convert_element_type3A, %cond3A : i32
      scf.if %cond3A_116 {
        %mul3A_183 = arith.constant 32 : i32
        %mul3A_184 = arith.muli %add3A_99, %mul3A_183 : i32
        %add3A_185 = arith.addi %mul3A_184, %add3A : i32
        %lt3A_186 = arith.constant 1250 : i32
        %lt3A_187 = arith.cmpi slt, %add3A_185, %lt3A_186 : i32
        %select_n3A_188 = arith.select %lt3A_187, %add3A_185, %add3A : i32
        %mul3A_189 = arith.constant 2560 : i32
        %mul3A_190 = arith.muli %select_n3A_188, %mul3A_189 : i32
        %multiple_of3A_191 = tpu.assume_multiple %mul3A_190, 128 : i32
        %dma_wait3A_192 = tpu.memref_slice %arg8[%multiple_of3A_191] : memref<3200000xf32, #tpu.memory_space<hbm>> -> memref<2560xf32, #tpu.memory_space<hbm>>
        %dma_wait3A_193 = tpu.memref_slice %arg8[%multiple_of3A_191] : memref<3200000xf32, #tpu.memory_space<hbm>> -> memref<2560xf32, #tpu.memory_space<hbm>>
        tpu.wait_dma2 semaphore(%arg21 : memref<!tpu.dma_semaphore, #tpu.memory_space<semaphore_mem>>) src(%arg18 : memref<2560xf32, #tpu.memory_space<vmem>>) dst(%dma_wait3A_193 : memref<2560xf32, #tpu.memory_space<hbm>>)
      } else {
      }
      %parallel_loop3A_117 = arith.constant 0 : i32
      %parallel_loop3A_118 = arith.constant 160 : i32
      %parallel_loop3A_119 = arith.constant 1 : i32
      scf.for %parallel_loop3A_183 = %parallel_loop3A_117 to %parallel_loop3A_118 step %parallel_loop3A_119  : i32 {
        %parallel_loop3A_184 = arith.constant 16 : i32
        %parallel_loop3A_185 = arith.muli %parallel_loop3A_183, %parallel_loop3A_184 : i32
        %parallel_loop3A_186 = tpu.assume_multiple %parallel_loop3A_185, 16 : i32
        %parallel_loop3A_187 = arith.constant 0 : i32
        %parallel_loop3A_188 = arith.index_cast %parallel_loop3A_187 : i32 to index
        %parallel_loop3A_189 = arith.index_cast %parallel_loop3A_186 : i32 to index
        %parallel_loop3A_190 = tpu.vector_load %arg14[%parallel_loop3A_188, %parallel_loop3A_189] {strides = array<i32>} : memref<2x2560xi32, #tpu.memory_space<vmem>>, vector<16xi32>,
        %parallel_loop3A_191 = arith.constant 1 : i32
        %parallel_loop3A_192 = arith.index_cast %parallel_loop3A_191 : i32 to index
        %parallel_loop3A_193 = arith.index_cast %parallel_loop3A_186 : i32 to index
        %parallel_loop3A_194 = tpu.vector_load %arg14[%parallel_loop3A_192, %parallel_loop3A_193] {strides = array<i32>} : memref<2x2560xi32, #tpu.memory_space<vmem>>, vector<16xi32>,
        %parallel_loop3A_195 = tpu.vector_load_idx %arg9[%parallel_loop3A_190] : memref<100000xi32, #tpu.memory_space<vmem>>[vector<16xi32>], vector<16xi32>,
        %parallel_loop3A_196 = tpu.vector_load_idx %arg9[%parallel_loop3A_194] : memref<100000xi32, #tpu.memory_space<vmem>>[vector<16xi32>], vector<16xi32>,
        %parallel_loop3A_197 = arith.constant 104 : i32
        %parallel_loop3A_198 = vector.broadcast %parallel_loop3A_197 : i32 to vector<16xi32>
        %parallel_loop3A_199 = arith.muli %parallel_loop3A_195, %parallel_loop3A_198 : vector<16xi32>
        %parallel_loop3A_200 = arith.addi %parallel_loop3A_199, %parallel_loop3A_196 : vector<16xi32>
        %parallel_loop3A_201 = tpu.vector_load_idx %arg13[%parallel_loop3A_200] : memref<10832xi32, #tpu.memory_space<vmem>>[vector<16xi32>], vector<16xi32>,
        %parallel_loop3A_202 = arith.constant 65535 : i32
        %parallel_loop3A_203 = vector.broadcast %parallel_loop3A_202 : i32 to vector<16xi32>
        %parallel_loop3A_204 = arith.andi %parallel_loop3A_201, %parallel_loop3A_203 : vector<16xi32>
        %parallel_loop3A_205 = arith.sitofp %parallel_loop3A_204 : vector<16xi32> to vector<16xf32>
        %parallel_loop3A_206 = arith.constant 1.22070313E-4 : f32
        %parallel_loop3A_207 = vector.broadcast %parallel_loop3A_206 : f32 to vector<16xf32>
        %parallel_loop3A_208 = arith.mulf %parallel_loop3A_205, %parallel_loop3A_207 : vector<16xf32>
        %parallel_loop3A_209 = arith.constant 16 : i32
        %parallel_loop3A_210 = vector.broadcast %parallel_loop3A_209 : i32 to vector<16xi32>
        %parallel_loop3A_211 = arith.shrui %parallel_loop3A_201, %parallel_loop3A_210 : vector<16xi32>
        %parallel_loop3A_212 = arith.sitofp %parallel_loop3A_211 : vector<16xi32> to vector<16xf32>
        %parallel_loop3A_213 = arith.constant 9.15527343E-4 : f32
        %parallel_loop3A_214 = vector.broadcast %parallel_loop3A_213 : f32 to vector<16xf32>
        %parallel_loop3A_215 = arith.mulf %parallel_loop3A_212, %parallel_loop3A_214 : vector<16xf32>
        %parallel_loop3A_216 = arith.index_cast %parallel_loop3A_186 : i32 to index
        %parallel_loop3A_217 = tpu.vector_load %arg16[%parallel_loop3A_216] {strides = array<i32>} : memref<2560xf32, #tpu.memory_space<vmem>>, vector<16xf32>,
        %parallel_loop3A_218 = arith.mulf %parallel_loop3A_217, %parallel_loop3A_215 : vector<16xf32>
        %parallel_loop3A_219 = arith.constant 7.500000e+00 : f32
        %parallel_loop3A_220 = vector.broadcast %parallel_loop3A_219 : f32 to vector<16xf32>
        %parallel_loop3A_221 = arith.subf %parallel_loop3A_220, %parallel_loop3A_218 : vector<16xf32>
        %parallel_loop3A_222 = arith.mulf %parallel_loop3A_221, %parallel_loop3A_221 : vector<16xf32>
        %parallel_loop3A_223 = arith.constant -0.199585393 : f32
        %parallel_loop3A_224 = vector.broadcast %parallel_loop3A_223 : f32 to vector<16xf32>
        %parallel_loop3A_225 = arith.mulf %parallel_loop3A_224, %parallel_loop3A_222 : vector<16xf32>
        %parallel_loop3A_226 = arith.constant -2.25935173 : f32
        %parallel_loop3A_227 = vector.broadcast %parallel_loop3A_226 : f32 to vector<16xf32>
        %parallel_loop3A_228 = arith.addf %parallel_loop3A_227, %parallel_loop3A_225 : vector<16xf32>
        %parallel_loop3A_229 = arith.mulf %parallel_loop3A_221, %parallel_loop3A_228 : vector<16xf32>
        %parallel_loop3A_230 = math.exp %parallel_loop3A_229 : vector<16xf32>
        %parallel_loop3A_231 = arith.constant 1.000000e+00 : f32
        %parallel_loop3A_232 = vector.broadcast %parallel_loop3A_231 : f32 to vector<16xf32>
        %parallel_loop3A_233 = arith.addf %parallel_loop3A_232, %parallel_loop3A_230 : vector<16xf32>
        %parallel_loop3A_234 = arith.divf %parallel_loop3A_208, %parallel_loop3A_233 : vector<16xf32>
        %parallel_loop3A_235 = arith.index_cast %parallel_loop3A_186 : i32 to index
        %parallel_loop3A_236 = tpu.vector_load %arg18[%parallel_loop3A_235] {strides = array<i32>} : memref<2560xf32, #tpu.memory_space<vmem>>, vector<16xf32>,
        tpu.vector_store %arg18[%parallel_loop3A_235], %parallel_loop3A_234 {strides = array<i32>} : memref<2560xf32, #tpu.memory_space<vmem>>, vector<16xf32>,
      } {sc.loop_unroll_factor = 16 : i64, sc.parallel_access}
      %mul3A_120 = arith.constant 32 : i32
      %mul3A_121 = arith.muli %add3A_99, %mul3A_120 : i32
      %add3A_122 = arith.addi %mul3A_121, %add3A : i32
      %lt3A_123 = arith.constant 1250 : i32
      %lt3A_124 = arith.cmpi slt, %add3A_122, %lt3A_123 : i32
      %select_n3A_125 = arith.select %lt3A_124, %add3A_122, %add3A : i32
      %mul3A_126 = arith.constant 2560 : i32
      %mul3A_127 = arith.muli %select_n3A_125, %mul3A_126 : i32
      %multiple_of3A_128 = tpu.assume_multiple %mul3A_127, 128 : i32
      %dma_start3A_129 = tpu.memref_slice %arg8[%multiple_of3A_128] : memref<3200000xf32, #tpu.memory_space<hbm>> -> memref<2560xf32, #tpu.memory_space<hbm>>
      %dma_start3A_130 = tpu.memref_slice %arg8[%multiple_of3A_128] : memref<3200000xf32, #tpu.memory_space<hbm>> -> memref<2560xf32, #tpu.memory_space<hbm>>
      tpu.enqueue_dma source(%arg18 : memref<2560xf32, #tpu.memory_space<vmem>>) target(%dma_start3A_130 : memref<2560xf32, #tpu.memory_space<hbm>>) target_semaphore(%arg21 : memref<!tpu.dma_semaphore, #tpu.memory_space<semaphore_mem>>)
      %add3A_131 = arith.constant 2 : i32
      %add3A_132 = arith.addi %add3A_99, %add3A_131 : i32
      %lt3A_133 = arith.constant 40 : i32
      %lt3A_134 = arith.cmpi slt, %add3A_132, %lt3A_133 : i32
      %convert_element_type3A_135 = arith.extui %lt3A_134 : i1 to i32
      %cond3A_136 = arith.constant 0 : i32
      %cond3A_137 = arith.cmpi ne, %convert_element_type3A_135, %cond3A_136 : i32
      scf.if %cond3A_137 {
        %add3A_183 = arith.constant 2 : i32
        %add3A_184 = arith.addi %add3A_99, %add3A_183 : i32
        %mul3A_185 = arith.constant 32 : i32
        %mul3A_186 = arith.muli %add3A_184, %mul3A_185 : i32
        %add3A_187 = arith.addi %mul3A_186, %add3A : i32
        %lt3A_188 = arith.constant 1250 : i32
        %lt3A_189 = arith.cmpi slt, %add3A_187, %lt3A_188 : i32
        %select_n3A_190 = arith.select %lt3A_189, %add3A_187, %add3A : i32
        %mul3A_191 = arith.constant 2560 : i32
        %mul3A_192 = arith.muli %select_n3A_190, %mul3A_191 : i32
        %multiple_of3A_193 = tpu.assume_multiple %mul3A_192, 128 : i32
        %dma_start3A_194 = arith.constant 0 : i32
        %dma_start3A_195 = tpu.memref_slice %arg3[%dma_start3A_194, %multiple_of3A_193] : memref<2x3200000xi32, #tpu.memory_space<hbm>> -> memref<2x2560xi32, #tpu.memory_space<hbm>>
        %dma_start3A_196 = arith.constant 0 : i32
        %dma_start3A_197 = tpu.memref_slice %arg3[%dma_start3A_196, %multiple_of3A_193] : memref<2x3200000xi32, #tpu.memory_space<hbm>> -> memref<2x2560xi32, #tpu.memory_space<hbm>>
        tpu.enqueue_dma source(%dma_start3A_197 : memref<2x2560xi32, #tpu.memory_space<hbm>>) target(%arg14 : memref<2x2560xi32, #tpu.memory_space<vmem>>) target_semaphore(%arg19 : memref<!tpu.dma_semaphore, #tpu.memory_space<semaphore_mem>>)
        %dma_start3A_198 = tpu.memref_slice %arg4[%multiple_of3A_193] : memref<3200000xf32, #tpu.memory_space<hbm>> -> memref<2560xf32, #tpu.memory_space<hbm>>
        %dma_start3A_199 = tpu.memref_slice %arg4[%multiple_of3A_193] : memref<3200000xf32, #tpu.memory_space<hbm>> -> memref<2560xf32, #tpu.memory_space<hbm>>
        tpu.enqueue_dma source(%dma_start3A_199 : memref<2560xf32, #tpu.memory_space<hbm>>) target(%arg16 : memref<2560xf32, #tpu.memory_space<vmem>>) target_semaphore(%arg19 : memref<!tpu.dma_semaphore, #tpu.memory_space<semaphore_mem>>)
      } else {
      }
      %mul3A_138 = arith.constant 2 : i32
      %mul3A_139 = arith.muli %scan3A_95, %mul3A_138 : i32
      %add3A_140 = arith.constant 1 : i32
      %add3A_141 = arith.addi %mul3A_139, %add3A_140 : i32
      %mul3A_142 = arith.constant 32 : i32
      %mul3A_143 = arith.muli %add3A_141, %mul3A_142 : i32
      %add3A_144 = arith.addi %mul3A_143, %add3A : i32
      %lt3A_145 = arith.constant 1250 : i32
      %lt3A_146 = arith.cmpi slt, %add3A_144, %lt3A_145 : i32
      %select_n3A_147 = arith.select %lt3A_146, %add3A_144, %add3A : i32
      %mul3A_148 = arith.constant 2560 : i32
      %mul3A_149 = arith.muli %select_n3A_147, %mul3A_148 : i32
      %multiple_of3A_150 = tpu.assume_multiple %mul3A_149, 128 : i32
      %dma_wait3A_151 = arith.constant 0 : i32
      %dma_wait3A_152 = tpu.memref_slice %arg3[%dma_wait3A_151, %multiple_of3A_150] : memref<2x3200000xi32, #tpu.memory_space<hbm>> -> memref<2x2560xi32, #tpu.memory_space<hbm>>
      %dma_wait3A_153 = arith.constant 0 : i32
      %dma_wait3A_154 = tpu.memref_slice %arg3[%dma_wait3A_153, %multiple_of3A_150] : memref<2x3200000xi32, #tpu.memory_space<hbm>> -> memref<2x2560xi32, #tpu.memory_space<hbm>>
      tpu.wait_dma2 semaphore(%arg20 : memref<!tpu.dma_semaphore, #tpu.memory_space<semaphore_mem>>) src(%dma_wait3A_154 : memref<2x2560xi32, #tpu.memory_space<hbm>>) dst(%arg15 : memref<2x2560xi32, #tpu.memory_space<vmem>>)
      %dma_wait3A_155 = tpu.memref_slice %arg4[%multiple_of3A_150] : memref<3200000xf32, #tpu.memory_space<hbm>> -> memref<2560xf32, #tpu.memory_space<hbm>>
      %dma_wait3A_156 = tpu.memref_slice %arg4[%multiple_of3A_150] : memref<3200000xf32, #tpu.memory_space<hbm>> -> memref<2560xf32, #tpu.memory_space<hbm>>
      tpu.wait_dma2 semaphore(%arg20 : memref<!tpu.dma_semaphore, #tpu.memory_space<semaphore_mem>>) src(%dma_wait3A_156 : memref<2560xf32, #tpu.memory_space<hbm>>) dst(%arg17 : memref<2560xf32, #tpu.memory_space<vmem>>)
      %ge3A_157 = arith.constant 1 : i32
      %ge3A_158 = arith.cmpi sge, %add3A_141, %ge3A_157 : i32
      %convert_element_type3A_159 = arith.extui %ge3A_158 : i1 to i32
      %cond3A_160 = arith.constant 0 : i32
      %cond3A_161 = arith.cmpi ne, %convert_element_type3A_159, %cond3A_160 : i32
      scf.if %cond3A_161 {
        %mul3A_183 = arith.constant 32 : i32
        %mul3A_184 = arith.muli %add3A_141, %mul3A_183 : i32
        %add3A_185 = arith.addi %mul3A_184, %add3A : i32
        %lt3A_186 = arith.constant 1250 : i32
        %lt3A_187 = arith.cmpi slt, %add3A_185, %lt3A_186 : i32
        %select_n3A_188 = arith.select %lt3A_187, %add3A_185, %add3A : i32
        %mul3A_189 = arith.constant 2560 : i32
        %mul3A_190 = arith.muli %select_n3A_188, %mul3A_189 : i32
        %multiple_of3A_191 = tpu.assume_multiple %mul3A_190, 128 : i32
        %dma_wait3A_192 = tpu.memref_slice %arg8[%multiple_of3A_191] : memref<3200000xf32, #tpu.memory_space<hbm>> -> memref<2560xf32, #tpu.memory_space<hbm>>
        %dma_wait3A_193 = tpu.memref_slice %arg8[%multiple_of3A_191] : memref<3200000xf32, #tpu.memory_space<hbm>> -> memref<2560xf32, #tpu.memory_space<hbm>>
        tpu.wait_dma2 semaphore(%arg21 : memref<!tpu.dma_semaphore, #tpu.memory_space<semaphore_mem>>) src(%arg18 : memref<2560xf32, #tpu.memory_space<vmem>>) dst(%dma_wait3A_193 : memref<2560xf32, #tpu.memory_space<hbm>>)
      } else {
      }
      %parallel_loop3A_162 = arith.constant 0 : i32
      %parallel_loop3A_163 = arith.constant 160 : i32
      %parallel_loop3A_164 = arith.constant 1 : i32
      scf.for %parallel_loop3A_183 = %parallel_loop3A_162 to %parallel_loop3A_163 step %parallel_loop3A_164  : i32 {
        %parallel_loop3A_184 = arith.constant 16 : i32
        %parallel_loop3A_185 = arith.muli %parallel_loop3A_183, %parallel_loop3A_184 : i32
        %parallel_loop3A_186 = tpu.assume_multiple %parallel_loop3A_185, 16 : i32
        %parallel_loop3A_187 = arith.constant 0 : i32
        %parallel_loop3A_188 = arith.index_cast %parallel_loop3A_187 : i32 to index
        %parallel_loop3A_189 = arith.index_cast %parallel_loop3A_186 : i32 to index
        %parallel_loop3A_190 = tpu.vector_load %arg15[%parallel_loop3A_188, %parallel_loop3A_189] {strides = array<i32>} : memref<2x2560xi32, #tpu.memory_space<vmem>>, vector<16xi32>,
        %parallel_loop3A_191 = arith.constant 1 : i32
        %parallel_loop3A_192 = arith.index_cast %parallel_loop3A_191 : i32 to index
        %parallel_loop3A_193 = arith.index_cast %parallel_loop3A_186 : i32 to index
        %parallel_loop3A_194 = tpu.vector_load %arg15[%parallel_loop3A_192, %parallel_loop3A_193] {strides = array<i32>} : memref<2x2560xi32, #tpu.memory_space<vmem>>, vector<16xi32>,
        %parallel_loop3A_195 = tpu.vector_load_idx %arg9[%parallel_loop3A_190] : memref<100000xi32, #tpu.memory_space<vmem>>[vector<16xi32>], vector<16xi32>,
        %parallel_loop3A_196 = tpu.vector_load_idx %arg9[%parallel_loop3A_194] : memref<100000xi32, #tpu.memory_space<vmem>>[vector<16xi32>], vector<16xi32>,
        %parallel_loop3A_197 = arith.constant 104 : i32
        %parallel_loop3A_198 = vector.broadcast %parallel_loop3A_197 : i32 to vector<16xi32>
        %parallel_loop3A_199 = arith.muli %parallel_loop3A_195, %parallel_loop3A_198 : vector<16xi32>
        %parallel_loop3A_200 = arith.addi %parallel_loop3A_199, %parallel_loop3A_196 : vector<16xi32>
        %parallel_loop3A_201 = tpu.vector_load_idx %arg13[%parallel_loop3A_200] : memref<10832xi32, #tpu.memory_space<vmem>>[vector<16xi32>], vector<16xi32>,
        %parallel_loop3A_202 = arith.constant 65535 : i32
        %parallel_loop3A_203 = vector.broadcast %parallel_loop3A_202 : i32 to vector<16xi32>
        %parallel_loop3A_204 = arith.andi %parallel_loop3A_201, %parallel_loop3A_203 : vector<16xi32>
        %parallel_loop3A_205 = arith.sitofp %parallel_loop3A_204 : vector<16xi32> to vector<16xf32>
        %parallel_loop3A_206 = arith.constant 1.22070313E-4 : f32
        %parallel_loop3A_207 = vector.broadcast %parallel_loop3A_206 : f32 to vector<16xf32>
        %parallel_loop3A_208 = arith.mulf %parallel_loop3A_205, %parallel_loop3A_207 : vector<16xf32>
        %parallel_loop3A_209 = arith.constant 16 : i32
        %parallel_loop3A_210 = vector.broadcast %parallel_loop3A_209 : i32 to vector<16xi32>
        %parallel_loop3A_211 = arith.shrui %parallel_loop3A_201, %parallel_loop3A_210 : vector<16xi32>
        %parallel_loop3A_212 = arith.sitofp %parallel_loop3A_211 : vector<16xi32> to vector<16xf32>
        %parallel_loop3A_213 = arith.constant 9.15527343E-4 : f32
        %parallel_loop3A_214 = vector.broadcast %parallel_loop3A_213 : f32 to vector<16xf32>
        %parallel_loop3A_215 = arith.mulf %parallel_loop3A_212, %parallel_loop3A_214 : vector<16xf32>
        %parallel_loop3A_216 = arith.index_cast %parallel_loop3A_186 : i32 to index
        %parallel_loop3A_217 = tpu.vector_load %arg17[%parallel_loop3A_216] {strides = array<i32>} : memref<2560xf32, #tpu.memory_space<vmem>>, vector<16xf32>,
        %parallel_loop3A_218 = arith.mulf %parallel_loop3A_217, %parallel_loop3A_215 : vector<16xf32>
        %parallel_loop3A_219 = arith.constant 7.500000e+00 : f32
        %parallel_loop3A_220 = vector.broadcast %parallel_loop3A_219 : f32 to vector<16xf32>
        %parallel_loop3A_221 = arith.subf %parallel_loop3A_220, %parallel_loop3A_218 : vector<16xf32>
        %parallel_loop3A_222 = arith.mulf %parallel_loop3A_221, %parallel_loop3A_221 : vector<16xf32>
        %parallel_loop3A_223 = arith.constant -0.199585393 : f32
        %parallel_loop3A_224 = vector.broadcast %parallel_loop3A_223 : f32 to vector<16xf32>
        %parallel_loop3A_225 = arith.mulf %parallel_loop3A_224, %parallel_loop3A_222 : vector<16xf32>
        %parallel_loop3A_226 = arith.constant -2.25935173 : f32
        %parallel_loop3A_227 = vector.broadcast %parallel_loop3A_226 : f32 to vector<16xf32>
        %parallel_loop3A_228 = arith.addf %parallel_loop3A_227, %parallel_loop3A_225 : vector<16xf32>
        %parallel_loop3A_229 = arith.mulf %parallel_loop3A_221, %parallel_loop3A_228 : vector<16xf32>
        %parallel_loop3A_230 = math.exp %parallel_loop3A_229 : vector<16xf32>
        %parallel_loop3A_231 = arith.constant 1.000000e+00 : f32
        %parallel_loop3A_232 = vector.broadcast %parallel_loop3A_231 : f32 to vector<16xf32>
        %parallel_loop3A_233 = arith.addf %parallel_loop3A_232, %parallel_loop3A_230 : vector<16xf32>
        %parallel_loop3A_234 = arith.divf %parallel_loop3A_208, %parallel_loop3A_233 : vector<16xf32>
        %parallel_loop3A_235 = arith.index_cast %parallel_loop3A_186 : i32 to index
        %parallel_loop3A_236 = tpu.vector_load %arg18[%parallel_loop3A_235] {strides = array<i32>} : memref<2560xf32, #tpu.memory_space<vmem>>, vector<16xf32>,
        tpu.vector_store %arg18[%parallel_loop3A_235], %parallel_loop3A_234 {strides = array<i32>} : memref<2560xf32, #tpu.memory_space<vmem>>, vector<16xf32>,
      } {sc.loop_unroll_factor = 16 : i64, sc.parallel_access}
      %mul3A_165 = arith.constant 32 : i32
      %mul3A_166 = arith.muli %add3A_141, %mul3A_165 : i32
      %add3A_167 = arith.addi %mul3A_166, %add3A : i32
      %lt3A_168 = arith.constant 1250 : i32
      %lt3A_169 = arith.cmpi slt, %add3A_167, %lt3A_168 : i32
      %select_n3A_170 = arith.select %lt3A_169, %add3A_167, %add3A : i32
      %mul3A_171 = arith.constant 2560 : i32
      %mul3A_172 = arith.muli %select_n3A_170, %mul3A_171 : i32
      %multiple_of3A_173 = tpu.assume_multiple %mul3A_172, 128 : i32
      %dma_start3A_174 = tpu.memref_slice %arg8[%multiple_of3A_173] : memref<3200000xf32, #tpu.memory_space<hbm>> -> memref<2560xf32, #tpu.memory_space<hbm>>
      %dma_start3A_175 = tpu.memref_slice %arg8[%multiple_of3A_173] : memref<3200000xf32, #tpu.memory_space<hbm>> -> memref<2560xf32, #tpu.memory_space<hbm>>
      tpu.enqueue_dma source(%arg18 : memref<2560xf32, #tpu.memory_space<vmem>>) target(%dma_start3A_175 : memref<2560xf32, #tpu.memory_space<hbm>>) target_semaphore(%arg21 : memref<!tpu.dma_semaphore, #tpu.memory_space<semaphore_mem>>)
      %add3A_176 = arith.constant 2 : i32
      %add3A_177 = arith.addi %add3A_141, %add3A_176 : i32
      %lt3A_178 = arith.constant 40 : i32
      %lt3A_179 = arith.cmpi slt, %add3A_177, %lt3A_178 : i32
      %convert_element_type3A_180 = arith.extui %lt3A_179 : i1 to i32
      %cond3A_181 = arith.constant 0 : i32
      %cond3A_182 = arith.cmpi ne, %convert_element_type3A_180, %cond3A_181 : i32
      scf.if %cond3A_182 {
        %add3A_183 = arith.constant 2 : i32
        %add3A_184 = arith.addi %add3A_141, %add3A_183 : i32
        %mul3A_185 = arith.constant 32 : i32
        %mul3A_186 = arith.muli %add3A_184, %mul3A_185 : i32
        %add3A_187 = arith.addi %mul3A_186, %add3A : i32
        %lt3A_188 = arith.constant 1250 : i32
        %lt3A_189 = arith.cmpi slt, %add3A_187, %lt3A_188 : i32
        %select_n3A_190 = arith.select %lt3A_189, %add3A_187, %add3A : i32
        %mul3A_191 = arith.constant 2560 : i32
        %mul3A_192 = arith.muli %select_n3A_190, %mul3A_191 : i32
        %multiple_of3A_193 = tpu.assume_multiple %mul3A_192, 128 : i32
        %dma_start3A_194 = arith.constant 0 : i32
        %dma_start3A_195 = tpu.memref_slice %arg3[%dma_start3A_194, %multiple_of3A_193] : memref<2x3200000xi32, #tpu.memory_space<hbm>> -> memref<2x2560xi32, #tpu.memory_space<hbm>>
        %dma_start3A_196 = arith.constant 0 : i32
        %dma_start3A_197 = tpu.memref_slice %arg3[%dma_start3A_196, %multiple_of3A_193] : memref<2x3200000xi32, #tpu.memory_space<hbm>> -> memref<2x2560xi32, #tpu.memory_space<hbm>>
        tpu.enqueue_dma source(%dma_start3A_197 : memref<2x2560xi32, #tpu.memory_space<hbm>>) target(%arg15 : memref<2x2560xi32, #tpu.memory_space<vmem>>) target_semaphore(%arg20 : memref<!tpu.dma_semaphore, #tpu.memory_space<semaphore_mem>>)
        %dma_start3A_198 = tpu.memref_slice %arg4[%multiple_of3A_193] : memref<3200000xf32, #tpu.memory_space<hbm>> -> memref<2560xf32, #tpu.memory_space<hbm>>
        %dma_start3A_199 = tpu.memref_slice %arg4[%multiple_of3A_193] : memref<3200000xf32, #tpu.memory_space<hbm>> -> memref<2560xf32, #tpu.memory_space<hbm>>
        tpu.enqueue_dma source(%dma_start3A_199 : memref<2560xf32, #tpu.memory_space<hbm>>) target(%arg17 : memref<2560xf32, #tpu.memory_space<vmem>>) target_semaphore(%arg20 : memref<!tpu.dma_semaphore, #tpu.memory_space<semaphore_mem>>)
      } else {
      }
    }
    %scan3A_85 = arith.constant 20 : i32
    %add3A_86 = arith.constant 1248 : i32
    %add3A_87 = arith.addi %add3A_86, %add3A : i32
    %lt3A_88 = arith.constant 1250 : i32
    %lt3A_89 = arith.cmpi slt, %add3A_87, %lt3A_88 : i32
    %select_n3A_90 = arith.select %lt3A_89, %add3A_87, %add3A : i32
    %mul3A_91 = arith.constant 2560 : i32
    %mul3A_92 = arith.muli %select_n3A_90, %mul3A_91 : i32
    %multiple_of3A_93 = tpu.assume_multiple %mul3A_92, 128 : i32
    %dma_wait3A = tpu.memref_slice %arg8[%multiple_of3A_93] : memref<3200000xf32, #tpu.memory_space<hbm>> -> memref<2560xf32, #tpu.memory_space<hbm>>
    %dma_wait3A_94 = tpu.memref_slice %arg8[%multiple_of3A_93] : memref<3200000xf32, #tpu.memory_space<hbm>> -> memref<2560xf32, #tpu.memory_space<hbm>>
    tpu.wait_dma2 semaphore(%arg21 : memref<!tpu.dma_semaphore, #tpu.memory_space<semaphore_mem>>) src(%arg18 : memref<2560xf32, #tpu.memory_space<vmem>>) dst(%dma_wait3A_94 : memref<2560xf32, #tpu.memory_space<hbm>>)
    return
  }
}

</mosaic_0001>

<sc_bundles>
// kernel: kernel.3.cloned.1.call-start
scs
__scs_entry_jumppad:
0x0: {  	(pc) =	sbr.rel $0x88, $3  }
0x1: {  	(tag) =	ssettag $0x0;
	lr =	simm.s32 $0x1  }
0x2: {  	[smem:$0x3F9B] =	sst lr;
	_ =	strace $0xD0000000  }
0x3: {  	_ = 	snop  }
0x4: {  	_ = 	snop  }
0x5: {  	_ = 	snop  }
0x6: {  	_ = 	snop  }
0x7: {  	_ = 	snop  }
__scs_overlays_trampoline_lowered:
0x8: {  	[smem:$0x3FAA] =	sst s0  }
0x9: {  	[smem:$0x3FAB] =	sst s1  }
0xa: {  	[smem:$0x3FAC] =	sst s2  }
0xb: {  	[smem:$0x3FAD] =	sst s3  }
0xc: {  	[smem:$0x3FAE] =	sst s4  }
0xd: {  	[smem:$0x3FAF] =	sst s5  }
0xe: {  	[smem:$0x3FB0] =	sst s6  }
0xf: {  	[smem:$0x3FB1] =	sst s7  }
0x10: {  	[smem:$0x3FB2] =	sst s8  }
0x11: {  	[smem:$0x3FB3] =	sst s9;
	s0 =	simm.s32 @!p0 $0x0  }
0x12: {  	s1 =	sld [smem:$0x3F99];
	s0 =	simm.s32 @p0 $0x1  }
0x13: {  	[smem:$0x3FB4] =	sst s0;
	s0 =	simm.s32 @!p1 $0x0  }
0x14: {  	s2 =	sld [smem:$0x3F98];
	s0 =	simm.s32 @p1 $0x1  }
0x15: {  	[smem:$0x3FB5] =	sst s0;
	s0 =	simm.s32 @!p2 $0x0  }
0x16: {  	s3 =	sld [smem:$0x3FDB];
	s0 =	simm.s32 @p2 $0x1  }
0x17: {  	s4 =	simm.s32 $0x1BF5;
	[smem:$0x3FB7] =	sst s0  }
0x18: {  	s0 =	sld [smem:$0x3F9A];
	_ =	swait.ge [sflag:s4], $0x0  }
0x19: {  	s7 =	sld [smem:$0x3F9B]  }
0x1a: {  	s8 =	sadd.s32 $0xFFFFE003, lr  }
0x1b: {  	s9 =	sadd.s32 $0xFFFFFEF7, lr;
	s5 =	simm.s32 $0xFFFFFFFF;
	p2 =	slt.u32 s8, $0xFFFFF086  }
0x1c: {  	p1 =	slt.u32 s9, $0xF7A;
	s5 =	simm.s32 @!p2 $0x0  }
0x1d: {  	s5 =	simm.s32 @p1 $0x1;
	p0 =	seq.s32 s7, s2  }
0x1e: {  	s7 =	smul.u32 @!p0 $0xF7A, s2;
	p2 =	seq.s32 @!p0 s5, $0x0  }
0x1f: {  	s9 =	smul.u32 $0xF7A, s1;
	s8 =	simm.s32 @!p0 $0x1BF5;
	p2 =	por !p2, p0  }
0x20: {  	[sflag:s8] =	ssyncset.s32 @!p0 $0xFFFFF086;
	s6 =	sadd.s32 @!p0 s3, s7;
	s7 =	simm.s32 @!p0 $0x108  }
0x21: {  	s3 =	sadd.s32 s3, s9;
	s6 =	sadd.s32 @!p0 $0x88, s6;
	s7 =	simm.s32 @p2 $0x1082  }
0x22: {  	[simem:s7], [sflag:s8] =	dma.local @!p0 [hbm:s6], $0xF7A  }
0x23: {  	s9 =	sor.u32 $0xD0000000, s2;
	s6 =	simm.s32 $0x108;
	_ =	swait.ge @!p0 [sflag:s8], $0x0  }
0x24: {  	s3 =	sadd.s32 $0x88, s3;
	s6 =	simm.s32 @!p1 $0x1082;
	[sflag:s4] =	ssyncset.s32 $0xFFFFF086  }
0x25: {  	[simem:s6], [sflag:s4] =	dma.local [hbm:s3], $0xF7A  }
0x26: {  	[smem:$0x3F9B] =	sst s1;
	(tag) =	ssettag s2;
	_ =	strace s9  }
0x27: {  	s1 =	sld [smem:$0x3FAB]  }
0x28: {  	s2 =	sld [smem:$0x3FAC]  }
0x29: {  	s4 =	sld [smem:$0x3FAE]  }
0x2a: {  	p0 =	seq.s32 s5, $0x0;
	s5 =	sld [smem:$0x3FAF]  }
0x2b: {  	s6 =	sld [smem:$0x3FB0]  }
0x2c: {  	s7 =	sld [smem:$0x3FB1]  }
0x2d: {  	s3 =	simm.s32 $0x108;
	s8 =	sld [smem:$0x3FB2]  }
0x2e: {  	s3 =	simm.s32 @!p0 $0x1082;
	s9 =	sld [smem:$0x3FB3]  }
0x2f: {  	lr =	sadd.s32 s0, s3;
	s0 =	sld [smem:$0x3FAA]  }
0x30: {  	s3 =	sld [smem:$0x3FAD]  }
0x31: {  	[smem:$0x3FB6] =	sst s10  }
0x32: {  	s10 =	sld [smem:$0x3FB4];
	_ =	sdelay $0x3  }
0x33: {  	p0 =	seq.s32 s10, $0x1;
	s10 =	sld [smem:$0x3FB6];
	_ =	sdelay $0x3  }
0x34: {  	[smem:$0x3FB6] =	sst s10  }
0x35: {  	s10 =	sld [smem:$0x3FB5];
	_ =	sdelay $0x3  }
0x36: {  	p1 =	seq.s32 s10, $0x1;
	s10 =	sld [smem:$0x3FB6];
	_ =	sdelay $0x3  }
0x37: {  	[smem:$0x3FB6] =	sst s10  }
0x38: {  	s10 =	sld [smem:$0x3FB7]  }
0x39: {  	_ = 	snop;
	(pc) =	sbr.ind lr, $3  }
0x3a: {  	_ = 	snop  }
0x3b: {  	_ = 	snop  }
0x3c: {  	p2 =	seq.s32 s10, $0x1;
	s10 =	sld [smem:$0x3FB6]  }
0x3d: {  	_ =	shalt  }
0x3e: {  	_ =	shalt  }
0x3f: {  	_ =	shalt  }
0x40: {  	_ =	shalt  }
0x41: {  	_ =	shalt  }
0x42: {  	_ =	shalt  }
0x43: {  	_ =	shalt  }
0x44: {  	_ =	shalt  }
0x45: {  	_ =	shalt  }
0x46: {  	_ =	shalt  }
0x47: {  	_ =	shalt  }
0x48: {  	_ =	shalt  }
0x49: {  	_ =	shalt  }
0x4a: {  	_ =	shalt  }
0x4b: {  	_ =	shalt  }
0x4c: {  	_ =	shalt  }
0x4d: {  	_ =	shalt  }
0x4e: {  	_ =	shalt  }
0x4f: {  	_ =	shalt  }
0x50: {  	_ =	shalt  }
0x51: {  	_ =	shalt  }
0x52: {  	_ =	shalt  }
0x53: {  	_ =	shalt  }
0x54: {  	_ =	shalt  }
0x55: {  	_ =	shalt  }
0x56: {  	_ =	shalt  }
0x57: {  	_ =	shalt  }
0x58: {  	_ =	shalt  }
0x59: {  	_ =	shalt  }
0x5a: {  	_ =	shalt  }
0x5b: {  	_ =	shalt  }
0x5c: {  	_ =	shalt  }
0x5d: {  	_ =	shalt  }
0x5e: {  	_ =	shalt  }
0x5f: {  	_ =	shalt  }
0x60: {  	_ =	shalt  }
0x61: {  	_ =	shalt  }
0x62: {  	_ =	shalt  }
0x63: {  	_ =	shalt  }
0x64: {  	_ =	shalt  }
0x65: {  	_ =	shalt  }
0x66: {  	_ =	shalt  }
0x67: {  	_ =	shalt  }
0x68: {  	_ =	shalt  }
0x69: {  	_ =	shalt  }
0x6a: {  	_ =	shalt  }
0x6b: {  	_ =	shalt  }
0x6c: {  	_ =	shalt  }
0x6d: {  	_ =	shalt  }
0x6e: {  	_ =	shalt  }
0x6f: {  	_ =	shalt  }
0x70: {  	_ =	shalt  }
0x71: {  	_ =	shalt  }
0x72: {  	_ =	shalt  }
0x73: {  	_ =	shalt  }
0x74: {  	_ =	shalt  }
0x75: {  	_ =	shalt  }
0x76: {  	_ =	shalt  }
0x77: {  	_ =	shalt  }
0x78: {  	_ =	shalt  }
0x79: {  	_ =	shalt  }
0x7a: {  	_ =	shalt  }
0x7b: {  	_ =	shalt  }
0x7c: {  	_ =	shalt  }
0x7d: {  	_ =	shalt  }
0x7e: {  	_ =	shalt  }
0x7f: {  	_ =	shalt  }
0x80: {  	_ =	shalt  }
0x81: {  	_ =	shalt  }
0x82: {  	_ =	shalt  }
0x83: {  	_ =	shalt  }
0x84: {  	_ =	shalt  }
0x85: {  	_ =	shalt  }
0x86: {  	_ =	shalt  }
0x87: {  	_ =	shalt  }
.Lfunc_end0:
.L_simem_size_0:
called_computation_lowered:
.L_overlay_start_0:
0x88: {  	s2 =	sld [smem:$0x3FD9]  }
0x89: {  	s3 =	sld [smem:$0x3FFE];
	_ =	sdelay $0x1  }
0x8a: {  	s1 =	srdreg.scid  }
0x8b: {  	s0 =	sand.u32 $0x1, s1  }
0x8c: {  	s17 =	sshll.u32 s0, $0xA;
	s2 =	sadd.s32 s3, s2  }
0x8d: {  	s2 =	sadd.s32 s2, s17  }
0x8e: {  	[smem:$0x3FC2] =	sst s2  }
0x8f: {  	_ = 	snop  }
0x90: {  	s2 =	sld [smem:$0x3FC9]  }
0x91: {  	s18 =	sld [smem:$0x3FC8]  }
0x92: {  	s4 =	sld [smem:$0x3FC7]  }
0x93: {  	s5 =	sld [smem:$0x3FD0];
	(tm) =	ssettm $0x1  }
0x94: {  	s6 =	sld [smem:$0x3FFB];
	_ =	sdelay $0x3  }
0x95: {  	_ =	strace s6  }
0x96: {  	s6 =	sld [smem:$0x3FFC];
	_ =	sdelay $0x3  }
0x97: {  	_ =	strace s6  }
0x98: {  	s6 =	sld [smem:$0x3FFD];
	_ =	sdelay $0x3  }
0x99: {  	_ =	strace s6  }
0x9a: {  	_ =	strace $0x8FFFFFFF  }
0x9b: {  	s19 =	sld [smem:$0x3FDB];
	_ =	sdelay $0x1  }
0x9c: {  	s7 =	simm.s32 $_scs_section_size  }
0x9d: {  	s8 =	simm.s32 $_size__tile_overlayer_lowered;
	s9 =	simm.s32 $_tile_overlayer_lowered  }
0x9e: {  	s22 =	simm.s32 $0x1BFF;
	s21 =	sshll.u32 s9, $0x1;
	s6 =	sadd.s32 s7, s19  }
0x9f: {  	s10 =	simm.s32 $0x0;
	s20 =	sshll.u32 s8, $0x1;
	s8 =	sadd.s32 s21, s6  }
0xa0: {  	[timem:s10], [sflag:s22] =	dma.local [hbm:s8], s20  }
0xa1: {  	_ =	swait.ge [sflag:s22], s20  }
0xa2: {  	s7 =	ssub.s32 $0x0, s20;
	[sflag:s22] =	ssyncset.done $0x0  }
0xa3: {  	[sflag:s22] =	ssyncadd.s32 s7;
	_ =	sdelay $0x1  }
0xa4: {  	s23 =	simm.s32 $0x1B8B  }
0xa5: {  	_ =	swait.ge [sflag:s23], $0x1  }
0xa6: {  	[sflag:s23] =	ssyncset.done $0x0  }
0xa7: {  	s25 =	simm.s32 $0x1B8E;
	s24 =	sld [smem:$0x3FFE];
	[sflag:s23] =	ssyncadd.s32 $0xFFFFFFFF  }
0xa8: {  	s26 =	simm.s32 $execute0_lowered;
	[smem:$0x3FD2] =	sst s25  }
0xa9: {  	s8 =	sshll.u32 s26, $0x1;
	_ =	strace $0x80000046;
	[dreg:$0x1] =	wrdreg $0xFFFFFFFF  }
0xaa: {  	s28 =	simm.s32 $_size_execute0_lowered;
	s6 =	sadd.s32 s6, s8;
	[dreg:$0x0] =	wrdreg $0x0  }
0xab: {  	s8 =	sshll.u32 s28, $0x1;
	[dreg:$0x2] =	wrdreg s6  }
0xac: {  	[dreg:$0x3] =	wrdreg s8  }
0xad: {  	[dreg:$0x4] =	wrdreg $0xC0  }
0xae: {  	_ =	task [dreg:s10], $0x5FFFF  }
0xaf: {  	[dreg:$0x1] =	wrdreg $0xFFFFFFFF  }
0xb0: {  	[dreg:$0x0] =	wrdreg $0x60  }
0xb1: {  	[dreg:$0x2] =	wrdreg s2  }
0xb2: {  	[dreg:$0x3] =	wrdreg s4  }
0xb3: {  	[dreg:$0x4] =	wrdreg s18  }
0xb4: {  	[dreg:$0x5] =	wrdreg s24  }
0xb5: {  	[dreg:$0x6] =	wrdreg s5  }
0xb6: {  	[dreg:$0x7] =	wrdreg $0x9  }
0xb7: {  	_ =	task.clear_ibuf [dreg:s10], $0x8FFFF;
	_ =	strace $0x90000046  }
0xb8: {  	s29 =	simm.s32 $0x9;
	_ =	strace $0x80000048  }
0xb9: {  	_ =	swait.ge [sflag:s29], $0x1  }
0xba: {  	[sflag:s29] =	ssyncadd.s32 $0xFFFFFFFF  }
0xbb: {  	_ =	strace $0x90000048  }
0xbc: {  	_ =	sfence  }
0xbd: {  	s30 =	sld [smem:$0x0];
	_ =	sdelay $0x2  }
0xbe: {  	s31 =	sshll.u32 s1, $0xD;
	s1 =	sshrl.u32 s1, $0x2  }
0xbf: {  	s3 =	sand.u32 $0x4000, s31;
	s1 =	sadd.s32 s1, s30  }
0xc0: {  	s0 =	sor.u32 s3, s0;
	s1 =	sshll.u32 s1, $0x11  }
0xc1: {  	s0 =	sor.u32 s1, s0  }
0xc2: {  	s0 =	sadd.s32 $0x8F2B, s0  }
0xc3: {  	[sflag:s0] =	ssyncadd.remote.s32 $0x1  }
0xc4: {  	_ =	sfence.sel $0xFFFF  }
0xc5: {  	[dreg:$0x0] =	wrdreg $0xFFFFFFFF;
	(pc) =	sbr.abs _section_cstart, $3  }
0xc6: {  	[dreg:$0x1] =	wrdreg $0xFFFFFFFF  }
0xc7: {  	_ =	task.clear_ibuf [dreg:s10], $0x2FFFF;
	_ =	strace $0x9FFFFFFF  }
0xc8: {  	(tm) =	ssettm $0x7FFFFFFF  }
0xc9: {  	_ =	shalt  }
tec
execute0_lowered:
.L_overlay_start_1:
0x0: {  	(tag) =	ssettag $0x1  }
0x1: {  	s2 =	rddreg [dreg:$0x1]  }
0x2: {  	s3 =	rddreg [dreg:$0x2]  }
0x3: {  	s0 =	rddreg [dreg:$0x3]  }
0x4: {  	s5 =	rddreg [dreg:$0x4]  }
0x5: {  	s1 =	srdreg.scid;
	s4 =	stileid.u32  }
0x6: {  	s6 =	simm.s32 $0x0;
	s18 =	simm.s32 $0x4;
	s19 =	simm.s32 $0x18700  }
0x7: {  	s21 =	simm.s32 $0x18800;
	s28 =	simm.s32 $0x1;
	s29 =	simm.s32 $0x1EF00  }
0x8: {  	s30 =	simm.s32 $0x2;
	s31 =	simm.s32 $0x3;
	s1 =	sand.u32 $0x1, s1  }
0x9: {  	s4 =	sshll.u32 s4, $0x1;
	[smem:$0x7FF] =	sst s6;
	s22 =	sadd.s32 $0x600, s0  }
0xa: {  	s10 =	sadd.s32 $0x800, s0;
	_ =	strace $0x80000047;
	[dreg:$0x6] =	wrdreg s22  }
0xb: {  	s0 =	sadd.s32 $0x400, s0;
	s7 =	sor.u32 s1, s4;
	[dreg:$0x7] =	wrdreg s10  }
0xc: {  	s1 =	ssub.s32 $0x2, s1;
	[dreg:$0x8] =	wrdreg s0;
	s23 =	smul.u32 $0x280, s7  }
0xd: {  	s22 =	simm.s32 $0x18880;
	s0 =	simm.s32 $0x0;
	s8 =	smul.u32 $0x140, s7  }
.Ltmp0:
0xe: {  	s9 =	sor.u32 $0x20, s7;
	s24 =	sshrl.u32 s1, $0x1;
	(pc) =	sbr.rel .LBB2_1-.Ltmp0, $4  }
0xf: {  	s15 =	sor.u32 $0x40, s7;
	s16 =	sor.u32 $0x60, s7;
	s13 =	smul.u32 $0x280, s9  }
0x10: {  	s25 =	ssub.s32 s1, s24;
	s26 =	smul.u32 $0x140, s9;
	s11 =	sadd.s32 s2, s23  }
0x11: {  	s12 =	sadd.s32 s3, s8;
	s17 =	smax.u32 s25, $0x1;
	s25 =	simm.s32 $0x1C700  }
0x12: {  	v0 =	vlaneseq.u32;
	s13 =	sadd.s32 s2, s13;
	s14 =	sadd.s32 s3, s26;
	s26 =	simm.s32 $0x1E500  }
.LBB2_10:
0x13: {  	s0 =	sadd.s32 $0x1, s0  }
0x14: {  	p0 =	sne.s32 s0, s17  }
.Ltmp1:
0x15: {  	_ = 	snop;
	(pc) =	sbr.rel @!p0 .LBB2_11-.Ltmp1, $4  }
0x16: {  	_ = 	snop  }
0x17: {  	_ =	swait.ge [sflag:s31], $0xA00  }
0x18: {  	[sflag:s31] =	ssyncset.done $0x0  }
0x19: {  	[sflag:s31] =	ssyncadd.s32 $0xFFFFF600  }
.LBB2_1:
0x1a: {  	s1 =	rddreg [dreg:$0x0]  }
0x1b: {  	[tilespmem:s6], [sflag:$0x4] =	stream.linear.gather [hbm4b:s1+s6], $0x18700, $0x38;
	[tilespmem:$0x1F900] =	vst v63  }
0x1c: {  	_ =	swait.ge [sflag:s18], $0x18700  }
0x1d: {  	[sflag:s18] =	ssyncset.done $0x0  }
0x1e: {  	s20 =	rddreg [dreg:$0x6];
	[sflag:s18] =	ssyncadd.s32 $0xFFFE7900  }
0x1f: {  	[tilespmem:s19], [sflag:$0x4] =	stream.linear.gather [hbm4b:s20+s6], $0x80, $0x38;
	[tilespmem:$0x1F900] =	vst v63  }
0x20: {  	_ =	swait.ge [sflag:s18], $0x80  }
0x21: {  	[sflag:s18] =	ssyncset.done $0x0  }
0x22: {  	s4 =	simm.s32 $0x18780;
	s23 =	rddreg [dreg:$0x7];
	[sflag:s18] =	ssyncadd.s32 $0xFFFFFF80  }
0x23: {  	[tilespmem:s4], [sflag:$0x4] =	stream.linear.gather [hbm4b:s23+s6], $0x80, $0x38;
	[tilespmem:$0x1F900] =	vst v63  }
0x24: {  	_ =	swait.ge [sflag:s18], $0x80  }
0x25: {  	[sflag:s18] =	ssyncset.done $0x0  }
0x26: {  	s24 =	rddreg [dreg:$0x8];
	[sflag:s18] =	ssyncadd.s32 $0xFFFFFF80  }
0x27: {  	[tilespmem:s21], [sflag:$0x4] =	stream.linear.gather [hbm4b:s24+s6], $0x80, $0x38;
	[tilespmem:$0x1F900] =	vst v63  }
0x28: {  	_ =	swait.ge [sflag:s18], $0x80  }
0x29: {  	[sflag:s18] =	ssyncset.done $0x0  }
0x2a: {  	[sflag:s18] =	ssyncadd.s32 $0xFFFFFF80  }
0x2b: {  	v1 =	vld [tilespmem:$0x18700]  }
0x2c: {  	v2 =	vld [tilespmem:$0x18780]  }
0x2d: {  	v3 =	vld [tilespmem:$0x18710]  }
0x2e: {  	v4 =	vld [tilespmem:$0x18790]  }
0x2f: {  	v5 =	vld [tilespmem:$0x18720]  }
0x30: {  	v6 =	vld [tilespmem:$0x187A0]  }
0x31: {  	v7 =	vld [tilespmem:$0x18730]  }
0x32: {  	v8 =	vld [tilespmem:$0x187B0]  }
0x33: {  	v9 =	vld [tilespmem:$0x18740]  }
0x34: {  	v10 =	vld [tilespmem:$0x187C0]  }
0x35: {  	v11 =	vld [tilespmem:$0x18750]  }
0x36: {  	v12 =	vld [tilespmem:$0x187D0]  }
0x37: {  	v13 =	vld [tilespmem:$0x18760]  }
0x38: {  	v1 =	vadd.f32 v2, v1;
	v2 =	vld [tilespmem:$0x187E0]  }
0x39: {  	s4 =	simm.s32 $0x2;
	v3 =	vadd.f32 v4, v3;
	v4 =	vld [tilespmem:$0x18770]  }
0x3a: {  	[tilespmem:$0x18700] =	vst v1;
	v1 =	vadd.f32 v6, v5;
	v5 =	vld [tilespmem:$0x187F0];
	v6 =	vmov s4  }
0x3b: {  	[tilespmem:$0x18710] =	vst v3;
	v3 =	vadd.f32 v8, v7;
	v6 =	vand.u32 $0xFFFFFFFE, v6  }
0x3c: {  	[tilespmem:$0x18720] =	vst v1;
	v1 =	vadd.f32 v10, v9;
	v6 =	vbroadcast v6, $0x0  }
0x3d: {  	[tilespmem:$0x18730] =	vst v3;
	v3 =	vadd.f32 v12, v11  }
0x3e: {  	[tilespmem:$0x18740] =	vst v1;
	v1 =	vadd.f32 v2, v13  }
0x3f: {  	[tilespmem:$0x18750] =	vst v3;
	v2 =	vadd.f32 v5, v4  }
0x40: {  	[tilespmem:$0x18760] =	vst v1  }
0x41: {  	v3 =	vld [tilespmem:$0x18800];
	[tilespmem:$0x18770] =	vst v2  }
0x42: {  	v2 =	vld.idx.msk [tilespmem:v6+s21+$0x0], $0xffff;
	_ =	sdelay $0x3  }
0x43: {  	s8 =	simm.s32 $0x1;
	v1 =	vmov s6  }
0x44: {  	v4 =	vmov s8;
	v1 =	vand.u32 $0xFFFFFFFC, v1;
	v5 =	vsub.f32 v2, v3  }
0x45: {  	v10 =	vbroadcast v1, $0x0;
	v1 =	vand.u32 $0xFFFFFFFD, v4  }
0x46: {  	v4 =	vbroadcast v1, $0x0;
	v1 =	vld.idx.msk [tilespmem:v6+s19+$0x0], $0xffff;
	v5 =	vand.u32 $0x7FFFFFFF, v5  }
0x47: {  	s9 =	simm.s32 $0x3;
	v6 =	vld [tilespmem:$0x18700];
	v5 =	vadd.f32 $1.909000020e+01, v5  }
0x48: {  	v11 =	vmov s9  }
0x49: {  	v5 =	vmul.f32 v5, v5;
	_ =	sdelay $0x1  }
0x4a: {  	v8 =	vld.idx.msk [tilespmem:v10+s21+$0x0], $0xffff;
	v5 =	vmul.f32 $-3.928347030e-03, v5  }
0x4b: {  	v7 =	vadd.f32 v1, v6;
	v14 =	vld.idx.msk [tilespmem:v4+s21+$0x0], $0xffff  }
0x4c: {  	v9 =	vld.idx.msk [tilespmem:v11+s21+$0x0], $0xffff;
	v5 =	vmul.f32 $1.442695020e+00, v5  }
0x4d: {  	v7 =	vadd.f32 $9.999999970e-07, v7  }
0x4e: {  	(erf) = vpow2.f32 v5  }
0x4f: {  	(erf) = vrcp.f32 v7  }
0x50: {  	v12 =	vsub.f32 v8, v3;
	v5 =	vsub.f32 v14, v3  }
0x51: {  	v3 =	vsub.f32 v9, v3  }
0x52: {  	v7 =	vld.idx.msk [tilespmem:v4+s19+$0x0], $0xffff;
	v4 =	vand.u32 $0x7FFFFFFF, v5;
	v5 =	vand.u32 $0x7FFFFFFF, v12  }
0x53: {  	v3 =	vand.u32 $0x7FFFFFFF, v3;
	v5 =	vadd.f32 $1.909000020e+01, v5;
	v4 =	vadd.f32 $1.909000020e+01, v4  }
0x54: {  	v3 =	vadd.f32 $1.909000020e+01, v3  }
0x55: {  	v12 =	vld.idx.msk [tilespmem:v10+s19+$0x0], $0xffff;
	v5 =	vmul.f32 v5, v5;
	v4 =	vmul.f32 v4, v4  }
0x56: {  	v3 =	vmul.f32 v3, v3  }
0x57: {  	v13 =	vld.idx.msk [tilespmem:v11+s19+$0x0], $0xffff;
	v5 =	vmul.f32 $-3.928347030e-03, v5;
	v4 =	vmul.f32 $-3.928347030e-03, v4;
	v11 =	vpop (erf)  }
0x58: {  	v3 =	vmul.f32 $-3.928347030e-03, v3;
	v11 =	vmul.f32 $2.049999950e+00, v11;
	v16 =	vpop (erf)  }
0x59: {  	v10 =	vadd.f32 v7, v6;
	v4 =	vmul.f32 $1.442695020e+00, v4;
	v16 =	vmul.f32 $8.192000000e+03, v16  }
0x5a: {  	v15 =	vadd.f32 v6, v12;
	v5 =	vmul.f32 $1.442695020e+00, v5;
	v11 =	vmul.f32 $1.638400000e+04, v11  }
0x5b: {  	v3 =	vmul.f32 $1.442695020e+00, v3;
	(erf) = vpow2.f32 v4;
	v4 =	vadd.f32 $5.000000000e-01, v16  }
0x5c: {  	v6 =	vadd.f32 v13, v6;
	(erf) = vpow2.f32 v5;
	v5 =	vadd.f32 $5.000000000e-01, v11  }
0x5d: {  	v10 =	vadd.f32 $9.999999970e-07, v10;
	(erf) = vpow2.f32 v3;
	v3 =	vmax.f32 v4, $0.0e+00  }
0x5e: {  	v15 =	vadd.f32 $9.999999970e-07, v15;
	v4 =	vmax.f32 v5, $0.0e+00;
	v3 =	vmin.f32 v3, $6.553500000e+04  }
0x5f: {  	(erf) = vrcp.f32 v10;
	v4 =	vmin.f32 v4, $6.553500000e+04;
	v3 =	vtrunc.f32 v3  }
0x60: {  	v4 =	vtrunc.f32 v4;
	v3 =	vcvt.f32.s32 v3  }
0x61: {  	v6 =	vadd.f32 $9.999999970e-07, v6;
	(erf) = vrcp.f32 v15;
	v4 =	vcvt.f32.s32 v4  }
0x62: {  	v3 =	vshll.u32 v3, $0x10  }
0x63: {  	s10 =	simm.s32 $0x18950;
	(erf) = vrcp.f32 v6;
	v3 =	vor.u32 v4, v3  }
0x64: {  	[tilespmem:s10+$0x0] =	vst v3  }
0x65: {  	v4 =	vld [tilespmem:$0x18810]  }
0x66: {  	v16 =	vld [tilespmem:$0x18710];
	v3 =	vpop (erf)  }
0x67: {  	v5 =	vpop (erf);
	v3 =	vmul.f32 $2.049999950e+00, v3  }
0x68: {  	v6 =	vpop (erf);
	v5 =	vmul.f32 $2.049999950e+00, v5  }
0x69: {  	v10 =	vpop (erf);
	v6 =	vmul.f32 $2.049999950e+00, v6;
	v3 =	vmul.f32 $1.638400000e+04, v3  }
0x6a: {  	v10 =	vmul.f32 $8.192000000e+03, v10;
	v11 =	vpop (erf);
	v4 =	vsub.f32 v2, v4;
	v5 =	vmul.f32 $1.638400000e+04, v5  }
0x6b: {  	v16 =	vadd.f32 v16, v1;
	v11 =	vmul.f32 $8.192000000e+03, v11;
	v3 =	vadd.f32 $5.000000000e-01, v3  }
0x6c: {  	v15 =	vpop (erf);
	v6 =	vmul.f32 $1.638400000e+04, v6;
	v10 =	vadd.f32 $5.000000000e-01, v10;
	v4 =	vand.u32 $0x7FFFFFFF, v4  }
0x6d: {  	v15 =	vmul.f32 $8.192000000e+03, v15;
	v5 =	vadd.f32 $5.000000000e-01, v5;
	v4 =	vadd.f32 $1.909000020e+01, v4  }
0x6e: {  	v16 =	vadd.f32 $9.999999970e-07, v16;
	v11 =	vadd.f32 $5.000000000e-01, v11;
	v3 =	vmax.f32 v3, $0.0e+00  }
0x6f: {  	v6 =	vadd.f32 $5.000000000e-01, v6;
	v10 =	vmax.f32 v10, $0.0e+00;
	v4 =	vmul.f32 v4, v4  }
0x70: {  	v15 =	vadd.f32 $5.000000000e-01, v15;
	v5 =	vmax.f32 v5, $0.0e+00;
	v3 =	vmin.f32 v3, $6.553500000e+04  }
0x71: {  	v11 =	vmax.f32 v11, $0.0e+00;
	v10 =	vmin.f32 v10, $6.553500000e+04;
	v4 =	vmul.f32 $-3.928347030e-03, v4  }
0x72: {  	v5 =	vmin.f32 v5, $6.553500000e+04;
	v3 =	vtrunc.f32 v3;
	v10 =	vtrunc.f32 v10  }
0x73: {  	v11 =	vmin.f32 v11, $6.553500000e+04;
	v5 =	vtrunc.f32 v5;
	v4 =	vmul.f32 $1.442695020e+00, v4  }
0x74: {  	v15 =	vmax.f32 v15, $0.0e+00;
	v3 =	vcvt.f32.s32 v3;
	v11 =	vtrunc.f32 v11  }
0x75: {  	v15 =	vmin.f32 v15, $6.553500000e+04;
	v5 =	vcvt.f32.s32 v5;
	(erf) = vpow2.f32 v4  }
0x76: {  	v4 =	vmax.f32 v6, $0.0e+00;
	v6 =	vcvt.f32.s32 v10;
	(erf) = vrcp.f32 v16  }
0x77: {  	v15 =	vtrunc.f32 v15;
	v10 =	vcvt.f32.s32 v11  }
0x78: {  	v11 =	vcvt.f32.s32 v15;
	v4 =	vmin.f32 v4, $6.553500000e+04;
	v6 =	vshll.u32 v6, $0x10  }
0x79: {  	v4 =	vtrunc.f32 v4;
	v10 =	vshll.u32 v10, $0x10;
	v3 =	vor.u32 v3, v6  }
0x7a: {  	v4 =	vcvt.f32.s32 v4;
	v5 =	vor.u32 v5, v10;
	[tilespmem:s10+$0xFFFFFF98] =	vst v3  }
0x7b: {  	v3 =	vshll.u32 v11, $0x10;
	[tilespmem:s10+$0xFFFFFF30] =	vst v5;
	v5 =	vld [tilespmem:$0x18810]  }
0x7c: {  	v3 =	vor.u32 v4, v3;
	v4 =	vld [tilespmem:$0x18810]  }
0x7d: {  	[tilespmem:s10+$0x68] =	vst v3  }
0x7e: {  	v3 =	vld [tilespmem:$0x18810];
	v6 =	vpop (erf)  }
0x7f: {  	v6 =	vmul.f32 $2.049999950e+00, v6;
	v10 =	vpop (erf)  }
0x80: {  	v5 =	vsub.f32 v14, v5;
	v10 =	vmul.f32 $8.192000000e+03, v10  }
0x81: {  	v4 =	vsub.f32 v8, v4;
	v6 =	vmul.f32 $1.638400000e+04, v6  }
0x82: {  	v5 =	vand.u32 $0x7FFFFFFF, v5;
	v10 =	vadd.f32 $5.000000000e-01, v10  }
0x83: {  	v11 =	vld [tilespmem:$0x18710];
	v3 =	vsub.f32 v9, v3;
	v4 =	vand.u32 $0x7FFFFFFF, v4;
	v6 =	vadd.f32 $5.000000000e-01, v6  }
0x84: {  	v5 =	vadd.f32 $1.909000020e+01, v5;
	v4 =	vadd.f32 $1.909000020e+01, v4;
	v10 =	vmax.f32 v10, $0.0e+00  }
0x85: {  	v3 =	vand.u32 $0x7FFFFFFF, v3;
	v6 =	vmax.f32 v6, $0.0e+00;
	v10 =	vmin.f32 v10, $6.553500000e+04  }
0x86: {  	v5 =	vmul.f32 v5, v5;
	v6 =	vmin.f32 v6, $6.553500000e+04;
	v10 =	vtrunc.f32 v10  }
0x87: {  	v3 =	vadd.f32 $1.909000020e+01, v3;
	v6 =	vtrunc.f32 v6;
	v10 =	vcvt.f32.s32 v10  }
0x88: {  	v15 =	vld [tilespmem:$0x18710];
	v11 =	vadd.f32 v11, v7;
	v4 =	vmul.f32 v4, v4;
	v6 =	vcvt.f32.s32 v6  }
0x89: {  	v3 =	vmul.f32 v3, v3;
	v5 =	vmul.f32 $-3.928347030e-03, v5;
	v10 =	vshll.u32 v10, $0x10  }
0x8a: {  	v16 =	vld [tilespmem:$0x18710];
	v11 =	vadd.f32 $9.999999970e-07, v11;
	v4 =	vmul.f32 $-3.928347030e-03, v4;
	v6 =	vor.u32 v6, v10  }
0x8b: {  	v3 =	vmul.f32 $-3.928347030e-03, v3;
	v5 =	vmul.f32 $1.442695020e+00, v5;
	[tilespmem:s10+$0x10] =	vst v6  }
0x8c: {  	(erf) = vrcp.f32 v11;
	v4 =	vmul.f32 $1.442695020e+00, v4;
	v6 =	vld [tilespmem:$0x18820]  }
0x8d: {  	v10 =	vadd.f32 v15, v12;
	v3 =	vmul.f32 $1.442695020e+00, v3;
	(erf) = vpow2.f32 v5  }
0x8e: {  	(erf) = vpow2.f32 v4  }
0x8f: {  	v5 =	vadd.f32 v16, v13;
	v4 =	vadd.f32 $9.999999970e-07, v10;
	(erf) = vpow2.f32 v3;
	_ =	sdelay $0x1  }
0x90: {  	v3 =	vadd.f32 $9.999999970e-07, v5;
	(erf) = vrcp.f32 v4;
	v4 =	vsub.f32 v2, v6;
	_ =	sdelay $0x1  }
0x91: {  	(erf) = vrcp.f32 v3;
	v3 =	vand.u32 $0x7FFFFFFF, v4  }
0x92: {  	v4 =	vld [tilespmem:$0x18720];
	v3 =	vadd.f32 $1.909000020e+01, v3  }
0x93: {  	v5 =	vpop (erf)  }
0x94: {  	v6 =	vpop (erf);
	v3 =	vmul.f32 v3, v3  }
0x95: {  	v5 =	vmul.f32 $8.192000000e+03, v5;
	v10 =	vpop (erf)  }
0x96: {  	v6 =	vmul.f32 $2.049999950e+00, v6;
	v11 =	vpop (erf);
	v3 =	vmul.f32 $-3.928347030e-03, v3  }
0x97: {  	v10 =	vmul.f32 $2.049999950e+00, v10;
	v11 =	vmul.f32 $2.049999950e+00, v11;
	v4 =	vadd.f32 v4, v1  }
0x98: {  	v5 =	vadd.f32 $5.000000000e-01, v5;
	v6 =	vmul.f32 $1.638400000e+04, v6;
	v3 =	vmul.f32 $1.442695020e+00, v3  }
0x99: {  	v10 =	vmul.f32 $1.638400000e+04, v10;
	v15 =	vpop (erf);
	v11 =	vmul.f32 $1.638400000e+04, v11;
	v4 =	vadd.f32 $9.999999970e-07, v4  }
0x9a: {  	v5 =	vmax.f32 v5, $0.0e+00;
	v15 =	vmul.f32 $8.192000000e+03, v15;
	(erf) = vpow2.f32 v3  }
0x9b: {  	v16 =	vpop (erf);
	v6 =	vadd.f32 $5.000000000e-01, v6;
	v11 =	vadd.f32 $5.000000000e-01, v11;
	(erf) = vrcp.f32 v4  }
0x9c: {  	v16 =	vmul.f32 $8.192000000e+03, v16;
	v3 =	vadd.f32 $5.000000000e-01, v10;
	v10 =	vadd.f32 $5.000000000e-01, v15  }
0x9d: {  	v11 =	vmax.f32 v11, $0.0e+00;
	v4 =	vmin.f32 v5, $6.553500000e+04;
	v5 =	vmax.f32 v6, $0.0e+00  }
0x9e: {  	v6 =	vadd.f32 $5.000000000e-01, v16;
	v11 =	vmin.f32 v11, $6.553500000e+04;
	v3 =	vmax.f32 v3, $0.0e+00  }
0x9f: {  	v10 =	vmax.f32 v10, $0.0e+00;
	v5 =	vmin.f32 v5, $6.553500000e+04;
	v4 =	vtrunc.f32 v4  }
0xa0: {  	v11 =	vtrunc.f32 v11;
	v6 =	vmax.f32 v6, $0.0e+00;
	v10 =	vmin.f32 v10, $6.553500000e+04  }
0xa1: {  	v3 =	vmin.f32 v3, $6.553500000e+04;
	v5 =	vtrunc.f32 v5;
	v4 =	vcvt.f32.s32 v4  }
0xa2: {  	v6 =	vmin.f32 v6, $6.553500000e+04;
	v10 =	vtrunc.f32 v10;
	v3 =	vtrunc.f32 v3  }
0xa3: {  	v5 =	vcvt.f32.s32 v5;
	v6 =	vtrunc.f32 v6;
	v15 =	vpop (erf)  }
0xa4: {  	v10 =	vcvt.f32.s32 v10;
	v15 =	vmul.f32 $2.049999950e+00, v15;
	v16 =	vpop (erf)  }
0xa5: {  	v3 =	vcvt.f32.s32 v3;
	v4 =	vshll.u32 v4, $0x10;
	v16 =	vmul.f32 $8.192000000e+03, v16  }
0xa6: {  	v4 =	vor.u32 v5, v4;
	v10 =	vshll.u32 v10, $0x10;
	v15 =	vmul.f32 $1.638400000e+04, v15  }
0xa7: {  	v6 =	vcvt.f32.s32 v6;
	[tilespmem:s10+$0xFFFFFFA8] =	vst v4;
	v3 =	vor.u32 v3, v10;
	v5 =	vadd.f32 $5.000000000e-01, v16  }
0xa8: {  	v11 =	vcvt.f32.s32 v11;
	[tilespmem:s10+$0xFFFFFF40] =	vst v3;
	v3 =	vld [tilespmem:$0x18820];
	v4 =	vadd.f32 $5.000000000e-01, v15  }
0xa9: {  	v6 =	vshll.u32 v6, $0x10;
	v5 =	vmax.f32 v5, $0.0e+00  }
0xaa: {  	v6 =	vor.u32 v11, v6;
	v4 =	vmax.f32 v4, $0.0e+00;
	v5 =	vmin.f32 v5, $6.553500000e+04  }
0xab: {  	v10 =	vld [tilespmem:$0x18820];
	[tilespmem:s10+$0x78] =	vst v6;
	v4 =	vmin.f32 v4, $6.553500000e+04;
	v5 =	vtrunc.f32 v5  }
0xac: {  	v6 =	vld [tilespmem:$0x18820];
	v4 =	vtrunc.f32 v4;
	v5 =	vcvt.f32.s32 v5  }
0xad: {  	v3 =	vsub.f32 v14, v3;
	v4 =	vcvt.f32.s32 v4  }
0xae: {  	v5 =	vshll.u32 v5, $0x10  }
0xaf: {  	v3 =	vand.u32 $0x7FFFFFFF, v3;
	v4 =	vor.u32 v4, v5  }
0xb0: {  	v10 =	vsub.f32 v8, v10;
	v3 =	vadd.f32 $1.909000020e+01, v3;
	[tilespmem:s10+$0x20] =	vst v4  }
0xb1: {  	v5 =	vsub.f32 v9, v6;
	v6 =	vld [tilespmem:$0x18830]  }
0xb2: {  	v3 =	vmul.f32 v3, v3;
	v4 =	vand.u32 $0x7FFFFFFF, v10  }
0xb3: {  	v11 =	vld [tilespmem:$0x18720];
	v5 =	vand.u32 $0x7FFFFFFF, v5;
	v4 =	vadd.f32 $1.909000020e+01, v4  }
0xb4: {  	v3 =	vmul.f32 $-3.928347030e-03, v3;
	v10 =	vld [tilespmem:$0x18720];
	v5 =	vadd.f32 $1.909000020e+01, v5  }
0xb5: {  	v15 =	vld [tilespmem:$0x18720];
	v4 =	vmul.f32 v4, v4  }
0xb6: {  	v3 =	vmul.f32 $1.442695020e+00, v3;
	v5 =	vmul.f32 v5, v5;
	v6 =	vsub.f32 v2, v6  }
0xb7: {  	v4 =	vmul.f32 $-3.928347030e-03, v4  }
0xb8: {  	(erf) = vpow2.f32 v3;
	v5 =	vmul.f32 $-3.928347030e-03, v5;
	v6 =	vand.u32 $0x7FFFFFFF, v6  }
0xb9: {  	v10 =	vadd.f32 v10, v7;
	v4 =	vmul.f32 $1.442695020e+00, v4;
	v3 =	vadd.f32 $1.909000020e+01, v6;
	v6 =	vld [tilespmem:$0x18730]  }
0xba: {  	v11 =	vadd.f32 v11, v12;
	v15 =	vadd.f32 v15, v13;
	v5 =	vmul.f32 $1.442695020e+00, v5  }
0xbb: {  	v10 =	vadd.f32 $9.999999970e-07, v10;
	(erf) = vpow2.f32 v4;
	v3 =	vmul.f32 v3, v3  }
0xbc: {  	v4 =	vadd.f32 $9.999999970e-07, v11;
	(erf) = vpow2.f32 v5  }
0xbd: {  	v5 =	vadd.f32 $9.999999970e-07, v15;
	(erf) = vrcp.f32 v10;
	v3 =	vmul.f32 $-3.928347030e-03, v3  }
0xbe: {  	(erf) = vrcp.f32 v4;
	v4 =	vadd.f32 v6, v1  }
0xbf: {  	(erf) = vrcp.f32 v5;
	v3 =	vmul.f32 $1.442695020e+00, v3  }
0xc0: {  	v4 =	vadd.f32 $9.999999970e-07, v4;
	_ =	sdelay $0x1  }
0xc1: {  	(erf) = vpow2.f32 v3  }
0xc2: {  	(erf) = vrcp.f32 v4;
	v3 =	vpop (erf)  }
0xc3: {  	v3 =	vmul.f32 $2.049999950e+00, v3;
	v4 =	vpop (erf)  }
0xc4: {  	v5 =	vpop (erf)  }
0xc5: {  	v4 =	vmul.f32 $2.049999950e+00, v4;
	v3 =	vmul.f32 $1.638400000e+04, v3;
	v6 =	vpop (erf)  }
0xc6: {  	v5 =	vmul.f32 $2.049999950e+00, v5;
	v6 =	vmul.f32 $8.192000000e+03, v6;
	v10 =	vpop (erf)  }
0xc7: {  	v4 =	vmul.f32 $1.638400000e+04, v4;
	v10 =	vmul.f32 $8.192000000e+03, v10;
	v11 =	vpop (erf)  }
0xc8: {  	v3 =	vadd.f32 $5.000000000e-01, v3;
	v6 =	vadd.f32 $5.000000000e-01, v6;
	v11 =	vmul.f32 $8.192000000e+03, v11  }
0xc9: {  	v5 =	vmul.f32 $1.638400000e+04, v5;
	v4 =	vadd.f32 $5.000000000e-01, v4;
	v10 =	vadd.f32 $5.000000000e-01, v10  }
0xca: {  	v3 =	vmax.f32 v3, $0.0e+00;
	v15 =	vpop (erf);
	v6 =	vmax.f32 v6, $0.0e+00;
	v11 =	vadd.f32 $5.000000000e-01, v11  }
0xcb: {  	v15 =	vmul.f32 $2.049999950e+00, v15;
	v16 =	vpop (erf);
	v4 =	vmax.f32 v4, $0.0e+00;
	v3 =	vmin.f32 v3, $6.553500000e+04  }
0xcc: {  	v10 =	vmax.f32 v10, $0.0e+00;
	v6 =	vmin.f32 v6, $6.553500000e+04;
	v16 =	vmul.f32 $8.192000000e+03, v16  }
0xcd: {  	v4 =	vmin.f32 v4, $6.553500000e+04;
	v3 =	vtrunc.f32 v3;
	v15 =	vmul.f32 $1.638400000e+04, v15  }
0xce: {  	v10 =	vmin.f32 v10, $6.553500000e+04;
	v6 =	vtrunc.f32 v6;
	v16 =	vadd.f32 $5.000000000e-01, v16  }
0xcf: {  	v4 =	vtrunc.f32 v4;
	v3 =	vcvt.f32.s32 v3;
	v15 =	vadd.f32 $5.000000000e-01, v15  }
0xd0: {  	v10 =	vtrunc.f32 v10;
	v6 =	vcvt.f32.s32 v6;
	v16 =	vmax.f32 v16, $0.0e+00  }
0xd1: {  	v4 =	vcvt.f32.s32 v4;
	v15 =	vmax.f32 v15, $0.0e+00;
	v16 =	vmin.f32 v16, $6.553500000e+04  }
0xd2: {  	v10 =	vcvt.f32.s32 v10;
	v15 =	vmin.f32 v15, $6.553500000e+04;
	v16 =	vtrunc.f32 v16  }
0xd3: {  	v6 =	vshll.u32 v6, $0x10;
	v15 =	vtrunc.f32 v15;
	v16 =	vcvt.f32.s32 v16  }
0xd4: {  	v10 =	vshll.u32 v10, $0x10;
	v3 =	vor.u32 v3, v6;
	v6 =	vcvt.f32.s32 v15  }
0xd5: {  	v5 =	vadd.f32 $5.000000000e-01, v5;
	v4 =	vor.u32 v4, v10;
	[tilespmem:s10+$0xFFFFFFB8] =	vst v3;
	v3 =	vshll.u32 v16, $0x10  }
0xd6: {  	v10 =	vmax.f32 v11, $0.0e+00;
	[tilespmem:s10+$0xFFFFFF50] =	vst v4;
	v4 =	vld [tilespmem:$0x18830];
	v3 =	vor.u32 v6, v3  }
0xd7: {  	v5 =	vmax.f32 v5, $0.0e+00;
	v6 =	vmin.f32 v10, $6.553500000e+04;
	v10 =	vld [tilespmem:$0x18830];
	[tilespmem:s10+$0x30] =	vst v3  }
0xd8: {  	v3 =	vmin.f32 v5, $6.553500000e+04;
	v5 =	vtrunc.f32 v6;
	v6 =	vld [tilespmem:$0x18840]  }
0xd9: {  	v3 =	vtrunc.f32 v3;
	v5 =	vcvt.f32.s32 v5  }
0xda: {  	v3 =	vcvt.f32.s32 v3  }
0xdb: {  	v4 =	vsub.f32 v14, v4;
	v5 =	vshll.u32 v5, $0x10  }
0xdc: {  	v3 =	vor.u32 v3, v5;
	v5 =	vsub.f32 v8, v10  }
0xdd: {  	[tilespmem:s10+$0x88] =	vst v3;
	v3 =	vand.u32 $0x7FFFFFFF, v4;
	v4 =	vsub.f32 v2, v6  }
0xde: {  	v6 =	vld [tilespmem:$0x18830];
	v5 =	vand.u32 $0x7FFFFFFF, v5;
	v3 =	vadd.f32 $1.909000020e+01, v3  }
0xdf: {  	v5 =	vadd.f32 $1.909000020e+01, v5;
	v4 =	vand.u32 $0x7FFFFFFF, v4  }
0xe0: {  	v10 =	vld [tilespmem:$0x18740];
	v3 =	vmul.f32 v3, v3;
	v4 =	vadd.f32 $1.909000020e+01, v4  }
0xe1: {  	v5 =	vmul.f32 v5, v5  }
0xe2: {  	v3 =	vmul.f32 $-3.928347030e-03, v3;
	v4 =	vmul.f32 v4, v4  }
0xe3: {  	v6 =	vsub.f32 v9, v6;
	v5 =	vmul.f32 $-3.928347030e-03, v5  }
0xe4: {  	v3 =	vmul.f32 $1.442695020e+00, v3;
	v4 =	vmul.f32 $-3.928347030e-03, v4  }
0xe5: {  	v10 =	vadd.f32 v10, v1;
	v6 =	vand.u32 $0x7FFFFFFF, v6;
	v5 =	vmul.f32 $1.442695020e+00, v5  }
0xe6: {  	v11 =	vld [tilespmem:$0x18730];
	v6 =	vadd.f32 $1.909000020e+01, v6;
	(erf) = vpow2.f32 v3;
	v4 =	vmul.f32 $1.442695020e+00, v4  }
0xe7: {  	(erf) = vpow2.f32 v5;
	v5 =	vld [tilespmem:$0x18730]  }
0xe8: {  	v3 =	vadd.f32 $9.999999970e-07, v10;
	v6 =	vmul.f32 v6, v6;
	(erf) = vpow2.f32 v4;
	v4 =	vld [tilespmem:$0x18730];
	_ =	sdelay $0x1  }
0xe9: {  	(erf) = vrcp.f32 v3;
	v3 =	vmul.f32 $-3.928347030e-03, v6  }
0xea: {  	v6 =	vadd.f32 v11, v7  }
0xeb: {  	v3 =	vmul.f32 $1.442695020e+00, v3;
	v5 =	vadd.f32 v5, v12  }
0xec: {  	v6 =	vadd.f32 $9.999999970e-07, v6;
	v4 =	vadd.f32 v4, v13  }
0xed: {  	(erf) = vpow2.f32 v3;
	v3 =	vadd.f32 $9.999999970e-07, v5  }
0xee: {  	v4 =	vadd.f32 $9.999999970e-07, v4  }
0xef: {  	(erf) = vrcp.f32 v6;
	v5 =	vpop (erf)  }
0xf0: {  	(erf) = vrcp.f32 v3;
	v6 =	vpop (erf)  }
0xf1: {  	v5 =	vmul.f32 $2.049999950e+00, v5;
	v3 =	vpop (erf);
	(erf) = vrcp.f32 v4  }
0xf2: {  	v6 =	vmul.f32 $2.049999950e+00, v6;
	v3 =	vmul.f32 $2.049999950e+00, v3;
	v4 =	vpop (erf)  }
0xf3: {  	v5 =	vmul.f32 $1.638400000e+04, v5;
	v4 =	vmul.f32 $8.192000000e+03, v4  }
0xf4: {  	v6 =	vmul.f32 $1.638400000e+04, v6;
	v3 =	vmul.f32 $1.638400000e+04, v3  }
0xf5: {  	v5 =	vadd.f32 $5.000000000e-01, v5;
	v4 =	vadd.f32 $5.000000000e-01, v4  }
0xf6: {  	v6 =	vadd.f32 $5.000000000e-01, v6;
	v3 =	vadd.f32 $5.000000000e-01, v3;
	v10 =	vpop (erf)  }
0xf7: {  	v5 =	vmax.f32 v5, $0.0e+00;
	v10 =	vmul.f32 $2.049999950e+00, v10;
	v4 =	vmax.f32 v4, $0.0e+00  }
0xf8: {  	v11 =	vpop (erf);
	v6 =	vmax.f32 v6, $0.0e+00;
	v3 =	vmax.f32 v3, $0.0e+00;
	v4 =	vmin.f32 v4, $6.553500000e+04  }
0xf9: {  	v11 =	vmul.f32 $8.192000000e+03, v11;
	v3 =	vmin.f32 v3, $6.553500000e+04;
	v4 =	vtrunc.f32 v4  }
0xfa: {  	v5 =	vmin.f32 v5, $6.553500000e+04;
	v15 =	vpop (erf);
	v3 =	vtrunc.f32 v3;
	v4 =	vcvt.f32.s32 v4  }
0xfb: {  	v6 =	vmin.f32 v6, $6.553500000e+04;
	v15 =	vmul.f32 $8.192000000e+03, v15;
	v3 =	vcvt.f32.s32 v3  }
0xfc: {  	v5 =	vtrunc.f32 v5;
	v10 =	vmul.f32 $1.638400000e+04, v10;
	v4 =	vshll.u32 v4, $0x10  }
0xfd: {  	v11 =	vadd.f32 $5.000000000e-01, v11;
	v15 =	vadd.f32 $5.000000000e-01, v15;
	v3 =	vor.u32 v3, v4  }
0xfe: {  	v6 =	vtrunc.f32 v6;
	v5 =	vcvt.f32.s32 v5;
	v16 =	vpop (erf);
	v10 =	vadd.f32 $5.000000000e-01, v10;
	[tilespmem:s10+$0x40] =	vst v3  }
0xff: {  	v16 =	vmul.f32 $8.192000000e+03, v16;
	v11 =	vmax.f32 v11, $0.0e+00;
	v3 =	vmax.f32 v15, $0.0e+00;
	v15 =	vld [tilespmem:$0x18850]  }
0x100: {  	v6 =	vcvt.f32.s32 v6;
	v10 =	vmax.f32 v10, $0.0e+00;
	v11 =	vmin.f32 v11, $6.553500000e+04  }
0x101: {  	v4 =	vadd.f32 $5.000000000e-01, v16;
	v10 =	vmin.f32 v10, $6.553500000e+04;
	v11 =	vtrunc.f32 v11  }
0x102: {  	v10 =	vtrunc.f32 v10;
	v11 =	vcvt.f32.s32 v11  }
0x103: {  	v4 =	vmax.f32 v4, $0.0e+00;
	v3 =	vmin.f32 v3, $6.553500000e+04;
	v10 =	vcvt.f32.s32 v10  }
0x104: {  	v4 =	vmin.f32 v4, $6.553500000e+04;
	v3 =	vtrunc.f32 v3;
	v15 =	vsub.f32 v2, v15  }
0x105: {  	v4 =	vtrunc.f32 v4;
	v3 =	vcvt.f32.s32 v3  }
0x106: {  	v11 =	vshll.u32 v11, $0x10;
	v4 =	vcvt.f32.s32 v4;
	v15 =	vand.u32 $0x7FFFFFFF, v15  }
0x107: {  	v5 =	vor.u32 v5, v11;
	v11 =	vld [tilespmem:$0x18750];
	v3 =	vshll.u32 v3, $0x10;
	v15 =	vadd.f32 $1.909000020e+01, v15  }
0x108: {  	[tilespmem:s10+$0xFFFFFFC8] =	vst v5;
	v3 =	vor.u32 v6, v3;
	v4 =	vshll.u32 v4, $0x10  }
0x109: {  	[tilespmem:s10+$0xFFFFFF60] =	vst v3;
	v3 =	vld [tilespmem:$0x18840];
	v4 =	vor.u32 v10, v4;
	v5 =	vmul.f32 v15, v15  }
0x10a: {  	v6 =	vld [tilespmem:$0x18840];
	[tilespmem:s10+$0x98] =	vst v4  }
0x10b: {  	v4 =	vld [tilespmem:$0x18840];
	v5 =	vmul.f32 $-3.928347030e-03, v5  }
0x10c: {  	v10 =	vadd.f32 v11, v1  }
0x10d: {  	v5 =	vmul.f32 $1.442695020e+00, v5  }
0x10e: {  	v11 =	vld [tilespmem:$0x18740];
	v10 =	vadd.f32 $9.999999970e-07, v10  }
0x10f: {  	v3 =	vsub.f32 v14, v3;
	(erf) = vpow2.f32 v5;
	v5 =	vsub.f32 v8, v6;
	v6 =	vld [tilespmem:$0x18740]  }
0x110: {  	v4 =	vsub.f32 v9, v4  }
0x111: {  	v3 =	vand.u32 $0x7FFFFFFF, v3;
	(erf) = vrcp.f32 v10  }
0x112: {  	v3 =	vadd.f32 $1.909000020e+01, v3;
	v4 =	vand.u32 $0x7FFFFFFF, v4  }
0x113: {  	v4 =	vadd.f32 $1.909000020e+01, v4;
	v10 =	vadd.f32 v11, v7  }
0x114: {  	v3 =	vmul.f32 v3, v3;
	v5 =	vand.u32 $0x7FFFFFFF, v5;
	v6 =	vadd.f32 v6, v12  }
0x115: {  	v4 =	vmul.f32 v4, v4;
	v5 =	vadd.f32 $1.909000020e+01, v5;
	v10 =	vadd.f32 $9.999999970e-07, v10  }
0x116: {  	v11 =	vld [tilespmem:$0x18740];
	v3 =	vmul.f32 $-3.928347030e-03, v3;
	v6 =	vadd.f32 $9.999999970e-07, v6  }
0x117: {  	v4 =	vmul.f32 $-3.928347030e-03, v4;
	v5 =	vmul.f32 v5, v5  }
0x118: {  	v3 =	vmul.f32 $1.442695020e+00, v3;
	(erf) = vrcp.f32 v10  }
0x119: {  	v4 =	vmul.f32 $1.442695020e+00, v4;
	v5 =	vmul.f32 $-3.928347030e-03, v5;
	v10 =	vpop (erf)  }
0x11a: {  	(erf) = vrcp.f32 v6;
	v10 =	vmul.f32 $2.049999950e+00, v10;
	v6 =	vpop (erf)  }
0x11b: {  	v11 =	vadd.f32 v11, v13;
	v5 =	vmul.f32 $1.442695020e+00, v5;
	v6 =	vmul.f32 $8.192000000e+03, v6  }
0x11c: {  	(erf) = vpow2.f32 v3;
	v10 =	vmul.f32 $1.638400000e+04, v10  }
0x11d: {  	s23 =	simm.s32 $0x4;
	v11 =	vadd.f32 $9.999999970e-07, v11;
	(erf) = vpow2.f32 v5;
	v3 =	vadd.f32 $5.000000000e-01, v6  }
0x11e: {  	(erf) = vpow2.f32 v4;
	v5 =	vadd.f32 $5.000000000e-01, v10;
	v6 =	vmov s23  }
0x11f: {  	s20 =	simm.s32 $0x6;
	(erf) = vrcp.f32 v11;
	v6 =	vand.u32 $0xFFFFFFFC, v6;
	v3 =	vmax.f32 v3, $0.0e+00  }
0x120: {  	v4 =	vmax.f32 v5, $0.0e+00;
	v5 =	vmov s20;
	v3 =	vmin.f32 v3, $6.553500000e+04  }
0x121: {  	v15 =	vbroadcast v6, $0x0;
	v4 =	vmin.f32 v4, $6.553500000e+04;
	v3 =	vtrunc.f32 v3  }
0x122: {  	v10 =	vpop (erf);
	v5 =	vand.u32 $0xFFFFFFFE, v5;
	v4 =	vtrunc.f32 v4;
	v3 =	vcvt.f32.s32 v3  }
0x123: {  	s24 =	simm.s32 $0x7;
	v5 =	vbroadcast v5, $0x0;
	v6 =	vpop (erf);
	v4 =	vcvt.f32.s32 v4  }
0x124: {  	s8 =	simm.s32 $0x5;
	v16 =	vmov s24;
	v6 =	vmul.f32 $8.192000000e+03, v6;
	v3 =	vshll.u32 v3, $0x10  }
0x125: {  	v11 =	vmov s8;
	v10 =	vmul.f32 $8.192000000e+03, v10;
	v17 =	vpop (erf);
	v3 =	vor.u32 v4, v3  }
0x126: {  	v6 =	vadd.f32 $5.000000000e-01, v6;
	v4 =	vand.u32 $0xFFFFFFFD, v11;
	v11 =	vmul.f32 $2.049999950e+00, v17;
	v17 =	vpop (erf);
	[tilespmem:s10+$0x50] =	vst v3  }
0x127: {  	v3 =	vbroadcast v4, $0x0;
	v4 =	vadd.f32 $5.000000000e-01, v10;
	v10 =	vmul.f32 $2.049999950e+00, v17;
	v17 =	vpop (erf);
	v18 =	vld [tilespmem:$0x18860]  }
0x128: {  	v21 =	vld [tilespmem:$0x18800];
	v6 =	vmax.f32 v6, $0.0e+00;
	v19 =	vmul.f32 $1.638400000e+04, v11;
	v17 =	vmul.f32 $2.049999950e+00, v17  }
0x129: {  	v20 =	vpop (erf);
	v11 =	vld.idx.msk [tilespmem:v5+s21+$0x0], $0xffff;
	v6 =	vmin.f32 v6, $6.553500000e+04;
	v4 =	vmax.f32 v4, $0.0e+00;
	v10 =	vmul.f32 $1.638400000e+04, v10  }
0x12a: {  	v20 =	vmul.f32 $8.192000000e+03, v20;
	v25 =	vtrunc.f32 v6;
	v4 =	vmin.f32 v4, $6.553500000e+04  }
0x12b: {  	v23 =	vld [tilespmem:$0x18760];
	v19 =	vadd.f32 $5.000000000e-01, v19;
	v17 =	vmul.f32 $1.638400000e+04, v17;
	v10 =	vadd.f32 $5.000000000e-01, v10  }
0x12c: {  	v25 =	vcvt.f32.s32 v25;
	v20 =	vadd.f32 $5.000000000e-01, v20;
	v2 =	vsub.f32 v2, v18  }
0x12d: {  	v24 =	vtrunc.f32 v4;
	v19 =	vmax.f32 v19, $0.0e+00;
	v17 =	vadd.f32 $5.000000000e-01, v17  }
0x12e: {  	v18 =	vmax.f32 v20, $0.0e+00;
	v20 =	vsub.f32 v11, v21;
	v2 =	vand.u32 $0x7FFFFFFF, v2  }
0x12f: {  	v10 =	vmax.f32 v10, $0.0e+00;
	v19 =	vmin.f32 v19, $6.553500000e+04;
	v2 =	vadd.f32 $1.909000020e+01, v2  }
0x130: {  	v1 =	vadd.f32 v23, v1;
	v22 =	vmin.f32 v10, $6.553500000e+04;
	v10 =	vld.idx.msk [tilespmem:v5+s19+$0x0], $0xffff;
	v4 =	vand.u32 $0x7FFFFFFF, v20  }
0x131: {  	v6 =	vmax.f32 v17, $0.0e+00;
	v20 =	vld [tilespmem:$0x18700];
	v5 =	vadd.f32 $1.909000020e+01, v4;
	v2 =	vmul.f32 v2, v2  }
0x132: {  	v17 =	vtrunc.f32 v19;
	v19 =	vtrunc.f32 v22;
	v22 =	vmin.f32 v6, $6.553500000e+04;
	v6 =	vld.idx.msk [tilespmem:v3+s21+$0x0], $0xffff  }
0x133: {  	v18 =	vmin.f32 v18, $6.553500000e+04;
	v4 =	vld.idx.msk [tilespmem:v16+s21+$0x0], $0xffff;
	v26 =	vmul.f32 v5, v5;
	v2 =	vmul.f32 $-3.928347030e-03, v2  }
0x134: {  	v24 =	vcvt.f32.s32 v24;
	v18 =	vtrunc.f32 v18;
	v5 =	vld.idx.msk [tilespmem:v15+s21+$0x0], $0xffff  }
0x135: {  	v1 =	vadd.f32 $9.999999970e-07, v1;
	v23 =	vmul.f32 $-3.928347030e-03, v26;
	v2 =	vmul.f32 $1.442695020e+00, v2  }
0x136: {  	v17 =	vcvt.f32.s32 v17;
	v22 =	vtrunc.f32 v22;
	v26 =	vadd.f32 v10, v20  }
0x137: {  	(erf) = vpow2.f32 v2;
	v2 =	vmul.f32 $1.442695020e+00, v23  }
0x138: {  	v23 =	vsub.f32 v6, v21;
	(erf) = vrcp.f32 v1;
	v1 =	vadd.f32 $9.999999970e-07, v26  }
0x139: {  	v26 =	vsub.f32 v5, v21;
	v21 =	vsub.f32 v4, v21;
	(erf) = vpow2.f32 v2  }
0x13a: {  	v18 =	vcvt.f32.s32 v18;
	v2 =	vand.u32 $0x7FFFFFFF, v23;
	(erf) = vrcp.f32 v1  }
0x13b: {  	v1 =	vand.u32 $0x7FFFFFFF, v26;
	v21 =	vand.u32 $0x7FFFFFFF, v21;
	v23 =	vadd.f32 $1.909000020e+01, v2  }
0x13c: {  	v3 =	vld.idx.msk [tilespmem:v3+s19+$0x0], $0xffff;
	v19 =	vcvt.f32.s32 v19;
	v26 =	vadd.f32 $1.909000020e+01, v1;
	v21 =	vadd.f32 $1.909000020e+01, v21  }
0x13d: {  	v22 =	vcvt.f32.s32 v22;
	v2 =	vld.idx.msk [tilespmem:v15+s19+$0x0], $0xffff;
	v15 =	vmul.f32 v23, v23  }
0x13e: {  	v1 =	vld.idx.msk [tilespmem:v16+s19+$0x0], $0xffff;
	v16 =	vmul.f32 v26, v26;
	v21 =	vmul.f32 v21, v21  }
0x13f: {  	v18 =	vshll.u32 v18, $0x10;
	v23 =	vshll.u32 v24, $0x10;
	v15 =	vmul.f32 $-3.928347030e-03, v15  }
0x140: {  	v24 =	vshll.u32 v25, $0x10;
	v16 =	vmul.f32 $-3.928347030e-03, v16;
	v21 =	vmul.f32 $-3.928347030e-03, v21;
	v25 =	vpop (erf)  }
0x141: {  	v18 =	vor.u32 v22, v18;
	v17 =	vor.u32 v17, v23;
	v15 =	vmul.f32 $1.442695020e+00, v15;
	v26 =	vpop (erf)  }
0x142: {  	v23 =	vadd.f32 v3, v20;
	v16 =	vmul.f32 $1.442695020e+00, v16;
	v21 =	vmul.f32 $1.442695020e+00, v21;
	v28 =	vpop (erf)  }
0x143: {  	v19 =	vor.u32 v19, v24;
	(erf) = vpow2.f32 v15;
	v15 =	vmul.f32 $2.049999950e+00, v28;
	v28 =	vpop (erf)  }
0x144: {  	v27 =	vadd.f32 v20, v2;
	(erf) = vpow2.f32 v16;
	v16 =	vmul.f32 $8.192000000e+03, v28  }
0x145: {  	v23 =	vadd.f32 $9.999999970e-07, v23;
	v20 =	vadd.f32 v1, v20;
	v15 =	vmul.f32 $1.638400000e+04, v15  }
0x146: {  	[tilespmem:s10+$0xFFFFFF70] =	vst v19;
	v27 =	vadd.f32 $9.999999970e-07, v27;
	(erf) = vpow2.f32 v21;
	v16 =	vadd.f32 $5.000000000e-01, v16  }
0x147: {  	[tilespmem:s10+$0xFFFFFFD8] =	vst v17;
	v17 =	vadd.f32 $9.999999970e-07, v20;
	v20 =	vld [tilespmem:$0x18850];
	(erf) = vrcp.f32 v23;
	v15 =	vadd.f32 $5.000000000e-01, v15  }
0x148: {  	[tilespmem:s10+$0xA8] =	vst v18;
	v19 =	vld [tilespmem:$0x18850];
	(erf) = vrcp.f32 v27;
	v16 =	vmax.f32 v16, $0.0e+00  }
0x149: {  	(erf) = vrcp.f32 v17;
	v17 =	vld [tilespmem:$0x18850];
	v15 =	vmax.f32 v15, $0.0e+00;
	v16 =	vmin.f32 v16, $6.553500000e+04  }
0x14a: {  	v15 =	vmin.f32 v15, $6.553500000e+04;
	v16 =	vtrunc.f32 v16  }
0x14b: {  	v15 =	vtrunc.f32 v15;
	v16 =	vcvt.f32.s32 v16  }
0x14c: {  	v20 =	vsub.f32 v8, v20;
	v18 =	vpop (erf);
	v15 =	vcvt.f32.s32 v15  }
0x14d: {  	v19 =	vsub.f32 v14, v19;
	v18 =	vmul.f32 $2.049999950e+00, v18;
	v22 =	vshll.u32 v16, $0x10  }
0x14e: {  	s1 =	simm.s32 $0x18AF0;
	v20 =	vand.u32 $0x7FFFFFFF, v20;
	v21 =	vpop (erf);
	v17 =	vsub.f32 v9, v17;
	v15 =	vor.u32 v15, v22  }
0x14f: {  	v20 =	vadd.f32 $1.909000020e+01, v20;
	v16 =	vmul.f32 $2.049999950e+00, v25;
	v23 =	vpop (erf);
	v18 =	vmul.f32 $1.638400000e+04, v18;
	[tilespmem:s1+$0x0] =	vst v15  }
0x150: {  	v23 =	vmul.f32 $2.049999950e+00, v23;
	v17 =	vand.u32 $0x7FFFFFFF, v17;
	v15 =	vand.u32 $0x7FFFFFFF, v19;
	v24 =	vld [tilespmem:$0x18810]  }
0x151: {  	v19 =	vmul.f32 $2.049999950e+00, v21;
	v17 =	vadd.f32 $1.909000020e+01, v17;
	v22 =	vpop (erf);
	v18 =	vadd.f32 $5.000000000e-01, v18  }
0x152: {  	v23 =	vmul.f32 $1.638400000e+04, v23;
	v15 =	vadd.f32 $1.909000020e+01, v15;
	v21 =	vmul.f32 $8.192000000e+03, v22;
	v22 =	vpop (erf)  }
0x153: {  	v19 =	vmul.f32 $1.638400000e+04, v19;
	v22 =	vmul.f32 $8.192000000e+03, v22;
	v25 =	vpop (erf);
	v18 =	vmax.f32 v18, $0.0e+00  }
0x154: {  	v27 =	vld [tilespmem:$0x18710];
	v23 =	vadd.f32 $5.000000000e-01, v23;
	v21 =	vadd.f32 $5.000000000e-01, v21;
	v25 =	vmul.f32 $8.192000000e+03, v25  }
0x155: {  	v19 =	vadd.f32 $5.000000000e-01, v19;
	v18 =	vmin.f32 v18, $6.553500000e+04;
	v24 =	vsub.f32 v11, v24  }
0x156: {  	v22 =	vadd.f32 $5.000000000e-01, v22;
	v23 =	vmax.f32 v23, $0.0e+00;
	v18 =	vtrunc.f32 v18  }
0x157: {  	v21 =	vmax.f32 v21, $0.0e+00;
	v25 =	vadd.f32 $5.000000000e-01, v25;
	v24 =	vand.u32 $0x7FFFFFFF, v24  }
0x158: {  	v19 =	vmax.f32 v19, $0.0e+00;
	v23 =	vmin.f32 v23, $6.553500000e+04;
	v24 =	vadd.f32 $1.909000020e+01, v24  }
0x159: {  	v27 =	vadd.f32 v27, v10;
	v18 =	vcvt.f32.s32 v18;
	v22 =	vmax.f32 v22, $0.0e+00  }
0x15a: {  	v21 =	vmin.f32 v21, $6.553500000e+04;
	v19 =	vmin.f32 v19, $6.553500000e+04;
	v24 =	vmul.f32 v24, v24  }
0x15b: {  	v23 =	vtrunc.f32 v23;
	v25 =	vmax.f32 v25, $0.0e+00;
	v21 =	vtrunc.f32 v21  }
0x15c: {  	v22 =	vmin.f32 v22, $6.553500000e+04;
	v19 =	vtrunc.f32 v19;
	v24 =	vmul.f32 $-3.928347030e-03, v24  }
0x15d: {  	v27 =	vadd.f32 $9.999999970e-07, v27;
	v22 =	vtrunc.f32 v22;
	v21 =	vcvt.f32.s32 v21  }
0x15e: {  	v25 =	vmin.f32 v25, $6.553500000e+04;
	v22 =	vcvt.f32.s32 v22;
	v24 =	vmul.f32 $1.442695020e+00, v24  }
0x15f: {  	v28 =	vld [tilespmem:$0x18750];
	v19 =	vcvt.f32.s32 v19;
	v25 =	vtrunc.f32 v25;
	v21 =	vshll.u32 v21, $0x10  }
0x160: {  	v22 =	vshll.u32 v22, $0x10;
	v18 =	vor.u32 v18, v21;
	(erf) = vpow2.f32 v24  }
0x161: {  	v25 =	vcvt.f32.s32 v25;
	v19 =	vor.u32 v19, v22;
	[tilespmem:s1+$0xFFFFFF98] =	vst v18;
	(erf) = vrcp.f32 v27  }
0x162: {  	v20 =	vmul.f32 v20, v20;
	v21 =	vcvt.f32.s32 v23;
	[tilespmem:s1+$0xFFFFFF30] =	vst v19;
	v19 =	vld [tilespmem:$0x18810]  }
0x163: {  	v17 =	vmul.f32 v17, v17;
	v15 =	vmul.f32 v15, v15;
	v18 =	vshll.u32 v25, $0x10  }
0x164: {  	v20 =	vmul.f32 $-3.928347030e-03, v20;
	v22 =	vadd.f32 v28, v7;
	v18 =	vor.u32 v21, v18;
	v21 =	vld [tilespmem:$0x18810]  }
0x165: {  	v17 =	vmul.f32 $-3.928347030e-03, v17;
	v15 =	vmul.f32 $-3.928347030e-03, v15;
	[tilespmem:s1+$0x68] =	vst v18  }
0x166: {  	v20 =	vmul.f32 $1.442695020e+00, v20;
	v22 =	vadd.f32 $9.999999970e-07, v22;
	v23 =	vld [tilespmem:$0x18810]  }
0x167: {  	v17 =	vmul.f32 $1.442695020e+00, v17;
	v15 =	vmul.f32 $1.442695020e+00, v15;
	v19 =	vsub.f32 v6, v19  }
0x168: {  	v18 =	vmul.f32 $8.192000000e+03, v26;
	v24 =	vld [tilespmem:$0x18710];
	(erf) = vrcp.f32 v22  }
0x169: {  	(erf) = vpow2.f32 v15;
	v15 =	vsub.f32 v5, v21;
	v19 =	vand.u32 $0x7FFFFFFF, v19;
	v21 =	vpop (erf)  }
0x16a: {  	v19 =	vadd.f32 $1.909000020e+01, v19;
	(erf) = vpow2.f32 v20;
	v20 =	vmul.f32 $2.049999950e+00, v21;
	v21 =	vpop (erf)  }
0x16b: {  	v22 =	vsub.f32 v4, v23;
	v15 =	vand.u32 $0x7FFFFFFF, v15;
	v21 =	vmul.f32 $8.192000000e+03, v21  }
0x16c: {  	v15 =	vadd.f32 $1.909000020e+01, v15;
	v19 =	vmul.f32 v19, v19;
	v20 =	vmul.f32 $1.638400000e+04, v20  }
0x16d: {  	v23 =	vadd.f32 v24, v3;
	v22 =	vand.u32 $0x7FFFFFFF, v22;
	v21 =	vadd.f32 $5.000000000e-01, v21  }
0x16e: {  	v15 =	vmul.f32 v15, v15;
	v19 =	vmul.f32 $-3.928347030e-03, v19;
	v20 =	vadd.f32 $5.000000000e-01, v20  }
0x16f: {  	(erf) = vpow2.f32 v17;
	v17 =	vadd.f32 $1.909000020e+01, v22;
	v21 =	vmax.f32 v21, $0.0e+00  }
0x170: {  	v25 =	vld [tilespmem:$0x18750];
	v15 =	vmul.f32 $-3.928347030e-03, v15;
	v20 =	vmax.f32 v20, $0.0e+00;
	v21 =	vmin.f32 v21, $6.553500000e+04  }
0x171: {  	v22 =	vld [tilespmem:$0x18710];
	v19 =	vmul.f32 $1.442695020e+00, v19;
	v20 =	vmin.f32 v20, $6.553500000e+04;
	v21 =	vtrunc.f32 v21  }
0x172: {  	v24 =	vld [tilespmem:$0x18710];
	v23 =	vadd.f32 $9.999999970e-07, v23;
	v20 =	vtrunc.f32 v20;
	v21 =	vcvt.f32.s32 v21  }
0x173: {  	v17 =	vmul.f32 v17, v17;
	v20 =	vcvt.f32.s32 v20  }
0x174: {  	(erf) = vrcp.f32 v23;
	v23 =	vmul.f32 $1.442695020e+00, v15;
	v21 =	vshll.u32 v21, $0x10  }
0x175: {  	v15 =	vadd.f32 $5.000000000e-01, v18;
	v17 =	vmul.f32 $-3.928347030e-03, v17;
	v20 =	vor.u32 v20, v21  }
0x176: {  	v26 =	vld [tilespmem:$0x18750];
	v18 =	vadd.f32 v22, v2;
	v21 =	vadd.f32 v25, v12;
	[tilespmem:s1+$0x10] =	vst v20  }
0x177: {  	(erf) = vpow2.f32 v19;
	v19 =	vadd.f32 v24, v1;
	v17 =	vmul.f32 $1.442695020e+00, v17;
	v20 =	vld [tilespmem:$0x18820]  }
0x178: {  	v16 =	vmul.f32 $1.638400000e+04, v16;
	(erf) = vpow2.f32 v23;
	v22 =	vpop (erf);
	v18 =	vadd.f32 $9.999999970e-07, v18  }
0x179: {  	v19 =	vadd.f32 $9.999999970e-07, v19;
	v24 =	vpop (erf);
	(erf) = vpow2.f32 v17  }
0x17a: {  	v16 =	vadd.f32 $5.000000000e-01, v16;
	v17 =	vadd.f32 $9.999999970e-07, v21;
	v21 =	vpop (erf);
	(erf) = vrcp.f32 v18  }
0x17b: {  	v23 =	vadd.f32 v26, v13;
	v22 =	vmul.f32 $8.192000000e+03, v22;
	(erf) = vrcp.f32 v19  }
0x17c: {  	v16 =	vmax.f32 v16, $0.0e+00;
	(erf) = vrcp.f32 v17;
	v17 =	vsub.f32 v11, v20  }
0x17d: {  	v23 =	vadd.f32 $9.999999970e-07, v23;
	v22 =	vadd.f32 $5.000000000e-01, v22;
	v18 =	vmul.f32 $2.049999950e+00, v24;
	v24 =	vpop (erf)  }
0x17e: {  	v19 =	vmul.f32 $2.049999950e+00, v21;
	v21 =	vmul.f32 $2.049999950e+00, v24;
	v17 =	vand.u32 $0x7FFFFFFF, v17  }
0x17f: {  	v18 =	vmul.f32 $1.638400000e+04, v18;
	v24 =	vld [tilespmem:$0x18720];
	v20 =	vpop (erf);
	(erf) = vrcp.f32 v23;
	v17 =	vadd.f32 $1.909000020e+01, v17  }
0x180: {  	v22 =	vmax.f32 v22, $0.0e+00;
	v19 =	vmul.f32 $1.638400000e+04, v19;
	v20 =	vmul.f32 $8.192000000e+03, v20  }
0x181: {  	v23 =	vpop (erf);
	v21 =	vmul.f32 $1.638400000e+04, v21;
	v18 =	vadd.f32 $5.000000000e-01, v18;
	v17 =	vmul.f32 v17, v17  }
0x182: {  	v23 =	vmul.f32 $2.049999950e+00, v23;
	v25 =	vpop (erf);
	v19 =	vadd.f32 $5.000000000e-01, v19;
	v20 =	vadd.f32 $5.000000000e-01, v20  }
0x183: {  	v25 =	vmul.f32 $2.049999950e+00, v25;
	v21 =	vadd.f32 $5.000000000e-01, v21;
	v26 =	vpop (erf);
	v17 =	vmul.f32 $-3.928347030e-03, v17  }
0x184: {  	v23 =	vmul.f32 $1.638400000e+04, v23;
	v26 =	vmul.f32 $2.049999950e+00, v26;
	v24 =	vadd.f32 v24, v10  }
0x185: {  	v20 =	vmax.f32 v20, $0.0e+00;
	v25 =	vmul.f32 $1.638400000e+04, v25;
	v17 =	vmul.f32 $1.442695020e+00, v17  }
0x186: {  	v20 =	vmin.f32 v20, $6.553500000e+04;
	v27 =	vpop (erf);
	v26 =	vmul.f32 $1.638400000e+04, v26;
	v24 =	vadd.f32 $9.999999970e-07, v24  }
0x187: {  	v27 =	vmul.f32 $8.192000000e+03, v27;
	v25 =	vadd.f32 $5.000000000e-01, v25;
	(erf) = vpow2.f32 v17  }
0x188: {  	v23 =	vadd.f32 $5.000000000e-01, v23;
	v28 =	vpop (erf);
	v20 =	vtrunc.f32 v20;
	(erf) = vrcp.f32 v24  }
0x189: {  	v28 =	vmul.f32 $8.192000000e+03, v28;
	v20 =	vcvt.f32.s32 v20;
	v25 =	vmax.f32 v25, $0.0e+00  }
0x18a: {  	v27 =	vadd.f32 $5.000000000e-01, v27;
	v25 =	vmin.f32 v25, $6.553500000e+04;
	v17 =	vmax.f32 v23, $0.0e+00  }
0x18b: {  	v23 =	vadd.f32 $5.000000000e-01, v28;
	v25 =	vtrunc.f32 v25;
	v24 =	vadd.f32 $5.000000000e-01, v26  }
0x18c: {  	v26 =	vmax.f32 v27, $0.0e+00;
	v17 =	vmin.f32 v17, $6.553500000e+04;
	v25 =	vcvt.f32.s32 v25  }
0x18d: {  	v23 =	vmax.f32 v23, $0.0e+00;
	v26 =	vmin.f32 v26, $6.553500000e+04;
	v17 =	vtrunc.f32 v17  }
0x18e: {  	v27 =	vpop (erf);
	v24 =	vmax.f32 v24, $0.0e+00;
	v23 =	vmin.f32 v23, $6.553500000e+04;
	v26 =	vtrunc.f32 v26  }
0x18f: {  	v28 =	vpop (erf);
	v17 =	vcvt.f32.s32 v17;
	v23 =	vtrunc.f32 v23;
	v24 =	vmin.f32 v24, $6.553500000e+04  }
0x190: {  	v20 =	vshll.u32 v20, $0x10;
	v26 =	vcvt.f32.s32 v26;
	v24 =	vtrunc.f32 v24;
	v29 =	vpop (erf)  }
0x191: {  	v23 =	vcvt.f32.s32 v23;
	v17 =	vor.u32 v17, v20;
	v29 =	vmul.f32 $2.049999950e+00, v29;
	v30 =	vpop (erf)  }
0x192: {  	v24 =	vcvt.f32.s32 v24;
	v26 =	vshll.u32 v26, $0x10;
	v20 =	vmul.f32 $8.192000000e+03, v30  }
0x193: {  	[tilespmem:s1+$0xFFFFFFA8] =	vst v17;
	v23 =	vshll.u32 v23, $0x10;
	v25 =	vor.u32 v25, v26;
	v17 =	vmul.f32 $1.638400000e+04, v29  }
0x194: {  	v18 =	vmax.f32 v18, $0.0e+00;
	v23 =	vor.u32 v24, v23;
	[tilespmem:s1+$0xFFFFFF40] =	vst v25;
	v24 =	vld [tilespmem:$0x18820];
	v20 =	vadd.f32 $5.000000000e-01, v20  }
0x195: {  	v19 =	vmax.f32 v19, $0.0e+00;
	v18 =	vmin.f32 v18, $6.553500000e+04;
	v26 =	vld [tilespmem:$0x18820];
	[tilespmem:s1+$0x78] =	vst v23;
	v17 =	vadd.f32 $5.000000000e-01, v17  }
0x196: {  	v21 =	vmax.f32 v21, $0.0e+00;
	v19 =	vmin.f32 v19, $6.553500000e+04;
	v23 =	vld [tilespmem:$0x18820];
	v20 =	vmax.f32 v20, $0.0e+00  }
0x197: {  	v21 =	vmin.f32 v21, $6.553500000e+04;
	v17 =	vmax.f32 v17, $0.0e+00;
	v20 =	vmin.f32 v20, $6.553500000e+04  }
0x198: {  	v19 =	vtrunc.f32 v19;
	v17 =	vmin.f32 v17, $6.553500000e+04;
	v20 =	vtrunc.f32 v20  }
0x199: {  	v24 =	vsub.f32 v6, v24;
	v17 =	vtrunc.f32 v17;
	v20 =	vcvt.f32.s32 v20  }
0x19a: {  	v21 =	vtrunc.f32 v21;
	v26 =	vsub.f32 v5, v26;
	v17 =	vcvt.f32.s32 v17  }
0x19b: {  	v24 =	vand.u32 $0x7FFFFFFF, v24;
	v23 =	vsub.f32 v4, v23;
	v20 =	vshll.u32 v20, $0x10  }
0x19c: {  	v26 =	vand.u32 $0x7FFFFFFF, v26;
	v24 =	vadd.f32 $1.909000020e+01, v24;
	v17 =	vor.u32 v17, v20  }
0x19d: {  	v25 =	vmul.f32 $8.192000000e+03, v27;
	v23 =	vand.u32 $0x7FFFFFFF, v23;
	v26 =	vadd.f32 $1.909000020e+01, v26;
	[tilespmem:s1+$0x20] =	vst v17  }
0x19e: {  	v17 =	vtrunc.f32 v18;
	v18 =	vadd.f32 $1.909000020e+01, v23;
	v23 =	vmul.f32 v24, v24;
	v24 =	vld [tilespmem:$0x18830]  }
0x19f: {  	v22 =	vmin.f32 v22, $6.553500000e+04;
	v27 =	vmul.f32 $8.192000000e+03, v28;
	v26 =	vmul.f32 v26, v26  }
0x1a0: {  	v28 =	vld [tilespmem:$0x18720];
	v25 =	vadd.f32 $5.000000000e-01, v25;
	v18 =	vmul.f32 v18, v18;
	v23 =	vmul.f32 $-3.928347030e-03, v23  }
0x1a1: {  	v27 =	vadd.f32 $5.000000000e-01, v27;
	v20 =	vtrunc.f32 v22;
	v22 =	vld [tilespmem:$0x18720];
	v26 =	vmul.f32 $-3.928347030e-03, v26  }
0x1a2: {  	v29 =	vld [tilespmem:$0x18720];
	v25 =	vmax.f32 v25, $0.0e+00;
	v18 =	vmul.f32 $-3.928347030e-03, v18;
	v23 =	vmul.f32 $1.442695020e+00, v23  }
0x1a3: {  	v27 =	vmax.f32 v27, $0.0e+00;
	v26 =	vmul.f32 $1.442695020e+00, v26;
	v24 =	vsub.f32 v11, v24  }
0x1a4: {  	v25 =	vmin.f32 v25, $6.553500000e+04;
	v18 =	vmul.f32 $1.442695020e+00, v18;
	(erf) = vpow2.f32 v23  }
0x1a5: {  	v28 =	vadd.f32 v28, v3;
	(erf) = vpow2.f32 v26;
	v24 =	vand.u32 $0x7FFFFFFF, v24  }
0x1a6: {  	v22 =	vadd.f32 v22, v2;
	(erf) = vpow2.f32 v18;
	v18 =	vadd.f32 $1.909000020e+01, v24  }
0x1a7: {  	v25 =	vtrunc.f32 v25;
	v29 =	vadd.f32 v29, v1;
	v23 =	vadd.f32 $9.999999970e-07, v28;
	v24 =	vld [tilespmem:$0x18730]  }
0x1a8: {  	v20 =	vcvt.f32.s32 v20;
	v22 =	vadd.f32 $9.999999970e-07, v22;
	v18 =	vmul.f32 v18, v18  }
0x1a9: {  	v17 =	vcvt.f32.s32 v17;
	(erf) = vrcp.f32 v23;
	v23 =	vadd.f32 $9.999999970e-07, v29  }
0x1aa: {  	v26 =	vmin.f32 v27, $6.553500000e+04;
	(erf) = vrcp.f32 v22;
	v18 =	vmul.f32 $-3.928347030e-03, v18  }
0x1ab: {  	v20 =	vshll.u32 v20, $0x10;
	v22 =	vtrunc.f32 v26;
	(erf) = vrcp.f32 v23  }
0x1ac: {  	v23 =	vcvt.f32.s32 v25;
	v24 =	vadd.f32 v24, v10;
	v18 =	vmul.f32 $1.442695020e+00, v18  }
0x1ad: {  	v19 =	vcvt.f32.s32 v19;
	v17 =	vor.u32 v17, v20;
	v22 =	vcvt.f32.s32 v22;
	v25 =	vpop (erf)  }
0x1ae: {  	v24 =	vadd.f32 $9.999999970e-07, v24;
	v25 =	vmul.f32 $2.049999950e+00, v25;
	v26 =	vpop (erf);
	(erf) = vpow2.f32 v18  }
0x1af: {  	v18 =	vcvt.f32.s32 v21;
	v21 =	vshll.u32 v23, $0x10;
	v20 =	vmul.f32 $2.049999950e+00, v26  }
0x1b0: {  	v23 =	vpop (erf);
	(erf) = vrcp.f32 v24;
	v19 =	vor.u32 v19, v21;
	v21 =	vmul.f32 $1.638400000e+04, v25  }
0x1b1: {  	v16 =	vmin.f32 v16, $6.553500000e+04;
	v23 =	vmul.f32 $2.049999950e+00, v23  }
0x1b2: {  	v22 =	vshll.u32 v22, $0x10;
	v20 =	vmul.f32 $1.638400000e+04, v20;
	v24 =	vpop (erf);
	v21 =	vadd.f32 $5.000000000e-01, v21  }
0x1b3: {  	v18 =	vor.u32 v18, v22;
	v23 =	vmul.f32 $1.638400000e+04, v23;
	v24 =	vmul.f32 $8.192000000e+03, v24;
	v25 =	vpop (erf)  }
0x1b4: {  	v20 =	vadd.f32 $5.000000000e-01, v20;
	v22 =	vmul.f32 $8.192000000e+03, v25;
	v25 =	vpop (erf);
	v21 =	vmax.f32 v21, $0.0e+00  }
0x1b5: {  	v23 =	vadd.f32 $5.000000000e-01, v23;
	v24 =	vadd.f32 $5.000000000e-01, v24;
	v25 =	vmul.f32 $8.192000000e+03, v25  }
0x1b6: {  	v20 =	vmax.f32 v20, $0.0e+00;
	v21 =	vmin.f32 v21, $6.553500000e+04;
	v22 =	vadd.f32 $5.000000000e-01, v22  }
0x1b7: {  	v23 =	vmax.f32 v23, $0.0e+00;
	v20 =	vmin.f32 v20, $6.553500000e+04;
	v21 =	vtrunc.f32 v21  }
0x1b8: {  	v24 =	vmax.f32 v24, $0.0e+00;
	v25 =	vadd.f32 $5.000000000e-01, v25;
	v20 =	vtrunc.f32 v20;
	v26 =	vpop (erf)  }
0x1b9: {  	v21 =	vcvt.f32.s32 v21;
	v22 =	vmax.f32 v22, $0.0e+00;
	v26 =	vmul.f32 $2.049999950e+00, v26;
	v27 =	vpop (erf)  }
0x1ba: {  	[tilespmem:s10+$0xFFFFFFE8] =	vst v17;
	v24 =	vmin.f32 v24, $6.553500000e+04;
	v17 =	vcvt.f32.s32 v20;
	v27 =	vmul.f32 $8.192000000e+03, v27  }
0x1bb: {  	v22 =	vmin.f32 v22, $6.553500000e+04;
	v24 =	vtrunc.f32 v24;
	v26 =	vmul.f32 $1.638400000e+04, v26  }
0x1bc: {  	v22 =	vtrunc.f32 v22;
	v24 =	vcvt.f32.s32 v24;
	v27 =	vadd.f32 $5.000000000e-01, v27  }
0x1bd: {  	v25 =	vmax.f32 v25, $0.0e+00;
	v22 =	vcvt.f32.s32 v22;
	v26 =	vadd.f32 $5.000000000e-01, v26  }
0x1be: {  	[tilespmem:s10+$0xFFFFFF80] =	vst v19;
	v25 =	vmin.f32 v25, $6.553500000e+04;
	v24 =	vshll.u32 v24, $0x10;
	v27 =	vmax.f32 v27, $0.0e+00  }
0x1bf: {  	v19 =	vld [tilespmem:$0x18860];
	[tilespmem:s10+$0xB8] =	vst v18;
	v18 =	vshll.u32 v22, $0x10;
	v26 =	vmax.f32 v26, $0.0e+00;
	v27 =	vmin.f32 v27, $6.553500000e+04  }
0x1c0: {  	v21 =	vor.u32 v21, v24;
	v20 =	vmin.f32 v26, $6.553500000e+04;
	v26 =	vtrunc.f32 v27  }
0x1c1: {  	v17 =	vor.u32 v17, v18;
	[tilespmem:s1+$0xFFFFFFB8] =	vst v21;
	v20 =	vtrunc.f32 v20;
	v26 =	vcvt.f32.s32 v26  }
0x1c2: {  	v23 =	vmin.f32 v23, $6.553500000e+04;
	v24 =	vtrunc.f32 v25;
	[tilespmem:s1+$0xFFFFFF50] =	vst v17;
	v17 =	vld [tilespmem:$0x18830];
	v20 =	vcvt.f32.s32 v20  }
0x1c3: {  	v22 =	vld [tilespmem:$0x18860];
	v21 =	vtrunc.f32 v23;
	v23 =	vcvt.f32.s32 v24;
	v18 =	vshll.u32 v26, $0x10  }
0x1c4: {  	v14 =	vsub.f32 v14, v19;
	v27 =	vld [tilespmem:$0x18860];
	v18 =	vor.u32 v20, v18;
	v20 =	vcvt.f32.s32 v21  }
0x1c5: {  	v16 =	vtrunc.f32 v16;
	v15 =	vmax.f32 v15, $0.0e+00;
	v23 =	vshll.u32 v23, $0x10;
	v21 =	vld [tilespmem:$0x18830];
	[tilespmem:s1+$0x30] =	vst v18  }
0x1c6: {  	v15 =	vmin.f32 v15, $6.553500000e+04;
	v14 =	vand.u32 $0x7FFFFFFF, v14;
	v24 =	vld [tilespmem:$0x18840];
	v19 =	vor.u32 v20, v23  }
0x1c7: {  	v15 =	vtrunc.f32 v15;
	v14 =	vadd.f32 $1.909000020e+01, v14;
	v17 =	vsub.f32 v6, v17;
	[tilespmem:s1+$0x88] =	vst v19  }
0x1c8: {  	v16 =	vcvt.f32.s32 v16;
	v15 =	vcvt.f32.s32 v15;
	v19 =	vld [tilespmem:$0x18830]  }
0x1c9: {  	v14 =	vmul.f32 v14, v14;
	v8 =	vsub.f32 v8, v27;
	v17 =	vand.u32 $0x7FFFFFFF, v17  }
0x1ca: {  	v15 =	vshll.u32 v15, $0x10;
	v17 =	vadd.f32 $1.909000020e+01, v17;
	v20 =	vsub.f32 v5, v21  }
0x1cb: {  	v14 =	vmul.f32 $-3.928347030e-03, v14;
	v9 =	vsub.f32 v9, v22;
	v21 =	vsub.f32 v11, v24  }
0x1cc: {  	v8 =	vand.u32 $0x7FFFFFFF, v8;
	v17 =	vmul.f32 v17, v17;
	v20 =	vand.u32 $0x7FFFFFFF, v20  }
0x1cd: {  	v20 =	vadd.f32 $1.909000020e+01, v20;
	v21 =	vand.u32 $0x7FFFFFFF, v21;
	v19 =	vsub.f32 v4, v19  }
0x1ce: {  	v9 =	vand.u32 $0x7FFFFFFF, v9;
	v22 =	vld [tilespmem:$0x18740];
	v8 =	vadd.f32 $1.909000020e+01, v8;
	v21 =	vadd.f32 $1.909000020e+01, v21  }
0x1cf: {  	v23 =	vld [tilespmem:$0x18760];
	v17 =	vmul.f32 $-3.928347030e-03, v17;
	v20 =	vmul.f32 v20, v20;
	v19 =	vand.u32 $0x7FFFFFFF, v19  }
0x1d0: {  	v8 =	vmul.f32 v8, v8;
	v24 =	vld [tilespmem:$0x18730];
	v21 =	vmul.f32 v21, v21;
	v25 =	vadd.f32 $1.909000020e+01, v19  }
0x1d1: {  	v20 =	vmul.f32 $-3.928347030e-03, v20;
	v19 =	vor.u32 v16, v15;
	v15 =	vld [tilespmem:$0x18730];
	v16 =	vmul.f32 $1.442695020e+00, v17  }
0x1d2: {  	v9 =	vadd.f32 $1.909000020e+01, v9;
	v17 =	vmul.f32 $-3.928347030e-03, v21;
	v25 =	vmul.f32 v25, v25  }
0x1d3: {  	v22 =	vadd.f32 v22, v10;
	v20 =	vmul.f32 $1.442695020e+00, v20;
	(erf) = vpow2.f32 v16  }
0x1d4: {  	v23 =	vadd.f32 v23, v7;
	v21 =	vld [tilespmem:$0x18730];
	v7 =	vmul.f32 $1.442695020e+00, v17;
	v16 =	vmul.f32 $-3.928347030e-03, v25  }
0x1d5: {  	v17 =	vadd.f32 $9.999999970e-07, v22;
	(erf) = vpow2.f32 v20;
	v20 =	vadd.f32 v24, v3  }
0x1d6: {  	(erf) = vpow2.f32 v7;
	v7 =	vadd.f32 v15, v2;
	v15 =	vmul.f32 $1.442695020e+00, v16  }
0x1d7: {  	v9 =	vmul.f32 v9, v9;
	(erf) = vrcp.f32 v17;
	v17 =	vadd.f32 $9.999999970e-07, v20  }
0x1d8: {  	v8 =	vmul.f32 $-3.928347030e-03, v8;
	v7 =	vadd.f32 $9.999999970e-07, v7;
	(erf) = vpow2.f32 v15  }
0x1d9: {  	s10 =	simm.s32 $0x8;
	v9 =	vmul.f32 $-3.928347030e-03, v9;
	v16 =	vadd.f32 v21, v1;
	(erf) = vrcp.f32 v17  }
0x1da: {  	v8 =	vmul.f32 $1.442695020e+00, v8;
	(erf) = vrcp.f32 v7;
	v7 =	vmov s10  }
0x1db: {  	v15 =	vadd.f32 $9.999999970e-07, v16;
	v17 =	vmul.f32 $1.442695020e+00, v9;
	v9 =	vand.u32 $0xFFFFFFFC, v7  }
0x1dc: {  	v14 =	vmul.f32 $1.442695020e+00, v14  }
0x1dd: {  	v16 =	vld [tilespmem:$0x18760];
	(erf) = vrcp.f32 v15  }
0x1de: {  	v15 =	vld [tilespmem:$0x18760];
	(erf) = vpow2.f32 v14;
	v24 =	vbroadcast v9, $0x0;
	v9 =	vpop (erf)  }
0x1df: {  	v14 =	vadd.f32 $9.999999970e-07, v23;
	(erf) = vpow2.f32 v8;
	v20 =	vmul.f32 $2.049999950e+00, v9;
	v8 =	vpop (erf)  }
0x1e0: {  	(erf) = vpow2.f32 v17;
	v17 =	vmul.f32 $2.049999950e+00, v8;
	v21 =	vpop (erf)  }
0x1e1: {  	(erf) = vrcp.f32 v14;
	v14 =	vmul.f32 $2.049999950e+00, v21;
	v21 =	vpop (erf)  }
0x1e2: {  	v12 =	vadd.f32 v16, v12;
	v16 =	vmul.f32 $1.638400000e+04, v20;
	v20 =	vmul.f32 $8.192000000e+03, v21  }
0x1e3: {  	v13 =	vadd.f32 v15, v13;
	v15 =	vmul.f32 $1.638400000e+04, v17;
	v14 =	vmul.f32 $1.638400000e+04, v14  }
0x1e4: {  	v16 =	vadd.f32 $5.000000000e-01, v16;
	v17 =	vpop (erf);
	v20 =	vadd.f32 $5.000000000e-01, v20  }
0x1e5: {  	v15 =	vadd.f32 $5.000000000e-01, v15;
	v17 =	vmul.f32 $2.049999950e+00, v17;
	v21 =	vpop (erf);
	v14 =	vadd.f32 $5.000000000e-01, v14  }
0x1e6: {  	v16 =	vmax.f32 v16, $0.0e+00;
	v21 =	vmul.f32 $8.192000000e+03, v21;
	v22 =	vpop (erf);
	v20 =	vmax.f32 v20, $0.0e+00  }
0x1e7: {  	v15 =	vmax.f32 v15, $0.0e+00;
	v16 =	vmin.f32 v16, $6.553500000e+04;
	v22 =	vmul.f32 $8.192000000e+03, v22  }
0x1e8: {  	v17 =	vmul.f32 $1.638400000e+04, v17;
	v23 =	vpop (erf);
	v14 =	vmax.f32 v14, $0.0e+00;
	v20 =	vmin.f32 v20, $6.553500000e+04  }
0x1e9: {  	v15 =	vmin.f32 v15, $6.553500000e+04;
	v16 =	vtrunc.f32 v16;
	v23 =	vmul.f32 $8.192000000e+03, v23  }
0x1ea: {  	v14 =	vmin.f32 v14, $6.553500000e+04;
	v20 =	vtrunc.f32 v20;
	v15 =	vtrunc.f32 v15  }
0x1eb: {  	v14 =	vtrunc.f32 v14;
	v20 =	vcvt.f32.s32 v20  }
0x1ec: {  	v21 =	vadd.f32 $5.000000000e-01, v21;
	v16 =	vcvt.f32.s32 v16;
	v14 =	vcvt.f32.s32 v14  }
0x1ed: {  	v22 =	vadd.f32 $5.000000000e-01, v22;
	v17 =	vadd.f32 $5.000000000e-01, v17;
	v20 =	vshll.u32 v20, $0x10  }
0x1ee: {  	v15 =	vcvt.f32.s32 v15;
	v23 =	vadd.f32 $5.000000000e-01, v23;
	v14 =	vor.u32 v14, v20  }
0x1ef: {  	v21 =	vmax.f32 v21, $0.0e+00;
	v22 =	vmax.f32 v22, $0.0e+00;
	v17 =	vmax.f32 v17, $0.0e+00;
	[tilespmem:s1+$0x40] =	vst v14  }
0x1f0: {  	v23 =	vmax.f32 v23, $0.0e+00;
	v20 =	vmin.f32 v22, $6.553500000e+04;
	v17 =	vmin.f32 v17, $6.553500000e+04;
	v22 =	vld [tilespmem:$0x18850]  }
0x1f1: {  	v14 =	vmin.f32 v21, $6.553500000e+04;
	v20 =	vtrunc.f32 v20;
	v17 =	vtrunc.f32 v17  }
0x1f2: {  	v21 =	vmin.f32 v23, $6.553500000e+04;
	v14 =	vtrunc.f32 v14;
	v20 =	vcvt.f32.s32 v20  }
0x1f3: {  	v21 =	vtrunc.f32 v21;
	v14 =	vcvt.f32.s32 v14  }
0x1f4: {  	v17 =	vcvt.f32.s32 v17;
	v21 =	vcvt.f32.s32 v21;
	v20 =	vshll.u32 v20, $0x10  }
0x1f5: {  	v14 =	vshll.u32 v14, $0x10;
	v15 =	vor.u32 v15, v20;
	v22 =	vsub.f32 v11, v22  }
0x1f6: {  	s9 =	simm.s32 $0x130;
	v21 =	vshll.u32 v21, $0x10;
	v14 =	vor.u32 v16, v14;
	[tilespmem:s1+$0xFFFFFF60] =	vst v15  }
0x1f7: {  	v18 =	vor.u32 s9, v0;
	s9 =	simm.s32 $0x9;
	v23 =	vpop (erf);
	v20 =	vld [tilespmem:$0x18750];
	[tilespmem:s1+$0xFFFFFFC8] =	vst v14;
	v14 =	vor.u32 v17, v21;
	v22 =	vand.u32 $0x7FFFFFFF, v22  }
0x1f8: {  	v17 =	vmul.f32 $2.049999950e+00, v23;
	v21 =	vmov s9;
	v23 =	vld [tilespmem:$0x18840];
	v16 =	vadd.f32 $1.909000020e+01, v22  }
0x1f9: {  	v12 =	vadd.f32 $9.999999970e-07, v12;
	v15 =	vld [tilespmem:$0x18840];
	[tilespmem:s1+$0x98] =	vst v14;
	v21 =	vand.u32 $0xFFFFFFFD, v21  }
0x1fa: {  	v26 =	vbroadcast v21, $0x0;
	v21 =	vld [tilespmem:$0x18740];
	v16 =	vmul.f32 v16, v16  }
0x1fb: {  	v13 =	vadd.f32 $9.999999970e-07, v13;
	(erf) = vrcp.f32 v12  }
0x1fc: {  	v27 =	vld [tilespmem:$0x18740];
	v17 =	vmul.f32 $1.638400000e+04, v17;
	v20 =	vadd.f32 v20, v10;
	v22 =	vpop (erf);
	v16 =	vmul.f32 $-3.928347030e-03, v16  }
0x1fd: {  	(erf) = vrcp.f32 v13;
	v14 =	vmul.f32 $2.049999950e+00, v22;
	v22 =	vld [tilespmem:$0x18840]  }
0x1fe: {  	v28 =	vld [tilespmem:$0x18740];
	v20 =	vadd.f32 $9.999999970e-07, v20;
	v12 =	vpop (erf);
	v15 =	vsub.f32 v6, v15;
	v16 =	vmul.f32 $1.442695020e+00, v16  }
0x1ff: {  	v23 =	vsub.f32 v5, v23;
	v13 =	vpop (erf);
	v12 =	vmul.f32 $2.049999950e+00, v12;
	v21 =	vadd.f32 v21, v1  }
0x200: {  	v13 =	vmul.f32 $8.192000000e+03, v13;
	v15 =	vand.u32 $0x7FFFFFFF, v15;
	(erf) = vpow2.f32 v16  }
0x201: {  	v14 =	vmul.f32 $1.638400000e+04, v14;
	v15 =	vadd.f32 $1.909000020e+01, v15;
	v16 =	vadd.f32 $5.000000000e-01, v17  }
0x202: {  	v17 =	vsub.f32 v4, v22;
	v22 =	vadd.f32 v27, v3;
	(erf) = vrcp.f32 v20  }
0x203: {  	v15 =	vmul.f32 v15, v15;
	v20 =	vand.u32 $0x7FFFFFFF, v23;
	v23 =	vadd.f32 v28, v2  }
0x204: {  	v20 =	vadd.f32 $1.909000020e+01, v20;
	v17 =	vand.u32 $0x7FFFFFFF, v17;
	v22 =	vadd.f32 $9.999999970e-07, v22  }
0x205: {  	s24 =	simm.s32 $0xB;
	v12 =	vmul.f32 $1.638400000e+04, v12;
	v17 =	vadd.f32 $1.909000020e+01, v17;
	v23 =	vadd.f32 $9.999999970e-07, v23  }
0x206: {  	v25 =	vmov s24;
	v15 =	vmul.f32 $-3.928347030e-03, v15;
	v20 =	vmul.f32 v20, v20  }
0x207: {  	v21 =	vadd.f32 $9.999999970e-07, v21;
	v27 =	vpop (erf);
	(erf) = vrcp.f32 v22;
	v17 =	vmul.f32 v17, v17  }
0x208: {  	v13 =	vadd.f32 $5.000000000e-01, v13;
	v15 =	vmul.f32 $1.442695020e+00, v15;
	(erf) = vrcp.f32 v23;
	v22 =	vpop (erf)  }
0x209: {  	v14 =	vadd.f32 $5.000000000e-01, v14;
	v20 =	vmul.f32 $-3.928347030e-03, v20;
	v17 =	vmul.f32 $-3.928347030e-03, v17;
	v23 =	vpop (erf)  }
0x20a: {  	v12 =	vadd.f32 $5.000000000e-01, v12;
	(erf) = vpow2.f32 v15;
	v23 =	vmul.f32 $2.049999950e+00, v23  }
0x20b: {  	v15 =	vmax.f32 v14, $0.0e+00;
	v20 =	vmul.f32 $1.442695020e+00, v20;
	v28 =	vmul.f32 $1.442695020e+00, v17;
	v29 =	vpop (erf)  }
0x20c: {  	v17 =	vmax.f32 v16, $0.0e+00;
	v29 =	vmul.f32 $8.192000000e+03, v29;
	v14 =	vmul.f32 $1.638400000e+04, v23  }
0x20d: {  	v16 =	vmax.f32 v12, $0.0e+00;
	(erf) = vpow2.f32 v20;
	v20 =	vmul.f32 $8.192000000e+03, v27  }
0x20e: {  	(erf) = vpow2.f32 v28;
	v12 =	vadd.f32 $5.000000000e-01, v29;
	v23 =	vadd.f32 $5.000000000e-01, v14  }
0x20f: {  	v13 =	vmax.f32 v13, $0.0e+00;
	(erf) = vrcp.f32 v21;
	v21 =	vmul.f32 $8.192000000e+03, v22  }
0x210: {  	v22 =	vpop (erf);
	v14 =	vmin.f32 v13, $6.553500000e+04;
	v12 =	vmax.f32 v12, $0.0e+00;
	v13 =	vmax.f32 v23, $0.0e+00  }
0x211: {  	s20 =	simm.s32 $0x60;
	v22 =	vmul.f32 $8.192000000e+03, v22;
	v12 =	vmin.f32 v12, $6.553500000e+04;
	v13 =	vmin.f32 v13, $6.553500000e+04  }
0x212: {  	v7 =	vor.u32 s20, v0;
	v12 =	vtrunc.f32 v12;
	v13 =	vtrunc.f32 v13  }
0x213: {  	v20 =	vadd.f32 $5.000000000e-01, v20;
	v12 =	vcvt.f32.s32 v12;
	v23 =	vpop (erf);
	v13 =	vcvt.f32.s32 v13  }
0x214: {  	s23 =	simm.s32 $0xC8;
	v21 =	vadd.f32 $5.000000000e-01, v21;
	v22 =	vadd.f32 $5.000000000e-01, v22;
	v23 =	vmul.f32 $8.192000000e+03, v23  }
0x215: {  	v9 =	vadd.s32 s23, v0;
	v20 =	vmax.f32 v20, $0.0e+00;
	v27 =	vshll.u32 v12, $0x10  }
0x216: {  	s4 =	simm.s32 $0x198;
	v28 =	vpop (erf);
	v12 =	vmin.f32 v20, $6.553500000e+04;
	v20 =	vmax.f32 v21, $0.0e+00;
	v21 =	vadd.f32 $5.000000000e-01, v23  }
0x217: {  	v8 =	vadd.s32 s4, v0;
	v23 =	vmul.f32 $2.049999950e+00, v28;
	v27 =	vor.u32 v13, v27;
	v13 =	vpop (erf)  }
0x218: {  	v29 =	vmax.f32 v22, $0.0e+00;
	[tilespmem:s1+$0x50] =	vst v27;
	v21 =	vmax.f32 v21, $0.0e+00;
	v28 =	vmul.f32 $2.049999950e+00, v13;
	v22 =	vpop (erf)  }
0x219: {  	[tilespmem:v18+s22+$0x0] =	vst.idx.msk $0xff, v19;
	v23 =	vmul.f32 $1.638400000e+04, v23;
	v18 =	vld [tilespmem:$0x18860];
	v13 =	vmin.f32 v20, $6.553500000e+04;
	v30 =	vmul.f32 $2.049999950e+00, v22;
	v31 =	vpop (erf)  }
0x21a: {  	s8 =	simm.s32 $0xA;
	v20 =	vmin.f32 v29, $6.553500000e+04;
	v22 =	vmul.f32 $1.638400000e+04, v28;
	v27 =	vmul.f32 $8.192000000e+03, v31  }
0x21b: {  	s20 =	simm.s32 $0x18AF0;
	s23 =	simm.s32 $0xC;
	v21 =	vmin.f32 v21, $6.553500000e+04;
	v19 =	vadd.f32 $5.000000000e-01, v23;
	v28 =	vmul.f32 $1.638400000e+04, v30  }
.LBB2_2:
0x21c: {  	p0 =	slt.u32 s23, $0x64;
	v23 =	vmov s8;
	v22 =	vadd.f32 $5.000000000e-01, v22;
	v27 =	vadd.f32 $5.000000000e-01, v27  }
0x21d: {  	v23 =	vand.u32 $0xFFFFFFFE, v23;
	v19 =	vmax.f32 v19, $0.0e+00;
	v28 =	vadd.f32 $5.000000000e-01, v28  }
0x21e: {  	v23 =	vbroadcast v23, $0x0;
	v11 =	vsub.f32 v11, v18;
	v18 =	vmax.f32 v27, $0.0e+00  }
0x21f: {  	v22 =	vmax.f32 v22, $0.0e+00;
	v27 =	vmax.f32 v28, $0.0e+00;
	v28 =	vmin.f32 v18, $6.553500000e+04  }
0x220: {  	v29 =	vmin.f32 v19, $6.553500000e+04;
	v22 =	vmin.f32 v22, $6.553500000e+04;
	v18 =	vld.idx.msk [tilespmem:v25+s21+$0x0], $0xffff;
	v11 =	vand.u32 $0x7FFFFFFF, v11  }
0x221: {  	v30 =	vtrunc.f32 v20;
	v32 =	vmin.f32 v27, $6.553500000e+04;
	v11 =	vadd.f32 $1.909000020e+01, v11;
	v31 =	vld [tilespmem:$0x18760]  }
0x222: {  	v33 =	vtrunc.f32 v21;
	v34 =	vtrunc.f32 v28;
	v27 =	vmin.f32 v17, $6.553500000e+04;
	v19 =	vld.idx.msk [tilespmem:v24+s21+$0x0], $0xffff  }
0x223: {  	v17 =	vtrunc.f32 v29;
	v28 =	vmin.f32 v15, $6.553500000e+04;
	v20 =	vld.idx.msk [tilespmem:v26+s21+$0x0], $0xffff;
	v29 =	vmul.f32 v11, v11  }
0x224: {  	v21 =	vmin.f32 v16, $6.553500000e+04;
	v15 =	vtrunc.f32 v22;
	v22 =	vtrunc.f32 v32;
	v11 =	vld.idx.msk [tilespmem:v23+s21+$0x0], $0xffff  }
0x225: {  	v16 =	vcvt.f32.s32 v30;
	v32 =	vld [tilespmem:$0x18800];
	v29 =	vmul.f32 $-3.928347030e-03, v29  }
0x226: {  	v30 =	vcvt.f32.s32 v33;
	v10 =	vadd.f32 v31, v10;
	v31 =	vcvt.f32.s32 v34  }
0x227: {  	v33 =	vcvt.f32.s32 v17;
	v34 =	vshll.u32 v16, $0x10;
	v17 =	vmul.f32 $1.442695020e+00, v29  }
0x228: {  	v22 =	vcvt.f32.s32 v22;
	v29 =	vcvt.f32.s32 v15;
	v10 =	vadd.f32 $9.999999970e-07, v10  }
0x229: {  	v16 =	vld.idx.msk [tilespmem:v25+s19+$0x0], $0xffff;
	v25 =	vshll.u32 v30, $0x10;
	v30 =	vshll.u32 v31, $0x10;
	(erf) = vpow2.f32 v17  }
0x22a: {  	v15 =	vld.idx.msk [tilespmem:v24+s19+$0x0], $0xffff;
	v24 =	vsub.f32 v20, v32;
	v31 =	vsub.f32 v11, v32;
	(erf) = vrcp.f32 v10  }
0x22b: {  	v35 =	vsub.f32 v19, v32;
	v17 =	vld.idx.msk [tilespmem:v26+s19+$0x0], $0xffff;
	v26 =	vsub.f32 v18, v32;
	v32 =	vor.u32 v33, v34  }
0x22c: {  	v25 =	vor.u32 v29, v25;
	v24 =	vand.u32 $0x7FFFFFFF, v24;
	v10 =	vld.idx.msk [tilespmem:v23+s19+$0x0], $0xffff;
	v23 =	vand.u32 $0x7FFFFFFF, v31;
	[tilespmem:s1+$0xFFFFFFD8] =	vst v32  }
0x22d: {  	v29 =	vand.u32 $0x7FFFFFFF, v35;
	v31 =	vld [tilespmem:$0x18700];
	v23 =	vadd.f32 $1.909000020e+01, v23;
	v26 =	vand.u32 $0x7FFFFFFF, v26;
	[tilespmem:s1+$0xFFFFFF70] =	vst v25  }
0x22e: {  	v22 =	vor.u32 v22, v30;
	v25 =	vadd.f32 $1.909000020e+01, v29;
	v24 =	vadd.f32 $1.909000020e+01, v24;
	v29 =	vld [tilespmem:$0x18850]  }
0x22f: {  	v26 =	vadd.f32 $1.909000020e+01, v26;
	v23 =	vmul.f32 v23, v23;
	v30 =	vld [tilespmem:$0x18850];
	[tilespmem:s1+$0xA8] =	vst v22;
	v22 =	vtrunc.f32 v14  }
0x230: {  	v14 =	vmul.f32 v25, v25;
	v24 =	vmul.f32 v24, v24;
	v25 =	vld [tilespmem:$0x18850]  }
0x231: {  	v26 =	vmul.f32 v26, v26;
	v23 =	vmul.f32 $-3.928347030e-03, v23;
	v32 =	vld [tilespmem:$0x18750]  }
0x232: {  	v14 =	vmul.f32 $-3.928347030e-03, v14;
	v24 =	vmul.f32 $-3.928347030e-03, v24;
	v33 =	vadd.f32 v10, v31;
	v34 =	vld [tilespmem:$0x18750];
	v35 =	vpop (erf)  }
0x233: {  	v36 =	vadd.f32 v17, v31;
	v37 =	vmul.f32 $1.442695020e+00, v23;
	v35 =	vmul.f32 $2.049999950e+00, v35;
	v23 =	vld [tilespmem:$0x18750];
	v38 =	vpop (erf)  }
0x234: {  	v26 =	vmul.f32 $-3.928347030e-03, v26;
	v33 =	vadd.f32 $9.999999970e-07, v33;
	v38 =	vmul.f32 $8.192000000e+03, v38  }
0x235: {  	v39 =	vadd.f32 v31, v15;
	(erf) = vpow2.f32 v37;
	v35 =	vmul.f32 $1.638400000e+04, v35  }
0x236: {  	v31 =	vadd.f32 v16, v31;
	(erf) = vrcp.f32 v33;
	v33 =	vadd.f32 $5.000000000e-01, v38  }
0x237: {  	v14 =	vmul.f32 $1.442695020e+00, v14;
	v24 =	vmul.f32 $1.442695020e+00, v24;
	v35 =	vadd.f32 $5.000000000e-01, v35  }
0x238: {  	s4 =	sadd.s32 $0x1A0, s4;
	v36 =	vadd.f32 $9.999999970e-07, v36;
	v26 =	vmul.f32 $1.442695020e+00, v26;
	v33 =	vmax.f32 v33, $0.0e+00  }
0x239: {  	s8 =	sadd.s32 $0xFFFFFEC8, s4;
	s10 =	sadd.s32 $0xFFFFFF98, s4;
	v37 =	vadd.f32 $9.999999970e-07, v39;
	v35 =	vmax.f32 v35, $0.0e+00;
	v33 =	vmin.f32 v33, $6.553500000e+04  }
0x23a: {  	s9 =	sadd.s32 $0xFFFFFF30, s4;
	v38 =	vor.u32 s10, v0;
	v35 =	vmin.f32 v35, $6.553500000e+04;
	v33 =	vtrunc.f32 v33  }
0x23b: {  	v31 =	vadd.f32 $9.999999970e-07, v31;
	v35 =	vtrunc.f32 v35;
	v39 =	vcvt.f32.s32 v33  }
0x23c: {  	(erf) = vpow2.f32 v24;
	v24 =	vsub.f32 v6, v29;
	v29 =	vcvt.f32.s32 v35  }
0x23d: {  	(erf) = vpow2.f32 v14;
	v14 =	vsub.f32 v5, v30;
	v35 =	vshll.u32 v39, $0x10  }
0x23e: {  	v25 =	vsub.f32 v4, v25;
	v33 =	vpop (erf);
	(erf) = vpow2.f32 v26;
	v26 =	vor.u32 v29, v35  }
0x23f: {  	v24 =	vand.u32 $0x7FFFFFFF, v24;
	v29 =	vmul.f32 $2.049999950e+00, v33;
	(erf) = vrcp.f32 v36;
	v30 =	vpop (erf);
	[tilespmem:v38+s22+$0x0] =	vst.idx.msk $0xff, v26  }
0x240: {  	v26 =	vmul.f32 $8.192000000e+03, v30;
	(erf) = vrcp.f32 v37;
	v30 =	vand.u32 $0x7FFFFFFF, v14  }
0x241: {  	v25 =	vand.u32 $0x7FFFFFFF, v25;
	v29 =	vmul.f32 $1.638400000e+04, v29;
	(erf) = vrcp.f32 v31  }
0x242: {  	v24 =	vadd.f32 $1.909000020e+01, v24;
	v14 =	vtrunc.f32 v12;
	v26 =	vadd.f32 $5.000000000e-01, v26  }
0x243: {  	v12 =	vtrunc.f32 v13;
	v30 =	vadd.f32 $1.909000020e+01, v30;
	v33 =	vadd.f32 $5.000000000e-01, v29  }
0x244: {  	v25 =	vadd.f32 $1.909000020e+01, v25;
	v24 =	vmul.f32 v24, v24;
	v13 =	vmax.f32 v26, $0.0e+00  }
0x245: {  	v30 =	vmul.f32 v30, v30;
	v26 =	vmax.f32 v33, $0.0e+00;
	v13 =	vmin.f32 v13, $6.553500000e+04;
	v29 =	vpop (erf)  }
0x246: {  	v29 =	vmul.f32 $2.049999950e+00, v29;
	v26 =	vmin.f32 v26, $6.553500000e+04;
	v13 =	vtrunc.f32 v13;
	v31 =	vpop (erf)  }
0x247: {  	v32 =	vadd.f32 v32, v3;
	v26 =	vtrunc.f32 v26;
	v13 =	vcvt.f32.s32 v13;
	v33 =	vpop (erf)  }
0x248: {  	v34 =	vadd.f32 v34, v2;
	v31 =	vmul.f32 $2.049999950e+00, v31;
	v37 =	vcvt.f32.s32 v26;
	v35 =	vpop (erf)  }
0x249: {  	v33 =	vmul.f32 $2.049999950e+00, v33;
	v35 =	vmul.f32 $8.192000000e+03, v35;
	v13 =	vshll.u32 v13, $0x10;
	v36 =	vpop (erf)  }
0x24a: {  	s1 =	sadd.s32 $0x1A0, s1;
	v29 =	vmul.f32 $1.638400000e+04, v29;
	v36 =	vmul.f32 $8.192000000e+03, v36;
	v13 =	vor.u32 v37, v13;
	v26 =	vpop (erf)  }
0x24b: {  	v31 =	vmul.f32 $1.638400000e+04, v31;
	v35 =	vadd.f32 $5.000000000e-01, v35;
	[tilespmem:s1+$0x0] =	vst v13;
	v13 =	vmul.f32 $8.192000000e+03, v26  }
0x24c: {  	v29 =	vadd.f32 $5.000000000e-01, v29;
	v33 =	vmul.f32 $1.638400000e+04, v33;
	v26 =	vadd.f32 $5.000000000e-01, v36;
	v36 =	vld [tilespmem:$0x18810]  }
0x24d: {  	v31 =	vadd.f32 $5.000000000e-01, v31;
	v35 =	vmax.f32 v35, $0.0e+00;
	v13 =	vadd.f32 $5.000000000e-01, v13  }
0x24e: {  	v29 =	vmax.f32 v29, $0.0e+00;
	v33 =	vadd.f32 $5.000000000e-01, v33;
	v26 =	vmax.f32 v26, $0.0e+00  }
0x24f: {  	v31 =	vmax.f32 v31, $0.0e+00;
	v35 =	vmin.f32 v35, $6.553500000e+04;
	v13 =	vmax.f32 v13, $0.0e+00  }
0x250: {  	v33 =	vmax.f32 v33, $0.0e+00;
	v26 =	vmin.f32 v26, $6.553500000e+04;
	v13 =	vmin.f32 v13, $6.553500000e+04  }
0x251: {  	v29 =	vmin.f32 v29, $6.553500000e+04;
	v31 =	vmin.f32 v31, $6.553500000e+04;
	v36 =	vsub.f32 v11, v36  }
0x252: {  	v35 =	vtrunc.f32 v35;
	v33 =	vmin.f32 v33, $6.553500000e+04;
	v26 =	vtrunc.f32 v26  }
0x253: {  	v29 =	vtrunc.f32 v29;
	v13 =	vtrunc.f32 v13;
	v36 =	vand.u32 $0x7FFFFFFF, v36  }
0x254: {  	v31 =	vtrunc.f32 v31;
	v33 =	vtrunc.f32 v33;
	v36 =	vadd.f32 $1.909000020e+01, v36;
	v37 =	vld [tilespmem:$0x18710]  }
0x255: {  	v23 =	vadd.f32 v23, v1;
	v35 =	vcvt.f32.s32 v35;
	v26 =	vcvt.f32.s32 v26  }
0x256: {  	v32 =	vadd.f32 $9.999999970e-07, v32;
	v13 =	vcvt.f32.s32 v13;
	v36 =	vmul.f32 v36, v36  }
0x257: {  	v29 =	vcvt.f32.s32 v29;
	v31 =	vcvt.f32.s32 v31;
	v35 =	vshll.u32 v35, $0x10  }
0x258: {  	v33 =	vcvt.f32.s32 v33;
	v26 =	vshll.u32 v26, $0x10;
	v36 =	vmul.f32 $-3.928347030e-03, v36  }
0x259: {  	v29 =	vor.u32 v29, v35;
	v13 =	vshll.u32 v13, $0x10;
	v35 =	vadd.f32 v37, v10  }
0x25a: {  	v26 =	vor.u32 v31, v26;
	v13 =	vor.u32 v33, v13;
	[tilespmem:s1+$0xFFFFFF98] =	vst v29;
	v29 =	vmul.f32 $1.442695020e+00, v36  }
0x25b: {  	v25 =	vmul.f32 v25, v25;
	v24 =	vmul.f32 $-3.928347030e-03, v24;
	[tilespmem:s1+$0xFFFFFF30] =	vst v26;
	v26 =	vld [tilespmem:$0x18810];
	v31 =	vadd.f32 $9.999999970e-07, v35  }
0x25c: {  	v33 =	vld [tilespmem:$0x18810];
	[tilespmem:s1+$0x68] =	vst v13;
	(erf) = vpow2.f32 v29;
	v13 =	vmul.f32 $-3.928347030e-03, v30;
	v29 =	vadd.f32 $9.999999970e-07, v34  }
0x25d: {  	v25 =	vmul.f32 $-3.928347030e-03, v25;
	v30 =	vld [tilespmem:$0x18810];
	(erf) = vrcp.f32 v31;
	v31 =	vadd.f32 $9.999999970e-07, v23  }
0x25e: {  	v24 =	vmul.f32 $1.442695020e+00, v24;
	v34 =	vld [tilespmem:$0x18710];
	v35 =	vmul.f32 $1.442695020e+00, v13;
	v13 =	vor.u32 s8, v0  }
0x25f: {  	v37 =	vmul.f32 $1.442695020e+00, v25;
	v23 =	vadd.s32 s9, v0;
	v36 =	vld [tilespmem:$0x18710];
	(erf) = vrcp.f32 v32  }
0x260: {  	v26 =	vsub.f32 v20, v26;
	v32 =	vld [tilespmem:$0x18710];
	(erf) = vpow2.f32 v24;
	v24 =	vtrunc.f32 v27  }
0x261: {  	v25 =	vtrunc.f32 v28;
	v27 =	vsub.f32 v19, v33;
	(erf) = vpow2.f32 v35  }
0x262: {  	v26 =	vand.u32 $0x7FFFFFFF, v26;
	v28 =	vsub.f32 v18, v30;
	(erf) = vpow2.f32 v37  }
0x263: {  	v27 =	vand.u32 $0x7FFFFFFF, v27;
	v26 =	vadd.f32 $1.909000020e+01, v26;
	v30 =	vadd.f32 v34, v17  }
0x264: {  	v27 =	vadd.f32 $1.909000020e+01, v27;
	v33 =	vadd.f32 v36, v15;
	v28 =	vand.u32 $0x7FFFFFFF, v28  }
0x265: {  	v26 =	vmul.f32 v26, v26;
	v28 =	vadd.f32 $1.909000020e+01, v28;
	v32 =	vadd.f32 v32, v16;
	v34 =	vpop (erf)  }
0x266: {  	v30 =	vadd.f32 $9.999999970e-07, v30;
	v27 =	vmul.f32 v27, v27;
	v34 =	vmul.f32 $2.049999950e+00, v34;
	v35 =	vpop (erf)  }
0x267: {  	v33 =	vadd.f32 $9.999999970e-07, v33;
	v35 =	vmul.f32 $8.192000000e+03, v35;
	v28 =	vmul.f32 v28, v28  }
0x268: {  	v26 =	vmul.f32 $-3.928347030e-03, v26;
	v32 =	vadd.f32 $9.999999970e-07, v32;
	v34 =	vmul.f32 $1.638400000e+04, v34;
	v36 =	vpop (erf)  }
0x269: {  	v27 =	vmul.f32 $-3.928347030e-03, v27;
	v35 =	vadd.f32 $5.000000000e-01, v35;
	v28 =	vmul.f32 $-3.928347030e-03, v28;
	v37 =	vpop (erf)  }
0x26a: {  	v26 =	vmul.f32 $1.442695020e+00, v26;
	v34 =	vadd.f32 $5.000000000e-01, v34;
	(erf) = vrcp.f32 v30;
	v30 =	vpop (erf)  }
0x26b: {  	v27 =	vmul.f32 $1.442695020e+00, v27;
	v35 =	vmax.f32 v35, $0.0e+00;
	v28 =	vmul.f32 $1.442695020e+00, v28;
	v38 =	vpop (erf)  }
0x26c: {  	v34 =	vmax.f32 v34, $0.0e+00;
	v35 =	vmin.f32 v35, $6.553500000e+04;
	(erf) = vpow2.f32 v26  }
0x26d: {  	v26 =	vmin.f32 v34, $6.553500000e+04;
	v34 =	vtrunc.f32 v35;
	(erf) = vpow2.f32 v27  }
0x26e: {  	v27 =	vtrunc.f32 v26;
	v34 =	vcvt.f32.s32 v34;
	v26 =	vadd.s32 s4, v0  }
0x26f: {  	v27 =	vcvt.f32.s32 v27;
	(erf) = vpow2.f32 v28  }
0x270: {  	v28 =	vshll.u32 v34, $0x10;
	(erf) = vrcp.f32 v33;
	v33 =	vmul.f32 $2.049999950e+00, v37  }
0x271: {  	v27 =	vor.u32 v27, v28;
	(erf) = vrcp.f32 v32;
	v28 =	vmul.f32 $2.049999950e+00, v30  }
0x272: {  	[tilespmem:s1+$0x10] =	vst v27;
	v27 =	vmul.f32 $2.049999950e+00, v38;
	(erf) = vrcp.f32 v29  }
0x273: {  	v32 =	vmul.f32 $8.192000000e+03, v36;
	v29 =	vld [tilespmem:$0x18820];
	v30 =	vpop (erf);
	(erf) = vrcp.f32 v31  }
0x274: {  	v31 =	vmul.f32 $1.638400000e+04, v33;
	v30 =	vmul.f32 $8.192000000e+03, v30  }
0x275: {  	v28 =	vmul.f32 $1.638400000e+04, v28;
	v32 =	vadd.f32 $5.000000000e-01, v32;
	v27 =	vmul.f32 $1.638400000e+04, v27;
	v33 =	vpop (erf)  }
0x276: {  	v31 =	vadd.f32 $5.000000000e-01, v31;
	v33 =	vmul.f32 $2.049999950e+00, v33;
	v30 =	vadd.f32 $5.000000000e-01, v30;
	v34 =	vpop (erf)  }
0x277: {  	v28 =	vadd.f32 $5.000000000e-01, v28;
	v27 =	vadd.f32 $5.000000000e-01, v27;
	v34 =	vmul.f32 $2.049999950e+00, v34  }
0x278: {  	v33 =	vmul.f32 $1.638400000e+04, v33;
	v30 =	vmax.f32 v30, $0.0e+00;
	v29 =	vsub.f32 v11, v29;
	v35 =	vpop (erf)  }
0x279: {  	v34 =	vmul.f32 $1.638400000e+04, v34;
	v30 =	vmin.f32 v30, $6.553500000e+04;
	v35 =	vmul.f32 $2.049999950e+00, v35;
	v36 =	vpop (erf)  }
0x27a: {  	v36 =	vmul.f32 $8.192000000e+03, v36;
	v33 =	vadd.f32 $5.000000000e-01, v33;
	v29 =	vand.u32 $0x7FFFFFFF, v29;
	v37 =	vpop (erf)  }
0x27b: {  	v29 =	vadd.f32 $1.909000020e+01, v29;
	v38 =	vld [tilespmem:$0x18720];
	v35 =	vmul.f32 $1.638400000e+04, v35;
	v37 =	vmul.f32 $8.192000000e+03, v37;
	v39 =	vpop (erf)  }
0x27c: {  	v34 =	vadd.f32 $5.000000000e-01, v34;
	v36 =	vadd.f32 $5.000000000e-01, v36;
	v33 =	vmax.f32 v33, $0.0e+00;
	v40 =	vpop (erf)  }
0x27d: {  	v29 =	vmul.f32 v29, v29;
	v35 =	vadd.f32 $5.000000000e-01, v35;
	v37 =	vadd.f32 $5.000000000e-01, v37  }
0x27e: {  	v34 =	vmax.f32 v34, $0.0e+00;
	v33 =	vmin.f32 v33, $6.553500000e+04;
	v36 =	vmax.f32 v36, $0.0e+00  }
0x27f: {  	v29 =	vmul.f32 $-3.928347030e-03, v29;
	v35 =	vmax.f32 v35, $0.0e+00;
	v37 =	vmax.f32 v37, $0.0e+00  }
0x280: {  	v36 =	vmin.f32 v36, $6.553500000e+04;
	v38 =	vadd.f32 v38, v10;
	v37 =	vmin.f32 v37, $6.553500000e+04  }
0x281: {  	v34 =	vmin.f32 v34, $6.553500000e+04;
	v35 =	vmin.f32 v35, $6.553500000e+04;
	v29 =	vmul.f32 $1.442695020e+00, v29  }
0x282: {  	v30 =	vtrunc.f32 v30;
	v36 =	vtrunc.f32 v36;
	v38 =	vadd.f32 $9.999999970e-07, v38  }
0x283: {  	v37 =	vtrunc.f32 v37;
	(erf) = vpow2.f32 v29;
	v29 =	vmax.f32 v32, $0.0e+00  }
0x284: {  	v31 =	vmax.f32 v31, $0.0e+00;
	v32 =	vtrunc.f32 v33;
	(erf) = vrcp.f32 v38  }
0x285: {  	v28 =	vmax.f32 v28, $0.0e+00;
	v33 =	vtrunc.f32 v34;
	v34 =	vtrunc.f32 v35  }
0x286: {  	v27 =	vmax.f32 v27, $0.0e+00;
	v30 =	vcvt.f32.s32 v30;
	v35 =	vcvt.f32.s32 v36  }
0x287: {  	v36 =	vcvt.f32.s32 v37;
	v32 =	vcvt.f32.s32 v32;
	v29 =	vmin.f32 v29, $6.553500000e+04  }
0x288: {  	v30 =	vshll.u32 v30, $0x10;
	v33 =	vcvt.f32.s32 v33;
	v34 =	vcvt.f32.s32 v34  }
0x289: {  	v35 =	vshll.u32 v35, $0x10;
	v30 =	vor.u32 v32, v30;
	v32 =	vshll.u32 v36, $0x10  }
0x28a: {  	v33 =	vor.u32 v33, v35;
	v36 =	vor.u32 v34, v32;
	v32 =	vmul.f32 $8.192000000e+03, v39;
	[tilespmem:s1+$0xFFFFFFA8] =	vst v30  }
0x28b: {  	v28 =	vmin.f32 v28, $6.553500000e+04;
	v31 =	vmin.f32 v31, $6.553500000e+04;
	v34 =	vmul.f32 $8.192000000e+03, v40;
	[tilespmem:s1+$0xFFFFFF40] =	vst v33;
	v33 =	vld [tilespmem:$0x18820]  }
0x28c: {  	v27 =	vmin.f32 v27, $6.553500000e+04;
	v29 =	vtrunc.f32 v29;
	v32 =	vadd.f32 $5.000000000e-01, v32;
	v35 =	vld [tilespmem:$0x18820];
	[tilespmem:s1+$0x78] =	vst v36;
	v30 =	vpop (erf)  }
0x28d: {  	v31 =	vtrunc.f32 v31;
	v34 =	vadd.f32 $5.000000000e-01, v34;
	v30 =	vmul.f32 $2.049999950e+00, v30;
	v36 =	vld [tilespmem:$0x18820];
	v37 =	vpop (erf)  }
0x28e: {  	v28 =	vtrunc.f32 v28;
	v32 =	vmax.f32 v32, $0.0e+00;
	v38 =	vld [tilespmem:$0x18720];
	v37 =	vmul.f32 $8.192000000e+03, v37  }
0x28f: {  	v34 =	vmax.f32 v34, $0.0e+00;
	v32 =	vmin.f32 v32, $6.553500000e+04;
	v39 =	vld [tilespmem:$0x18720];
	v30 =	vmul.f32 $1.638400000e+04, v30  }
0x290: {  	v34 =	vmin.f32 v34, $6.553500000e+04;
	v33 =	vsub.f32 v20, v33;
	v37 =	vadd.f32 $5.000000000e-01, v37;
	v40 =	vld [tilespmem:$0x18720]  }
0x291: {  	v32 =	vtrunc.f32 v32;
	v35 =	vsub.f32 v19, v35;
	v30 =	vadd.f32 $5.000000000e-01, v30  }
0x292: {  	v33 =	vand.u32 $0x7FFFFFFF, v33;
	v37 =	vmax.f32 v37, $0.0e+00;
	v36 =	vsub.f32 v18, v36  }
0x293: {  	v35 =	vand.u32 $0x7FFFFFFF, v35;
	v30 =	vmax.f32 v30, $0.0e+00;
	v37 =	vmin.f32 v37, $6.553500000e+04  }
0x294: {  	v30 =	vmin.f32 v30, $6.553500000e+04;
	v37 =	vtrunc.f32 v37;
	v36 =	vand.u32 $0x7FFFFFFF, v36  }
0x295: {  	v33 =	vadd.f32 $1.909000020e+01, v33;
	v30 =	vtrunc.f32 v30;
	v37 =	vcvt.f32.s32 v37  }
0x296: {  	v35 =	vadd.f32 $1.909000020e+01, v35;
	v36 =	vadd.f32 $1.909000020e+01, v36;
	v30 =	vcvt.f32.s32 v30  }
0x297: {  	v38 =	vadd.f32 v38, v17;
	v33 =	vmul.f32 v33, v33;
	v37 =	vshll.u32 v37, $0x10  }
0x298: {  	v35 =	vmul.f32 v35, v35;
	v36 =	vmul.f32 v36, v36;
	v30 =	vor.u32 v30, v37  }
0x299: {  	v33 =	vmul.f32 $-3.928347030e-03, v33;
	v37 =	vadd.f32 v39, v15;
	[tilespmem:s1+$0x20] =	vst v30;
	v30 =	vadd.f32 v40, v16  }
0x29a: {  	v38 =	vadd.f32 $9.999999970e-07, v38;
	v35 =	vmul.f32 $-3.928347030e-03, v35;
	v36 =	vmul.f32 $-3.928347030e-03, v36;
	v39 =	vld [tilespmem:$0x18830]  }
0x29b: {  	v33 =	vmul.f32 $1.442695020e+00, v33;
	v37 =	vadd.f32 $9.999999970e-07, v37;
	v30 =	vadd.f32 $9.999999970e-07, v30  }
0x29c: {  	v35 =	vmul.f32 $1.442695020e+00, v35;
	v36 =	vmul.f32 $1.442695020e+00, v36  }
0x29d: {  	(erf) = vpow2.f32 v33;
	v33 =	vtrunc.f32 v34  }
0x29e: {  	v27 =	vtrunc.f32 v27;
	(erf) = vpow2.f32 v35  }
0x29f: {  	v29 =	vcvt.f32.s32 v29;
	v34 =	vsub.f32 v11, v39;
	(erf) = vpow2.f32 v36  }
0x2a0: {  	v32 =	vcvt.f32.s32 v32;
	(erf) = vrcp.f32 v38  }
0x2a1: {  	v33 =	vcvt.f32.s32 v33;
	v34 =	vand.u32 $0x7FFFFFFF, v34;
	(erf) = vrcp.f32 v37  }
0x2a2: {  	v34 =	vadd.f32 $1.909000020e+01, v34;
	v35 =	vld [tilespmem:$0x18730];
	(erf) = vrcp.f32 v30;
	v30 =	vcvt.f32.s32 v31  }
0x2a3: {  	v28 =	vcvt.f32.s32 v28;
	v27 =	vcvt.f32.s32 v27;
	v29 =	vshll.u32 v29, $0x10  }
0x2a4: {  	v32 =	vshll.u32 v32, $0x10;
	v33 =	vshll.u32 v33, $0x10;
	v34 =	vmul.f32 v34, v34  }
0x2a5: {  	v28 =	vor.u32 v28, v32;
	v27 =	vor.u32 v27, v33;
	v29 =	vor.u32 v30, v29  }
0x2a6: {  	v21 =	vtrunc.f32 v21;
	v30 =	vmul.f32 $-3.928347030e-03, v34;
	v31 =	vpop (erf);
	[tilespmem:s20+$0xFFFFFFE8] =	vst v29  }
0x2a7: {  	v22 =	vcvt.f32.s32 v22;
	v29 =	vmul.f32 $2.049999950e+00, v31;
	v31 =	vadd.f32 v35, v10;
	v32 =	vpop (erf);
	[tilespmem:s20+$0xFFFFFF80] =	vst v28;
	v28 =	vld [tilespmem:$0x18860]  }
0x2a8: {  	v32 =	vmul.f32 $2.049999950e+00, v32;
	v30 =	vmul.f32 $1.442695020e+00, v30;
	v33 =	vpop (erf);
	v34 =	vld [tilespmem:$0x18860];
	[tilespmem:s20+$0xB8] =	vst v27;
	s20 =	smov.u32 s1  }
0x2a9: {  	v27 =	vmul.f32 $1.638400000e+04, v29;
	v37 =	vadd.f32 $9.999999970e-07, v31;
	v31 =	vmul.f32 $2.049999950e+00, v33;
	v33 =	vpop (erf);
	v35 =	vld [tilespmem:$0x18860]  }
0x2aa: {  	v22 =	vshll.u32 v22, $0x10;
	v33 =	vmul.f32 $8.192000000e+03, v33;
	v36 =	vpop (erf);
	(erf) = vpow2.f32 v30;
	v30 =	vld [tilespmem:$0x18760]  }
0x2ab: {  	v36 =	vmul.f32 $8.192000000e+03, v36;
	v27 =	vadd.f32 $5.000000000e-01, v27;
	(erf) = vrcp.f32 v37;
	v29 =	vpop (erf);
	v37 =	vld [tilespmem:$0x18760]  }
0x2ac: {  	v32 =	vmul.f32 $1.638400000e+04, v32;
	v33 =	vadd.f32 $5.000000000e-01, v33;
	v29 =	vmul.f32 $8.192000000e+03, v29;
	v38 =	vld [tilespmem:$0x18760]  }
0x2ad: {  	v31 =	vmul.f32 $1.638400000e+04, v31;
	v36 =	vadd.f32 $5.000000000e-01, v36;
	v27 =	vmax.f32 v27, $0.0e+00  }
0x2ae: {  	v32 =	vadd.f32 $5.000000000e-01, v32;
	v33 =	vmax.f32 v33, $0.0e+00;
	v29 =	vadd.f32 $5.000000000e-01, v29  }
0x2af: {  	v31 =	vadd.f32 $5.000000000e-01, v31;
	v36 =	vmax.f32 v36, $0.0e+00;
	v33 =	vmin.f32 v33, $6.553500000e+04  }
0x2b0: {  	v32 =	vmax.f32 v32, $0.0e+00;
	v36 =	vmin.f32 v36, $6.553500000e+04;
	v29 =	vmax.f32 v29, $0.0e+00  }
0x2b1: {  	v27 =	vmin.f32 v27, $6.553500000e+04;
	v31 =	vmax.f32 v31, $0.0e+00;
	v29 =	vmin.f32 v29, $6.553500000e+04  }
0x2b2: {  	v32 =	vmin.f32 v32, $6.553500000e+04;
	v33 =	vtrunc.f32 v33;
	v31 =	vmin.f32 v31, $6.553500000e+04  }
0x2b3: {  	v40 =	vsub.f32 v6, v28;
	v36 =	vtrunc.f32 v36;
	v29 =	vtrunc.f32 v29;
	v39 =	vpop (erf)  }
0x2b4: {  	v34 =	vsub.f32 v5, v34;
	v27 =	vtrunc.f32 v27;
	v28 =	vmul.f32 $2.049999950e+00, v39;
	v39 =	vpop (erf)  }
0x2b5: {  	v5 =	vmovc v19;
	v35 =	vsub.f32 v4, v35;
	v4 =	vmovc v18;
	v32 =	vtrunc.f32 v32;
	v39 =	vmul.f32 $8.192000000e+03, v39  }
0x2b6: {  	v6 =	vmovc v20;
	v19 =	vtrunc.f32 v31;
	v18 =	vmul.f32 $1.638400000e+04, v28;
	v28 =	vand.u32 $0x7FFFFFFF, v40  }
0x2b7: {  	v31 =	vcvt.f32.s32 v33;
	v20 =	vcvt.f32.s32 v36;
	v33 =	vadd.f32 $5.000000000e-01, v39  }
0x2b8: {  	v27 =	vcvt.f32.s32 v27;
	v29 =	vcvt.f32.s32 v29;
	v18 =	vadd.f32 $5.000000000e-01, v18  }
0x2b9: {  	v32 =	vcvt.f32.s32 v32;
	v19 =	vcvt.f32.s32 v19;
	v33 =	vmax.f32 v33, $0.0e+00  }
0x2ba: {  	v31 =	vshll.u32 v31, $0x10;
	v18 =	vmax.f32 v18, $0.0e+00;
	v33 =	vmin.f32 v33, $6.553500000e+04  }
0x2bb: {  	v20 =	vshll.u32 v20, $0x10;
	v18 =	vmin.f32 v18, $6.553500000e+04;
	v33 =	vtrunc.f32 v33  }
0x2bc: {  	v29 =	vshll.u32 v29, $0x10;
	v18 =	vtrunc.f32 v18;
	v33 =	vcvt.f32.s32 v33  }
0x2bd: {  	v27 =	vor.u32 v27, v31;
	v20 =	vor.u32 v32, v20;
	v18 =	vcvt.f32.s32 v18  }
0x2be: {  	v19 =	vor.u32 v19, v29;
	v29 =	vand.u32 $0x7FFFFFFF, v34;
	[tilespmem:s1+$0xFFFFFFB8] =	vst v27;
	v27 =	vshll.u32 v33, $0x10  }
0x2bf: {  	[tilespmem:s1+$0xFFFFFF50] =	vst v20;
	v20 =	vld [tilespmem:$0x18830];
	v18 =	vor.u32 v18, v27;
	v27 =	vadd.f32 $1.909000020e+01, v28;
	v28 =	vand.u32 $0x7FFFFFFF, v35  }
0x2c0: {  	v31 =	vld [tilespmem:$0x18830];
	[tilespmem:s1+$0x30] =	vst v18;
	v18 =	vadd.f32 $1.909000020e+01, v29;
	v28 =	vadd.f32 $1.909000020e+01, v28;
	v29 =	vcvt.f32.s32 v14  }
0x2c1: {  	v34 =	vadd.f32 v37, v2;
	v35 =	vadd.f32 v30, v3;
	v32 =	vld [tilespmem:$0x18840];
	[tilespmem:s1+$0x88] =	vst v19;
	v19 =	vmul.f32 v27, v27  }
0x2c2: {  	v30 =	vadd.f32 v38, v1;
	v1 =	vmovc v16;
	v27 =	vld [tilespmem:$0x18830];
	v18 =	vmul.f32 v18, v18;
	v28 =	vmul.f32 v28, v28  }
0x2c3: {  	v2 =	vmovc v15;
	v3 =	vmovc v17;
	v14 =	vadd.f32 $9.999999970e-07, v34;
	v33 =	vadd.f32 $9.999999970e-07, v35;
	v16 =	vld [tilespmem:$0x18730];
	v19 =	vmul.f32 $-3.928347030e-03, v19  }
0x2c4: {  	v17 =	vld [tilespmem:$0x18730];
	v20 =	vsub.f32 v6, v20;
	v18 =	vmul.f32 $-3.928347030e-03, v18;
	v28 =	vmul.f32 $-3.928347030e-03, v28  }
0x2c5: {  	v15 =	vadd.f32 $9.999999970e-07, v30;
	v31 =	vsub.f32 v5, v31;
	v34 =	vld [tilespmem:$0x18730];
	v19 =	vmul.f32 $1.442695020e+00, v19  }
0x2c6: {  	v20 =	vand.u32 $0x7FFFFFFF, v20;
	v30 =	vsub.f32 v11, v32;
	v18 =	vmul.f32 $1.442695020e+00, v18  }
0x2c7: {  	v31 =	vand.u32 $0x7FFFFFFF, v31;
	v20 =	vadd.f32 $1.909000020e+01, v20;
	v27 =	vsub.f32 v4, v27  }
0x2c8: {  	v31 =	vadd.f32 $1.909000020e+01, v31;
	v16 =	vadd.f32 v16, v3;
	v30 =	vand.u32 $0x7FFFFFFF, v30  }
0x2c9: {  	v20 =	vmul.f32 v20, v20;
	v30 =	vadd.f32 $1.909000020e+01, v30;
	v32 =	vld [tilespmem:$0x18740];
	v27 =	vand.u32 $0x7FFFFFFF, v27  }
0x2ca: {  	v17 =	vadd.f32 v17, v2;
	v31 =	vmul.f32 v31, v31;
	v27 =	vadd.f32 $1.909000020e+01, v27  }
0x2cb: {  	v34 =	vadd.f32 v34, v1;
	v20 =	vmul.f32 $-3.928347030e-03, v20;
	v30 =	vmul.f32 v30, v30  }
0x2cc: {  	v16 =	vadd.f32 $9.999999970e-07, v16;
	v31 =	vmul.f32 $-3.928347030e-03, v31;
	v27 =	vmul.f32 v27, v27  }
0x2cd: {  	v17 =	vadd.f32 $9.999999970e-07, v17;
	v20 =	vmul.f32 $1.442695020e+00, v20;
	v30 =	vmul.f32 $-3.928347030e-03, v30  }
0x2ce: {  	v31 =	vmul.f32 $1.442695020e+00, v31;
	v32 =	vadd.f32 v32, v10;
	v27 =	vmul.f32 $-3.928347030e-03, v27  }
0x2cf: {  	v34 =	vadd.f32 $9.999999970e-07, v34;
	v30 =	vmul.f32 $1.442695020e+00, v30;
	(erf) = vpow2.f32 v20  }
0x2d0: {  	v20 =	vadd.f32 $9.999999970e-07, v32;
	v27 =	vmul.f32 $1.442695020e+00, v27;
	(erf) = vpow2.f32 v31  }
0x2d1: {  	v29 =	vshll.u32 v29, $0x10;
	v28 =	vmul.f32 $1.442695020e+00, v28;
	(erf) = vpow2.f32 v30  }
0x2d2: {  	v12 =	vcvt.f32.s32 v12;
	(erf) = vrcp.f32 v20  }
0x2d3: {  	v20 =	vcvt.f32.s32 v24;
	(erf) = vpow2.f32 v27  }
0x2d4: {  	v12 =	vshll.u32 v12, $0x10;
	(erf) = vrcp.f32 v16;
	v16 =	vcvt.f32.s32 v25  }
0x2d5: {  	(erf) = vrcp.f32 v17;
	v17 =	vor.u32 v20, v22;
	v20 =	vcvt.f32.s32 v21  }
0x2d6: {  	v21 =	vmov s23;
	(erf) = vrcp.f32 v34;
	v16 =	vor.u32 v16, v29;
	[tilespmem:v9+s22+$0x0] =	vst.idx.msk $0xff, v17;
	v9 =	vmovc v23  }
0x2d7: {  	v17 =	vand.u32 $0xFFFFFFFC, v21;
	(erf) = vpow2.f32 v19;
	[tilespmem:v7+s22+$0x0] =	vst.idx.msk $0xff, v16;
	v12 =	vor.u32 v20, v12;
	v7 =	vmovc v13  }
0x2d8: {  	v24 =	vbroadcast v17, $0x0;
	v13 =	vpop (erf);
	(erf) = vpow2.f32 v18;
	[tilespmem:v8+s22+$0x0] =	vst.idx.msk $0xff, v12;
	v8 =	vmov v26  }
0x2d9: {  	v12 =	vmul.f32 $2.049999950e+00, v13;
	v13 =	vpop (erf);
	(erf) = vpow2.f32 v28  }
0x2da: {  	v13 =	vmul.f32 $2.049999950e+00, v13;
	v16 =	vpop (erf);
	(erf) = vrcp.f32 v33  }
0x2db: {  	v12 =	vmul.f32 $1.638400000e+04, v12;
	v16 =	vmul.f32 $2.049999950e+00, v16;
	v17 =	vpop (erf)  }
0x2dc: {  	v13 =	vmul.f32 $1.638400000e+04, v13;
	v17 =	vmul.f32 $8.192000000e+03, v17;
	v18 =	vpop (erf)  }
0x2dd: {  	v12 =	vadd.f32 $5.000000000e-01, v12;
	v16 =	vmul.f32 $1.638400000e+04, v16;
	v18 =	vmul.f32 $2.049999950e+00, v18;
	v19 =	vpop (erf)  }
0x2de: {  	v13 =	vadd.f32 $5.000000000e-01, v13;
	v19 =	vmul.f32 $8.192000000e+03, v19;
	v17 =	vadd.f32 $5.000000000e-01, v17;
	v20 =	vpop (erf)  }
0x2df: {  	v20 =	vmul.f32 $8.192000000e+03, v20;
	v16 =	vadd.f32 $5.000000000e-01, v16;
	v18 =	vmul.f32 $1.638400000e+04, v18;
	v21 =	vpop (erf)  }
0x2e0: {  	v19 =	vadd.f32 $5.000000000e-01, v19;
	v17 =	vmax.f32 v17, $0.0e+00;
	v21 =	vmul.f32 $8.192000000e+03, v21;
	v22 =	vpop (erf)  }
0x2e1: {  	v20 =	vadd.f32 $5.000000000e-01, v20;
	v16 =	vmax.f32 v16, $0.0e+00;
	v17 =	vmin.f32 v17, $6.553500000e+04;
	v23 =	vpop (erf)  }
0x2e2: {  	v16 =	vmin.f32 v16, $6.553500000e+04;
	v17 =	vtrunc.f32 v17;
	v21 =	vadd.f32 $5.000000000e-01, v21;
	v26 =	vpop (erf)  }
0x2e3: {  	v18 =	vadd.f32 $5.000000000e-01, v18;
	v16 =	vtrunc.f32 v16;
	v17 =	vcvt.f32.s32 v17;
	v27 =	vpop (erf)  }
0x2e4: {  	v19 =	vmax.f32 v19, $0.0e+00;
	v20 =	vmax.f32 v20, $0.0e+00;
	v16 =	vcvt.f32.s32 v16  }
0x2e5: {  	v12 =	vmax.f32 v12, $0.0e+00;
	v21 =	vmax.f32 v21, $0.0e+00;
	v17 =	vshll.u32 v17, $0x10  }
0x2e6: {  	v13 =	vmax.f32 v13, $0.0e+00;
	v16 =	vor.u32 v16, v17;
	v17 =	vmax.f32 v18, $0.0e+00  }
0x2e7: {  	v19 =	vmin.f32 v19, $6.553500000e+04;
	v18 =	vmin.f32 v20, $6.553500000e+04;
	[tilespmem:s1+$0x40] =	vst v16;
	v16 =	vmin.f32 v21, $6.553500000e+04  }
0x2e8: {  	v12 =	vmin.f32 v12, $6.553500000e+04;
	v13 =	vmin.f32 v13, $6.553500000e+04;
	v17 =	vmin.f32 v17, $6.553500000e+04;
	v20 =	vld [tilespmem:$0x18850]  }
0x2e9: {  	v19 =	vtrunc.f32 v19;
	v18 =	vtrunc.f32 v18  }
0x2ea: {  	v12 =	vtrunc.f32 v12;
	v16 =	vtrunc.f32 v16  }
0x2eb: {  	v13 =	vtrunc.f32 v13;
	v17 =	vtrunc.f32 v17  }
0x2ec: {  	v19 =	vcvt.f32.s32 v19;
	v18 =	vcvt.f32.s32 v18  }
0x2ed: {  	v12 =	vcvt.f32.s32 v12;
	v16 =	vcvt.f32.s32 v16;
	v20 =	vsub.f32 v11, v20  }
0x2ee: {  	v13 =	vcvt.f32.s32 v13;
	v19 =	vshll.u32 v19, $0x10;
	v17 =	vcvt.f32.s32 v17  }
0x2ef: {  	v18 =	vshll.u32 v18, $0x10;
	v16 =	vshll.u32 v16, $0x10;
	v20 =	vand.u32 $0x7FFFFFFF, v20  }
0x2f0: {  	v12 =	vor.u32 v12, v19;
	v13 =	vor.u32 v13, v18;
	v18 =	vadd.f32 $1.909000020e+01, v20;
	v19 =	vld [tilespmem:$0x18750]  }
0x2f1: {  	s8 =	sadd.s32 $0x3, s23;
	[tilespmem:s1+$0xFFFFFFC8] =	vst v12;
	v12 =	vor.u32 v17, v16;
	v16 =	vmul.f32 $2.049999950e+00, v22;
	(erf) = vrcp.f32 v14  }
0x2f2: {  	s9 =	sadd.s32 $0x1, s23;
	v25 =	vmov s8;
	[tilespmem:s1+$0xFFFFFF60] =	vst v13;
	v13 =	vld [tilespmem:$0x18840];
	v14 =	vmul.f32 v18, v18;
	(erf) = vrcp.f32 v15  }
0x2f3: {  	v15 =	vmov s9;
	v18 =	vmul.f32 $2.049999950e+00, v26;
	v17 =	vld [tilespmem:$0x18840];
	[tilespmem:s1+$0x98] =	vst v12;
	v12 =	vmul.f32 $2.049999950e+00, v23  }
0x2f4: {  	v21 =	vmul.f32 $8.192000000e+03, v27;
	v15 =	vand.u32 $0xFFFFFFFD, v15;
	v14 =	vmul.f32 $-3.928347030e-03, v14;
	v20 =	vld [tilespmem:$0x18840]  }
0x2f5: {  	v16 =	vmul.f32 $1.638400000e+04, v16;
	v22 =	vld [tilespmem:$0x18740];
	v19 =	vadd.f32 v19, v10;
	v12 =	vmul.f32 $1.638400000e+04, v12  }
0x2f6: {  	v21 =	vadd.f32 $5.000000000e-01, v21;
	v18 =	vmul.f32 $1.638400000e+04, v18;
	v23 =	vld [tilespmem:$0x18740];
	v14 =	vmul.f32 $1.442695020e+00, v14  }
0x2f7: {  	v26 =	vbroadcast v15, $0x0;
	v13 =	vsub.f32 v6, v13;
	v15 =	vadd.f32 $9.999999970e-07, v19;
	v19 =	vld [tilespmem:$0x18740]  }
0x2f8: {  	v17 =	vsub.f32 v5, v17;
	(erf) = vpow2.f32 v14;
	v14 =	vadd.f32 $5.000000000e-01, v16  }
0x2f9: {  	v13 =	vand.u32 $0x7FFFFFFF, v13;
	v16 =	vsub.f32 v4, v20;
	(erf) = vrcp.f32 v15  }
0x2fa: {  	v15 =	vand.u32 $0x7FFFFFFF, v17;
	v13 =	vadd.f32 $1.909000020e+01, v13;
	v17 =	vadd.f32 v22, v3;
	v20 =	vpop (erf)  }
0x2fb: {  	v15 =	vadd.f32 $1.909000020e+01, v15;
	v22 =	vadd.f32 v23, v2;
	v16 =	vand.u32 $0x7FFFFFFF, v16;
	v23 =	vpop (erf)  }
0x2fc: {  	v13 =	vmul.f32 v13, v13;
	v16 =	vadd.f32 $1.909000020e+01, v16;
	v19 =	vadd.f32 v19, v1  }
0x2fd: {  	v17 =	vadd.f32 $9.999999970e-07, v17;
	v15 =	vmul.f32 v15, v15;
	v22 =	vadd.f32 $9.999999970e-07, v22  }
0x2fe: {  	v13 =	vmul.f32 $-3.928347030e-03, v13;
	v16 =	vmul.f32 v16, v16;
	v19 =	vadd.f32 $9.999999970e-07, v19  }
0x2ff: {  	v12 =	vadd.f32 $5.000000000e-01, v12;
	v28 =	vmul.f32 $-3.928347030e-03, v15;
	(erf) = vrcp.f32 v17  }
0x300: {  	v18 =	vadd.f32 $5.000000000e-01, v18;
	v13 =	vmul.f32 $1.442695020e+00, v13;
	v16 =	vmul.f32 $-3.928347030e-03, v16  }
0x301: {  	v21 =	vmax.f32 v21, $0.0e+00;
	v27 =	vmul.f32 $1.442695020e+00, v28;
	(erf) = vrcp.f32 v22;
	v15 =	vpop (erf)  }
0x302: {  	v17 =	vmax.f32 v14, $0.0e+00;
	v22 =	vmul.f32 $2.049999950e+00, v15;
	v28 =	vmul.f32 $1.442695020e+00, v16;
	v15 =	vpop (erf)  }
0x303: {  	v14 =	vmul.f32 $8.192000000e+03, v15;
	(erf) = vpow2.f32 v13;
	v15 =	vmax.f32 v12, $0.0e+00  }
0x304: {  	v16 =	vmax.f32 v18, $0.0e+00;
	v12 =	vmul.f32 $1.638400000e+04, v22;
	(erf) = vpow2.f32 v27  }
0x305: {  	v13 =	vadd.f32 $5.000000000e-01, v14;
	(erf) = vpow2.f32 v28;
	v14 =	vmul.f32 $8.192000000e+03, v20  }
0x306: {  	v18 =	vmul.f32 $8.192000000e+03, v23;
	v12 =	vadd.f32 $5.000000000e-01, v12;
	(erf) = vrcp.f32 v19  }
0x307: {  	v13 =	vmax.f32 v13, $0.0e+00;
	v19 =	vadd.f32 $5.000000000e-01, v14;
	v14 =	vmin.f32 v21, $6.553500000e+04  }
0x308: {  	v18 =	vadd.f32 $5.000000000e-01, v18;
	v12 =	vmax.f32 v12, $0.0e+00;
	v13 =	vmin.f32 v13, $6.553500000e+04;
	v20 =	vpop (erf)  }
0x309: {  	v20 =	vmul.f32 $8.192000000e+03, v20;
	v12 =	vmin.f32 v12, $6.553500000e+04;
	v13 =	vtrunc.f32 v13  }
0x30a: {  	v19 =	vmax.f32 v19, $0.0e+00;
	v12 =	vtrunc.f32 v12;
	v13 =	vcvt.f32.s32 v13;
	v21 =	vpop (erf)  }
0x30b: {  	v21 =	vmul.f32 $8.192000000e+03, v21;
	v20 =	vadd.f32 $5.000000000e-01, v20;
	v27 =	vcvt.f32.s32 v12  }
0x30c: {  	v18 =	vmax.f32 v18, $0.0e+00;
	v12 =	vmin.f32 v19, $6.553500000e+04;
	v13 =	vshll.u32 v13, $0x10;
	v23 =	vpop (erf)  }
.Ltmp2:
0x30d: {  	v19 =	vadd.f32 $5.000000000e-01, v21;
	v29 =	vmul.f32 $2.049999950e+00, v23;
	v13 =	vor.u32 v27, v13;
	v22 =	vpop (erf);
	(pc) =	sbr.rel @p0 .LBB2_2-.Ltmp2, $4  }
0x30e: {  	v20 =	vmax.f32 v20, $0.0e+00;
	v22 =	vmul.f32 $2.049999950e+00, v22;
	[tilespmem:s1+$0x50] =	vst v13;
	v23 =	vpop (erf);
	v13 =	vmin.f32 v18, $6.553500000e+04  }
0x30f: {  	v19 =	vmax.f32 v19, $0.0e+00;
	v28 =	vmul.f32 $1.638400000e+04, v29;
	v18 =	vld [tilespmem:$0x18860];
	v23 =	vmul.f32 $2.049999950e+00, v23;
	v21 =	vpop (erf)  }
0x310: {  	v20 =	vmin.f32 v20, $6.553500000e+04;
	v22 =	vmul.f32 $1.638400000e+04, v22;
	v27 =	vmul.f32 $8.192000000e+03, v21  }
0x311: {  	s8 =	sadd.s32 $0x2, s23;
	s23 =	sadd.s32 $0x4, s23;
	v21 =	vmin.f32 v19, $6.553500000e+04;
	v19 =	vadd.f32 $5.000000000e-01, v28;
	v28 =	vmul.f32 $1.638400000e+04, v23  }
0x312: {  	v23 =	vmov s8  }
0x313: {  	v23 =	vand.u32 $0xFFFFFFFE, v23  }
0x314: {  	v29 =	vbroadcast v23, $0x0;
	_ =	sdelay $0x4  }
0x315: {  	v30 =	vld [tilespmem:$0x18800]  }
0x316: {  	v23 =	vld.idx.msk [tilespmem:v29+s21+$0x0], $0xffff;
	_ =	sdelay $0x1  }
0x317: {  	v48 =	vadd.f32 $5.000000000e-01, v22  }
0x318: {  	v49 =	vadd.f32 $5.000000000e-01, v27;
	v11 =	vsub.f32 v11, v18  }
0x319: {  	v52 =	vtrunc.f32 v20;
	v34 =	vtrunc.f32 v21;
	v19 =	vmax.f32 v19, $0.0e+00  }
0x31a: {  	v50 =	vadd.f32 $5.000000000e-01, v28;
	v11 =	vand.u32 $0x7FFFFFFF, v11;
	v51 =	vsub.f32 v23, v30  }
0x31b: {  	v31 =	vld [tilespmem:$0x18760];
	v59 =	vcvt.f32.s32 v34;
	v22 =	vmax.f32 v49, $0.0e+00;
	v11 =	vadd.f32 $1.909000020e+01, v11  }
0x31c: {  	v33 =	vld [tilespmem:$0x18700];
	v18 =	vmax.f32 v48, $0.0e+00;
	v19 =	vmin.f32 v19, $6.553500000e+04;
	v28 =	vand.u32 $0x7FFFFFFF, v51  }
0x31d: {  	v32 =	vmin.f32 v22, $6.553500000e+04;
	v53 =	vmul.f32 v11, v11;
	v22 =	vld.idx.msk [tilespmem:v29+s19+$0x0], $0xffff;
	v28 =	vadd.f32 $1.909000020e+01, v28  }
0x31e: {  	v21 =	vld.idx.msk [tilespmem:v26+s21+$0x0], $0xffff;
	v27 =	vmax.f32 v50, $0.0e+00;
	v19 =	vtrunc.f32 v19;
	v32 =	vtrunc.f32 v32  }
0x31f: {  	v18 =	vmin.f32 v18, $6.553500000e+04;
	v35 =	vmul.f32 $-3.928347030e-03, v53;
	v28 =	vmul.f32 v28, v28  }
0x320: {  	v18 =	vtrunc.f32 v18;
	v63 =	vcvt.f32.s32 v19;
	v10 =	vadd.f32 v31, v10;
	v11 =	vld.idx.msk [tilespmem:v24+s21+$0x0], $0xffff  }
0x321: {  	v20 =	vld.idx.msk [tilespmem:v25+s21+$0x0], $0xffff;
	v27 =	vmin.f32 v27, $6.553500000e+04;
	v54 =	vmul.f32 $1.442695020e+00, v35;
	v28 =	vmul.f32 $-3.928347030e-03, v28  }
0x322: {  	v27 =	vtrunc.f32 v27;
	v10 =	vadd.f32 $9.999999970e-07, v10;
	v55 =	vadd.f32 v22, v33  }
0x323: {  	v57 =	vsub.f32 v21, v30;
	(erf) = vpow2.f32 v54;
	v28 =	vmul.f32 $1.442695020e+00, v28  }
0x324: {  	v32 =	vcvt.f32.s32 v32;
	(erf) = vrcp.f32 v10;
	v56 =	vadd.f32 $9.999999970e-07, v55  }
0x325: {  	v36 =	vcvt.f32.s32 v18;
	v58 =	vsub.f32 v11, v30;
	(erf) = vpow2.f32 v28  }
0x326: {  	v19 =	vld.idx.msk [tilespmem:v26+s19+$0x0], $0xffff;
	v60 =	vand.u32 $0x7FFFFFFF, v57;
	v30 =	vsub.f32 v20, v30;
	(erf) = vrcp.f32 v56  }
0x327: {  	v29 =	vcvt.f32.s32 v52;
	v62 =	vadd.f32 $1.909000020e+01, v60;
	v61 =	vand.u32 $0x7FFFFFFF, v58;
	v10 =	vld.idx.msk [tilespmem:v24+s19+$0x0], $0xffff  }
0x328: {  	v27 =	vcvt.f32.s32 v27;
	v30 =	vand.u32 $0x7FFFFFFF, v30;
	v31 =	vadd.f32 $1.909000020e+01, v61  }
0x329: {  	v18 =	vld.idx.msk [tilespmem:v25+s19+$0x0], $0xffff;
	v40 =	vmul.f32 v62, v62;
	v29 =	vshll.u32 v29, $0x10;
	v38 =	vadd.f32 $1.909000020e+01, v30  }
0x32a: {  	v32 =	vshll.u32 v32, $0x10;
	v29 =	vor.u32 v63, v29;
	v39 =	vmul.f32 v31, v31  }
0x32b: {  	v41 =	vadd.f32 v19, v33;
	[tilespmem:s1+$0xFFFFFFD8] =	vst v29;
	v30 =	vmul.f32 $-3.928347030e-03, v40;
	v26 =	vmul.f32 v38, v38  }
0x32c: {  	v27 =	vor.u32 v27, v32;
	v49 =	vld [tilespmem:$0x18850];
	v31 =	vmul.f32 $-3.928347030e-03, v39;
	v37 =	vadd.f32 v33, v10;
	v25 =	vpop (erf)  }
0x32d: {  	v34 =	vadd.f32 $9.999999970e-07, v41;
	v30 =	vmul.f32 $1.442695020e+00, v30;
	v26 =	vmul.f32 $-3.928347030e-03, v26;
	v24 =	vpop (erf)  }
0x32e: {  	v33 =	vadd.f32 v18, v33;
	v31 =	vmul.f32 $1.442695020e+00, v31;
	v45 =	vadd.f32 $9.999999970e-07, v37;
	v42 =	vpop (erf)  }
0x32f: {  	v26 =	vmul.f32 $1.442695020e+00, v26;
	v28 =	vshll.u32 v59, $0x10;
	v35 =	vmul.f32 $2.049999950e+00, v42;
	v38 =	vpop (erf)  }
0x330: {  	v28 =	vor.u32 v36, v28;
	(erf) = vpow2.f32 v30;
	v43 =	vmul.f32 $8.192000000e+03, v38  }
0x331: {  	[tilespmem:s1+$0xFFFFFF70] =	vst v28;
	v28 =	vsub.f32 v6, v49;
	(erf) = vpow2.f32 v31;
	v44 =	vmul.f32 $1.638400000e+04, v35  }
0x332: {  	v48 =	vadd.f32 $9.999999970e-07, v33;
	(erf) = vpow2.f32 v26;
	v46 =	vadd.f32 $5.000000000e-01, v43  }
0x333: {  	[tilespmem:s1+$0xA8] =	vst v27;
	v28 =	vand.u32 $0x7FFFFFFF, v28;
	(erf) = vrcp.f32 v34;
	v47 =	vadd.f32 $5.000000000e-01, v44  }
0x334: {  	v52 =	vld [tilespmem:$0x18850];
	v28 =	vadd.f32 $1.909000020e+01, v28;
	(erf) = vrcp.f32 v45;
	v26 =	vmax.f32 v46, $0.0e+00  }
0x335: {  	v50 =	vld [tilespmem:$0x18850];
	(erf) = vrcp.f32 v48;
	v30 =	vmax.f32 v47, $0.0e+00;
	v26 =	vmin.f32 v26, $6.553500000e+04  }
0x336: {  	v40 =	vld [tilespmem:$0x18750];
	v28 =	vmul.f32 v28, v28;
	v51 =	vmin.f32 v30, $6.553500000e+04;
	v26 =	vtrunc.f32 v26  }
0x337: {  	v27 =	vtrunc.f32 v51;
	v26 =	vcvt.f32.s32 v26  }
0x338: {  	v27 =	vcvt.f32.s32 v27  }
0x339: {  	v57 =	vsub.f32 v4, v52;
	v28 =	vmul.f32 $-3.928347030e-03, v28;
	v53 =	vpop (erf);
	v26 =	vshll.u32 v26, $0x10  }
0x33a: {  	s10 =	sadd.s32 $0x1A0, s1;
	v55 =	vsub.f32 v5, v50;
	v54 =	vpop (erf);
	v58 =	vmul.f32 $2.049999950e+00, v53;
	v26 =	vor.u32 v27, v26  }
0x33b: {  	v28 =	vmul.f32 $1.442695020e+00, v28;
	v46 =	vadd.f32 v40, v3;
	v56 =	vpop (erf);
	v32 =	vmul.f32 $2.049999950e+00, v54;
	[tilespmem:s10+$0x0] =	vst v26  }
0x33c: {  	v59 =	vpop (erf);
	v27 =	vand.u32 $0x7FFFFFFF, v55;
	v29 =	vmul.f32 $1.638400000e+04, v58;
	v31 =	vmul.f32 $2.049999950e+00, v56;
	v60 =	vld [tilespmem:$0x18810]  }
0x33d: {  	v30 =	vmul.f32 $8.192000000e+03, v59;
	v61 =	vpop (erf);
	v32 =	vmul.f32 $1.638400000e+04, v32;
	v27 =	vadd.f32 $1.909000020e+01, v27  }
0x33e: {  	v34 =	vmul.f32 $8.192000000e+03, v61;
	v62 =	vpop (erf);
	v29 =	vadd.f32 $5.000000000e-01, v29;
	v31 =	vmul.f32 $1.638400000e+04, v31  }
0x33f: {  	v30 =	vadd.f32 $5.000000000e-01, v30;
	v35 =	vmul.f32 $8.192000000e+03, v62;
	v32 =	vadd.f32 $5.000000000e-01, v32  }
0x340: {  	v27 =	vmul.f32 v27, v27;
	v34 =	vadd.f32 $5.000000000e-01, v34;
	v29 =	vmax.f32 v29, $0.0e+00  }
0x341: {  	v30 =	vmax.f32 v30, $0.0e+00;
	v32 =	vmax.f32 v32, $0.0e+00;
	v33 =	vsub.f32 v23, v60  }
0x342: {  	v29 =	vmin.f32 v29, $6.553500000e+04;
	v34 =	vmax.f32 v34, $0.0e+00;
	v30 =	vmin.f32 v30, $6.553500000e+04  }
0x343: {  	v32 =	vmin.f32 v32, $6.553500000e+04;
	v29 =	vtrunc.f32 v29;
	v33 =	vand.u32 $0x7FFFFFFF, v33  }
0x344: {  	v63 =	vld [tilespmem:$0x18710];
	v34 =	vmin.f32 v34, $6.553500000e+04;
	v30 =	vtrunc.f32 v30;
	v33 =	vadd.f32 $1.909000020e+01, v33  }
0x345: {  	v26 =	vand.u32 $0x7FFFFFFF, v57;
	v32 =	vtrunc.f32 v32;
	v34 =	vtrunc.f32 v34  }
0x346: {  	v26 =	vadd.f32 $1.909000020e+01, v26;
	v30 =	vcvt.f32.s32 v30;
	v33 =	vmul.f32 v33, v33  }
0x347: {  	v31 =	vadd.f32 $5.000000000e-01, v31;
	v29 =	vcvt.f32.s32 v29;
	v34 =	vcvt.f32.s32 v34  }
0x348: {  	v32 =	vcvt.f32.s32 v32;
	v30 =	vshll.u32 v30, $0x10;
	v33 =	vmul.f32 $-3.928347030e-03, v33  }
0x349: {  	v36 =	vadd.f32 v63, v22;
	v34 =	vshll.u32 v34, $0x10;
	v29 =	vor.u32 v29, v30  }
0x34a: {  	v35 =	vadd.f32 $5.000000000e-01, v35;
	v43 =	vor.u32 v32, v34;
	[tilespmem:s10+$0xFFFFFF98] =	vst v29;
	v33 =	vmul.f32 $1.442695020e+00, v33  }
0x34b: {  	v26 =	vmul.f32 v26, v26;
	v27 =	vmul.f32 $-3.928347030e-03, v27;
	v36 =	vadd.f32 $9.999999970e-07, v36;
	[tilespmem:s10+$0xFFFFFF30] =	vst v43;
	v45 =	vld [tilespmem:$0x18810]  }
0x34c: {  	v31 =	vmax.f32 v31, $0.0e+00;
	v35 =	vmax.f32 v35, $0.0e+00;
	v47 =	vld [tilespmem:$0x18810];
	(erf) = vpow2.f32 v33  }
0x34d: {  	v26 =	vmul.f32 $-3.928347030e-03, v26;
	v35 =	vmin.f32 v35, $6.553500000e+04;
	(erf) = vrcp.f32 v36  }
0x34e: {  	v31 =	vmin.f32 v31, $6.553500000e+04;
	v27 =	vmul.f32 $1.442695020e+00, v27;
	v35 =	vtrunc.f32 v35  }
0x34f: {  	v48 =	vadd.f32 $9.999999970e-07, v46;
	v31 =	vtrunc.f32 v31;
	v41 =	vcvt.f32.s32 v35  }
0x350: {  	v26 =	vmul.f32 $1.442695020e+00, v26;
	v42 =	vcvt.f32.s32 v31;
	v51 =	vsub.f32 v21, v45  }
0x351: {  	v44 =	vshll.u32 v41, $0x10;
	v50 =	vld [tilespmem:$0x18710];
	v53 =	vsub.f32 v11, v47;
	(erf) = vrcp.f32 v48  }
0x352: {  	v29 =	vor.u32 v42, v44;
	v56 =	vand.u32 $0x7FFFFFFF, v51;
	(erf) = vpow2.f32 v28  }
0x353: {  	[tilespmem:s10+$0x68] =	vst v29;
	v28 =	vand.u32 $0x7FFFFFFF, v53;
	(erf) = vpow2.f32 v27;
	v27 =	vadd.f32 $1.909000020e+01, v56  }
0x354: {  	v49 =	vld [tilespmem:$0x18810];
	v60 =	vadd.f32 $1.909000020e+01, v28  }
0x355: {  	(erf) = vpow2.f32 v26;
	v27 =	vmul.f32 v27, v27;
	v52 =	vpop (erf)  }
0x356: {  	v59 =	vadd.f32 v50, v19;
	v26 =	vmul.f32 v60, v60;
	v54 =	vmul.f32 $2.049999950e+00, v52;
	v55 =	vpop (erf)  }
0x357: {  	v27 =	vmul.f32 $-3.928347030e-03, v27;
	v57 =	vmul.f32 $8.192000000e+03, v55  }
0x358: {  	v32 =	vadd.f32 $9.999999970e-07, v59;
	v26 =	vmul.f32 $-3.928347030e-03, v26;
	v30 =	vmul.f32 $1.638400000e+04, v54  }
0x359: {  	v58 =	vsub.f32 v20, v49;
	v27 =	vmul.f32 $1.442695020e+00, v27;
	v29 =	vadd.f32 $5.000000000e-01, v57  }
0x35a: {  	(erf) = vrcp.f32 v32;
	v26 =	vmul.f32 $1.442695020e+00, v26;
	v61 =	vadd.f32 $5.000000000e-01, v30  }
0x35b: {  	v62 =	vand.u32 $0x7FFFFFFF, v58;
	(erf) = vpow2.f32 v27;
	v29 =	vmax.f32 v29, $0.0e+00  }
0x35c: {  	v37 =	vld [tilespmem:$0x18750];
	(erf) = vpow2.f32 v26;
	v28 =	vmax.f32 v61, $0.0e+00;
	v29 =	vmin.f32 v29, $6.553500000e+04  }
0x35d: {  	v63 =	vld [tilespmem:$0x18710];
	v30 =	vadd.f32 $1.909000020e+01, v62;
	v28 =	vmin.f32 v28, $6.553500000e+04;
	v29 =	vtrunc.f32 v29  }
0x35e: {  	v41 =	vld [tilespmem:$0x18750];
	v28 =	vtrunc.f32 v28;
	v29 =	vcvt.f32.s32 v29  }
0x35f: {  	v36 =	vld [tilespmem:$0x18710];
	v32 =	vpop (erf);
	v30 =	vmul.f32 v30, v30;
	v28 =	vcvt.f32.s32 v28  }
0x360: {  	v42 =	vpop (erf);
	v29 =	vshll.u32 v29, $0x10  }
0x361: {  	v44 =	vpop (erf);
	v30 =	vmul.f32 $-3.928347030e-03, v30;
	v28 =	vor.u32 v28, v29  }
0x362: {  	v38 =	vadd.f32 v63, v10;
	v45 =	vpop (erf);
	[tilespmem:s10+$0x10] =	vst v28  }
0x363: {  	v43 =	vadd.f32 v37, v2;
	v31 =	vadd.f32 v41, v1;
	v46 =	vpop (erf);
	v30 =	vmul.f32 $1.442695020e+00, v30;
	v39 =	vld [tilespmem:$0x18820]  }
0x364: {  	v40 =	vadd.f32 v36, v18;
	v27 =	vadd.f32 $9.999999970e-07, v38;
	v33 =	vmul.f32 $8.192000000e+03, v46  }
0x365: {  	v31 =	vadd.f32 $9.999999970e-07, v31;
	v32 =	vmul.f32 $8.192000000e+03, v32;
	(erf) = vpow2.f32 v30  }
0x366: {  	v33 =	vadd.f32 $5.000000000e-01, v33;
	v47 =	vpop (erf);
	v28 =	vadd.f32 $9.999999970e-07, v40;
	(erf) = vrcp.f32 v27  }
0x367: {  	v49 =	vmul.f32 $2.049999950e+00, v47;
	v50 =	vpop (erf);
	v30 =	vmul.f32 $2.049999950e+00, v42;
	v27 =	vadd.f32 $9.999999970e-07, v43  }
0x368: {  	v34 =	vmul.f32 $2.049999950e+00, v50;
	(erf) = vrcp.f32 v28;
	v26 =	vsub.f32 v23, v39  }
0x369: {  	v51 =	vmax.f32 v33, $0.0e+00;
	v48 =	vld [tilespmem:$0x18720];
	v28 =	vmul.f32 $2.049999950e+00, v45;
	v30 =	vmul.f32 $1.638400000e+04, v30  }
0x36a: {  	(erf) = vrcp.f32 v27;
	v27 =	vmul.f32 $1.638400000e+04, v49;
	v26 =	vand.u32 $0x7FFFFFFF, v26  }
0x36b: {  	v34 =	vmul.f32 $1.638400000e+04, v34;
	(erf) = vrcp.f32 v31;
	v26 =	vadd.f32 $1.909000020e+01, v26  }
0x36c: {  	v31 =	vmin.f32 v51, $6.553500000e+04;
	v28 =	vmul.f32 $1.638400000e+04, v28;
	v30 =	vadd.f32 $5.000000000e-01, v30  }
0x36d: {  	v27 =	vadd.f32 $5.000000000e-01, v27;
	v31 =	vtrunc.f32 v31;
	v26 =	vmul.f32 v26, v26  }
0x36e: {  	v34 =	vadd.f32 $5.000000000e-01, v34;
	v35 =	vadd.f32 v48, v22;
	v31 =	vcvt.f32.s32 v31;
	v52 =	vpop (erf)  }
0x36f: {  	v28 =	vadd.f32 $5.000000000e-01, v28;
	v55 =	vmax.f32 v27, $0.0e+00;
	v53 =	vpop (erf);
	v26 =	vmul.f32 $-3.928347030e-03, v26  }
0x370: {  	v34 =	vmax.f32 v34, $0.0e+00;
	v33 =	vmul.f32 $2.049999950e+00, v52;
	v36 =	vmul.f32 $8.192000000e+03, v53  }
0x371: {  	v35 =	vadd.f32 $9.999999970e-07, v35;
	v34 =	vmin.f32 v34, $6.553500000e+04;
	v26 =	vmul.f32 $1.442695020e+00, v26  }
0x372: {  	v34 =	vtrunc.f32 v34;
	v54 =	vpop (erf);
	v33 =	vmul.f32 $1.638400000e+04, v33;
	v36 =	vadd.f32 $5.000000000e-01, v36  }
0x373: {  	v31 =	vshll.u32 v31, $0x10;
	v37 =	vmul.f32 $8.192000000e+03, v54;
	(erf) = vpow2.f32 v26  }
0x374: {  	v57 =	vmax.f32 v36, $0.0e+00;
	v26 =	vmin.f32 v55, $6.553500000e+04;
	(erf) = vrcp.f32 v35  }
0x375: {  	v56 =	vadd.f32 $5.000000000e-01, v37;
	v35 =	vmin.f32 v57, $6.553500000e+04;
	v26 =	vtrunc.f32 v26  }
0x376: {  	v33 =	vadd.f32 $5.000000000e-01, v33;
	v35 =	vtrunc.f32 v35;
	v26 =	vcvt.f32.s32 v26  }
0x377: {  	v34 =	vcvt.f32.s32 v34;
	v27 =	vmax.f32 v56, $0.0e+00;
	v35 =	vcvt.f32.s32 v35  }
0x378: {  	v33 =	vmax.f32 v33, $0.0e+00;
	v27 =	vmin.f32 v27, $6.553500000e+04;
	v26 =	vor.u32 v26, v31  }
0x379: {  	v33 =	vmin.f32 v33, $6.553500000e+04;
	v27 =	vtrunc.f32 v27;
	v35 =	vshll.u32 v35, $0x10;
	[tilespmem:s10+$0xFFFFFFA8] =	vst v26  }
0x37a: {  	v58 =	vpop (erf);
	v33 =	vtrunc.f32 v33;
	v27 =	vcvt.f32.s32 v27;
	v34 =	vor.u32 v34, v35;
	v63 =	vld [tilespmem:$0x18820]  }
0x37b: {  	v42 =	vadd.f32 $5.000000000e-01, v32;
	v30 =	vmax.f32 v30, $0.0e+00;
	v59 =	vpop (erf);
	v33 =	vcvt.f32.s32 v33;
	[tilespmem:s10+$0xFFFFFF40] =	vst v34  }
0x37c: {  	v30 =	vmin.f32 v30, $6.553500000e+04;
	v28 =	vmax.f32 v28, $0.0e+00;
	v27 =	vshll.u32 v27, $0x10;
	v34 =	vld [tilespmem:$0x18820];
	v60 =	vpop (erf)  }
0x37d: {  	v30 =	vtrunc.f32 v30;
	v27 =	vor.u32 v33, v27;
	v38 =	vmul.f32 $2.049999950e+00, v60;
	v39 =	vpop (erf)  }
0x37e: {  	v28 =	vmin.f32 v28, $6.553500000e+04;
	v30 =	vcvt.f32.s32 v30;
	[tilespmem:s10+$0x78] =	vst v27;
	v61 =	vmul.f32 $8.192000000e+03, v39  }
0x37f: {  	v28 =	vtrunc.f32 v28;
	v39 =	vld [tilespmem:$0x18820];
	v33 =	vsub.f32 v21, v63;
	v62 =	vmul.f32 $1.638400000e+04, v38  }
0x380: {  	v28 =	vcvt.f32.s32 v28;
	v50 =	vmul.f32 $8.192000000e+03, v58;
	v31 =	vadd.f32 $5.000000000e-01, v61  }
0x381: {  	v34 =	vsub.f32 v11, v34;
	v33 =	vand.u32 $0x7FFFFFFF, v33;
	v26 =	vadd.f32 $5.000000000e-01, v62  }
0x382: {  	v38 =	vmul.f32 $2.049999950e+00, v44;
	v33 =	vadd.f32 $1.909000020e+01, v33;
	v31 =	vmax.f32 v31, $0.0e+00  }
0x383: {  	v34 =	vand.u32 $0x7FFFFFFF, v34;
	v26 =	vmax.f32 v26, $0.0e+00;
	v31 =	vmin.f32 v31, $6.553500000e+04  }
0x384: {  	v40 =	vld [tilespmem:$0x18720];
	v29 =	vsub.f32 v20, v39;
	v26 =	vmin.f32 v26, $6.553500000e+04;
	v31 =	vtrunc.f32 v31  }
0x385: {  	v34 =	vadd.f32 $1.909000020e+01, v34;
	v26 =	vtrunc.f32 v26;
	v31 =	vcvt.f32.s32 v31  }
0x386: {  	v43 =	vmul.f32 v33, v33;
	v29 =	vand.u32 $0x7FFFFFFF, v29;
	v26 =	vcvt.f32.s32 v26  }
0x387: {  	v45 =	vld [tilespmem:$0x18720];
	v34 =	vmul.f32 v34, v34;
	v29 =	vadd.f32 $1.909000020e+01, v29;
	v31 =	vshll.u32 v31, $0x10  }
0x388: {  	v27 =	vmul.f32 $1.638400000e+04, v38;
	v32 =	vmul.f32 $-3.928347030e-03, v43;
	v26 =	vor.u32 v26, v31  }
0x389: {  	v41 =	vld [tilespmem:$0x18720];
	v35 =	vadd.f32 v40, v19;
	v34 =	vmul.f32 $-3.928347030e-03, v34;
	v29 =	vmul.f32 v29, v29;
	[tilespmem:s10+$0x20] =	vst v26  }
0x38a: {  	v51 =	vmul.f32 $8.192000000e+03, v59;
	v27 =	vadd.f32 $5.000000000e-01, v27;
	v32 =	vmul.f32 $1.442695020e+00, v32;
	v44 =	vld [tilespmem:$0x18830]  }
0x38b: {  	v46 =	vadd.f32 $9.999999970e-07, v35;
	v34 =	vmul.f32 $1.442695020e+00, v34;
	v29 =	vmul.f32 $-3.928347030e-03, v29  }
0x38c: {  	v38 =	vadd.f32 v45, v18;
	v27 =	vmax.f32 v27, $0.0e+00;
	(erf) = vpow2.f32 v32  }
0x38d: {  	v27 =	vmin.f32 v27, $6.553500000e+04;
	(erf) = vpow2.f32 v34;
	v29 =	vmul.f32 $1.442695020e+00, v29  }
0x38e: {  	v49 =	vadd.f32 $9.999999970e-07, v38;
	v27 =	vtrunc.f32 v27;
	v31 =	vadd.f32 v41, v10  }
0x38f: {  	v26 =	vmax.f32 v42, $0.0e+00;
	(erf) = vpow2.f32 v29;
	v33 =	vsub.f32 v23, v44  }
0x390: {  	v32 =	vadd.f32 $5.000000000e-01, v51;
	v31 =	vadd.f32 $9.999999970e-07, v31;
	(erf) = vrcp.f32 v46  }
0x391: {  	v27 =	vcvt.f32.s32 v27;
	v26 =	vmin.f32 v26, $6.553500000e+04;
	v33 =	vand.u32 $0x7FFFFFFF, v33  }
0x392: {  	v48 =	vld [tilespmem:$0x18730];
	v32 =	vmax.f32 v32, $0.0e+00;
	(erf) = vrcp.f32 v31;
	v47 =	vadd.f32 $1.909000020e+01, v33  }
0x393: {  	v26 =	vtrunc.f32 v26;
	v32 =	vmin.f32 v32, $6.553500000e+04;
	(erf) = vrcp.f32 v49  }
0x394: {  	v32 =	vtrunc.f32 v32;
	v29 =	vmul.f32 v47, v47  }
0x395: {  	v26 =	vcvt.f32.s32 v26;
	v32 =	vcvt.f32.s32 v32;
	v31 =	vadd.f32 $5.000000000e-01, v50;
	v52 =	vpop (erf)  }
0x396: {  	v34 =	vmul.f32 $2.049999950e+00, v52;
	v53 =	vpop (erf);
	v29 =	vmul.f32 $-3.928347030e-03, v29  }
0x397: {  	v33 =	vadd.f32 v48, v22;
	v31 =	vmax.f32 v31, $0.0e+00;
	v35 =	vmul.f32 $2.049999950e+00, v53  }
0x398: {  	v54 =	vmin.f32 v31, $6.553500000e+04;
	v56 =	vmul.f32 $1.638400000e+04, v34;
	v55 =	vpop (erf);
	v29 =	vmul.f32 $1.442695020e+00, v29  }
0x399: {  	v33 =	vadd.f32 $9.999999970e-07, v33;
	v35 =	vmul.f32 $1.638400000e+04, v35;
	v57 =	vpop (erf);
	v31 =	vmul.f32 $2.049999950e+00, v55  }
0x39a: {  	v34 =	vmul.f32 $8.192000000e+03, v57;
	(erf) = vpow2.f32 v29  }
0x39b: {  	v58 =	vpop (erf);
	v29 =	vtrunc.f32 v54;
	(erf) = vrcp.f32 v33  }
0x39c: {  	v35 =	vadd.f32 $5.000000000e-01, v35;
	v36 =	vmul.f32 $8.192000000e+03, v58;
	v59 =	vpop (erf);
	v31 =	vmul.f32 $1.638400000e+04, v31  }
0x39d: {  	v33 =	vadd.f32 $5.000000000e-01, v56;
	v34 =	vadd.f32 $5.000000000e-01, v34;
	v37 =	vmul.f32 $8.192000000e+03, v59  }
0x39e: {  	v35 =	vmax.f32 v35, $0.0e+00;
	v29 =	vcvt.f32.s32 v29;
	v36 =	vadd.f32 $5.000000000e-01, v36  }
0x39f: {  	v35 =	vmin.f32 v35, $6.553500000e+04;
	v33 =	vmax.f32 v33, $0.0e+00;
	v34 =	vmax.f32 v34, $0.0e+00  }
0x3a0: {  	v35 =	vtrunc.f32 v35;
	v36 =	vmax.f32 v36, $0.0e+00;
	v34 =	vmin.f32 v34, $6.553500000e+04  }
0x3a1: {  	v33 =	vmin.f32 v33, $6.553500000e+04;
	v36 =	vmin.f32 v36, $6.553500000e+04;
	v34 =	vtrunc.f32 v34  }
0x3a2: {  	v26 =	vshll.u32 v26, $0x10;
	v33 =	vtrunc.f32 v33;
	v36 =	vtrunc.f32 v36  }
0x3a3: {  	v26 =	vor.u32 v30, v26;
	v34 =	vcvt.f32.s32 v34;
	v33 =	vcvt.f32.s32 v33;
	v60 =	vpop (erf)  }
0x3a4: {  	v47 =	vshll.u32 v32, $0x10;
	v36 =	vcvt.f32.s32 v36;
	v38 =	vmul.f32 $2.049999950e+00, v60;
	v61 =	vpop (erf)  }
0x3a5: {  	v35 =	vcvt.f32.s32 v35;
	v34 =	vshll.u32 v34, $0x10;
	v39 =	vmul.f32 $8.192000000e+03, v61  }
0x3a6: {  	v36 =	vshll.u32 v36, $0x10;
	v33 =	vor.u32 v33, v34;
	v38 =	vmul.f32 $1.638400000e+04, v38  }
0x3a7: {  	v31 =	vadd.f32 $5.000000000e-01, v31;
	v35 =	vor.u32 v35, v36;
	[tilespmem:s10+$0xFFFFFFB8] =	vst v33;
	v39 =	vadd.f32 $5.000000000e-01, v39  }
0x3a8: {  	v28 =	vor.u32 v28, v47;
	v37 =	vadd.f32 $5.000000000e-01, v37;
	[tilespmem:s10+$0xFFFFFF50] =	vst v35;
	v41 =	vld [tilespmem:$0x18830];
	v38 =	vadd.f32 $5.000000000e-01, v38  }
0x3a9: {  	v29 =	vshll.u32 v29, $0x10;
	v31 =	vmax.f32 v31, $0.0e+00;
	v42 =	vld [tilespmem:$0x18830];
	v39 =	vmax.f32 v39, $0.0e+00  }
0x3aa: {  	v27 =	vor.u32 v27, v29;
	v38 =	vmax.f32 v38, $0.0e+00;
	v39 =	vmin.f32 v39, $6.553500000e+04  }
0x3ab: {  	v37 =	vmax.f32 v37, $0.0e+00;
	v38 =	vmin.f32 v38, $6.553500000e+04;
	v39 =	vtrunc.f32 v39  }
0x3ac: {  	[tilespmem:s20+$0xFFFFFFE8] =	vst v26;
	v31 =	vmin.f32 v31, $6.553500000e+04;
	v38 =	vtrunc.f32 v38;
	v39 =	vcvt.f32.s32 v39  }
0x3ad: {  	v48 =	vld [tilespmem:$0x18860];
	v37 =	vmin.f32 v37, $6.553500000e+04;
	v46 =	vsub.f32 v21, v41;
	v62 =	vcvt.f32.s32 v38  }
0x3ae: {  	v31 =	vtrunc.f32 v31;
	v49 =	vsub.f32 v11, v42;
	v63 =	vshll.u32 v39, $0x10  }
0x3af: {  	[tilespmem:s20+$0xFFFFFF80] =	vst v27;
	v37 =	vtrunc.f32 v37;
	v50 =	vand.u32 $0x7FFFFFFF, v46;
	v33 =	vor.u32 v62, v63  }
0x3b0: {  	v40 =	vcvt.f32.s32 v37;
	v53 =	vand.u32 $0x7FFFFFFF, v49;
	v27 =	vadd.f32 $1.909000020e+01, v50;
	[tilespmem:s10+$0x30] =	vst v33  }
0x3b1: {  	[tilespmem:s20+$0xB8] =	vst v28;
	v31 =	vcvt.f32.s32 v31;
	v28 =	vadd.f32 $1.909000020e+01, v53;
	v44 =	vld [tilespmem:$0x18840]  }
0x3b2: {  	v56 =	vsub.f32 v6, v48;
	v43 =	vshll.u32 v40, $0x10;
	v27 =	vmul.f32 v27, v27  }
0x3b3: {  	v31 =	vor.u32 v31, v43;
	v28 =	vmul.f32 v28, v28  }
0x3b4: {  	v6 =	vand.u32 $0x7FFFFFFF, v56;
	v56 =	vld [tilespmem:$0x18760];
	[tilespmem:s10+$0x88] =	vst v31;
	v27 =	vmul.f32 $-3.928347030e-03, v27  }
0x3b5: {  	v45 =	vld [tilespmem:$0x18830];
	v28 =	vmul.f32 $-3.928347030e-03, v28  }
0x3b6: {  	v27 =	vmul.f32 $1.442695020e+00, v27;
	v51 =	vsub.f32 v23, v44  }
0x3b7: {  	v54 =	vld [tilespmem:$0x18860];
	v28 =	vmul.f32 $1.442695020e+00, v28  }
0x3b8: {  	v6 =	vadd.f32 $1.909000020e+01, v6;
	v52 =	vld [tilespmem:$0x18860];
	(erf) = vpow2.f32 v27;
	v30 =	vand.u32 $0x7FFFFFFF, v51  }
0x3b9: {  	v55 =	vld [tilespmem:$0x18740];
	(erf) = vpow2.f32 v28;
	v30 =	vadd.f32 $1.909000020e+01, v30  }
0x3ba: {  	v6 =	vmul.f32 v6, v6;
	v1 =	vadd.f32 v56, v1;
	v26 =	vsub.f32 v20, v45  }
0x3bb: {  	v57 =	vmul.f32 v30, v30  }
0x3bc: {  	v6 =	vmul.f32 $-3.928347030e-03, v6;
	v1 =	vadd.f32 $9.999999970e-07, v1;
	v26 =	vand.u32 $0x7FFFFFFF, v26  }
0x3bd: {  	v60 =	vsub.f32 v4, v54;
	v59 =	vld [tilespmem:$0x18730];
	v26 =	vadd.f32 $1.909000020e+01, v26;
	v29 =	vmul.f32 $-3.928347030e-03, v57  }
0x3be: {  	v6 =	vmul.f32 $1.442695020e+00, v6;
	v58 =	vsub.f32 v5, v52;
	v61 =	vld [tilespmem:$0x18730];
	v62 =	vadd.f32 v55, v22  }
0x3bf: {  	v4 =	vand.u32 $0x7FFFFFFF, v60;
	v26 =	vmul.f32 v26, v26;
	v29 =	vmul.f32 $1.442695020e+00, v29  }
0x3c0: {  	v5 =	vand.u32 $0x7FFFFFFF, v58;
	v4 =	vadd.f32 $1.909000020e+01, v4;
	v36 =	vadd.f32 $9.999999970e-07, v62  }
0x3c1: {  	v5 =	vadd.f32 $1.909000020e+01, v5;
	v63 =	vld [tilespmem:$0x18730];
	v26 =	vmul.f32 $-3.928347030e-03, v26;
	v42 =	vpop (erf);
	(erf) = vpow2.f32 v29  }
0x3c2: {  	v4 =	vmul.f32 v4, v4;
	v37 =	vadd.f32 v59, v19;
	v50 =	vld [tilespmem:$0x18760];
	v43 =	vpop (erf);
	(erf) = vrcp.f32 v36  }
0x3c3: {  	v38 =	vadd.f32 v61, v10;
	v26 =	vmul.f32 $1.442695020e+00, v26;
	v27 =	vmul.f32 $2.049999950e+00, v43  }
0x3c4: {  	v5 =	vmul.f32 v5, v5;
	v4 =	vmul.f32 $-3.928347030e-03, v4;
	v39 =	vadd.f32 $9.999999970e-07, v37  }
0x3c5: {  	v29 =	vadd.f32 $9.999999970e-07, v38;
	v27 =	vmul.f32 $1.638400000e+04, v27;
	(erf) = vpow2.f32 v26  }
0x3c6: {  	v40 =	vadd.f32 v63, v18;
	v26 =	vmul.f32 $2.049999950e+00, v42;
	(erf) = vrcp.f32 v39  }
0x3c7: {  	v5 =	vmul.f32 $-3.928347030e-03, v5;
	v3 =	vadd.f32 v50, v3;
	v55 =	vld [tilespmem:$0x18760];
	(erf) = vrcp.f32 v29  }
0x3c8: {  	v41 =	vadd.f32 $9.999999970e-07, v40;
	v27 =	vadd.f32 $5.000000000e-01, v27;
	v26 =	vmul.f32 $1.638400000e+04, v26  }
0x3c9: {  	v4 =	vmul.f32 $1.442695020e+00, v4;
	v5 =	vmul.f32 $1.442695020e+00, v5;
	v3 =	vadd.f32 $9.999999970e-07, v3  }
0x3ca: {  	(erf) = vrcp.f32 v41;
	v27 =	vmax.f32 v27, $0.0e+00;
	v26 =	vadd.f32 $5.000000000e-01, v26;
	v44 =	vpop (erf)  }
0x3cb: {  	v27 =	vmin.f32 v27, $6.553500000e+04;
	(erf) = vpow2.f32 v6;
	v28 =	vmul.f32 $2.049999950e+00, v44;
	v45 =	vpop (erf)  }
0x3cc: {  	v2 =	vadd.f32 v55, v2;
	v27 =	vtrunc.f32 v27;
	v29 =	vmul.f32 $8.192000000e+03, v45  }
0x3cd: {  	(erf) = vpow2.f32 v5;
	v26 =	vmax.f32 v26, $0.0e+00;
	v28 =	vmul.f32 $1.638400000e+04, v28  }
0x3ce: {  	v27 =	vcvt.f32.s32 v27;
	v26 =	vmin.f32 v26, $6.553500000e+04;
	v46 =	vpop (erf);
	v29 =	vadd.f32 $5.000000000e-01, v29  }
0x3cf: {  	(erf) = vpow2.f32 v4;
	v26 =	vtrunc.f32 v26;
	v47 =	vpop (erf);
	v28 =	vadd.f32 $5.000000000e-01, v28  }
0x3d0: {  	v30 =	vmul.f32 $2.049999950e+00, v46;
	v31 =	vmul.f32 $8.192000000e+03, v47;
	v48 =	vpop (erf);
	v29 =	vmax.f32 v29, $0.0e+00  }
0x3d1: {  	v32 =	vmul.f32 $8.192000000e+03, v48;
	v28 =	vmax.f32 v28, $0.0e+00;
	v29 =	vmin.f32 v29, $6.553500000e+04  }
0x3d2: {  	v30 =	vmul.f32 $1.638400000e+04, v30;
	v28 =	vmin.f32 v28, $6.553500000e+04;
	v29 =	vtrunc.f32 v29  }
0x3d3: {  	v2 =	vadd.f32 $9.999999970e-07, v2;
	v49 =	vpop (erf);
	v28 =	vtrunc.f32 v28;
	v29 =	vcvt.f32.s32 v29  }
0x3d4: {  	v33 =	vmul.f32 $8.192000000e+03, v49;
	v32 =	vadd.f32 $5.000000000e-01, v32;
	v28 =	vcvt.f32.s32 v28  }
0x3d5: {  	v31 =	vadd.f32 $5.000000000e-01, v31;
	v30 =	vadd.f32 $5.000000000e-01, v30;
	v29 =	vshll.u32 v29, $0x10  }
0x3d6: {  	v33 =	vadd.f32 $5.000000000e-01, v33;
	v32 =	vmax.f32 v32, $0.0e+00;
	v28 =	vor.u32 v28, v29  }
0x3d7: {  	(erf) = vrcp.f32 v3;
	v31 =	vmax.f32 v31, $0.0e+00;
	v32 =	vmin.f32 v32, $6.553500000e+04;
	[tilespmem:s10+$0x40] =	vst v28  }
0x3d8: {  	v30 =	vmax.f32 v30, $0.0e+00;
	v33 =	vmax.f32 v33, $0.0e+00;
	v32 =	vtrunc.f32 v32;
	v53 =	vld [tilespmem:$0x18850]  }
0x3d9: {  	v30 =	vmin.f32 v30, $6.553500000e+04;
	v52 =	vmin.f32 v33, $6.553500000e+04;
	v54 =	vcvt.f32.s32 v32  }
0x3da: {  	v51 =	vmin.f32 v31, $6.553500000e+04;
	v30 =	vtrunc.f32 v30;
	v31 =	vtrunc.f32 v52  }
0x3db: {  	v28 =	vtrunc.f32 v51;
	v31 =	vcvt.f32.s32 v31;
	v29 =	vshll.u32 v54, $0x10  }
0x3dc: {  	v30 =	vcvt.f32.s32 v30;
	v28 =	vcvt.f32.s32 v28;
	v27 =	vor.u32 v27, v29  }
0x3dd: {  	v26 =	vcvt.f32.s32 v26;
	v59 =	vld [tilespmem:$0x18750];
	v57 =	vshll.u32 v31, $0x10;
	[tilespmem:s10+$0xFFFFFF60] =	vst v27;
	v33 =	vsub.f32 v23, v53  }
0x3de: {  	(erf) = vrcp.f32 v2;
	v28 =	vshll.u32 v28, $0x10;
	v60 =	vor.u32 v30, v57;
	v63 =	vld [tilespmem:$0x18840]  }
0x3df: {  	(erf) = vrcp.f32 v1;
	v26 =	vor.u32 v26, v28;
	[tilespmem:s10+$0x98] =	vst v60;
	v1 =	vld [tilespmem:$0x18740];
	v33 =	vand.u32 $0x7FFFFFFF, v33  }
0x3e0: {  	[tilespmem:s10+$0xFFFFFFC8] =	vst v26;
	v32 =	vld [tilespmem:$0x18840];
	v58 =	vadd.f32 $1.909000020e+01, v33  }
0x3e1: {  	v61 =	vld [tilespmem:$0x18840]  }
0x3e2: {  	v3 =	vld [tilespmem:$0x18740];
	v62 =	vmul.f32 v58, v58  }
0x3e3: {  	v34 =	vadd.f32 v59, v22  }
0x3e4: {  	v33 =	vmul.f32 $-3.928347030e-03, v62  }
0x3e5: {  	v6 =	vadd.f32 $9.999999970e-07, v34;
	v36 =	vsub.f32 v11, v63  }
0x3e6: {  	v1 =	vadd.f32 v1, v10;
	v35 =	vsub.f32 v21, v61;
	v2 =	vmul.f32 $1.442695020e+00, v33  }
0x3e7: {  	v37 =	vsub.f32 v20, v32;
	v3 =	vadd.f32 v3, v19  }
0x3e8: {  	v42 =	vadd.f32 $9.999999970e-07, v1;
	(erf) = vpow2.f32 v2;
	v2 =	vand.u32 $0x7FFFFFFF, v35  }
0x3e9: {  	v38 =	vand.u32 $0x7FFFFFFF, v36;
	v3 =	vadd.f32 $9.999999970e-07, v3;
	v2 =	vadd.f32 $1.909000020e+01, v2  }
0x3ea: {  	v5 =	vadd.f32 $1.909000020e+01, v38;
	v4 =	vand.u32 $0x7FFFFFFF, v37;
	(erf) = vrcp.f32 v6  }
0x3eb: {  	v39 =	vpop (erf);
	v4 =	vadd.f32 $1.909000020e+01, v4;
	(erf) = vrcp.f32 v3;
	v2 =	vmul.f32 v2, v2  }
0x3ec: {  	v29 =	vpop (erf);
	v40 =	vld [tilespmem:$0x18740];
	v5 =	vmul.f32 v5, v5;
	(erf) = vrcp.f32 v42  }
0x3ed: {  	v27 =	vpop (erf);
	v4 =	vmul.f32 v4, v4;
	v41 =	vmul.f32 $-3.928347030e-03, v2  }
0x3ee: {  	v26 =	vpop (erf);
	v5 =	vmul.f32 $-3.928347030e-03, v5  }
0x3ef: {  	v4 =	vmul.f32 $-3.928347030e-03, v4;
	v2 =	vpop (erf);
	v3 =	vmul.f32 $1.442695020e+00, v41  }
0x3f0: {  	v14 =	vtrunc.f32 v14;
	v5 =	vmul.f32 $1.442695020e+00, v5;
	v1 =	vpop (erf)  }
0x3f1: {  	v6 =	vadd.f32 v40, v18;
	v4 =	vmul.f32 $1.442695020e+00, v4;
	v43 =	vpop (erf);
	(erf) = vpow2.f32 v3  }
0x3f2: {  	v17 =	vmin.f32 v17, $6.553500000e+04;
	v3 =	vmul.f32 $2.049999950e+00, v43;
	(erf) = vpow2.f32 v5  }
0x3f3: {  	v13 =	vtrunc.f32 v13;
	v44 =	vadd.f32 $9.999999970e-07, v6;
	v45 =	vpop (erf);
	(erf) = vpow2.f32 v4  }
0x3f4: {  	v15 =	vmin.f32 v15, $6.553500000e+04;
	v46 =	vmul.f32 $8.192000000e+03, v45;
	v47 =	vpop (erf);
	v3 =	vmul.f32 $1.638400000e+04, v3  }
0x3f5: {  	v16 =	vmin.f32 v16, $6.553500000e+04;
	(erf) = vrcp.f32 v44;
	v5 =	vmul.f32 $8.192000000e+03, v47;
	v48 =	vpop (erf)  }
0x3f6: {  	v17 =	vtrunc.f32 v17;
	v4 =	vadd.f32 $5.000000000e-01, v46;
	v6 =	vmul.f32 $8.192000000e+03, v48  }
0x3f7: {  	v15 =	vtrunc.f32 v15;
	v3 =	vadd.f32 $5.000000000e-01, v3;
	v5 =	vadd.f32 $5.000000000e-01, v5  }
0x3f8: {  	v16 =	vtrunc.f32 v16;
	v4 =	vmax.f32 v4, $0.0e+00;
	v6 =	vadd.f32 $5.000000000e-01, v6  }
0x3f9: {  	v3 =	vmax.f32 v3, $0.0e+00;
	v4 =	vmin.f32 v4, $6.553500000e+04;
	v5 =	vmax.f32 v5, $0.0e+00  }
0x3fa: {  	v3 =	vmin.f32 v3, $6.553500000e+04;
	v4 =	vtrunc.f32 v4;
	v6 =	vmax.f32 v6, $0.0e+00  }
0x3fb: {  	v5 =	vmin.f32 v5, $6.553500000e+04;
	v3 =	vtrunc.f32 v3;
	v49 =	vpop (erf);
	v4 =	vcvt.f32.s32 v4  }
0x3fc: {  	v6 =	vmin.f32 v6, $6.553500000e+04;
	v5 =	vtrunc.f32 v5;
	v50 =	vpop (erf);
	v30 =	vmul.f32 $2.049999950e+00, v49  }
0x3fd: {  	v3 =	vcvt.f32.s32 v3;
	v6 =	vtrunc.f32 v6;
	v51 =	vpop (erf)  }
0x3fe: {  	v31 =	vmul.f32 $2.049999950e+00, v50;
	v32 =	vmul.f32 $2.049999950e+00, v51;
	v52 =	vpop (erf)  }
0x3ff: {  	v30 =	vmul.f32 $1.638400000e+04, v30;
	v53 =	vmul.f32 $8.192000000e+03, v52  }
0x400: {  	v4 =	vshll.u32 v4, $0x10;
	v31 =	vmul.f32 $1.638400000e+04, v31;
	v32 =	vmul.f32 $1.638400000e+04, v32  }
0x401: {  	v3 =	vor.u32 v3, v4;
	v30 =	vadd.f32 $5.000000000e-01, v30;
	v4 =	vadd.f32 $5.000000000e-01, v53  }
0x402: {  	v5 =	vcvt.f32.s32 v5;
	v31 =	vadd.f32 $5.000000000e-01, v31;
	v32 =	vadd.f32 $5.000000000e-01, v32  }
0x403: {  	v6 =	vcvt.f32.s32 v6;
	v30 =	vmax.f32 v30, $0.0e+00;
	v4 =	vmax.f32 v4, $0.0e+00  }
0x404: {  	[tilespmem:s10+$0x50] =	vst v3;
	v31 =	vmax.f32 v31, $0.0e+00;
	v30 =	vmin.f32 v30, $6.553500000e+04;
	v32 =	vmax.f32 v32, $0.0e+00  }
0x405: {  	v54 =	vld [tilespmem:$0x18860];
	v4 =	vmin.f32 v4, $6.553500000e+04;
	v31 =	vmin.f32 v31, $6.553500000e+04;
	v30 =	vtrunc.f32 v30  }
0x406: {  	v4 =	vtrunc.f32 v4;
	v3 =	vmin.f32 v32, $6.553500000e+04;
	v31 =	vtrunc.f32 v31  }
0x407: {  	v30 =	vcvt.f32.s32 v30;
	v3 =	vtrunc.f32 v3  }
0x408: {  	v5 =	vshll.u32 v5, $0x10;
	v4 =	vcvt.f32.s32 v4;
	v31 =	vcvt.f32.s32 v31  }
0x409: {  	v6 =	vshll.u32 v6, $0x10;
	v3 =	vcvt.f32.s32 v3;
	v5 =	vor.u32 v30, v5  }
0x40a: {  	v59 =	vld [tilespmem:$0x18760];
	v55 =	vsub.f32 v23, v54;
	v4 =	vshll.u32 v4, $0x10;
	v6 =	vor.u32 v31, v6;
	[tilespmem:s10+$0xFFFFFFD8] =	vst v5  }
0x40b: {  	v14 =	vcvt.f32.s32 v14;
	v13 =	vcvt.f32.s32 v13;
	[tilespmem:s10+$0xFFFFFF70] =	vst v6;
	v56 =	vld [tilespmem:$0x18850];
	v3 =	vor.u32 v3, v4  }
0x40c: {  	v17 =	vcvt.f32.s32 v17;
	v15 =	vcvt.f32.s32 v15;
	v5 =	vand.u32 $0x7FFFFFFF, v55;
	v57 =	vld [tilespmem:$0x18850];
	[tilespmem:s10+$0xA8] =	vst v3  }
0x40d: {  	v16 =	vcvt.f32.s32 v16;
	v24 =	vmul.f32 $8.192000000e+03, v24;
	v5 =	vadd.f32 $1.909000020e+01, v5;
	v58 =	vld [tilespmem:$0x18850]  }
0x40e: {  	v28 =	vmul.f32 $2.049999950e+00, v39;
	v29 =	vmul.f32 $2.049999950e+00, v29  }
0x40f: {  	v24 =	vadd.f32 $5.000000000e-01, v24;
	v27 =	vmul.f32 $2.049999950e+00, v27;
	v60 =	vld [tilespmem:$0x18750];
	v5 =	vmul.f32 v5, v5  }
0x410: {  	v26 =	vmul.f32 $8.192000000e+03, v26;
	v22 =	vadd.f32 v59, v22;
	v6 =	vsub.f32 v21, v56  }
0x411: {  	v27 =	vmul.f32 $1.638400000e+04, v27;
	v5 =	vmul.f32 $-3.928347030e-03, v5;
	v4 =	vsub.f32 v11, v57  }
0x412: {  	v22 =	vadd.f32 $9.999999970e-07, v22;
	v23 =	vsub.f32 v20, v58;
	v6 =	vand.u32 $0x7FFFFFFF, v6  }
0x413: {  	v5 =	vmul.f32 $1.442695020e+00, v5;
	v4 =	vand.u32 $0x7FFFFFFF, v4;
	v6 =	vadd.f32 $1.909000020e+01, v6  }
0x414: {  	v61 =	vadd.f32 v60, v19;
	v23 =	vand.u32 $0x7FFFFFFF, v23;
	v4 =	vadd.f32 $1.909000020e+01, v4  }
0x415: {  	(erf) = vpow2.f32 v5;
	v6 =	vmul.f32 v6, v6;
	v23 =	vadd.f32 $1.909000020e+01, v23  }
0x416: {  	v62 =	vld [tilespmem:$0x18750];
	v5 =	vadd.f32 $9.999999970e-07, v61;
	(erf) = vrcp.f32 v22;
	v4 =	vmul.f32 v4, v4  }
0x417: {  	v14 =	vshll.u32 v14, $0x10;
	v63 =	vld [tilespmem:$0x18750];
	v6 =	vmul.f32 $-3.928347030e-03, v6;
	v23 =	vmul.f32 v23, v23  }
0x418: {  	v24 =	vmax.f32 v24, $0.0e+00;
	(erf) = vrcp.f32 v5;
	v4 =	vmul.f32 $-3.928347030e-03, v4  }
0x419: {  	v24 =	vmin.f32 v24, $6.553500000e+04;
	v23 =	vmul.f32 $-3.928347030e-03, v23;
	v6 =	vmul.f32 $1.442695020e+00, v6  }
0x41a: {  	v26 =	vadd.f32 $5.000000000e-01, v26;
	v35 =	vtrunc.f32 v12;
	v4 =	vmul.f32 $1.442695020e+00, v4  }
0x41b: {  	v33 =	vadd.f32 v62, v10;
	v23 =	vmul.f32 $1.442695020e+00, v23;
	(erf) = vpow2.f32 v6  }
0x41c: {  	v3 =	vmul.f32 $2.049999950e+00, v25;
	v34 =	vadd.f32 v63, v18;
	(erf) = vpow2.f32 v4  }
0x41d: {  	v36 =	vcvt.f32.s32 v35;
	v5 =	vadd.f32 $9.999999970e-07, v33;
	(erf) = vpow2.f32 v23  }
0x41e: {  	v2 =	vmul.f32 $8.192000000e+03, v2;
	v3 =	vmul.f32 $1.638400000e+04, v3;
	v22 =	vadd.f32 $9.999999970e-07, v34  }
0x41f: {  	v26 =	vmax.f32 v26, $0.0e+00;
	v31 =	vtrunc.f32 v24;
	v24 =	vpop (erf);
	(erf) = vrcp.f32 v5  }
0x420: {  	v2 =	vadd.f32 $5.000000000e-01, v2;
	v3 =	vadd.f32 $5.000000000e-01, v3;
	v25 =	vpop (erf);
	(erf) = vrcp.f32 v22  }
0x421: {  	v41 =	vshll.u32 v13, $0x10;
	v13 =	vor.u32 v17, v14;
	v1 =	vmul.f32 $8.192000000e+03, v1;
	v37 =	vpop (erf)  }
0x422: {  	v2 =	vmax.f32 v2, $0.0e+00;
	v3 =	vmax.f32 v3, $0.0e+00;
	v23 =	vmul.f32 $8.192000000e+03, v37  }
0x423: {  	v1 =	vadd.f32 $5.000000000e-01, v1;
	v2 =	vmin.f32 v2, $6.553500000e+04;
	v30 =	vmin.f32 v3, $6.553500000e+04  }
0x424: {  	v32 =	vtrunc.f32 v30;
	v6 =	vcvt.f32.s32 v31;
	v23 =	vadd.f32 $5.000000000e-01, v23;
	v38 =	vpop (erf)  }
0x425: {  	v1 =	vmax.f32 v1, $0.0e+00;
	v4 =	vcvt.f32.s32 v32;
	v39 =	vpop (erf);
	v30 =	vmul.f32 $2.049999950e+00, v38  }
0x426: {  	v22 =	vshll.u32 v36, $0x10;
	v23 =	vmax.f32 v23, $0.0e+00;
	v40 =	vpop (erf);
	v31 =	vmul.f32 $2.049999950e+00, v39  }
0x427: {  	v23 =	vmin.f32 v23, $6.553500000e+04;
	v32 =	vmul.f32 $2.049999950e+00, v40;
	v30 =	vmul.f32 $1.638400000e+04, v30  }
0x428: {  	v15 =	vor.u32 v15, v22;
	v23 =	vtrunc.f32 v23;
	v44 =	vpop (erf);
	v42 =	vmul.f32 $1.638400000e+04, v31  }
0x429: {  	v45 =	vpop (erf);
	v31 =	vmul.f32 $8.192000000e+03, v44;
	v43 =	vmul.f32 $1.638400000e+04, v32;
	v30 =	vadd.f32 $5.000000000e-01, v30  }
0x42a: {  	v50 =	vcvt.f32.s32 v23;
	v32 =	vmul.f32 $8.192000000e+03, v45;
	v14 =	vadd.f32 $5.000000000e-01, v42  }
0x42b: {  	v31 =	vadd.f32 $5.000000000e-01, v31;
	v17 =	vadd.f32 $5.000000000e-01, v43;
	v30 =	vmax.f32 v30, $0.0e+00  }
0x42c: {  	v32 =	vadd.f32 $5.000000000e-01, v32;
	v14 =	vmax.f32 v14, $0.0e+00;
	v30 =	vmin.f32 v30, $6.553500000e+04  }
0x42d: {  	v31 =	vmax.f32 v31, $0.0e+00;
	v17 =	vmax.f32 v17, $0.0e+00;
	v14 =	vmin.f32 v14, $6.553500000e+04  }
0x42e: {  	v30 =	vtrunc.f32 v30;
	v32 =	vmax.f32 v32, $0.0e+00;
	v47 =	vmin.f32 v31, $6.553500000e+04  }
0x42f: {  	v46 =	vtrunc.f32 v14;
	v48 =	vmin.f32 v32, $6.553500000e+04;
	v49 =	vtrunc.f32 v47  }
0x430: {  	v17 =	vmin.f32 v17, $6.553500000e+04;
	v52 =	vcvt.f32.s32 v30;
	v31 =	vtrunc.f32 v48  }
0x431: {  	v22 =	vshll.u32 v50, $0x10;
	v17 =	vtrunc.f32 v17;
	v51 =	vcvt.f32.s32 v49  }
0x432: {  	v14 =	vor.u32 v16, v41;
	v54 =	vcvt.f32.s32 v46;
	v53 =	vcvt.f32.s32 v31  }
0x433: {  	v17 =	vcvt.f32.s32 v17;
	v22 =	vor.u32 v52, v22;
	v16 =	vshll.u32 v51, $0x10  }
0x434: {  	v1 =	vmin.f32 v1, $6.553500000e+04;
	[tilespmem:s10+$0xFFFFFFE8] =	vst v22;
	v56 =	vshll.u32 v53, $0x10;
	v16 =	vor.u32 v54, v16  }
0x435: {  	v2 =	vtrunc.f32 v2;
	v1 =	vtrunc.f32 v1;
	v58 =	vld [tilespmem:$0x18860];
	v17 =	vor.u32 v17, v56;
	[tilespmem:s10+$0xFFFFFF80] =	vst v16  }
0x436: {  	v26 =	vmin.f32 v26, $6.553500000e+04;
	v2 =	vcvt.f32.s32 v2;
	v1 =	vcvt.f32.s32 v1;
	v59 =	vld [tilespmem:$0x18860];
	[tilespmem:s10+$0xB8] =	vst v17  }
0x437: {  	s4 =	sadd.s32 $0x1A0, s4;
	v26 =	vtrunc.f32 v26;
	v57 =	vmul.f32 $1.638400000e+04, v29;
	v62 =	vld [tilespmem:$0x18860]  }
0x438: {  	s23 =	sadd.s32 $0xFFFFFF98, s4;
	v2 =	vshll.u32 v2, $0x10;
	v1 =	vshll.u32 v1, $0x10;
	v55 =	vmul.f32 $1.638400000e+04, v28  }
0x439: {  	v3 =	vor.u32 s23, v0;
	v60 =	vadd.f32 $5.000000000e-01, v57;
	v6 =	vshll.u32 v6, $0x10  }
0x43a: {  	s24 =	sadd.s32 $0xFFFFFEC8, s4;
	v61 =	vadd.f32 $5.000000000e-01, v27;
	v12 =	vor.u32 v4, v6;
	v16 =	vsub.f32 v21, v58  }
0x43b: {  	s9 =	sadd.s32 $0xFFFFFF30, s4;
	v4 =	vor.u32 s24, v0;
	v23 =	vadd.f32 $5.000000000e-01, v55;
	v11 =	vsub.f32 v11, v59  }
0x43c: {  	v6 =	vadd.s32 s9, v0;
	v16 =	vand.u32 $0x7FFFFFFF, v16;
	v20 =	vsub.f32 v20, v62  }
0x43d: {  	v23 =	vmax.f32 v23, $0.0e+00;
	v16 =	vadd.f32 $1.909000020e+01, v16;
	v11 =	vand.u32 $0x7FFFFFFF, v11  }
0x43e: {  	v63 =	vmin.f32 v23, $6.553500000e+04;
	v20 =	vand.u32 $0x7FFFFFFF, v20;
	v11 =	vadd.f32 $1.909000020e+01, v11  }
0x43f: {  	s9 =	sadd.s32 $0x1A0, s4;
	v45 =	vcvt.f32.s32 v26;
	v33 =	vld [tilespmem:$0x18760];
	v16 =	vmul.f32 v16, v16;
	v20 =	vadd.f32 $1.909000020e+01, v20  }
0x440: {  	v5 =	vadd.s32 s4, v0;
	s20 =	sadd.s32 $0xFFFFFF30, s9;
	v43 =	vtrunc.f32 v63;
	v11 =	vmul.f32 v11, v11  }
0x441: {  	s4 =	sadd.s32 $0xFFFFFF98, s9;
	v44 =	vadd.s32 s20, v0;
	v34 =	vld [tilespmem:$0x18760];
	v16 =	vmul.f32 $-3.928347030e-03, v16;
	v20 =	vmul.f32 v20, v20  }
0x442: {  	v32 =	vmul.f32 $8.192000000e+03, v25;
	v41 =	vor.u32 s4, v0;
	v35 =	vld [tilespmem:$0x18760];
	v11 =	vmul.f32 $-3.928347030e-03, v11  }
0x443: {  	v47 =	vadd.s32 s9, v0;
	v16 =	vmul.f32 $1.442695020e+00, v16;
	v20 =	vmul.f32 $-3.928347030e-03, v20  }
0x444: {  	v31 =	vmul.f32 $2.049999950e+00, v24;
	v19 =	vadd.f32 v33, v19;
	v11 =	vmul.f32 $1.442695020e+00, v11  }
0x445: {  	v24 =	vadd.f32 $5.000000000e-01, v32;
	(erf) = vpow2.f32 v16;
	v20 =	vmul.f32 $1.442695020e+00, v20  }
0x446: {  	v10 =	vadd.f32 v34, v10;
	v36 =	vadd.f32 $9.999999970e-07, v19;
	(erf) = vpow2.f32 v11  }
0x447: {  	v22 =	vmax.f32 v61, $0.0e+00;
	v18 =	vadd.f32 v35, v18;
	(erf) = vpow2.f32 v20  }
0x448: {  	v23 =	vmul.f32 $1.638400000e+04, v31;
	v10 =	vadd.f32 $9.999999970e-07, v10;
	(erf) = vrcp.f32 v36  }
0x449: {  	v24 =	vmax.f32 v24, $0.0e+00;
	v40 =	vmin.f32 v22, $6.553500000e+04;
	v18 =	vadd.f32 $9.999999970e-07, v18  }
0x44a: {  	v24 =	vmin.f32 v24, $6.553500000e+04;
	v17 =	vmax.f32 v60, $0.0e+00;
	(erf) = vrcp.f32 v10  }
0x44b: {  	v23 =	vadd.f32 $5.000000000e-01, v23;
	v38 =	vtrunc.f32 v24;
	s10 =	sadd.s32 $0xFFFFFEC8, s9;
	(erf) = vrcp.f32 v18  }
0x44c: {  	v17 =	vmin.f32 v17, $6.553500000e+04;
	v39 =	vcvt.f32.s32 v38;
	v42 =	vor.u32 s10, v0  }
0x44d: {  	v23 =	vmax.f32 v23, $0.0e+00;
	v17 =	vtrunc.f32 v17;
	v19 =	vtrunc.f32 v40  }
0x44e: {  	v37 =	vmin.f32 v23, $6.553500000e+04;
	v17 =	vcvt.f32.s32 v17;
	v19 =	vcvt.f32.s32 v19;
	v46 =	vpop (erf)  }
0x44f: {  	v21 =	vshll.u32 v45, $0x10;
	v11 =	vtrunc.f32 v37;
	v22 =	vmul.f32 $2.049999950e+00, v46;
	v48 =	vpop (erf)  }
0x450: {  	v2 =	vor.u32 v17, v2;
	v11 =	vcvt.f32.s32 v11;
	v18 =	vcvt.f32.s32 v43;
	v49 =	vpop (erf)  }
0x451: {  	v1 =	vor.u32 v19, v1;
	v24 =	vmul.f32 $2.049999950e+00, v48;
	v22 =	vmul.f32 $1.638400000e+04, v22;
	v50 =	vpop (erf)  }
0x452: {  	v16 =	vshll.u32 v39, $0x10;
	v25 =	vmul.f32 $2.049999950e+00, v49;
	v26 =	vmul.f32 $8.192000000e+03, v50  }
0x453: {  	v18 =	vor.u32 v18, v21;
	v51 =	vmul.f32 $1.638400000e+04, v24;
	v52 =	vpop (erf);
	v22 =	vadd.f32 $5.000000000e-01, v22  }
0x454: {  	v25 =	vmul.f32 $1.638400000e+04, v25;
	v53 =	vpop (erf);
	v24 =	vmul.f32 $8.192000000e+03, v52;
	v26 =	vadd.f32 $5.000000000e-01, v26  }
0x455: {  	v21 =	vadd.f32 $5.000000000e-01, v51;
	v27 =	vmul.f32 $8.192000000e+03, v53;
	v22 =	vmax.f32 v22, $0.0e+00  }
0x456: {  	v25 =	vadd.f32 $5.000000000e-01, v25;
	v24 =	vadd.f32 $5.000000000e-01, v24;
	v57 =	vmin.f32 v22, $6.553500000e+04  }
0x457: {  	v26 =	vmax.f32 v26, $0.0e+00;
	v27 =	vadd.f32 $5.000000000e-01, v27;
	v21 =	vmax.f32 v21, $0.0e+00  }
0x458: {  	[tilespmem:v9+s22+$0x0] =	vst.idx.msk $0xff, v13;
	v13 =	vtrunc.f32 v57;
	v25 =	vmax.f32 v25, $0.0e+00;
	v24 =	vmax.f32 v24, $0.0e+00  }
0x459: {  	[tilespmem:v3+s22+$0x0] =	vst.idx.msk $0xff, v12;
	v3 =	vmin.f32 v26, $6.553500000e+04;
	v58 =	vmin.f32 v21, $6.553500000e+04;
	v61 =	vcvt.f32.s32 v13  }
0x45a: {  	[tilespmem:v7+s22+$0x0] =	vst.idx.msk $0xff, v15;
	v54 =	vmin.f32 v24, $6.553500000e+04;
	v55 =	vmax.f32 v27, $0.0e+00;
	v3 =	vtrunc.f32 v3  }
0x45b: {  	[tilespmem:v8+s22+$0x0] =	vst.idx.msk $0xff, v14;
	v59 =	vmin.f32 v25, $6.553500000e+04;
	v7 =	vtrunc.f32 v58;
	v12 =	vtrunc.f32 v54  }
0x45c: {  	[tilespmem:v4+s22+$0x0] =	vst.idx.msk $0xff, v2;
	v56 =	vmin.f32 v55, $6.553500000e+04;
	v8 =	vtrunc.f32 v59;
	v3 =	vcvt.f32.s32 v3  }
0x45d: {  	[tilespmem:v5+s22+$0x0] =	vst.idx.msk $0xff, v1;
	v11 =	vor.u32 v11, v16;
	v9 =	vtrunc.f32 v56;
	v60 =	vcvt.f32.s32 v12  }
0x45e: {  	[tilespmem:v41+s22+$0x0] =	vst.idx.msk $0xff, v11;
	v62 =	vcvt.f32.s32 v7;
	v2 =	vshll.u32 v3, $0x10;
	v3 =	vcvt.f32.s32 v9  }
0x45f: {  	[tilespmem:v6+s22+$0x0] =	vst.idx.msk $0xff, v18;
	v63 =	vcvt.f32.s32 v8;
	v1 =	vshll.u32 v60, $0x10;
	v2 =	vor.u32 v61, v2  }
0x460: {  	v3 =	vshll.u32 v3, $0x10;
	v1 =	vor.u32 v62, v1;
	[tilespmem:v44+s22+$0x0] =	vst.idx.msk $0xff, v2  }
0x461: {  	[tilespmem:v42+s22+$0x0] =	vst.idx.msk $0xff, v1;
	v1 =	vor.u32 v63, v3  }
0x462: {  	s23 =	simm.s32 $0x1B300;
	s4 =	simm.s32 $0x0;
	[tilespmem:v47+s22+$0x0] =	vst.idx.msk $0xff, v1  }
0x463: {  	[tilespmem:s23], [sflag:$0x1] =	stream.linear.gather [hbm4b:s11+s4], $0x1400, $0x38;
	[tilespmem:$0x1F900] =	vst v63  }
0x464: {  	s24 =	simm.s32 $0x1DB00  }
0x465: {  	[tilespmem:s24], [sflag:$0x1] =	stream.linear.gather [hbm4b:s12+s4], $0xA00, $0x38;
	[tilespmem:$0x1F900] =	vst v63  }
0x466: {  	_ = 	snop  }
0x467: {  	[tilespmem:s25], [sflag:$0x2] =	stream.linear.gather [hbm4b:s13+s4], $0x1400, $0x38;
	[tilespmem:$0x1F900] =	vst v63  }
0x468: {  	_ = 	snop  }
0x469: {  	[tilespmem:s26], [sflag:$0x2] =	stream.linear.gather [hbm4b:s14+s4], $0xA00, $0x38;
	[tilespmem:$0x1F900] =	vst v63  }
.LBB2_4:
0x46a: {  	_ =	swait.ge [sflag:s28], $0x1400  }
0x46b: {  	[sflag:s28] =	ssyncset.done $0x0  }
0x46c: {  	[sflag:s28] =	ssyncadd.s32 $0xFFFFEC00  }
0x46d: {  	_ =	swait.ge [sflag:s28], $0xA00  }
0x46e: {  	p0 =	seq.s32 s4, $0x0;
	[sflag:s28] =	ssyncset.done $0x0  }
0x46f: {  	s1 =	simm.s32 @!p0 $0x3;
	[sflag:s28] =	ssyncadd.s32 $0xFFFFF600  }
0x470: {  	_ =	swait.ge @!p0 [sflag:s1], $0xA00  }
0x471: {  	[sflag:s1] =	ssyncset.done @!p0 $0x0  }
0x472: {  	s24 =	simm.s32 $0x1B400;
	[sflag:s1] =	ssyncadd.s32 @!p0 $0xFFFFF600  }
0x473: {  	v1 =	vld [tilespmem:s24+$0x70]  }
0x474: {  	v2 =	vld [tilespmem:s24+$0xFFFFFF10]  }
0x475: {  	v3 =	vld [tilespmem:s24+$0xF0]  }
0x476: {  	v4 =	vld [tilespmem:s24+$0xFFFFFF20]  }
0x477: {  	v5 =	vld [tilespmem:s24+$0xFFFFFF30]  }
0x478: {  	v6 =	vld [tilespmem:s24+$0xFFFFFF40]  }
0x479: {  	v7 =	vld [tilespmem:s24+$0xFFFFFF50]  }
0x47a: {  	v8 =	vld [tilespmem:s24+$0xFFFFFF60]  }
0x47b: {  	v9 =	vld [tilespmem:s24+$0xFFFFFF70]  }
0x47c: {  	v10 =	vld [tilespmem:s24+$0x0]  }
0x47d: {  	v11 =	vld [tilespmem:s24+$0x10]  }
0x47e: {  	v12 =	vld [tilespmem:s24+$0x20]  }
0x47f: {  	v13 =	vld [tilespmem:s24+$0x30]  }
0x480: {  	v14 =	vld [tilespmem:s24+$0x40]  }
0x481: {  	v15 =	vld [tilespmem:s24+$0x50]  }
0x482: {  	v16 =	vld [tilespmem:s24+$0xFFFFFF00]  }
0x483: {  	v17 =	vld [tilespmem:s24+$0xFFFFFF80]  }
0x484: {  	v18 =	vld [tilespmem:s24+$0xFFFFFF90]  }
0x485: {  	v19 =	vld [tilespmem:s24+$0xFFFFFFA0]  }
0x486: {  	v20 =	vld [tilespmem:s24+$0xFFFFFFB0]  }
0x487: {  	v21 =	vld [tilespmem:s24+$0xFFFFFFC0]  }
0x488: {  	v22 =	vld [tilespmem:s24+$0xFFFFFFD0]  }
0x489: {  	v1 =	vld.idx.msk [tilespmem:v1+s6+$0x0], $0xffff  }
0x48a: {  	v23 =	vld [tilespmem:s24+$0xFFFFFFE0]  }
0x48b: {  	s23 =	simm.s32 $0x1DB80;
	v3 =	vld.idx.msk [tilespmem:v3+s6+$0x0], $0xffff  }
0x48c: {  	v24 =	vld [tilespmem:s23+$0x70]  }
0x48d: {  	v25 =	vld [tilespmem:s24+$0xFFFFFFF0]  }
0x48e: {  	v26 =	vld [tilespmem:s24+$0x80];
	v1 =	vmul.u32 $0x68, v1  }
0x48f: {  	v28 =	vld [tilespmem:s24+$0x90]  }
0x490: {  	v29 =	vld [tilespmem:s24+$0xA0];
	v1 =	vadd.s32 v3, v1  }
0x491: {  	v30 =	vld [tilespmem:s24+$0xB0]  }
0x492: {  	v31 =	vld [tilespmem:s24+$0xC0]  }
0x493: {  	v32 =	vld [tilespmem:s24+$0xD0]  }
0x494: {  	v16 =	vld.idx.msk [tilespmem:v16+s6+$0x0], $0xffff  }
0x495: {  	v1 =	vld.idx.msk [tilespmem:v1+s22+$0x0], $0xffff  }
0x496: {  	v2 =	vld.idx.msk [tilespmem:v2+s6+$0x0], $0xffff  }
0x497: {  	v4 =	vld.idx.msk [tilespmem:v4+s6+$0x0], $0xffff  }
0x498: {  	v5 =	vld.idx.msk [tilespmem:v5+s6+$0x0], $0xffff  }
0x499: {  	v6 =	vld.idx.msk [tilespmem:v6+s6+$0x0], $0xffff  }
0x49a: {  	v7 =	vld.idx.msk [tilespmem:v7+s6+$0x0], $0xffff;
	v27 =	vshrl.u32 v1, $0x10  }
0x49b: {  	v8 =	vld.idx.msk [tilespmem:v8+s6+$0x0], $0xffff;
	v27 =	vcvt.s32.f32 v27  }
0x49c: {  	v9 =	vld.idx.msk [tilespmem:v9+s6+$0x0], $0xffff  }
0x49d: {  	v10 =	vld.idx.msk [tilespmem:v10+s6+$0x0], $0xffff;
	v27 =	vmul.f32 $9.155273430e-04, v27  }
0x49e: {  	v11 =	vld.idx.msk [tilespmem:v11+s6+$0x0], $0xffff  }
0x49f: {  	v12 =	vld.idx.msk [tilespmem:v12+s6+$0x0], $0xffff;
	v24 =	vmul.f32 v27, v24  }
0x4a0: {  	v13 =	vld.idx.msk [tilespmem:v13+s6+$0x0], $0xffff  }
0x4a1: {  	v14 =	vld.idx.msk [tilespmem:v14+s6+$0x0], $0xffff;
	v24 =	vsub.f32 $7.500000000e+00, v24  }
0x4a2: {  	v15 =	vld.idx.msk [tilespmem:v15+s6+$0x0], $0xffff  }
0x4a3: {  	v17 =	vld.idx.msk [tilespmem:v17+s6+$0x0], $0xffff;
	v33 =	vmul.f32 v24, v24  }
0x4a4: {  	v18 =	vld.idx.msk [tilespmem:v18+s6+$0x0], $0xffff  }
0x4a5: {  	v19 =	vld.idx.msk [tilespmem:v19+s6+$0x0], $0xffff;
	v33 =	vmul.f32 $1.995853930e-01, v33  }
0x4a6: {  	v20 =	vld.idx.msk [tilespmem:v20+s6+$0x0], $0xffff  }
0x4a7: {  	v21 =	vld.idx.msk [tilespmem:v21+s6+$0x0], $0xffff;
	v33 =	vsub.f32 $-2.259351730e+00, v33  }
0x4a8: {  	v22 =	vld.idx.msk [tilespmem:v22+s6+$0x0], $0xffff  }
0x4a9: {  	v23 =	vld.idx.msk [tilespmem:v23+s6+$0x0], $0xffff;
	v24 =	vmul.f32 v33, v24  }
0x4aa: {  	v25 =	vld.idx.msk [tilespmem:v25+s6+$0x0], $0xffff  }
0x4ab: {  	v26 =	vld.idx.msk [tilespmem:v26+s6+$0x0], $0xffff;
	v24 =	vmul.f32 $1.442695020e+00, v24  }
0x4ac: {  	v28 =	vld.idx.msk [tilespmem:v28+s6+$0x0], $0xffff;
	v16 =	vmul.u32 $0x68, v16  }
0x4ad: {  	v2 =	vmul.u32 $0x68, v2;
	v3 =	vld [tilespmem:s24+$0x60];
	(erf) = vpow2.f32 v24  }
0x4ae: {  	v4 =	vmul.u32 $0x68, v4;
	v16 =	vadd.s32 v17, v16;
	v17 =	vld.idx.msk [tilespmem:v29+s6+$0x0], $0xffff  }
0x4af: {  	v5 =	vmul.u32 $0x68, v5;
	v2 =	vadd.s32 v18, v2;
	v18 =	vld.idx.msk [tilespmem:v30+s6+$0x0], $0xffff  }
0x4b0: {  	v9 =	vmul.u32 $0x68, v9;
	v4 =	vadd.s32 v19, v4;
	v19 =	vld.idx.msk [tilespmem:v31+s6+$0x0], $0xffff  }
0x4b1: {  	v5 =	vadd.s32 v20, v5;
	v20 =	vld.idx.msk [tilespmem:v32+s6+$0x0], $0xffff  }
0x4b2: {  	v6 =	vmul.u32 $0x68, v6;
	v7 =	vmul.u32 $0x68, v7;
	v9 =	vadd.s32 v25, v9;
	v27 =	vld [tilespmem:s24+$0xE0]  }
0x4b3: {  	v16 =	vld.idx.msk [tilespmem:v16+s22+$0x0], $0xffff  }
0x4b4: {  	v6 =	vadd.s32 v21, v6;
	v7 =	vadd.s32 v22, v7;
	v22 =	vld.idx.msk [tilespmem:v2+s22+$0x0], $0xffff  }
0x4b5: {  	v4 =	vld.idx.msk [tilespmem:v4+s22+$0x0], $0xffff  }
0x4b6: {  	v10 =	vmul.u32 $0x68, v10;
	v2 =	vmul.u32 $0x68, v14;
	v14 =	vmul.u32 $0x68, v15;
	v15 =	vld.idx.msk [tilespmem:v5+s22+$0x0], $0xffff;
	v24 =	vpop (erf)  }
0x4b7: {  	v11 =	vmul.u32 $0x68, v11;
	v12 =	vmul.u32 $0x68, v12;
	v30 =	vld.idx.msk [tilespmem:v9+s22+$0x0], $0xffff;
	v24 =	vadd.f32 $1.000000000e+00, v24  }
0x4b8: {  	v8 =	vmul.u32 $0x68, v8;
	v13 =	vmul.u32 $0x68, v13;
	v10 =	vadd.s32 v26, v10;
	v3 =	vld.idx.msk [tilespmem:v3+s6+$0x0], $0xffff  }
0x4b9: {  	v5 =	vadd.s32 v28, v11;
	v11 =	vadd.s32 v17, v12;
	v17 =	vld.idx.msk [tilespmem:v6+s22+$0x0], $0xffff;
	(erf) = vrcp.f32 v24  }
0x4ba: {  	v8 =	vadd.s32 v23, v8;
	v6 =	vadd.s32 v19, v2;
	v2 =	vshrl.u32 v16, $0x10;
	v21 =	vld.idx.msk [tilespmem:v27+s6+$0x0], $0xffff  }
0x4bb: {  	v13 =	vadd.s32 v18, v13;
	v18 =	vld.idx.msk [tilespmem:v7+s22+$0x0], $0xffff;
	v1 =	vand.u32 $0xFFFF, v1;
	v7 =	vcvt.s32.f32 v2  }
0x4bc: {  	v34 =	vld [tilespmem:s23+$0xFFFFFFD0];
	v14 =	vadd.s32 v20, v14;
	v20 =	vshrl.u32 v30, $0x10;
	v1 =	vcvt.s32.f32 v1  }
0x4bd: {  	v44 =	vld.idx.msk [tilespmem:v10+s22+$0x0], $0xffff;
	v3 =	vmul.u32 $0x68, v3;
	v10 =	vmul.f32 $9.155273430e-04, v7;
	v7 =	vshrl.u32 v15, $0x10  }
0x4be: {  	v48 =	vld.idx.msk [tilespmem:v5+s22+$0x0], $0xffff;
	v20 =	vcvt.s32.f32 v20;
	v5 =	vcvt.s32.f32 v7;
	v7 =	vshrl.u32 v17, $0x10  }
0x4bf: {  	v7 =	vcvt.s32.f32 v7;
	v27 =	vld.idx.msk [tilespmem:v8+s22+$0x0], $0xffff;
	v19 =	vadd.s32 v21, v3;
	v3 =	vshrl.u32 v22, $0x10  }
0x4c0: {  	v26 =	vld [tilespmem:s23+$0xFFFFFFA0];
	v8 =	vcvt.s32.f32 v3;
	v3 =	vand.u32 $0xFFFF, v4;
	v4 =	vshrl.u32 v4, $0x10  }
0x4c1: {  	v29 =	vld [tilespmem:s23+$0xFFFFFFB0];
	v1 =	vmul.f32 $1.220703130e-04, v1;
	v4 =	vcvt.s32.f32 v4  }
0x4c2: {  	v11 =	vld.idx.msk [tilespmem:v11+s22+$0x0], $0xffff;
	v9 =	vshrl.u32 v18, $0x10;
	v25 =	vmul.f32 $9.155273430e-04, v20;
	v21 =	vmul.f32 $9.155273430e-04, v7;
	v12 =	vpop (erf)  }
0x4c3: {  	v6 =	vld.idx.msk [tilespmem:v6+s22+$0x0], $0xffff;
	v12 =	vmul.f32 v12, v1;
	v1 =	vand.u32 $0xFFFF, v16;
	v16 =	vmul.f32 $9.155273430e-04, v4  }
0x4c4: {  	v4 =	vld.idx.msk [tilespmem:v13+s22+$0x0], $0xffff;
	v13 =	vmul.f32 $9.155273430e-04, v5;
	v5 =	vcvt.s32.f32 v9;
	v9 =	vshrl.u32 v27, $0x10  }
0x4c5: {  	v2 =	vand.u32 $0xFFFF, v22;
	v7 =	vld.idx.msk [tilespmem:v14+s22+$0x0], $0xffff;
	v8 =	vmul.f32 $9.155273430e-04, v8;
	v9 =	vcvt.s32.f32 v9  }
0x4c6: {  	v22 =	vshrl.u32 v44, $0x10;
	v24 =	vld [tilespmem:s23+$0xFFFFFF90];
	v14 =	vmul.f32 $9.155273430e-04, v5;
	v16 =	vmul.f32 v16, v26  }
0x4c7: {  	v5 =	vld.idx.msk [tilespmem:v19+s22+$0x0], $0xffff;
	v23 =	vmul.f32 $9.155273430e-04, v9;
	v9 =	vcvt.s32.f32 v22;
	v22 =	vshrl.u32 v48, $0x10  }
0x4c8: {  	v19 =	vld [tilespmem:s23+$0xFFFFFF80];
	v13 =	vmul.f32 v13, v29;
	v20 =	vcvt.s32.f32 v22;
	v22 =	vshrl.u32 v11, $0x10  }
0x4c9: {  	v28 =	vmul.f32 $9.155273430e-04, v9;
	v9 =	vcvt.s32.f32 v22  }
0x4ca: {  	v14 =	vmul.f32 v14, v34;
	v22 =	vshrl.u32 v4, $0x10;
	v31 =	vmul.f32 $9.155273430e-04, v20  }
0x4cb: {  	v58 =	vld [tilespmem:s23+$0xFFFFFFC0];
	v20 =	vcvt.s32.f32 v22;
	v22 =	vshrl.u32 v6, $0x10;
	v59 =	vmul.f32 $9.155273430e-04, v9  }
0x4cc: {  	v22 =	vcvt.s32.f32 v22;
	v9 =	vshrl.u32 v7, $0x10;
	v36 =	vshrl.u32 v5, $0x10  }
0x4cd: {  	v19 =	vmul.f32 v10, v19;
	v10 =	vand.u32 $0xFFFF, v17;
	v17 =	vmul.f32 v8, v24  }
0x4ce: {  	v60 =	vld [tilespmem:s23+$0xFFFFFFF0];
	v35 =	vmul.f32 $9.155273430e-04, v20;
	v20 =	vcvt.s32.f32 v9;
	v9 =	vand.u32 $0xFFFF, v15  }
0x4cf: {  	v15 =	vld [tilespmem:s23+$0xFFFFFFE0];
	v37 =	vmul.f32 $9.155273430e-04, v22;
	v22 =	vcvt.s32.f32 v36;
	v19 =	vsub.f32 $7.500000000e+00, v19  }
0x4d0: {  	v26 =	vld [tilespmem:s23+$0x10];
	v38 =	vmul.f32 $9.155273430e-04, v20;
	v20 =	vsub.f32 $7.500000000e+00, v17;
	v17 =	vmul.f32 v21, v58  }
0x4d1: {  	v8 =	vand.u32 $0xFFFF, v18;
	v24 =	vld [tilespmem:s23+$0x0];
	v39 =	vmul.f32 $9.155273430e-04, v22;
	v22 =	vsub.f32 $7.500000000e+00, v16  }
0x4d2: {  	v16 =	vsub.f32 $7.500000000e+00, v13;
	v45 =	vmul.f32 v19, v19;
	v18 =	vsub.f32 $7.500000000e+00, v17  }
0x4d3: {  	v29 =	vld [tilespmem:s23+$0x20];
	v17 =	vsub.f32 $7.500000000e+00, v14;
	v14 =	vmul.f32 v25, v60;
	v46 =	vmul.f32 v20, v20  }
0x4d4: {  	v13 =	vmul.f32 v23, v15;
	v15 =	vld [tilespmem:s23+$0x30];
	v49 =	vmul.f32 v22, v22  }
0x4d5: {  	v61 =	vld [tilespmem:s23+$0x40];
	v50 =	vmul.f32 v16, v16;
	v47 =	vmul.f32 $1.995853930e-01, v45;
	v23 =	vsub.f32 $7.500000000e+00, v14  }
0x4d6: {  	s8 =	simm.s32 $0x1EF80;
	v62 =	vld [tilespmem:s23+$0x50];
	v14 =	vmul.f32 v31, v26;
	v21 =	vsub.f32 $7.500000000e+00, v13;
	v13 =	vmul.f32 v28, v24  }
0x4d7: {  	v63 =	vld [tilespmem:s23+$0x60];
	[tilespmem:s8+$0x70] =	vst v12;
	v12 =	vand.u32 $0xFFFF, v48;
	v31 =	vmul.f32 v18, v18;
	v32 =	vmul.f32 v17, v17  }
0x4d8: {  	v46 =	vmul.f32 $1.995853930e-01, v46;
	v24 =	vsub.f32 $7.500000000e+00, v13;
	v13 =	vmul.f32 v59, v29  }
0x4d9: {  	v45 =	vmul.f32 $1.995853930e-01, v49;
	v25 =	vsub.f32 $7.500000000e+00, v14;
	v14 =	vmul.f32 v35, v15  }
0x4da: {  	v43 =	vmul.f32 v23, v23;
	v26 =	vsub.f32 $7.500000000e+00, v13;
	v13 =	vmul.f32 v37, v61  }
0x4db: {  	v34 =	vmul.f32 v21, v21;
	v36 =	vmul.f32 v24, v24;
	v28 =	vsub.f32 $7.500000000e+00, v14  }
0x4dc: {  	v14 =	vmul.f32 v38, v62;
	v29 =	vsub.f32 $7.500000000e+00, v13;
	v13 =	vmul.f32 v39, v63  }
0x4dd: {  	v15 =	vand.u32 $0xFFFF, v27;
	v38 =	vmul.f32 v25, v25;
	v35 =	vmul.f32 v26, v26  }
0x4de: {  	v39 =	vsub.f32 $7.500000000e+00, v14;
	v41 =	vmul.f32 v28, v28;
	v40 =	vsub.f32 $7.500000000e+00, v13  }
0x4df: {  	s9 =	simm.s32 $0x0;
	s1 =	sshll.u32 s4, $0x6;
	v37 =	vmul.f32 v29, v29;
	v13 =	vand.u32 $0xFFFF, v44;
	v44 =	vmul.f32 $1.995853930e-01, v50  }
0x4e0: {  	s10 =	simm.s32 $0x1B600;
	s20 =	sor.u32 s7, s1;
	s24 =	simm.s32 $0x1EF80;
	v14 =	vand.u32 $0xFFFF, v30;
	v42 =	vmul.f32 v39, v39;
	v33 =	vmul.f32 v40, v40  }
.LBB2_5:
0x4e1: {  	v48 =	vld [tilespmem:s10+$0x70];
	s9 =	sadd.s32 $0x10, s9;
	v47 =	vsub.f32 $-2.259351730e+00, v47;
	v30 =	vmul.f32 $1.995853930e-01, v31;
	v49 =	vmul.f32 $1.995853930e-01, v32  }
0x4e2: {  	v50 =	vmul.f32 $1.995853930e-01, v34;
	v43 =	vmul.f32 $1.995853930e-01, v43;
	v11 =	vand.u32 $0xFFFF, v11;
	v27 =	vld [tilespmem:s10+$0xFFFFFF10];
	p0 =	slt.u32 s9, $0x90  }
0x4e3: {  	v46 =	vsub.f32 $-2.259351730e+00, v46;
	v36 =	vmul.f32 $1.995853930e-01, v36;
	v38 =	vmul.f32 $1.995853930e-01, v38;
	v51 =	vld [tilespmem:s10+$0xF0]  }
0x4e4: {  	v35 =	vmul.f32 $1.995853930e-01, v35;
	v41 =	vmul.f32 $1.995853930e-01, v41;
	v45 =	vsub.f32 $-2.259351730e+00, v45;
	v34 =	vld [tilespmem:s10+$0xFFFFFF20]  }
0x4e5: {  	v37 =	vmul.f32 $1.995853930e-01, v37;
	v42 =	vmul.f32 $1.995853930e-01, v42;
	v44 =	vsub.f32 $-2.259351730e+00, v44;
	v32 =	vld [tilespmem:s10+$0xFFFFFF30]  }
0x4e6: {  	v53 =	vmul.f32 $1.995853930e-01, v33;
	v52 =	vsub.f32 $-2.259351730e+00, v30;
	v49 =	vsub.f32 $-2.259351730e+00, v49;
	v31 =	vld [tilespmem:s10+$0xFFFFFF40]  }
0x4e7: {  	v47 =	vmul.f32 v47, v19;
	v50 =	vsub.f32 $-2.259351730e+00, v50;
	v43 =	vsub.f32 $-2.259351730e+00, v43;
	v30 =	vld [tilespmem:s10+$0xFFFFFF50]  }
0x4e8: {  	v20 =	vmul.f32 v46, v20;
	v36 =	vsub.f32 $-2.259351730e+00, v36;
	v46 =	vsub.f32 $-2.259351730e+00, v38;
	v19 =	vld [tilespmem:s10+$0xFFFFFF60]  }
0x4e9: {  	v35 =	vsub.f32 $-2.259351730e+00, v35;
	v41 =	vsub.f32 $-2.259351730e+00, v41;
	v22 =	vmul.f32 v45, v22;
	v48 =	vld.idx.msk [tilespmem:v48+s6+$0x0], $0xffff  }
0x4ea: {  	v54 =	vsub.f32 $-2.259351730e+00, v37;
	v42 =	vsub.f32 $-2.259351730e+00, v42;
	v44 =	vmul.f32 v44, v16;
	v33 =	vld [tilespmem:s10+$0xFFFFFF70]  }
0x4eb: {  	v18 =	vmul.f32 v52, v18;
	v17 =	vmul.f32 v49, v17;
	v49 =	vsub.f32 $-2.259351730e+00, v53;
	v51 =	vld.idx.msk [tilespmem:v51+s6+$0x0], $0xffff  }
0x4ec: {  	v45 =	vand.u32 $0xFFFF, v4;
	v50 =	vmul.f32 v50, v21;
	v43 =	vmul.f32 v43, v23;
	v38 =	vld [tilespmem:s10+$0x0]  }
0x4ed: {  	v16 =	vand.u32 $0xFFFF, v6;
	v4 =	vmul.f32 v36, v24;
	v46 =	vmul.f32 v46, v25;
	v37 =	vld [tilespmem:s10+$0x10]  }
0x4ee: {  	v6 =	vand.u32 $0xFFFF, v7;
	v52 =	vmul.f32 v35, v26;
	v28 =	vmul.f32 v41, v28;
	v36 =	vld [tilespmem:s10+$0x20]  }
0x4ef: {  	v29 =	vmul.f32 v54, v29;
	v39 =	vmul.f32 v42, v39;
	v7 =	vmul.u32 $0x68, v48;
	v35 =	vld [tilespmem:s10+$0x30]  }
0x4f0: {  	v5 =	vand.u32 $0xFFFF, v5;
	v41 =	vmul.f32 $1.442695020e+00, v47;
	v40 =	vmul.f32 v49, v40;
	v25 =	vld [tilespmem:s10+$0x40]  }
0x4f1: {  	v20 =	vmul.f32 $1.442695020e+00, v20;
	v42 =	vmul.f32 $1.442695020e+00, v22;
	v7 =	vadd.s32 v51, v7;
	v23 =	vld [tilespmem:s10+$0x50]  }
0x4f2: {  	v47 =	vmul.f32 $1.442695020e+00, v44;
	v48 =	vmul.f32 $1.442695020e+00, v18;
	v21 =	vld [tilespmem:s10+$0x60]  }
0x4f3: {  	v50 =	vmul.f32 $1.442695020e+00, v50;
	v51 =	vmul.f32 $1.442695020e+00, v17;
	v49 =	vld [tilespmem:s10+$0xFFFFFF00]  }
0x4f4: {  	v53 =	vmul.f32 $1.442695020e+00, v43;
	v54 =	vmul.f32 $1.442695020e+00, v4;
	v26 =	vld [tilespmem:s10+$0xFFFFFF80]  }
0x4f5: {  	v46 =	vmul.f32 $1.442695020e+00, v46;
	v52 =	vmul.f32 $1.442695020e+00, v52;
	v24 =	vld [tilespmem:s10+$0xFFFFFF90]  }
0x4f6: {  	v55 =	vmul.f32 $1.442695020e+00, v28;
	v56 =	vmul.f32 $1.442695020e+00, v29;
	v4 =	vld.idx.msk [tilespmem:v7+s22+$0x0], $0xffff  }
0x4f7: {  	v57 =	vmul.f32 $1.442695020e+00, v39;
	v58 =	vmul.f32 $1.442695020e+00, v40;
	v29 =	vld [tilespmem:s10+$0xFFFFFFA0]  }
0x4f8: {  	v44 =	vcvt.s32.f32 v1;
	v28 =	vld [tilespmem:s10+$0xFFFFFFB0];
	(erf) = vpow2.f32 v41  }
0x4f9: {  	v43 =	vcvt.s32.f32 v2;
	v22 =	vld [tilespmem:s10+$0xFFFFFFC0];
	(erf) = vpow2.f32 v20  }
0x4fa: {  	v41 =	vcvt.s32.f32 v3;
	v18 =	vld [tilespmem:s10+$0xFFFFFFD0];
	(erf) = vpow2.f32 v42  }
0x4fb: {  	s23 =	sadd.s32 $0x100, s23;
	v40 =	vcvt.s32.f32 v9;
	v17 =	vld [tilespmem:s10+$0xFFFFFFE0];
	(erf) = vpow2.f32 v47  }
0x4fc: {  	v39 =	vcvt.s32.f32 v10;
	v1 =	vshrl.u32 v4, $0x10;
	v2 =	vld [tilespmem:s23+$0x70];
	(erf) = vpow2.f32 v48  }
0x4fd: {  	v1 =	vcvt.s32.f32 v1;
	v20 =	vld [tilespmem:s10+$0xFFFFFFF0];
	(erf) = vpow2.f32 v51  }
0x4fe: {  	v42 =	vcvt.s32.f32 v8;
	v10 =	vld [tilespmem:s10+$0x80];
	(erf) = vpow2.f32 v50  }
0x4ff: {  	v1 =	vmul.f32 $9.155273430e-04, v1;
	v9 =	vld [tilespmem:s10+$0x90];
	(erf) = vpow2.f32 v53  }
0x500: {  	v15 =	vcvt.s32.f32 v15;
	v8 =	vld [tilespmem:s10+$0xA0];
	(erf) = vpow2.f32 v54  }
0x501: {  	v7 =	vld [tilespmem:s10+$0xB0];
	v1 =	vmul.f32 v1, v2;
	v3 =	vpop (erf);
	(erf) = vpow2.f32 v46  }
0x502: {  	v14 =	vcvt.s32.f32 v14;
	v2 =	vld [tilespmem:s10+$0xC0];
	v46 =	vadd.f32 $1.000000000e+00, v3;
	v47 =	vpop (erf);
	(erf) = vpow2.f32 v52  }
0x503: {  	v3 =	vld [tilespmem:s10+$0xD0];
	v48 =	vsub.f32 $7.500000000e+00, v1;
	v47 =	vadd.f32 $1.000000000e+00, v47;
	v50 =	vpop (erf);
	(erf) = vpow2.f32 v55  }
0x504: {  	v13 =	vcvt.s32.f32 v13;
	v1 =	vld [tilespmem:s10+$0xE0];
	v50 =	vadd.f32 $1.000000000e+00, v50;
	v51 =	vpop (erf);
	(erf) = vpow2.f32 v56  }
0x505: {  	v49 =	vld.idx.msk [tilespmem:v49+s6+$0x0], $0xffff;
	v52 =	vmul.f32 v48, v48;
	v51 =	vadd.f32 $1.000000000e+00, v51;
	v53 =	vpop (erf);
	(erf) = vpow2.f32 v57  }
0x506: {  	v12 =	vcvt.s32.f32 v12;
	v27 =	vld.idx.msk [tilespmem:v27+s6+$0x0], $0xffff;
	v53 =	vadd.f32 $1.000000000e+00, v53;
	v54 =	vpop (erf);
	(erf) = vpow2.f32 v58  }
0x507: {  	v34 =	vld.idx.msk [tilespmem:v34+s6+$0x0], $0xffff;
	v52 =	vmul.f32 $1.995853930e-01, v52;
	v54 =	vadd.f32 $1.000000000e+00, v54;
	(erf) = vrcp.f32 v46;
	v46 =	vpop (erf)  }
0x508: {  	v11 =	vcvt.s32.f32 v11;
	v32 =	vld.idx.msk [tilespmem:v32+s6+$0x0], $0xffff;
	v46 =	vadd.f32 $1.000000000e+00, v46;
	(erf) = vrcp.f32 v47;
	v47 =	vpop (erf)  }
0x509: {  	v31 =	vld.idx.msk [tilespmem:v31+s6+$0x0], $0xffff;
	v55 =	vsub.f32 $-2.259351730e+00, v52;
	v47 =	vadd.f32 $1.000000000e+00, v47;
	(erf) = vrcp.f32 v50;
	v50 =	vpop (erf)  }
0x50a: {  	v45 =	vcvt.s32.f32 v45;
	v30 =	vld.idx.msk [tilespmem:v30+s6+$0x0], $0xffff;
	v50 =	vadd.f32 $1.000000000e+00, v50;
	(erf) = vrcp.f32 v51;
	v51 =	vpop (erf)  }
0x50b: {  	v49 =	vmul.u32 $0x68, v49;
	v19 =	vld.idx.msk [tilespmem:v19+s6+$0x0], $0xffff;
	v48 =	vmul.f32 v55, v48;
	v51 =	vadd.f32 $1.000000000e+00, v51;
	v52 =	vpop (erf)  }
0x50c: {  	v27 =	vmul.u32 $0x68, v27;
	v33 =	vld.idx.msk [tilespmem:v33+s6+$0x0], $0xffff;
	v52 =	vadd.f32 $1.000000000e+00, v52;
	(erf) = vrcp.f32 v53;
	v53 =	vpop (erf)  }
0x50d: {  	v34 =	vmul.u32 $0x68, v34;
	v38 =	vld.idx.msk [tilespmem:v38+s6+$0x0], $0xffff;
	v48 =	vmul.f32 $1.442695020e+00, v48;
	v53 =	vadd.f32 $1.000000000e+00, v53;
	v55 =	vpop (erf)  }
0x50e: {  	v32 =	vmul.u32 $0x68, v32;
	v37 =	vld.idx.msk [tilespmem:v37+s6+$0x0], $0xffff;
	v55 =	vadd.f32 $1.000000000e+00, v55;
	(erf) = vrcp.f32 v54;
	v54 =	vpop (erf)  }
0x50f: {  	v31 =	vmul.u32 $0x68, v31;
	v36 =	vld.idx.msk [tilespmem:v36+s6+$0x0], $0xffff;
	(erf) = vpow2.f32 v48;
	v48 =	vadd.f32 $1.000000000e+00, v54;
	v54 =	vpop (erf)  }
0x510: {  	v30 =	vmul.u32 $0x68, v30;
	v35 =	vld.idx.msk [tilespmem:v35+s6+$0x0], $0xffff;
	v54 =	vadd.f32 $1.000000000e+00, v54;
	v56 =	vpop (erf);
	(erf) = vrcp.f32 v46  }
0x511: {  	v16 =	vcvt.s32.f32 v16;
	v19 =	vmul.u32 $0x68, v19;
	v25 =	vld.idx.msk [tilespmem:v25+s6+$0x0], $0xffff;
	v46 =	vpop (erf);
	(erf) = vrcp.f32 v47  }
0x512: {  	v6 =	vcvt.s32.f32 v6;
	v33 =	vmul.u32 $0x68, v33;
	v23 =	vld.idx.msk [tilespmem:v23+s6+$0x0], $0xffff;
	v47 =	vpop (erf);
	(erf) = vrcp.f32 v50  }
0x513: {  	v5 =	vcvt.s32.f32 v5;
	v38 =	vmul.u32 $0x68, v38;
	v21 =	vld.idx.msk [tilespmem:v21+s6+$0x0], $0xffff;
	v50 =	vpop (erf);
	(erf) = vrcp.f32 v51  }
0x514: {  	v44 =	vmul.f32 $1.220703130e-04, v44;
	v37 =	vmul.u32 $0x68, v37;
	v26 =	vld.idx.msk [tilespmem:v26+s6+$0x0], $0xffff;
	(erf) = vrcp.f32 v52  }
0x515: {  	v43 =	vmul.f32 $1.220703130e-04, v43;
	v36 =	vmul.u32 $0x68, v36;
	v24 =	vld.idx.msk [tilespmem:v24+s6+$0x0], $0xffff;
	v51 =	vpop (erf);
	(erf) = vrcp.f32 v53  }
0x516: {  	v41 =	vmul.f32 $1.220703130e-04, v41;
	v35 =	vmul.u32 $0x68, v35;
	v29 =	vld.idx.msk [tilespmem:v29+s6+$0x0], $0xffff;
	(erf) = vrcp.f32 v55  }
0x517: {  	v40 =	vmul.f32 $1.220703130e-04, v40;
	v25 =	vmul.u32 $0x68, v25;
	v28 =	vld.idx.msk [tilespmem:v28+s6+$0x0], $0xffff;
	v52 =	vpop (erf);
	(erf) = vrcp.f32 v48  }
0x518: {  	v39 =	vmul.f32 $1.220703130e-04, v39;
	v23 =	vmul.u32 $0x68, v23;
	v22 =	vld.idx.msk [tilespmem:v22+s6+$0x0], $0xffff;
	v48 =	vpop (erf);
	(erf) = vrcp.f32 v54  }
0x519: {  	v42 =	vmul.f32 $1.220703130e-04, v42;
	v21 =	vmul.u32 $0x68, v21;
	v18 =	vld.idx.msk [tilespmem:v18+s6+$0x0], $0xffff;
	v48 =	vadd.f32 $1.000000000e+00, v48;
	v53 =	vpop (erf)  }
0x51a: {  	v15 =	vmul.f32 $1.220703130e-04, v15;
	v14 =	vmul.f32 $1.220703130e-04, v14;
	v26 =	vadd.s32 v26, v49;
	v17 =	vld.idx.msk [tilespmem:v17+s6+$0x0], $0xffff;
	v49 =	vpop (erf)  }
0x51b: {  	v13 =	vmul.f32 $1.220703130e-04, v13;
	v24 =	vadd.s32 v24, v27;
	v20 =	vld.idx.msk [tilespmem:v20+s6+$0x0], $0xffff;
	(erf) = vrcp.f32 v48;
	v27 =	vpop (erf)  }
0x51c: {  	v12 =	vmul.f32 $1.220703130e-04, v12;
	v11 =	vmul.f32 $1.220703130e-04, v11;
	v29 =	vadd.s32 v29, v34;
	v10 =	vld.idx.msk [tilespmem:v10+s6+$0x0], $0xffff;
	v34 =	vpop (erf)  }
0x51d: {  	v16 =	vmul.f32 $1.220703130e-04, v16;
	v28 =	vadd.s32 v28, v32;
	v32 =	vmul.f32 $1.220703130e-04, v45;
	v9 =	vld.idx.msk [tilespmem:v9+s6+$0x0], $0xffff;
	v45 =	vpop (erf)  }
0x51e: {  	v5 =	vmul.f32 $1.220703130e-04, v5;
	v6 =	vmul.f32 $1.220703130e-04, v6;
	v22 =	vadd.s32 v22, v31;
	v8 =	vld.idx.msk [tilespmem:v8+s6+$0x0], $0xffff;
	v31 =	vpop (erf)  }
0x51f: {  	v43 =	vmul.f32 v46, v43;
	v18 =	vadd.s32 v18, v30;
	v30 =	vmul.f32 v56, v44;
	v7 =	vld.idx.msk [tilespmem:v7+s6+$0x0], $0xffff;
	v44 =	vpop (erf)  }
0x520: {  	v4 =	vand.u32 $0xFFFF, v4;
	v17 =	vadd.s32 v17, v19;
	v19 =	vmul.f32 v47, v41;
	v2 =	vld.idx.msk [tilespmem:v2+s6+$0x0], $0xffff;
	v41 =	vpop (erf)  }
0x521: {  	v4 =	vcvt.s32.f32 v4;
	v20 =	vadd.s32 v20, v33;
	v3 =	vld.idx.msk [tilespmem:v3+s6+$0x0], $0xffff;
	[tilespmem:s8+$0xFFFFFF80] =	vst v30;
	v30 =	vmul.f32 v50, v40;
	v33 =	vpop (erf)  }
0x522: {  	v10 =	vadd.s32 v10, v38;
	v38 =	vmul.f32 v51, v39;
	v39 =	vmul.f32 v52, v42;
	v1 =	vld.idx.msk [tilespmem:v1+s6+$0x0], $0xffff  }
0x523: {  	v4 =	vmul.f32 $1.220703130e-04, v4;
	v15 =	vmul.f32 v53, v15;
	v9 =	vadd.s32 v9, v37;
	v26 =	vld.idx.msk [tilespmem:v26+s22+$0x0], $0xffff;
	[tilespmem:s8+$0xFFFFFF90] =	vst v43  }
0x524: {  	v14 =	vmul.f32 v49, v14;
	v37 =	vmul.f32 v27, v13;
	v8 =	vadd.s32 v8, v36;
	v24 =	vld.idx.msk [tilespmem:v24+s22+$0x0], $0xffff;
	v36 =	vpop (erf)  }
0x525: {  	v7 =	vadd.s32 v7, v35;
	v27 =	vld.idx.msk [tilespmem:v29+s22+$0x0], $0xffff;
	v4 =	vmul.f32 v36, v4;
	v29 =	vmul.f32 v34, v12  }
0x526: {  	v31 =	vmul.f32 v31, v32;
	s8 =	sadd.s32 $0x100, s8;
	v25 =	vadd.s32 v2, v25;
	v34 =	vmul.f32 v45, v11;
	v28 =	vld.idx.msk [tilespmem:v28+s22+$0x0], $0xffff  }
0x527: {  	v16 =	vmul.f32 v44, v16;
	v23 =	vadd.s32 v3, v23;
	v22 =	vld.idx.msk [tilespmem:v22+s22+$0x0], $0xffff;
	[tilespmem:s8+$0x70] =	vst v4  }
0x528: {  	v32 =	vmul.f32 v41, v6;
	v33 =	vmul.f32 v33, v5;
	v21 =	vadd.s32 v1, v21;
	v18 =	vld.idx.msk [tilespmem:v18+s22+$0x0], $0xffff  }
0x529: {  	v1 =	vand.u32 $0xFFFF, v26;
	v2 =	vshrl.u32 v26, $0x10;
	v12 =	vld.idx.msk [tilespmem:v17+s22+$0x0], $0xffff;
	[tilespmem:s24+$0xFFFFFFA0] =	vst v19  }
0x52a: {  	v4 =	vcvt.s32.f32 v2;
	v2 =	vand.u32 $0xFFFF, v24;
	v3 =	vshrl.u32 v24, $0x10;
	v13 =	vld.idx.msk [tilespmem:v20+s22+$0x0], $0xffff;
	[tilespmem:s24+$0xFFFFFFB0] =	vst v30  }
0x52b: {  	v5 =	vcvt.s32.f32 v3;
	v3 =	vand.u32 $0xFFFF, v27;
	v6 =	vshrl.u32 v27, $0x10;
	v27 =	vld.idx.msk [tilespmem:v10+s22+$0x0], $0xffff;
	[tilespmem:s24+$0xFFFFFFC0] =	vst v38  }
0x52c: {  	v10 =	vmul.f32 $9.155273430e-04, v4;
	v4 =	vcvt.s32.f32 v6;
	v6 =	vshrl.u32 v28, $0x10;
	v30 =	vld.idx.msk [tilespmem:v9+s22+$0x0], $0xffff;
	[tilespmem:s24+$0xFFFFFFD0] =	vst v39  }
0x52d: {  	v17 =	vmul.f32 $9.155273430e-04, v5;
	v5 =	vcvt.s32.f32 v6;
	v6 =	vshrl.u32 v22, $0x10;
	v11 =	vld.idx.msk [tilespmem:v8+s22+$0x0], $0xffff;
	[tilespmem:s24+$0xFFFFFFE0] =	vst v15  }
0x52e: {  	v15 =	vmul.f32 $9.155273430e-04, v4;
	v8 =	vcvt.s32.f32 v6;
	v6 =	vshrl.u32 v18, $0x10;
	v4 =	vld.idx.msk [tilespmem:v7+s22+$0x0], $0xffff;
	[tilespmem:s24+$0xFFFFFFF0] =	vst v14  }
0x52f: {  	v14 =	vmul.f32 $9.155273430e-04, v5;
	v5 =	vcvt.s32.f32 v6;
	v7 =	vshrl.u32 v12, $0x10;
	v6 =	vld.idx.msk [tilespmem:v25+s22+$0x0], $0xffff;
	[tilespmem:s24+$0x0] =	vst v37  }
0x530: {  	v24 =	vmul.f32 $9.155273430e-04, v8;
	v8 =	vcvt.s32.f32 v7;
	v9 =	vshrl.u32 v13, $0x10;
	v7 =	vld.idx.msk [tilespmem:v23+s22+$0x0], $0xffff;
	[tilespmem:s24+$0x10] =	vst v29  }
0x531: {  	v23 =	vmul.f32 $9.155273430e-04, v5;
	v9 =	vcvt.s32.f32 v9;
	v19 =	vshrl.u32 v27, $0x10;
	v5 =	vld.idx.msk [tilespmem:v21+s22+$0x0], $0xffff;
	[tilespmem:s24+$0x20] =	vst v34  }
0x532: {  	v21 =	vmul.f32 $9.155273430e-04, v8;
	v8 =	vcvt.s32.f32 v19;
	v19 =	vshrl.u32 v30, $0x10;
	v20 =	vld [tilespmem:s23+$0xFFFFFF80];
	[tilespmem:s24+$0x30] =	vst v31  }
0x533: {  	v26 =	vmul.f32 $9.155273430e-04, v9;
	v9 =	vcvt.s32.f32 v19;
	v19 =	vshrl.u32 v11, $0x10;
	v25 =	vld [tilespmem:s23+$0xFFFFFF90];
	[tilespmem:s24+$0x40] =	vst v16  }
0x534: {  	v29 =	vmul.f32 $9.155273430e-04, v8;
	v8 =	vcvt.s32.f32 v19;
	v19 =	vshrl.u32 v4, $0x10;
	v16 =	vld [tilespmem:s23+$0xFFFFFFA0];
	[tilespmem:s24+$0x50] =	vst v32  }
0x535: {  	v32 =	vmul.f32 $9.155273430e-04, v9;
	v9 =	vcvt.s32.f32 v19;
	v19 =	vshrl.u32 v6, $0x10;
	v31 =	vld [tilespmem:s23+$0xFFFFFFB0];
	[tilespmem:s24+$0x60] =	vst v33;
	s24 =	smov.u32 s8  }
0x536: {  	v34 =	vmul.f32 $9.155273430e-04, v8;
	v8 =	vcvt.s32.f32 v19;
	v19 =	vshrl.u32 v7, $0x10;
	v33 =	vld [tilespmem:s23+$0xFFFFFFC0]  }
0x537: {  	v36 =	vmul.f32 $9.155273430e-04, v9;
	v19 =	vcvt.s32.f32 v19;
	v37 =	vshrl.u32 v5, $0x10;
	v35 =	vld [tilespmem:s23+$0xFFFFFFD0]  }
0x538: {  	v9 =	vand.u32 $0xFFFF, v28;
	v38 =	vmul.f32 $9.155273430e-04, v8;
	v37 =	vcvt.s32.f32 v37;
	v28 =	vld [tilespmem:s23+$0xFFFFFFE0]  }
0x539: {  	v20 =	vmul.f32 v10, v20;
	v10 =	vand.u32 $0xFFFF, v22;
	v40 =	vmul.f32 $9.155273430e-04, v19;
	v39 =	vld [tilespmem:s23+$0xFFFFFFF0]  }
0x53a: {  	v8 =	vand.u32 $0xFFFF, v18;
	v17 =	vmul.f32 v17, v25;
	v37 =	vmul.f32 $9.155273430e-04, v37;
	v25 =	vld [tilespmem:s23+$0x0]  }
0x53b: {  	v19 =	vsub.f32 $7.500000000e+00, v20;
	v15 =	vmul.f32 v15, v16;
	v14 =	vmul.f32 v14, v31;
	v31 =	vld [tilespmem:s23+$0x10]  }
0x53c: {  	v20 =	vsub.f32 $7.500000000e+00, v17;
	v17 =	vmul.f32 v24, v33;
	v23 =	vmul.f32 v23, v35;
	v33 =	vld [tilespmem:s23+$0x20]  }
0x53d: {  	v22 =	vsub.f32 $7.500000000e+00, v15;
	v16 =	vsub.f32 $7.500000000e+00, v14;
	v14 =	vmul.f32 v21, v28;
	v15 =	vld [tilespmem:s23+$0x30]  }
0x53e: {  	v18 =	vsub.f32 $7.500000000e+00, v17;
	v17 =	vsub.f32 $7.500000000e+00, v23;
	v23 =	vmul.f32 v26, v39;
	v28 =	vld [tilespmem:s23+$0x40]  }
0x53f: {  	v44 =	vmul.f32 v19, v19;
	v21 =	vsub.f32 $7.500000000e+00, v14;
	v14 =	vmul.f32 v29, v25;
	v29 =	vld [tilespmem:s23+$0x50]  }
0x540: {  	v45 =	vmul.f32 v20, v20;
	v23 =	vsub.f32 $7.500000000e+00, v23;
	v25 =	vmul.f32 v32, v31;
	v35 =	vld [tilespmem:s23+$0x60]  }
0x541: {  	v48 =	vmul.f32 v22, v22;
	v24 =	vsub.f32 $7.500000000e+00, v14;
	v14 =	vmul.f32 v34, v33  }
0x542: {  	v49 =	vmul.f32 v16, v16;
	v25 =	vsub.f32 $7.500000000e+00, v25;
	v15 =	vmul.f32 v36, v15  }
0x543: {  	v31 =	vmul.f32 v18, v18;
	v26 =	vsub.f32 $7.500000000e+00, v14;
	v14 =	vmul.f32 v38, v28  }
0x544: {  	v32 =	vmul.f32 v17, v17;
	v28 =	vsub.f32 $7.500000000e+00, v15;
	v15 =	vmul.f32 v40, v29  }
0x545: {  	v34 =	vmul.f32 v21, v21;
	v29 =	vsub.f32 $7.500000000e+00, v14;
	v14 =	vmul.f32 v37, v35  }
0x546: {  	v43 =	vmul.f32 v23, v23;
	v36 =	vmul.f32 v24, v24;
	v39 =	vsub.f32 $7.500000000e+00, v15  }
.Ltmp3:
0x547: {  	v38 =	vmul.f32 v25, v25;
	v35 =	vmul.f32 v26, v26;
	v40 =	vsub.f32 $7.500000000e+00, v14;
	(pc) =	sbr.rel @p0 .LBB2_5-.Ltmp3, $4  }
0x548: {  	v15 =	vand.u32 $0xFFFF, v12;
	v41 =	vmul.f32 v28, v28;
	v37 =	vmul.f32 v29, v29  }
0x549: {  	v14 =	vand.u32 $0xFFFF, v13;
	v42 =	vmul.f32 v39, v39;
	v33 =	vmul.f32 v40, v40  }
0x54a: {  	v47 =	vmul.f32 $1.995853930e-01, v44;
	v46 =	vmul.f32 $1.995853930e-01, v45;
	v13 =	vand.u32 $0xFFFF, v27  }
0x54b: {  	s10 =	sadd.s32 $0x200, s10;
	v45 =	vmul.f32 $1.995853930e-01, v48;
	v44 =	vmul.f32 $1.995853930e-01, v49;
	v12 =	vand.u32 $0xFFFF, v30  }
0x54c: {  	v30 =	vmul.f32 $1.995853930e-01, v31;
	v31 =	vmul.f32 $1.995853930e-01, v32  }
0x54d: {  	v58 =	vmul.f32 $1.995853930e-01, v34;
	v59 =	vmul.f32 $1.995853930e-01, v43  }
0x54e: {  	v36 =	vmul.f32 $1.995853930e-01, v36;
	v38 =	vmul.f32 $1.995853930e-01, v38  }
0x54f: {  	v27 =	vsub.f32 $-2.259351730e+00, v47;
	v35 =	vmul.f32 $1.995853930e-01, v35;
	v41 =	vmul.f32 $1.995853930e-01, v41  }
0x550: {  	v60 =	vsub.f32 $-2.259351730e+00, v46;
	v37 =	vmul.f32 $1.995853930e-01, v37;
	v42 =	vmul.f32 $1.995853930e-01, v42  }
0x551: {  	v33 =	vmul.f32 $1.995853930e-01, v33;
	v45 =	vsub.f32 $-2.259351730e+00, v45;
	v44 =	vsub.f32 $-2.259351730e+00, v44  }
0x552: {  	v30 =	vsub.f32 $-2.259351730e+00, v30;
	v31 =	vsub.f32 $-2.259351730e+00, v31;
	v19 =	vmul.f32 v27, v19  }
0x553: {  	v27 =	vsub.f32 $-2.259351730e+00, v58;
	v61 =	vsub.f32 $-2.259351730e+00, v59;
	v20 =	vmul.f32 v60, v20  }
0x554: {  	v62 =	vsub.f32 $-2.259351730e+00, v36;
	v22 =	vmul.f32 v45, v22;
	v16 =	vmul.f32 v44, v16  }
0x555: {  	v63 =	vsub.f32 $-2.259351730e+00, v38;
	v18 =	vmul.f32 v30, v18;
	v17 =	vmul.f32 v31, v17  }
0x556: {  	v35 =	vsub.f32 $-2.259351730e+00, v35;
	v21 =	vmul.f32 v27, v21;
	v23 =	vmul.f32 v61, v23  }
0x557: {  	v30 =	vsub.f32 $-2.259351730e+00, v41;
	v24 =	vmul.f32 v62, v24;
	v25 =	vmul.f32 v63, v25  }
0x558: {  	v27 =	vsub.f32 $-2.259351730e+00, v37;
	v26 =	vmul.f32 v35, v26;
	v19 =	vmul.f32 $1.442695020e+00, v19  }
0x559: {  	v31 =	vsub.f32 $-2.259351730e+00, v42;
	v20 =	vmul.f32 $1.442695020e+00, v20;
	v22 =	vmul.f32 $1.442695020e+00, v22  }
0x55a: {  	v38 =	vsub.f32 $-2.259351730e+00, v33;
	v16 =	vmul.f32 $1.442695020e+00, v16;
	v28 =	vmul.f32 v30, v28  }
0x55b: {  	v27 =	vmul.f32 v27, v29;
	v29 =	vmul.f32 v31, v39  }
0x55c: {  	v30 =	vmul.f32 v38, v40;
	(erf) = vpow2.f32 v19  }
0x55d: {  	v18 =	vmul.f32 $1.442695020e+00, v18;
	(erf) = vpow2.f32 v20  }
0x55e: {  	v17 =	vmul.f32 $1.442695020e+00, v17;
	(erf) = vpow2.f32 v22  }
0x55f: {  	v21 =	vmul.f32 $1.442695020e+00, v21;
	(erf) = vpow2.f32 v16  }
0x560: {  	v19 =	vmul.f32 $1.442695020e+00, v23;
	(erf) = vpow2.f32 v18  }
0x561: {  	v20 =	vmul.f32 $1.442695020e+00, v24;
	(erf) = vpow2.f32 v17  }
0x562: {  	v22 =	vmul.f32 $1.442695020e+00, v25;
	(erf) = vpow2.f32 v21  }
0x563: {  	v16 =	vmul.f32 $1.442695020e+00, v26;
	(erf) = vpow2.f32 v19  }
0x564: {  	v18 =	vmul.f32 $1.442695020e+00, v28;
	(erf) = vpow2.f32 v20  }
0x565: {  	v17 =	vmul.f32 $1.442695020e+00, v27;
	(erf) = vpow2.f32 v22  }
0x566: {  	v11 =	vand.u32 $0xFFFF, v11;
	v21 =	vmul.f32 $1.442695020e+00, v29;
	(erf) = vpow2.f32 v16  }
0x567: {  	v4 =	vand.u32 $0xFFFF, v4;
	v19 =	vmul.f32 $1.442695020e+00, v30;
	v16 =	vpop (erf);
	(erf) = vpow2.f32 v18  }
0x568: {  	v1 =	vcvt.s32.f32 v1;
	v6 =	vand.u32 $0xFFFF, v6;
	v18 =	vpop (erf);
	(erf) = vpow2.f32 v17  }
0x569: {  	v2 =	vcvt.s32.f32 v2;
	v16 =	vadd.f32 $1.000000000e+00, v16;
	v17 =	vpop (erf);
	(erf) = vpow2.f32 v21  }
0x56a: {  	v3 =	vcvt.s32.f32 v3;
	v18 =	vadd.f32 $1.000000000e+00, v18;
	v20 =	vpop (erf);
	(erf) = vpow2.f32 v19  }
0x56b: {  	v9 =	vcvt.s32.f32 v9;
	v17 =	vadd.f32 $1.000000000e+00, v17;
	v19 =	vpop (erf);
	(erf) = vrcp.f32 v16  }
0x56c: {  	v10 =	vcvt.s32.f32 v10;
	v16 =	vadd.f32 $1.000000000e+00, v20;
	v20 =	vpop (erf);
	(erf) = vrcp.f32 v18  }
0x56d: {  	v8 =	vcvt.s32.f32 v8;
	v18 =	vadd.f32 $1.000000000e+00, v19;
	v19 =	vpop (erf);
	(erf) = vrcp.f32 v17  }
0x56e: {  	v15 =	vcvt.s32.f32 v15;
	v17 =	vadd.f32 $1.000000000e+00, v20;
	v20 =	vpop (erf);
	(erf) = vrcp.f32 v16  }
0x56f: {  	v14 =	vcvt.s32.f32 v14;
	v16 =	vadd.f32 $1.000000000e+00, v19;
	v19 =	vpop (erf);
	(erf) = vrcp.f32 v18  }
0x570: {  	v13 =	vcvt.s32.f32 v13;
	v18 =	vadd.f32 $1.000000000e+00, v20;
	v20 =	vpop (erf);
	(erf) = vrcp.f32 v17  }
0x571: {  	v12 =	vcvt.s32.f32 v12;
	v17 =	vadd.f32 $1.000000000e+00, v19;
	v19 =	vpop (erf);
	(erf) = vrcp.f32 v16  }
0x572: {  	v11 =	vcvt.s32.f32 v11;
	v16 =	vadd.f32 $1.000000000e+00, v20;
	v20 =	vpop (erf);
	(erf) = vrcp.f32 v18  }
0x573: {  	v4 =	vcvt.s32.f32 v4;
	v18 =	vadd.f32 $1.000000000e+00, v19;
	v19 =	vpop (erf);
	(erf) = vrcp.f32 v17  }
0x574: {  	v1 =	vmul.f32 $1.220703130e-04, v1;
	v17 =	vadd.f32 $1.000000000e+00, v20;
	v20 =	vpop (erf);
	(erf) = vrcp.f32 v16  }
0x575: {  	v16 =	vadd.f32 $1.000000000e+00, v19;
	v19 =	vpop (erf);
	(erf) = vrcp.f32 v18;
	v18 =	vadd.f32 $1.000000000e+00, v20  }
0x576: {  	v6 =	vcvt.s32.f32 v6;
	v2 =	vmul.f32 $1.220703130e-04, v2;
	v20 =	vpop (erf)  }
0x577: {  	(erf) = vrcp.f32 v17;
	v1 =	vmul.f32 v20, v1  }
0x578: {  	v3 =	vmul.f32 $1.220703130e-04, v3;
	v17 =	vpop (erf);
	(erf) = vrcp.f32 v16  }
0x579: {  	(erf) = vrcp.f32 v18;
	v2 =	vmul.f32 v17, v2;
	v18 =	vpop (erf)  }
0x57a: {  	v10 =	vmul.f32 $1.220703130e-04, v10;
	v17 =	vpop (erf);
	v3 =	vmul.f32 v18, v3  }
0x57b: {  	v7 =	vand.u32 $0xFFFF, v7;
	v9 =	vmul.f32 $1.220703130e-04, v9;
	v8 =	vmul.f32 $1.220703130e-04, v8;
	[tilespmem:s8+$0xFFFFFF80] =	vst v1;
	v1 =	vpop (erf)  }
0x57c: {  	v7 =	vcvt.s32.f32 v7;
	v16 =	vadd.f32 $1.000000000e+00, v19;
	v1 =	vmul.f32 v1, v10  }
0x57d: {  	[tilespmem:s8+$0xFFFFFF90] =	vst v2;
	v9 =	vmul.f32 v17, v9;
	v2 =	vpop (erf);
	v10 =	vmul.f32 $1.220703130e-04, v14  }
0x57e: {  	v15 =	vmul.f32 $1.220703130e-04, v15;
	(erf) = vrcp.f32 v16;
	[tilespmem:s24+$0xFFFFFFA0] =	vst v3;
	v3 =	vpop (erf)  }
0x57f: {  	v2 =	vmul.f32 v2, v8;
	[tilespmem:s24+$0xFFFFFFB0] =	vst v9;
	v9 =	vmul.f32 $1.220703130e-04, v13;
	v8 =	vpop (erf)  }
0x580: {  	[tilespmem:s24+$0xFFFFFFC0] =	vst v1;
	v3 =	vmul.f32 v3, v15;
	v1 =	vpop (erf);
	v8 =	vmul.f32 v8, v10  }
0x581: {  	v12 =	vmul.f32 $1.220703130e-04, v12;
	[tilespmem:s24+$0xFFFFFFD0] =	vst v2;
	v2 =	vmul.f32 $1.220703130e-04, v11;
	v10 =	vpop (erf)  }
0x582: {  	v1 =	vmul.f32 v1, v9;
	[tilespmem:s24+$0xFFFFFFE0] =	vst v3;
	v3 =	vmul.f32 $1.220703130e-04, v4;
	v4 =	vpop (erf)  }
0x583: {  	v5 =	vand.u32 $0xFFFF, v5;
	v9 =	vmul.f32 v10, v12;
	[tilespmem:s24+$0xFFFFFFF0] =	vst v8;
	v2 =	vmul.f32 v4, v2  }
0x584: {  	v5 =	vcvt.s32.f32 v5;
	v6 =	vmul.f32 $1.220703130e-04, v6;
	[tilespmem:s24+$0x0] =	vst v1;
	v8 =	vpop (erf)  }
0x585: {  	p0 =	seq.s32 s4, $0x13;
	v1 =	vmul.f32 $1.220703130e-04, v7;
	[tilespmem:s24+$0x10] =	vst v9;
	v4 =	vpop (erf);
	v3 =	vmul.f32 v8, v3  }
0x586: {  	v5 =	vmul.f32 $1.220703130e-04, v5;
	s8 =	sadd.s32 @!p0 s15, s1;
	[tilespmem:s24+$0x20] =	vst v2;
	v7 =	vpop (erf);
	v4 =	vmul.f32 v4, v6  }
0x587: {  	p1 =	slt.u32 @!p0 s8, $0x4E2;
	v2 =	vpop (erf);
	v1 =	vmul.f32 v7, v1;
	[tilespmem:s24+$0x30] =	vst v3  }
0x588: {  	s9 =	smul.u32 $0x140, s20;
	p1 =	por !p1, p0;
	v2 =	vmul.f32 v2, v5;
	[tilespmem:s24+$0x40] =	vst v4  }
0x589: {  	s8 =	smov.u32 @p1 s7;
	[tilespmem:s24+$0x50] =	vst v1  }
0x58a: {  	s23 =	simm.s32 @!p0 $0x1B300;
	s9 =	sadd.s32 s5, s9;
	s10 =	smul.u32 @!p0 $0x280, s8;
	[tilespmem:s24+$0x60] =	vst v2  }
0x58b: {  	[hbm4b:s9+s6] =	stream.linear.scatter [tilespmem:s29], [sflag:$0x3], $0xA00, $0x38;
	[tilespmem:$0x1F900] =	vst v63  }
0x58c: {  	s8 =	smul.u32 @!p0 $0x140, s8;
	s9 =	sadd.s32 @!p0 s2, s10;
	s10 =	simm.s32 @!p0 $0x0  }
0x58d: {  	[tilespmem:s23], [sflag:$0x1] =	stream.linear.gather @!p0 [hbm4b:s9+s10], $0x1400, $0x38;
	[tilespmem:$0x1F900] =	vst v63  }
0x58e: {  	s8 =	sadd.s32 @!p0 s3, s8;
	s9 =	simm.s32 @!p0 $0x1DB00  }
0x58f: {  	[tilespmem:s9], [sflag:$0x1] =	stream.linear.gather @!p0 [hbm4b:s8+s10], $0xA00, $0x38;
	[tilespmem:$0x1F900] =	vst v63  }
0x590: {  	_ =	swait.ge [sflag:s30], $0x1400  }
0x591: {  	[sflag:s30] =	ssyncset.done $0x0  }
0x592: {  	[sflag:s30] =	ssyncadd.s32 $0xFFFFEC00  }
0x593: {  	_ =	swait.ge [sflag:s30], $0xA00  }
0x594: {  	[sflag:s30] =	ssyncset.done $0x0  }
0x595: {  	[sflag:s30] =	ssyncadd.s32 $0xFFFFF600  }
0x596: {  	_ =	swait.ge [sflag:s31], $0xA00  }
0x597: {  	[sflag:s31] =	ssyncset.done $0x0  }
0x598: {  	s24 =	simm.s32 $0x1C800;
	[sflag:s31] =	ssyncadd.s32 $0xFFFFF600  }
0x599: {  	v1 =	vld [tilespmem:s24+$0x70]  }
0x59a: {  	v2 =	vld [tilespmem:s24+$0xFFFFFF10]  }
0x59b: {  	v3 =	vld [tilespmem:s24+$0xF0]  }
0x59c: {  	v4 =	vld [tilespmem:s24+$0xFFFFFF20]  }
0x59d: {  	v5 =	vld [tilespmem:s24+$0xFFFFFF30]  }
0x59e: {  	v6 =	vld [tilespmem:s24+$0xFFFFFF40]  }
0x59f: {  	v7 =	vld [tilespmem:s24+$0xFFFFFF50]  }
0x5a0: {  	v8 =	vld [tilespmem:s24+$0xFFFFFF60]  }
0x5a1: {  	v9 =	vld [tilespmem:s24+$0xFFFFFF70]  }
0x5a2: {  	v10 =	vld [tilespmem:s24+$0x0]  }
0x5a3: {  	v11 =	vld [tilespmem:s24+$0x10]  }
0x5a4: {  	v12 =	vld [tilespmem:s24+$0x20]  }
0x5a5: {  	v13 =	vld [tilespmem:s24+$0x30]  }
0x5a6: {  	v14 =	vld [tilespmem:s24+$0x40]  }
0x5a7: {  	v15 =	vld [tilespmem:s24+$0x50]  }
0x5a8: {  	v16 =	vld [tilespmem:s24+$0xFFFFFF00]  }
0x5a9: {  	v17 =	vld [tilespmem:s24+$0xFFFFFF80]  }
0x5aa: {  	v18 =	vld [tilespmem:s24+$0xFFFFFF90]  }
0x5ab: {  	v19 =	vld [tilespmem:s24+$0xFFFFFFA0]  }
0x5ac: {  	v20 =	vld [tilespmem:s24+$0xFFFFFFB0]  }
0x5ad: {  	v21 =	vld [tilespmem:s24+$0xFFFFFFC0]  }
0x5ae: {  	v22 =	vld [tilespmem:s24+$0xFFFFFFD0]  }
0x5af: {  	v1 =	vld.idx.msk [tilespmem:v1+s6+$0x0], $0xffff  }
0x5b0: {  	v23 =	vld [tilespmem:s24+$0xFFFFFFE0]  }
0x5b1: {  	s23 =	simm.s32 $0x1E580;
	v3 =	vld.idx.msk [tilespmem:v3+s6+$0x0], $0xffff  }
0x5b2: {  	v24 =	vld [tilespmem:s23+$0x70]  }
0x5b3: {  	v25 =	vld [tilespmem:s24+$0xFFFFFFF0]  }
0x5b4: {  	v26 =	vld [tilespmem:s24+$0x80];
	v1 =	vmul.u32 $0x68, v1  }
0x5b5: {  	v28 =	vld [tilespmem:s24+$0x90]  }
0x5b6: {  	v29 =	vld [tilespmem:s24+$0xA0];
	v1 =	vadd.s32 v3, v1  }
0x5b7: {  	v30 =	vld [tilespmem:s24+$0xB0]  }
0x5b8: {  	v31 =	vld [tilespmem:s24+$0xC0]  }
0x5b9: {  	v40 =	vld [tilespmem:s24+$0xD0]  }
0x5ba: {  	v16 =	vld.idx.msk [tilespmem:v16+s6+$0x0], $0xffff  }
0x5bb: {  	v1 =	vld.idx.msk [tilespmem:v1+s22+$0x0], $0xffff  }
0x5bc: {  	v2 =	vld.idx.msk [tilespmem:v2+s6+$0x0], $0xffff  }
0x5bd: {  	v4 =	vld.idx.msk [tilespmem:v4+s6+$0x0], $0xffff  }
0x5be: {  	v5 =	vld.idx.msk [tilespmem:v5+s6+$0x0], $0xffff  }
0x5bf: {  	v6 =	vld.idx.msk [tilespmem:v6+s6+$0x0], $0xffff  }
0x5c0: {  	v7 =	vld.idx.msk [tilespmem:v7+s6+$0x0], $0xffff;
	v27 =	vshrl.u32 v1, $0x10  }
0x5c1: {  	v8 =	vld.idx.msk [tilespmem:v8+s6+$0x0], $0xffff;
	v27 =	vcvt.s32.f32 v27  }
0x5c2: {  	v9 =	vld.idx.msk [tilespmem:v9+s6+$0x0], $0xffff  }
0x5c3: {  	v10 =	vld.idx.msk [tilespmem:v10+s6+$0x0], $0xffff;
	v27 =	vmul.f32 $9.155273430e-04, v27  }
0x5c4: {  	v11 =	vld.idx.msk [tilespmem:v11+s6+$0x0], $0xffff  }
0x5c5: {  	v12 =	vld.idx.msk [tilespmem:v12+s6+$0x0], $0xffff;
	v24 =	vmul.f32 v27, v24  }
0x5c6: {  	v13 =	vld.idx.msk [tilespmem:v13+s6+$0x0], $0xffff  }
0x5c7: {  	v14 =	vld.idx.msk [tilespmem:v14+s6+$0x0], $0xffff;
	v24 =	vsub.f32 $7.500000000e+00, v24  }
0x5c8: {  	v15 =	vld.idx.msk [tilespmem:v15+s6+$0x0], $0xffff  }
0x5c9: {  	v17 =	vld.idx.msk [tilespmem:v17+s6+$0x0], $0xffff;
	v41 =	vmul.f32 v24, v24  }
0x5ca: {  	v18 =	vld.idx.msk [tilespmem:v18+s6+$0x0], $0xffff  }
0x5cb: {  	v19 =	vld.idx.msk [tilespmem:v19+s6+$0x0], $0xffff;
	v33 =	vmul.f32 $1.995853930e-01, v41  }
0x5cc: {  	v20 =	vld.idx.msk [tilespmem:v20+s6+$0x0], $0xffff  }
0x5cd: {  	v21 =	vld.idx.msk [tilespmem:v21+s6+$0x0], $0xffff;
	v33 =	vsub.f32 $-2.259351730e+00, v33  }
0x5ce: {  	v22 =	vld.idx.msk [tilespmem:v22+s6+$0x0], $0xffff  }
0x5cf: {  	v23 =	vld.idx.msk [tilespmem:v23+s6+$0x0], $0xffff;
	v24 =	vmul.f32 v33, v24  }
0x5d0: {  	v25 =	vld.idx.msk [tilespmem:v25+s6+$0x0], $0xffff  }
0x5d1: {  	v26 =	vld.idx.msk [tilespmem:v26+s6+$0x0], $0xffff;
	v24 =	vmul.f32 $1.442695020e+00, v24  }
0x5d2: {  	v28 =	vld.idx.msk [tilespmem:v28+s6+$0x0], $0xffff;
	v16 =	vmul.u32 $0x68, v16  }
0x5d3: {  	v2 =	vmul.u32 $0x68, v2;
	v3 =	vld [tilespmem:s24+$0x60];
	(erf) = vpow2.f32 v24  }
0x5d4: {  	v4 =	vmul.u32 $0x68, v4;
	v16 =	vadd.s32 v17, v16;
	v17 =	vld.idx.msk [tilespmem:v29+s6+$0x0], $0xffff  }
0x5d5: {  	v5 =	vmul.u32 $0x68, v5;
	v2 =	vadd.s32 v18, v2;
	v18 =	vld.idx.msk [tilespmem:v30+s6+$0x0], $0xffff  }
0x5d6: {  	v9 =	vmul.u32 $0x68, v9;
	v4 =	vadd.s32 v19, v4;
	v19 =	vld.idx.msk [tilespmem:v31+s6+$0x0], $0xffff  }
0x5d7: {  	v5 =	vadd.s32 v20, v5;
	v20 =	vld.idx.msk [tilespmem:v40+s6+$0x0], $0xffff  }
0x5d8: {  	v6 =	vmul.u32 $0x68, v6;
	v7 =	vmul.u32 $0x68, v7;
	v9 =	vadd.s32 v25, v9;
	v27 =	vld [tilespmem:s24+$0xE0]  }
0x5d9: {  	v16 =	vld.idx.msk [tilespmem:v16+s22+$0x0], $0xffff  }
0x5da: {  	v6 =	vadd.s32 v21, v6;
	v7 =	vadd.s32 v22, v7;
	v22 =	vld.idx.msk [tilespmem:v2+s22+$0x0], $0xffff  }
0x5db: {  	v11 =	vmul.u32 $0x68, v11;
	v4 =	vld.idx.msk [tilespmem:v4+s22+$0x0], $0xffff  }
0x5dc: {  	v10 =	vmul.u32 $0x68, v10;
	v2 =	vmul.u32 $0x68, v14;
	v14 =	vmul.u32 $0x68, v15;
	v15 =	vld.idx.msk [tilespmem:v5+s22+$0x0], $0xffff;
	v24 =	vpop (erf)  }
0x5dd: {  	v12 =	vmul.u32 $0x68, v12;
	v5 =	vadd.s32 v28, v11;
	v28 =	vld.idx.msk [tilespmem:v9+s22+$0x0], $0xffff;
	v24 =	vadd.f32 $1.000000000e+00, v24  }
0x5de: {  	v8 =	vmul.u32 $0x68, v8;
	v10 =	vadd.s32 v26, v10;
	v3 =	vld.idx.msk [tilespmem:v3+s6+$0x0], $0xffff  }
0x5df: {  	v13 =	vmul.u32 $0x68, v13;
	v11 =	vadd.s32 v17, v12;
	v17 =	vld.idx.msk [tilespmem:v6+s22+$0x0], $0xffff;
	(erf) = vrcp.f32 v24  }
0x5e0: {  	v8 =	vadd.s32 v23, v8;
	v6 =	vadd.s32 v19, v2;
	v2 =	vshrl.u32 v16, $0x10;
	v21 =	vld.idx.msk [tilespmem:v27+s6+$0x0], $0xffff  }
0x5e1: {  	v13 =	vadd.s32 v18, v13;
	v18 =	vld.idx.msk [tilespmem:v7+s22+$0x0], $0xffff;
	v1 =	vand.u32 $0xFFFF, v1;
	v7 =	vcvt.s32.f32 v2  }
0x5e2: {  	v52 =	vld [tilespmem:s23+$0xFFFFFFD0];
	v14 =	vadd.s32 v20, v14;
	v20 =	vshrl.u32 v28, $0x10;
	v1 =	vcvt.s32.f32 v1  }
0x5e3: {  	v44 =	vld.idx.msk [tilespmem:v10+s22+$0x0], $0xffff;
	v3 =	vmul.u32 $0x68, v3;
	v10 =	vmul.f32 $9.155273430e-04, v7;
	v7 =	vshrl.u32 v15, $0x10  }
0x5e4: {  	v48 =	vld.idx.msk [tilespmem:v5+s22+$0x0], $0xffff;
	v20 =	vcvt.s32.f32 v20;
	v5 =	vcvt.s32.f32 v7;
	v7 =	vshrl.u32 v17, $0x10  }
0x5e5: {  	v7 =	vcvt.s32.f32 v7;
	v27 =	vld.idx.msk [tilespmem:v8+s22+$0x0], $0xffff;
	v19 =	vadd.s32 v21, v3;
	v3 =	vshrl.u32 v22, $0x10  }
0x5e6: {  	v26 =	vld [tilespmem:s23+$0xFFFFFFA0];
	v8 =	vcvt.s32.f32 v3;
	v3 =	vand.u32 $0xFFFF, v4;
	v4 =	vshrl.u32 v4, $0x10  }
0x5e7: {  	v30 =	vld [tilespmem:s23+$0xFFFFFFB0];
	v1 =	vmul.f32 $1.220703130e-04, v1;
	v4 =	vcvt.s32.f32 v4  }
0x5e8: {  	v11 =	vld.idx.msk [tilespmem:v11+s22+$0x0], $0xffff;
	v9 =	vshrl.u32 v18, $0x10;
	v25 =	vmul.f32 $9.155273430e-04, v20;
	v21 =	vmul.f32 $9.155273430e-04, v7;
	v12 =	vpop (erf)  }
0x5e9: {  	v6 =	vld.idx.msk [tilespmem:v6+s22+$0x0], $0xffff;
	v12 =	vmul.f32 v12, v1;
	v1 =	vand.u32 $0xFFFF, v16;
	v16 =	vmul.f32 $9.155273430e-04, v4  }
0x5ea: {  	v4 =	vld.idx.msk [tilespmem:v13+s22+$0x0], $0xffff;
	v13 =	vmul.f32 $9.155273430e-04, v5;
	v5 =	vcvt.s32.f32 v9;
	v9 =	vshrl.u32 v27, $0x10  }
0x5eb: {  	v2 =	vand.u32 $0xFFFF, v22;
	v7 =	vld.idx.msk [tilespmem:v14+s22+$0x0], $0xffff;
	v8 =	vmul.f32 $9.155273430e-04, v8;
	v9 =	vcvt.s32.f32 v9  }
0x5ec: {  	v22 =	vshrl.u32 v44, $0x10;
	v24 =	vld [tilespmem:s23+$0xFFFFFF90];
	v14 =	vmul.f32 $9.155273430e-04, v5;
	v16 =	vmul.f32 v16, v26  }
0x5ed: {  	v5 =	vld.idx.msk [tilespmem:v19+s22+$0x0], $0xffff;
	v23 =	vmul.f32 $9.155273430e-04, v9;
	v9 =	vcvt.s32.f32 v22;
	v22 =	vshrl.u32 v48, $0x10  }
0x5ee: {  	v19 =	vld [tilespmem:s23+$0xFFFFFF80];
	v13 =	vmul.f32 v13, v30;
	v20 =	vcvt.s32.f32 v22;
	v22 =	vshrl.u32 v11, $0x10  }
0x5ef: {  	v29 =	vmul.f32 $9.155273430e-04, v9;
	v9 =	vcvt.s32.f32 v22  }
0x5f0: {  	v14 =	vmul.f32 v14, v52;
	v22 =	vshrl.u32 v4, $0x10;
	v31 =	vmul.f32 $9.155273430e-04, v20  }
0x5f1: {  	v42 =	vld [tilespmem:s23+$0xFFFFFFC0];
	v20 =	vcvt.s32.f32 v22;
	v22 =	vshrl.u32 v6, $0x10;
	v43 =	vmul.f32 $9.155273430e-04, v9  }
0x5f2: {  	v22 =	vcvt.s32.f32 v22;
	v9 =	vshrl.u32 v7, $0x10;
	v54 =	vshrl.u32 v5, $0x10  }
0x5f3: {  	v19 =	vmul.f32 v10, v19;
	v10 =	vand.u32 $0xFFFF, v17;
	v17 =	vmul.f32 v8, v24  }
0x5f4: {  	v56 =	vld [tilespmem:s23+$0xFFFFFFF0];
	v53 =	vmul.f32 $9.155273430e-04, v20;
	v20 =	vcvt.s32.f32 v9;
	v9 =	vand.u32 $0xFFFF, v15  }
0x5f5: {  	v15 =	vld [tilespmem:s23+$0xFFFFFFE0];
	v55 =	vmul.f32 $9.155273430e-04, v22;
	v22 =	vcvt.s32.f32 v54;
	v19 =	vsub.f32 $7.500000000e+00, v19  }
0x5f6: {  	v26 =	vld [tilespmem:s23+$0x10];
	v57 =	vmul.f32 $9.155273430e-04, v20;
	v20 =	vsub.f32 $7.500000000e+00, v17;
	v17 =	vmul.f32 v21, v42  }
0x5f7: {  	v8 =	vand.u32 $0xFFFF, v18;
	v24 =	vld [tilespmem:s23+$0x0];
	v58 =	vmul.f32 $9.155273430e-04, v22;
	v22 =	vsub.f32 $7.500000000e+00, v16  }
0x5f8: {  	v16 =	vsub.f32 $7.500000000e+00, v13;
	v60 =	vmul.f32 v19, v19;
	v18 =	vsub.f32 $7.500000000e+00, v17  }
0x5f9: {  	v30 =	vld [tilespmem:s23+$0x20];
	v17 =	vsub.f32 $7.500000000e+00, v14;
	v14 =	vmul.f32 v25, v56;
	v62 =	vmul.f32 v20, v20  }
0x5fa: {  	v13 =	vmul.f32 v23, v15;
	v15 =	vld [tilespmem:s23+$0x30];
	v49 =	vmul.f32 v22, v22  }
0x5fb: {  	v59 =	vld [tilespmem:s23+$0x40];
	v50 =	vmul.f32 v16, v16;
	v47 =	vmul.f32 $1.995853930e-01, v60;
	v23 =	vsub.f32 $7.500000000e+00, v14  }
0x5fc: {  	s8 =	simm.s32 $0x1EF80;
	v61 =	vld [tilespmem:s23+$0x50];
	v14 =	vmul.f32 v31, v26;
	v21 =	vsub.f32 $7.500000000e+00, v13;
	v13 =	vmul.f32 v29, v24  }
0x5fd: {  	v63 =	vld [tilespmem:s23+$0x60];
	[tilespmem:s8+$0x70] =	vst v12;
	v12 =	vand.u32 $0xFFFF, v48;
	v32 =	vmul.f32 v17, v17;
	v46 =	vmul.f32 $1.995853930e-01, v62  }
0x5fe: {  	v45 =	vmul.f32 $1.995853930e-01, v49;
	v24 =	vsub.f32 $7.500000000e+00, v13;
	v13 =	vmul.f32 v43, v30  }
0x5ff: {  	v25 =	vsub.f32 $7.500000000e+00, v14;
	v30 =	vmul.f32 v18, v18;
	v14 =	vmul.f32 v53, v15  }
0x600: {  	v34 =	vmul.f32 v21, v21;
	v26 =	vsub.f32 $7.500000000e+00, v13;
	v13 =	vmul.f32 v55, v59  }
0x601: {  	v43 =	vmul.f32 v23, v23;
	v38 =	vmul.f32 v25, v25;
	v29 =	vsub.f32 $7.500000000e+00, v14  }
0x602: {  	v14 =	vmul.f32 v57, v61;
	v31 =	vsub.f32 $7.500000000e+00, v13;
	v13 =	vmul.f32 v58, v63  }
0x603: {  	v15 =	vand.u32 $0xFFFF, v27;
	v36 =	vmul.f32 v24, v24;
	v35 =	vmul.f32 v26, v26  }
0x604: {  	v39 =	vsub.f32 $7.500000000e+00, v14;
	v42 =	vmul.f32 v29, v29;
	v40 =	vsub.f32 $7.500000000e+00, v13  }
0x605: {  	v37 =	vmul.f32 v31, v31;
	v13 =	vand.u32 $0xFFFF, v44;
	v44 =	vmul.f32 $1.995853930e-01, v50  }
0x606: {  	s9 =	simm.s32 $0x0;
	s10 =	simm.s32 $0x1CA00;
	s24 =	simm.s32 $0x1EF80;
	v14 =	vand.u32 $0xFFFF, v28;
	v41 =	vmul.f32 v39, v39;
	v33 =	vmul.f32 v40, v40  }
.LBB2_7:
0x607: {  	v48 =	vld [tilespmem:s10+$0x70];
	s9 =	sadd.s32 $0x10, s9;
	v47 =	vsub.f32 $-2.259351730e+00, v47;
	v28 =	vmul.f32 $1.995853930e-01, v30;
	v49 =	vmul.f32 $1.995853930e-01, v32  }
0x608: {  	v50 =	vmul.f32 $1.995853930e-01, v34;
	v43 =	vmul.f32 $1.995853930e-01, v43;
	v11 =	vand.u32 $0xFFFF, v11;
	v27 =	vld [tilespmem:s10+$0xFFFFFF10];
	p1 =	slt.u32 s9, $0x90  }
0x609: {  	v46 =	vsub.f32 $-2.259351730e+00, v46;
	v36 =	vmul.f32 $1.995853930e-01, v36;
	v38 =	vmul.f32 $1.995853930e-01, v38;
	v51 =	vld [tilespmem:s10+$0xF0]  }
0x60a: {  	v35 =	vmul.f32 $1.995853930e-01, v35;
	v42 =	vmul.f32 $1.995853930e-01, v42;
	v45 =	vsub.f32 $-2.259351730e+00, v45;
	v34 =	vld [tilespmem:s10+$0xFFFFFF20]  }
0x60b: {  	v37 =	vmul.f32 $1.995853930e-01, v37;
	v41 =	vmul.f32 $1.995853930e-01, v41;
	v44 =	vsub.f32 $-2.259351730e+00, v44;
	v32 =	vld [tilespmem:s10+$0xFFFFFF30]  }
0x60c: {  	v53 =	vmul.f32 $1.995853930e-01, v33;
	v52 =	vsub.f32 $-2.259351730e+00, v28;
	v49 =	vsub.f32 $-2.259351730e+00, v49;
	v30 =	vld [tilespmem:s10+$0xFFFFFF40]  }
0x60d: {  	v47 =	vmul.f32 v47, v19;
	v50 =	vsub.f32 $-2.259351730e+00, v50;
	v43 =	vsub.f32 $-2.259351730e+00, v43;
	v28 =	vld [tilespmem:s10+$0xFFFFFF50]  }
0x60e: {  	v20 =	vmul.f32 v46, v20;
	v36 =	vsub.f32 $-2.259351730e+00, v36;
	v46 =	vsub.f32 $-2.259351730e+00, v38;
	v19 =	vld [tilespmem:s10+$0xFFFFFF60]  }
0x60f: {  	v35 =	vsub.f32 $-2.259351730e+00, v35;
	v42 =	vsub.f32 $-2.259351730e+00, v42;
	v22 =	vmul.f32 v45, v22;
	v48 =	vld.idx.msk [tilespmem:v48+s6+$0x0], $0xffff  }
0x610: {  	v54 =	vsub.f32 $-2.259351730e+00, v37;
	v41 =	vsub.f32 $-2.259351730e+00, v41;
	v44 =	vmul.f32 v44, v16;
	v33 =	vld [tilespmem:s10+$0xFFFFFF70]  }
0x611: {  	v18 =	vmul.f32 v52, v18;
	v17 =	vmul.f32 v49, v17;
	v49 =	vsub.f32 $-2.259351730e+00, v53;
	v51 =	vld.idx.msk [tilespmem:v51+s6+$0x0], $0xffff  }
0x612: {  	v45 =	vand.u32 $0xFFFF, v4;
	v50 =	vmul.f32 v50, v21;
	v43 =	vmul.f32 v43, v23;
	v38 =	vld [tilespmem:s10+$0x0]  }
0x613: {  	v16 =	vand.u32 $0xFFFF, v6;
	v4 =	vmul.f32 v36, v24;
	v46 =	vmul.f32 v46, v25;
	v37 =	vld [tilespmem:s10+$0x10]  }
0x614: {  	v6 =	vand.u32 $0xFFFF, v7;
	v52 =	vmul.f32 v35, v26;
	v29 =	vmul.f32 v42, v29;
	v36 =	vld [tilespmem:s10+$0x20]  }
0x615: {  	v31 =	vmul.f32 v54, v31;
	v39 =	vmul.f32 v41, v39;
	v7 =	vmul.u32 $0x68, v48;
	v35 =	vld [tilespmem:s10+$0x30]  }
0x616: {  	v5 =	vand.u32 $0xFFFF, v5;
	v41 =	vmul.f32 $1.442695020e+00, v47;
	v40 =	vmul.f32 v49, v40;
	v25 =	vld [tilespmem:s10+$0x40]  }
0x617: {  	v20 =	vmul.f32 $1.442695020e+00, v20;
	v42 =	vmul.f32 $1.442695020e+00, v22;
	v7 =	vadd.s32 v51, v7;
	v23 =	vld [tilespmem:s10+$0x50]  }
0x618: {  	v47 =	vmul.f32 $1.442695020e+00, v44;
	v48 =	vmul.f32 $1.442695020e+00, v18;
	v21 =	vld [tilespmem:s10+$0x60]  }
0x619: {  	v50 =	vmul.f32 $1.442695020e+00, v50;
	v51 =	vmul.f32 $1.442695020e+00, v17;
	v49 =	vld [tilespmem:s10+$0xFFFFFF00]  }
0x61a: {  	v53 =	vmul.f32 $1.442695020e+00, v43;
	v54 =	vmul.f32 $1.442695020e+00, v4;
	v26 =	vld [tilespmem:s10+$0xFFFFFF80]  }
0x61b: {  	v46 =	vmul.f32 $1.442695020e+00, v46;
	v52 =	vmul.f32 $1.442695020e+00, v52;
	v24 =	vld [tilespmem:s10+$0xFFFFFF90]  }
0x61c: {  	v55 =	vmul.f32 $1.442695020e+00, v29;
	v56 =	vmul.f32 $1.442695020e+00, v31;
	v4 =	vld.idx.msk [tilespmem:v7+s22+$0x0], $0xffff  }
0x61d: {  	v57 =	vmul.f32 $1.442695020e+00, v39;
	v58 =	vmul.f32 $1.442695020e+00, v40;
	v31 =	vld [tilespmem:s10+$0xFFFFFFA0]  }
0x61e: {  	v44 =	vcvt.s32.f32 v1;
	v29 =	vld [tilespmem:s10+$0xFFFFFFB0];
	(erf) = vpow2.f32 v41  }
0x61f: {  	v43 =	vcvt.s32.f32 v2;
	v22 =	vld [tilespmem:s10+$0xFFFFFFC0];
	(erf) = vpow2.f32 v20  }
0x620: {  	v41 =	vcvt.s32.f32 v3;
	v18 =	vld [tilespmem:s10+$0xFFFFFFD0];
	(erf) = vpow2.f32 v42  }
0x621: {  	s23 =	sadd.s32 $0x100, s23;
	v40 =	vcvt.s32.f32 v9;
	v17 =	vld [tilespmem:s10+$0xFFFFFFE0];
	(erf) = vpow2.f32 v47  }
0x622: {  	v39 =	vcvt.s32.f32 v10;
	v1 =	vshrl.u32 v4, $0x10;
	v2 =	vld [tilespmem:s23+$0x70];
	(erf) = vpow2.f32 v48  }
0x623: {  	v1 =	vcvt.s32.f32 v1;
	v20 =	vld [tilespmem:s10+$0xFFFFFFF0];
	(erf) = vpow2.f32 v51  }
0x624: {  	v42 =	vcvt.s32.f32 v8;
	v10 =	vld [tilespmem:s10+$0x80];
	(erf) = vpow2.f32 v50  }
0x625: {  	v1 =	vmul.f32 $9.155273430e-04, v1;
	v9 =	vld [tilespmem:s10+$0x90];
	(erf) = vpow2.f32 v53  }
0x626: {  	v15 =	vcvt.s32.f32 v15;
	v8 =	vld [tilespmem:s10+$0xA0];
	(erf) = vpow2.f32 v54  }
0x627: {  	v7 =	vld [tilespmem:s10+$0xB0];
	v1 =	vmul.f32 v1, v2;
	v3 =	vpop (erf);
	(erf) = vpow2.f32 v46  }
0x628: {  	v14 =	vcvt.s32.f32 v14;
	v2 =	vld [tilespmem:s10+$0xC0];
	v46 =	vadd.f32 $1.000000000e+00, v3;
	v47 =	vpop (erf);
	(erf) = vpow2.f32 v52  }
0x629: {  	v3 =	vld [tilespmem:s10+$0xD0];
	v48 =	vsub.f32 $7.500000000e+00, v1;
	v47 =	vadd.f32 $1.000000000e+00, v47;
	v50 =	vpop (erf);
	(erf) = vpow2.f32 v55  }
0x62a: {  	v13 =	vcvt.s32.f32 v13;
	v1 =	vld [tilespmem:s10+$0xE0];
	v50 =	vadd.f32 $1.000000000e+00, v50;
	v51 =	vpop (erf);
	(erf) = vpow2.f32 v56  }
0x62b: {  	v49 =	vld.idx.msk [tilespmem:v49+s6+$0x0], $0xffff;
	v52 =	vmul.f32 v48, v48;
	v51 =	vadd.f32 $1.000000000e+00, v51;
	v53 =	vpop (erf);
	(erf) = vpow2.f32 v57  }
0x62c: {  	v12 =	vcvt.s32.f32 v12;
	v27 =	vld.idx.msk [tilespmem:v27+s6+$0x0], $0xffff;
	v53 =	vadd.f32 $1.000000000e+00, v53;
	v54 =	vpop (erf);
	(erf) = vpow2.f32 v58  }
0x62d: {  	v34 =	vld.idx.msk [tilespmem:v34+s6+$0x0], $0xffff;
	v52 =	vmul.f32 $1.995853930e-01, v52;
	v54 =	vadd.f32 $1.000000000e+00, v54;
	(erf) = vrcp.f32 v46;
	v46 =	vpop (erf)  }
0x62e: {  	v11 =	vcvt.s32.f32 v11;
	v32 =	vld.idx.msk [tilespmem:v32+s6+$0x0], $0xffff;
	v46 =	vadd.f32 $1.000000000e+00, v46;
	(erf) = vrcp.f32 v47;
	v47 =	vpop (erf)  }
0x62f: {  	v30 =	vld.idx.msk [tilespmem:v30+s6+$0x0], $0xffff;
	v55 =	vsub.f32 $-2.259351730e+00, v52;
	v47 =	vadd.f32 $1.000000000e+00, v47;
	(erf) = vrcp.f32 v50;
	v50 =	vpop (erf)  }
0x630: {  	v45 =	vcvt.s32.f32 v45;
	v28 =	vld.idx.msk [tilespmem:v28+s6+$0x0], $0xffff;
	v50 =	vadd.f32 $1.000000000e+00, v50;
	(erf) = vrcp.f32 v51;
	v51 =	vpop (erf)  }
0x631: {  	v49 =	vmul.u32 $0x68, v49;
	v19 =	vld.idx.msk [tilespmem:v19+s6+$0x0], $0xffff;
	v48 =	vmul.f32 v55, v48;
	v51 =	vadd.f32 $1.000000000e+00, v51;
	v52 =	vpop (erf)  }
0x632: {  	v27 =	vmul.u32 $0x68, v27;
	v33 =	vld.idx.msk [tilespmem:v33+s6+$0x0], $0xffff;
	v52 =	vadd.f32 $1.000000000e+00, v52;
	(erf) = vrcp.f32 v53;
	v53 =	vpop (erf)  }
0x633: {  	v34 =	vmul.u32 $0x68, v34;
	v38 =	vld.idx.msk [tilespmem:v38+s6+$0x0], $0xffff;
	v48 =	vmul.f32 $1.442695020e+00, v48;
	v53 =	vadd.f32 $1.000000000e+00, v53;
	v55 =	vpop (erf)  }
0x634: {  	v32 =	vmul.u32 $0x68, v32;
	v37 =	vld.idx.msk [tilespmem:v37+s6+$0x0], $0xffff;
	v55 =	vadd.f32 $1.000000000e+00, v55;
	(erf) = vrcp.f32 v54;
	v54 =	vpop (erf)  }
0x635: {  	v30 =	vmul.u32 $0x68, v30;
	v36 =	vld.idx.msk [tilespmem:v36+s6+$0x0], $0xffff;
	(erf) = vpow2.f32 v48;
	v48 =	vadd.f32 $1.000000000e+00, v54;
	v54 =	vpop (erf)  }
0x636: {  	v28 =	vmul.u32 $0x68, v28;
	v35 =	vld.idx.msk [tilespmem:v35+s6+$0x0], $0xffff;
	v54 =	vadd.f32 $1.000000000e+00, v54;
	v56 =	vpop (erf);
	(erf) = vrcp.f32 v46  }
0x637: {  	v16 =	vcvt.s32.f32 v16;
	v19 =	vmul.u32 $0x68, v19;
	v25 =	vld.idx.msk [tilespmem:v25+s6+$0x0], $0xffff;
	v46 =	vpop (erf);
	(erf) = vrcp.f32 v47  }
0x638: {  	v6 =	vcvt.s32.f32 v6;
	v33 =	vmul.u32 $0x68, v33;
	v23 =	vld.idx.msk [tilespmem:v23+s6+$0x0], $0xffff;
	v47 =	vpop (erf);
	(erf) = vrcp.f32 v50  }
0x639: {  	v5 =	vcvt.s32.f32 v5;
	v38 =	vmul.u32 $0x68, v38;
	v21 =	vld.idx.msk [tilespmem:v21+s6+$0x0], $0xffff;
	v50 =	vpop (erf);
	(erf) = vrcp.f32 v51  }
0x63a: {  	v44 =	vmul.f32 $1.220703130e-04, v44;
	v37 =	vmul.u32 $0x68, v37;
	v26 =	vld.idx.msk [tilespmem:v26+s6+$0x0], $0xffff;
	(erf) = vrcp.f32 v52  }
0x63b: {  	v43 =	vmul.f32 $1.220703130e-04, v43;
	v36 =	vmul.u32 $0x68, v36;
	v24 =	vld.idx.msk [tilespmem:v24+s6+$0x0], $0xffff;
	v51 =	vpop (erf);
	(erf) = vrcp.f32 v53  }
0x63c: {  	v41 =	vmul.f32 $1.220703130e-04, v41;
	v35 =	vmul.u32 $0x68, v35;
	v31 =	vld.idx.msk [tilespmem:v31+s6+$0x0], $0xffff;
	(erf) = vrcp.f32 v55  }
0x63d: {  	v40 =	vmul.f32 $1.220703130e-04, v40;
	v25 =	vmul.u32 $0x68, v25;
	v29 =	vld.idx.msk [tilespmem:v29+s6+$0x0], $0xffff;
	v52 =	vpop (erf);
	(erf) = vrcp.f32 v48  }
0x63e: {  	v39 =	vmul.f32 $1.220703130e-04, v39;
	v23 =	vmul.u32 $0x68, v23;
	v22 =	vld.idx.msk [tilespmem:v22+s6+$0x0], $0xffff;
	v48 =	vpop (erf);
	(erf) = vrcp.f32 v54  }
0x63f: {  	v42 =	vmul.f32 $1.220703130e-04, v42;
	v21 =	vmul.u32 $0x68, v21;
	v18 =	vld.idx.msk [tilespmem:v18+s6+$0x0], $0xffff;
	v48 =	vadd.f32 $1.000000000e+00, v48;
	v53 =	vpop (erf)  }
0x640: {  	v15 =	vmul.f32 $1.220703130e-04, v15;
	v14 =	vmul.f32 $1.220703130e-04, v14;
	v26 =	vadd.s32 v26, v49;
	v17 =	vld.idx.msk [tilespmem:v17+s6+$0x0], $0xffff;
	v49 =	vpop (erf)  }
0x641: {  	v13 =	vmul.f32 $1.220703130e-04, v13;
	v24 =	vadd.s32 v24, v27;
	v20 =	vld.idx.msk [tilespmem:v20+s6+$0x0], $0xffff;
	(erf) = vrcp.f32 v48;
	v27 =	vpop (erf)  }
0x642: {  	v12 =	vmul.f32 $1.220703130e-04, v12;
	v11 =	vmul.f32 $1.220703130e-04, v11;
	v31 =	vadd.s32 v31, v34;
	v10 =	vld.idx.msk [tilespmem:v10+s6+$0x0], $0xffff;
	v34 =	vpop (erf)  }
0x643: {  	v16 =	vmul.f32 $1.220703130e-04, v16;
	v29 =	vadd.s32 v29, v32;
	v32 =	vmul.f32 $1.220703130e-04, v45;
	v9 =	vld.idx.msk [tilespmem:v9+s6+$0x0], $0xffff;
	v45 =	vpop (erf)  }
0x644: {  	v5 =	vmul.f32 $1.220703130e-04, v5;
	v6 =	vmul.f32 $1.220703130e-04, v6;
	v22 =	vadd.s32 v22, v30;
	v8 =	vld.idx.msk [tilespmem:v8+s6+$0x0], $0xffff;
	v30 =	vpop (erf)  }
0x645: {  	v43 =	vmul.f32 v46, v43;
	v18 =	vadd.s32 v18, v28;
	v28 =	vmul.f32 v56, v44;
	v7 =	vld.idx.msk [tilespmem:v7+s6+$0x0], $0xffff;
	v44 =	vpop (erf)  }
0x646: {  	v4 =	vand.u32 $0xFFFF, v4;
	v17 =	vadd.s32 v17, v19;
	v19 =	vmul.f32 v47, v41;
	v2 =	vld.idx.msk [tilespmem:v2+s6+$0x0], $0xffff;
	v41 =	vpop (erf)  }
0x647: {  	v4 =	vcvt.s32.f32 v4;
	v20 =	vadd.s32 v20, v33;
	v3 =	vld.idx.msk [tilespmem:v3+s6+$0x0], $0xffff;
	[tilespmem:s8+$0xFFFFFF80] =	vst v28;
	v28 =	vmul.f32 v50, v40;
	v33 =	vpop (erf)  }
0x648: {  	v10 =	vadd.s32 v10, v38;
	v38 =	vmul.f32 v51, v39;
	v39 =	vmul.f32 v52, v42;
	v1 =	vld.idx.msk [tilespmem:v1+s6+$0x0], $0xffff  }
0x649: {  	v4 =	vmul.f32 $1.220703130e-04, v4;
	v15 =	vmul.f32 v53, v15;
	v9 =	vadd.s32 v9, v37;
	v26 =	vld.idx.msk [tilespmem:v26+s22+$0x0], $0xffff;
	[tilespmem:s8+$0xFFFFFF90] =	vst v43  }
0x64a: {  	v14 =	vmul.f32 v49, v14;
	v37 =	vmul.f32 v27, v13;
	v8 =	vadd.s32 v8, v36;
	v24 =	vld.idx.msk [tilespmem:v24+s22+$0x0], $0xffff;
	v36 =	vpop (erf)  }
0x64b: {  	v7 =	vadd.s32 v7, v35;
	v27 =	vld.idx.msk [tilespmem:v31+s22+$0x0], $0xffff;
	v4 =	vmul.f32 v36, v4;
	v31 =	vmul.f32 v34, v12  }
0x64c: {  	v30 =	vmul.f32 v30, v32;
	s8 =	sadd.s32 $0x100, s8;
	v25 =	vadd.s32 v2, v25;
	v34 =	vmul.f32 v45, v11;
	v29 =	vld.idx.msk [tilespmem:v29+s22+$0x0], $0xffff  }
0x64d: {  	v16 =	vmul.f32 v44, v16;
	v23 =	vadd.s32 v3, v23;
	v22 =	vld.idx.msk [tilespmem:v22+s22+$0x0], $0xffff;
	[tilespmem:s8+$0x70] =	vst v4  }
0x64e: {  	v32 =	vmul.f32 v41, v6;
	v33 =	vmul.f32 v33, v5;
	v21 =	vadd.s32 v1, v21;
	v18 =	vld.idx.msk [tilespmem:v18+s22+$0x0], $0xffff  }
0x64f: {  	v1 =	vand.u32 $0xFFFF, v26;
	v2 =	vshrl.u32 v26, $0x10;
	v12 =	vld.idx.msk [tilespmem:v17+s22+$0x0], $0xffff;
	[tilespmem:s24+$0xFFFFFFA0] =	vst v19  }
0x650: {  	v4 =	vcvt.s32.f32 v2;
	v2 =	vand.u32 $0xFFFF, v24;
	v3 =	vshrl.u32 v24, $0x10;
	v13 =	vld.idx.msk [tilespmem:v20+s22+$0x0], $0xffff;
	[tilespmem:s24+$0xFFFFFFB0] =	vst v28  }
0x651: {  	v5 =	vcvt.s32.f32 v3;
	v3 =	vand.u32 $0xFFFF, v27;
	v6 =	vshrl.u32 v27, $0x10;
	v27 =	vld.idx.msk [tilespmem:v10+s22+$0x0], $0xffff;
	[tilespmem:s24+$0xFFFFFFC0] =	vst v38  }
0x652: {  	v10 =	vmul.f32 $9.155273430e-04, v4;
	v4 =	vcvt.s32.f32 v6;
	v6 =	vshrl.u32 v29, $0x10;
	v28 =	vld.idx.msk [tilespmem:v9+s22+$0x0], $0xffff;
	[tilespmem:s24+$0xFFFFFFD0] =	vst v39  }
0x653: {  	v17 =	vmul.f32 $9.155273430e-04, v5;
	v5 =	vcvt.s32.f32 v6;
	v6 =	vshrl.u32 v22, $0x10;
	v11 =	vld.idx.msk [tilespmem:v8+s22+$0x0], $0xffff;
	[tilespmem:s24+$0xFFFFFFE0] =	vst v15  }
0x654: {  	v15 =	vmul.f32 $9.155273430e-04, v4;
	v8 =	vcvt.s32.f32 v6;
	v6 =	vshrl.u32 v18, $0x10;
	v4 =	vld.idx.msk [tilespmem:v7+s22+$0x0], $0xffff;
	[tilespmem:s24+$0xFFFFFFF0] =	vst v14  }
0x655: {  	v14 =	vmul.f32 $9.155273430e-04, v5;
	v5 =	vcvt.s32.f32 v6;
	v7 =	vshrl.u32 v12, $0x10;
	v6 =	vld.idx.msk [tilespmem:v25+s22+$0x0], $0xffff;
	[tilespmem:s24+$0x0] =	vst v37  }
0x656: {  	v24 =	vmul.f32 $9.155273430e-04, v8;
	v8 =	vcvt.s32.f32 v7;
	v9 =	vshrl.u32 v13, $0x10;
	v7 =	vld.idx.msk [tilespmem:v23+s22+$0x0], $0xffff;
	[tilespmem:s24+$0x10] =	vst v31  }
0x657: {  	v23 =	vmul.f32 $9.155273430e-04, v5;
	v9 =	vcvt.s32.f32 v9;
	v19 =	vshrl.u32 v27, $0x10;
	v5 =	vld.idx.msk [tilespmem:v21+s22+$0x0], $0xffff;
	[tilespmem:s24+$0x20] =	vst v34  }
0x658: {  	v21 =	vmul.f32 $9.155273430e-04, v8;
	v8 =	vcvt.s32.f32 v19;
	v19 =	vshrl.u32 v28, $0x10;
	v20 =	vld [tilespmem:s23+$0xFFFFFF80];
	[tilespmem:s24+$0x30] =	vst v30  }
0x659: {  	v26 =	vmul.f32 $9.155273430e-04, v9;
	v9 =	vcvt.s32.f32 v19;
	v19 =	vshrl.u32 v11, $0x10;
	v25 =	vld [tilespmem:s23+$0xFFFFFF90];
	[tilespmem:s24+$0x40] =	vst v16  }
0x65a: {  	v30 =	vmul.f32 $9.155273430e-04, v8;
	v8 =	vcvt.s32.f32 v19;
	v19 =	vshrl.u32 v4, $0x10;
	v16 =	vld [tilespmem:s23+$0xFFFFFFA0];
	[tilespmem:s24+$0x50] =	vst v32  }
0x65b: {  	v32 =	vmul.f32 $9.155273430e-04, v9;
	v9 =	vcvt.s32.f32 v19;
	v19 =	vshrl.u32 v6, $0x10;
	v31 =	vld [tilespmem:s23+$0xFFFFFFB0];
	[tilespmem:s24+$0x60] =	vst v33;
	s24 =	smov.u32 s8  }
0x65c: {  	v34 =	vmul.f32 $9.155273430e-04, v8;
	v8 =	vcvt.s32.f32 v19;
	v19 =	vshrl.u32 v7, $0x10;
	v33 =	vld [tilespmem:s23+$0xFFFFFFC0]  }
0x65d: {  	v36 =	vmul.f32 $9.155273430e-04, v9;
	v19 =	vcvt.s32.f32 v19;
	v37 =	vshrl.u32 v5, $0x10;
	v35 =	vld [tilespmem:s23+$0xFFFFFFD0]  }
0x65e: {  	v9 =	vand.u32 $0xFFFF, v29;
	v38 =	vmul.f32 $9.155273430e-04, v8;
	v37 =	vcvt.s32.f32 v37;
	v29 =	vld [tilespmem:s23+$0xFFFFFFE0]  }
0x65f: {  	v20 =	vmul.f32 v10, v20;
	v10 =	vand.u32 $0xFFFF, v22;
	v40 =	vmul.f32 $9.155273430e-04, v19;
	v39 =	vld [tilespmem:s23+$0xFFFFFFF0]  }
0x660: {  	v8 =	vand.u32 $0xFFFF, v18;
	v17 =	vmul.f32 v17, v25;
	v37 =	vmul.f32 $9.155273430e-04, v37;
	v25 =	vld [tilespmem:s23+$0x0]  }
0x661: {  	v19 =	vsub.f32 $7.500000000e+00, v20;
	v15 =	vmul.f32 v15, v16;
	v14 =	vmul.f32 v14, v31;
	v31 =	vld [tilespmem:s23+$0x10]  }
0x662: {  	v20 =	vsub.f32 $7.500000000e+00, v17;
	v17 =	vmul.f32 v24, v33;
	v23 =	vmul.f32 v23, v35;
	v33 =	vld [tilespmem:s23+$0x20]  }
0x663: {  	v22 =	vsub.f32 $7.500000000e+00, v15;
	v16 =	vsub.f32 $7.500000000e+00, v14;
	v14 =	vmul.f32 v21, v29;
	v15 =	vld [tilespmem:s23+$0x30]  }
0x664: {  	v18 =	vsub.f32 $7.500000000e+00, v17;
	v17 =	vsub.f32 $7.500000000e+00, v23;
	v23 =	vmul.f32 v26, v39;
	v29 =	vld [tilespmem:s23+$0x40]  }
0x665: {  	v44 =	vmul.f32 v19, v19;
	v21 =	vsub.f32 $7.500000000e+00, v14;
	v14 =	vmul.f32 v30, v25;
	v35 =	vld [tilespmem:s23+$0x50]  }
0x666: {  	v45 =	vmul.f32 v20, v20;
	v23 =	vsub.f32 $7.500000000e+00, v23;
	v25 =	vmul.f32 v32, v31;
	v39 =	vld [tilespmem:s23+$0x60]  }
0x667: {  	v48 =	vmul.f32 v22, v22;
	v24 =	vsub.f32 $7.500000000e+00, v14;
	v14 =	vmul.f32 v34, v33  }
0x668: {  	v49 =	vmul.f32 v16, v16;
	v25 =	vsub.f32 $7.500000000e+00, v25;
	v15 =	vmul.f32 v36, v15  }
0x669: {  	v30 =	vmul.f32 v18, v18;
	v26 =	vsub.f32 $7.500000000e+00, v14;
	v14 =	vmul.f32 v38, v29  }
0x66a: {  	v32 =	vmul.f32 v17, v17;
	v29 =	vsub.f32 $7.500000000e+00, v15;
	v15 =	vmul.f32 v40, v35  }
0x66b: {  	v34 =	vmul.f32 v21, v21;
	v31 =	vsub.f32 $7.500000000e+00, v14;
	v14 =	vmul.f32 v37, v39  }
0x66c: {  	v43 =	vmul.f32 v23, v23;
	v36 =	vmul.f32 v24, v24;
	v39 =	vsub.f32 $7.500000000e+00, v15  }
.Ltmp4:
0x66d: {  	v38 =	vmul.f32 v25, v25;
	v35 =	vmul.f32 v26, v26;
	v40 =	vsub.f32 $7.500000000e+00, v14;
	(pc) =	sbr.rel @p1 .LBB2_7-.Ltmp4, $4  }
0x66e: {  	v15 =	vand.u32 $0xFFFF, v12;
	v42 =	vmul.f32 v29, v29;
	v37 =	vmul.f32 v31, v31  }
0x66f: {  	v14 =	vand.u32 $0xFFFF, v13;
	v41 =	vmul.f32 v39, v39;
	v33 =	vmul.f32 v40, v40  }
0x670: {  	v47 =	vmul.f32 $1.995853930e-01, v44;
	v46 =	vmul.f32 $1.995853930e-01, v45;
	v13 =	vand.u32 $0xFFFF, v27  }
0x671: {  	s10 =	sadd.s32 $0x200, s10;
	v45 =	vmul.f32 $1.995853930e-01, v48;
	v44 =	vmul.f32 $1.995853930e-01, v49;
	v12 =	vand.u32 $0xFFFF, v28  }
0x672: {  	v28 =	vmul.f32 $1.995853930e-01, v30;
	v60 =	vmul.f32 $1.995853930e-01, v32  }
0x673: {  	v61 =	vmul.f32 $1.995853930e-01, v34;
	v62 =	vmul.f32 $1.995853930e-01, v43  }
0x674: {  	v36 =	vmul.f32 $1.995853930e-01, v36;
	v38 =	vmul.f32 $1.995853930e-01, v38  }
0x675: {  	v35 =	vmul.f32 $1.995853930e-01, v35;
	v42 =	vmul.f32 $1.995853930e-01, v42  }
0x676: {  	v37 =	vmul.f32 $1.995853930e-01, v37;
	v41 =	vmul.f32 $1.995853930e-01, v41  }
0x677: {  	v27 =	vsub.f32 $-2.259351730e+00, v47;
	v33 =	vmul.f32 $1.995853930e-01, v33;
	v1 =	vcvt.s32.f32 v1  }
0x678: {  	v63 =	vsub.f32 $-2.259351730e+00, v46;
	v2 =	vcvt.s32.f32 v2;
	v3 =	vcvt.s32.f32 v3  }
0x679: {  	v9 =	vcvt.s32.f32 v9;
	v45 =	vsub.f32 $-2.259351730e+00, v45;
	v44 =	vsub.f32 $-2.259351730e+00, v44  }
0x67a: {  	v28 =	vsub.f32 $-2.259351730e+00, v28;
	v30 =	vsub.f32 $-2.259351730e+00, v60;
	v19 =	vmul.f32 v27, v19  }
0x67b: {  	v46 =	vsub.f32 $-2.259351730e+00, v61;
	v47 =	vsub.f32 $-2.259351730e+00, v62;
	v20 =	vmul.f32 v63, v20  }
0x67c: {  	v48 =	vsub.f32 $-2.259351730e+00, v36;
	v49 =	vsub.f32 $-2.259351730e+00, v38;
	v22 =	vmul.f32 v45, v22  }
0x67d: {  	v35 =	vsub.f32 $-2.259351730e+00, v35;
	v16 =	vmul.f32 v44, v16;
	v18 =	vmul.f32 v28, v18  }
0x67e: {  	v50 =	vsub.f32 $-2.259351730e+00, v42;
	v17 =	vmul.f32 v30, v17;
	v21 =	vmul.f32 v46, v21  }
0x67f: {  	v51 =	vsub.f32 $-2.259351730e+00, v37;
	v23 =	vmul.f32 v47, v23;
	v24 =	vmul.f32 v48, v24  }
0x680: {  	v52 =	vsub.f32 $-2.259351730e+00, v41;
	v25 =	vmul.f32 v49, v25;
	v26 =	vmul.f32 v35, v26  }
0x681: {  	v53 =	vsub.f32 $-2.259351730e+00, v33;
	v28 =	vmul.f32 v50, v29;
	v27 =	vmul.f32 v51, v31  }
0x682: {  	v54 =	vmul.f32 v52, v39;
	v19 =	vmul.f32 $1.442695020e+00, v19  }
0x683: {  	v55 =	vmul.f32 v53, v40;
	v20 =	vmul.f32 $1.442695020e+00, v20  }
0x684: {  	v22 =	vmul.f32 $1.442695020e+00, v22;
	(erf) = vpow2.f32 v19  }
0x685: {  	v16 =	vmul.f32 $1.442695020e+00, v16;
	(erf) = vpow2.f32 v20  }
0x686: {  	v18 =	vmul.f32 $1.442695020e+00, v18;
	(erf) = vpow2.f32 v22  }
0x687: {  	v17 =	vmul.f32 $1.442695020e+00, v17;
	(erf) = vpow2.f32 v16  }
0x688: {  	v21 =	vmul.f32 $1.442695020e+00, v21;
	(erf) = vpow2.f32 v18  }
0x689: {  	v56 =	vmul.f32 $1.442695020e+00, v23;
	(erf) = vpow2.f32 v17  }
0x68a: {  	v57 =	vmul.f32 $1.442695020e+00, v24;
	(erf) = vpow2.f32 v21  }
0x68b: {  	v58 =	vmul.f32 $1.442695020e+00, v25;
	(erf) = vpow2.f32 v56  }
0x68c: {  	v59 =	vmul.f32 $1.442695020e+00, v26;
	(erf) = vpow2.f32 v57  }
0x68d: {  	v60 =	vmul.f32 $1.442695020e+00, v28;
	(erf) = vpow2.f32 v58;
	v24 =	vpop (erf)  }
0x68e: {  	v61 =	vmul.f32 $1.442695020e+00, v27;
	(erf) = vpow2.f32 v59;
	v25 =	vpop (erf)  }
0x68f: {  	v11 =	vand.u32 $0xFFFF, v11;
	v62 =	vmul.f32 $1.442695020e+00, v54;
	(erf) = vpow2.f32 v60;
	v26 =	vpop (erf)  }
0x690: {  	v4 =	vand.u32 $0xFFFF, v4;
	v63 =	vmul.f32 $1.442695020e+00, v55;
	(erf) = vpow2.f32 v61;
	v27 =	vpop (erf)  }
0x691: {  	v10 =	vcvt.s32.f32 v10;
	v16 =	vadd.f32 $1.000000000e+00, v24;
	(erf) = vpow2.f32 v62;
	v28 =	vpop (erf)  }
0x692: {  	v6 =	vand.u32 $0xFFFF, v6;
	v8 =	vcvt.s32.f32 v8;
	(erf) = vpow2.f32 v63;
	v30 =	vpop (erf)  }
0x693: {  	v15 =	vcvt.s32.f32 v15;
	v18 =	vadd.f32 $1.000000000e+00, v25;
	(erf) = vrcp.f32 v16;
	v32 =	vpop (erf)  }
0x694: {  	v14 =	vcvt.s32.f32 v14;
	v13 =	vcvt.s32.f32 v13;
	v17 =	vadd.f32 $1.000000000e+00, v26;
	v34 =	vpop (erf)  }
0x695: {  	v12 =	vcvt.s32.f32 v12;
	v29 =	vadd.f32 $1.000000000e+00, v27;
	(erf) = vrcp.f32 v18;
	v36 =	vpop (erf)  }
0x696: {  	v11 =	vcvt.s32.f32 v11;
	v31 =	vadd.f32 $1.000000000e+00, v28;
	(erf) = vrcp.f32 v17;
	v38 =	vpop (erf)  }
0x697: {  	v7 =	vand.u32 $0xFFFF, v7;
	v4 =	vcvt.s32.f32 v4;
	(erf) = vrcp.f32 v29;
	v40 =	vpop (erf)  }
0x698: {  	v6 =	vcvt.s32.f32 v6;
	v33 =	vadd.f32 $1.000000000e+00, v30;
	(erf) = vrcp.f32 v31;
	v42 =	vpop (erf)  }
0x699: {  	v7 =	vcvt.s32.f32 v7;
	v1 =	vmul.f32 $1.220703130e-04, v1;
	v35 =	vadd.f32 $1.000000000e+00, v32;
	v44 =	vpop (erf)  }
0x69a: {  	v2 =	vmul.f32 $1.220703130e-04, v2;
	v37 =	vadd.f32 $1.000000000e+00, v34;
	(erf) = vrcp.f32 v33;
	v46 =	vpop (erf)  }
0x69b: {  	v3 =	vmul.f32 $1.220703130e-04, v3;
	v39 =	vadd.f32 $1.000000000e+00, v36;
	(erf) = vrcp.f32 v35;
	v48 =	vpop (erf)  }
0x69c: {  	v9 =	vmul.f32 $1.220703130e-04, v9;
	v41 =	vadd.f32 $1.000000000e+00, v38;
	(erf) = vrcp.f32 v37;
	v50 =	vpop (erf)  }
0x69d: {  	v43 =	vadd.f32 $1.000000000e+00, v40;
	(erf) = vrcp.f32 v39;
	v1 =	vmul.f32 v50, v1  }
0x69e: {  	v10 =	vmul.f32 $1.220703130e-04, v10;
	(erf) = vrcp.f32 v41;
	v51 =	vpop (erf)  }
0x69f: {  	v45 =	vadd.f32 $1.000000000e+00, v42;
	(erf) = vrcp.f32 v43;
	v53 =	vpop (erf);
	v2 =	vmul.f32 v51, v2  }
0x6a0: {  	v8 =	vmul.f32 $1.220703130e-04, v8;
	v47 =	vadd.f32 $1.000000000e+00, v44;
	v54 =	vpop (erf);
	v3 =	vmul.f32 v53, v3  }
0x6a1: {  	v15 =	vmul.f32 $1.220703130e-04, v15;
	v49 =	vadd.f32 $1.000000000e+00, v46;
	(erf) = vrcp.f32 v45;
	[tilespmem:s8+$0xFFFFFF80] =	vst v1;
	v1 =	vpop (erf)  }
0x6a2: {  	v52 =	vadd.f32 $1.000000000e+00, v48;
	(erf) = vrcp.f32 v47;
	v1 =	vmul.f32 v1, v10  }
0x6a3: {  	(erf) = vrcp.f32 v49;
	v9 =	vmul.f32 v54, v9;
	[tilespmem:s8+$0xFFFFFF90] =	vst v2;
	v2 =	vpop (erf)  }
0x6a4: {  	v12 =	vmul.f32 $1.220703130e-04, v12;
	(erf) = vrcp.f32 v52;
	[tilespmem:s24+$0xFFFFFFA0] =	vst v3;
	v3 =	vpop (erf)  }
0x6a5: {  	v55 =	vmul.f32 $1.220703130e-04, v14;
	[tilespmem:s24+$0xFFFFFFB0] =	vst v9;
	v2 =	vmul.f32 v2, v8;
	v56 =	vpop (erf)  }
0x6a6: {  	v57 =	vmul.f32 $1.220703130e-04, v13;
	v3 =	vmul.f32 v3, v15;
	[tilespmem:s24+$0xFFFFFFC0] =	vst v1;
	v1 =	vpop (erf)  }
0x6a7: {  	v8 =	vmul.f32 v56, v55;
	[tilespmem:s24+$0xFFFFFFD0] =	vst v2;
	v2 =	vmul.f32 $1.220703130e-04, v11;
	v58 =	vpop (erf)  }
0x6a8: {  	[tilespmem:s24+$0xFFFFFFE0] =	vst v3;
	v3 =	vmul.f32 $1.220703130e-04, v4;
	v1 =	vmul.f32 v1, v57;
	v59 =	vpop (erf)  }
0x6a9: {  	v5 =	vand.u32 $0xFFFF, v5;
	[tilespmem:s24+$0xFFFFFFF0] =	vst v8;
	v60 =	vmul.f32 v58, v12;
	v2 =	vmul.f32 v59, v2  }
0x6aa: {  	v5 =	vcvt.s32.f32 v5;
	v6 =	vmul.f32 $1.220703130e-04, v6;
	v61 =	vpop (erf);
	[tilespmem:s24+$0x0] =	vst v1  }
0x6ab: {  	s8 =	sor.u32 $0x20, s20;
	v1 =	vmul.f32 $1.220703130e-04, v7;
	v62 =	vpop (erf);
	v3 =	vmul.f32 v61, v3;
	[tilespmem:s24+$0x10] =	vst v60  }
0x6ac: {  	s9 =	smov.u32 s7;
	v5 =	vmul.f32 $1.220703130e-04, v5;
	p1 =	slt.u32 s8, $0x4E2;
	v63 =	vpop (erf);
	v4 =	vmul.f32 v62, v6;
	[tilespmem:s24+$0x20] =	vst v2  }
.Ltmp5:
0x6ad: {  	s9 =	smov.u32 @p1 s8;
	v1 =	vmul.f32 v63, v1;
	[tilespmem:s24+$0x30] =	vst v3;
	v2 =	vpop (erf);
	(pc) =	sbr.rel @p0 .LBB2_10-.Ltmp5, $4  }
0x6ae: {  	s8 =	smul.u32 $0x140, s9;
	[tilespmem:s24+$0x40] =	vst v4;
	v2 =	vmul.f32 v2, v5  }
0x6af: {  	[tilespmem:s24+$0x50] =	vst v1  }
0x6b0: {  	s8 =	sadd.s32 s5, s8;
	[tilespmem:s24+$0x60] =	vst v2  }
0x6b1: {  	[hbm4b:s8+s6] =	stream.linear.scatter [tilespmem:s29], [sflag:$0x3], $0xA00, $0x38;
	[tilespmem:$0x1F900] =	vst v63  }
0x6b2: {  	s1 =	sadd.s32 s16, s1  }
0x6b3: {  	s8 =	smov.u32 s7;
	p0 =	slt.u32 s1, $0x4E2  }
0x6b4: {  	s8 =	smov.u32 @p0 s1  }
0x6b5: {  	s1 =	smul.u32 $0x280, s8  }
.Ltmp6:
0x6b6: {  	_ = 	snop;
	(pc) =	sbr.rel .LBB2_4-.Ltmp6, $4  }
0x6b7: {  	s8 =	smul.u32 $0x140, s8;
	s1 =	sadd.s32 s2, s1  }
0x6b8: {  	[tilespmem:s25], [sflag:$0x2] =	stream.linear.gather [hbm4b:s1+s6], $0x1400, $0x38;
	[tilespmem:$0x1F900] =	vst v63  }
0x6b9: {  	s4 =	sadd.s32 $0x1, s4;
	s24 =	sadd.s32 s3, s8  }
0x6ba: {  	[tilespmem:s26], [sflag:$0x2] =	stream.linear.gather [hbm4b:s24+s6], $0xA00, $0x38;
	[tilespmem:$0x1F900] =	vst v63  }
.LBB2_11:
0x6bb: {  	_ =	sfence.sel $0x180000  }
0x6bc: {  	[bflag:$0x0] =	sbarrier.arrive $0xFFFF  }
0x6bd: {  	_ =	strace $0x90000047  }
0x6be: {  	s0 =	stileid.u32;
	[bflag:$0x2] =	sbarrier.arrive $0xFFFF  }
0x6bf: {  	p0 =	sne.s32 s0, $0x0;
	s0 =	rddreg [dreg:$0x5]  }
0x6c0: {  	s0 =	sadd.s32 @!p0 $0x100000, s0  }
0x6c1: {  	[sflag:s0] =	ssyncadd.tile.s32 @!p0 $0x1;
	_ =	shalt  }
.Lfunc_end2:
_tile_overlayer_lowered:
.L_overlay_start_2:
0x6c2: {  	(tag) =	ssettag $0x2  }
0x6c3: {  	s0 =	rddreg [dreg:$0x0];
	s2 =	stileid.u32  }
0x6c4: {  	s1 =	rddreg [dreg:$0x1];
	p0 =	sne.s32 s2, $0x0  }
0x6c5: {  	s3 =	rddreg [dreg:$0x2];
	[bflag:$0x3] =	sbarrier.arrive $0xFFFF;
	s2 =	simm.s32 @!p0 $0x1C04  }
0x6c6: {  	[timem:s3], [sflag:s2] =	dma.local @!p0 [hbm:s0], s1  }
0x6c7: {  	s0 =	simm.s32 @!p0 $0x4  }
0x6c8: {  	_ =	swait.ge @!p0 [sflag:s0], s1  }
0x6c9: {  	s1 =	ssub.s32 @!p0 $0x0, s1;
	[sflag:s0] =	ssyncset.done @!p0 $0x0  }
0x6ca: {  	[sflag:s0] =	ssyncadd.s32 @!p0 s1  }
0x6cb: {  	[bflag:$0x3] =	sbarrier.arrive $0xFFFF  }
0x6cc: {  	_ =	shalt  }

</sc_bundles>
